<compile_context>
chip_gen: v7x
topology: tpu7x:2x2x1
jax: 0.10.2.dev20260603
libtpu: 0.0.44.dev20260713+nightly
codegen_flags: <defaults>
</compile_context>

<pallas_src>
import functools

import jax
import jax.numpy as jnp
from jax import lax
from jax.experimental import pallas as pl
from jax.experimental.pallas import tpu as pltpu
from jax.experimental.pallas import tpu_sc as plsc

B = 16384
EMB = 32
EPS = 1e-5

NC = 2
NS = 16
NW = NC * NS
BPW = B // NW
RB = 32
NR = BPW // RB
LB = 4096
QL = LB // 4


def _pack_body(ta_ref, tb_ref, oa_ref, ob_ref):
    for t_ref, o_ref in ((ta_ref, oa_ref), (tb_ref, ob_ref)):
        x = jnp.concatenate(
            [t_ref[:, pl.ds(q * QL, QL)] for q in range(4)], axis=0)
        o_ref[...] = jnp.transpose(x)


def _pack2(tTa, tTb, n):
    grid = (n + LB - 1) // LB
    spec_in = pl.BlockSpec((EMB, LB), lambda i: (0, i))
    spec_out = pl.BlockSpec((QL, 128), lambda i: (i, 0))
    oshape = jax.ShapeDtypeStruct((grid * QL, 128), jnp.float32)
    return pl.pallas_call(
        _pack_body,
        grid=(grid,),
        in_specs=[spec_in, spec_in],
        out_specs=[spec_out, spec_out],
        out_shape=[oshape, oshape],
    )(tTa, tTb)


def _sc_gather_body(uid_ref, mid_ref, t_umf, t_mmf, t_umlp, t_mmlp,
                    o_umf, o_mmf, o_umlp, o_mmlp,
                    idx_u, idx_m, r_umf, r_mmf, r_umlp, r_mmlp, sem):
    wid = lax.axis_index("s") * NC + lax.axis_index("c")
    base = wid * BPW
    pltpu.sync_copy(uid_ref.at[wid], idx_u)
    pltpu.sync_copy(mid_ref.at[wid], idx_m)

    for r in range(NR):
        iu = idx_u.at[r]
        im = idx_m.at[r]
        cs = [pltpu.async_copy(t_umf.at[iu], r_umf, sem),
              pltpu.async_copy(t_mmf.at[im], r_mmf, sem),
              pltpu.async_copy(t_umlp.at[iu], r_umlp, sem),
              pltpu.async_copy(t_mmlp.at[im], r_mmlp, sem)]
        for c in cs:
            c.wait()
        out_slc = pl.ds(base + r * RB, RB)
        pltpu.sync_copy(r_umf, o_umf.at[out_slc])
        pltpu.sync_copy(r_mmf, o_mmf.at[out_slc])
        pltpu.sync_copy(r_umlp, o_umlp.at[out_slc])
        pltpu.sync_copy(r_mmlp, o_mmlp.at[out_slc])


@functools.partial(jax.jit, static_argnums=())
def _sc_gather(uidp, midp, t_umf, t_mmf, t_umlp, t_mmlp):
    mesh = plsc.VectorSubcoreMesh(core_axis_name="c", subcore_axis_name="s")
    rows = jax.ShapeDtypeStruct((B, 128), jnp.float32)
    return pl.kernel(
        _sc_gather_body,
        out_type=(rows, rows, rows, rows),
        mesh=mesh,
        scratch_types=(
            pltpu.VMEM((NR, RB), jnp.int32),
            pltpu.VMEM((NR, RB), jnp.int32),
            pltpu.VMEM((RB, 128), jnp.float32),
            pltpu.VMEM((RB, 128), jnp.float32),
            pltpu.VMEM((RB, 128), jnp.float32),
            pltpu.VMEM((RB, 128), jnp.float32),
            pltpu.SemaphoreType.DMA,
        ),
    )(uidp, midp, t_umf, t_mmf, t_umlp, t_mmlp)


CH = 512
NCH = B // CH


def _dense_body(u_mf4, m_mf4, u_mlp4, m_mlp4, urem, mrem,
                W0, b0, g0, be0, W1, b1, g1, be1, W2, b2, g2, be2, Wo, bo,
                out_ref, h0, h1, h2, mf_buf):
    f32 = jnp.float32
    hi = jax.lax.Precision.HIGHEST

    def dgen(W, x):
        return lax.dot_general(W, x, ((((1,), (0,))), ((), ())),
                               preferred_element_type=f32, precision=hi)

    W0v = W0[...]
    W0l, W0r = W0v[:, :EMB], W0v[:, EMB:]
    b0v, b1v, b2v = b0[...], b1[...], b2[...]

    def sel32(x4ref, sl, rem):
        y = jnp.transpose(x4ref[sl, :])
        acc = None
        for q in range(4):
            part = jnp.where(rem == float(q), y[q * EMB:(q + 1) * EMB, :], 0.0)
            acc = part if acc is None else acc + part
        return acc

    for c in range(NCH):
        sl = pl.ds(c * CH, CH)
        ur = urem[0:1, sl]
        mr = mrem[0:1, sl]
        um = sel32(u_mlp4, sl, ur)
        mm = sel32(m_mlp4, sl, mr)
        h = dgen(W0l, um) + dgen(W0r, mm)
        h0[:, sl] = jnp.maximum(h + b0v[:, None], 0.0)
        uf = sel32(u_mf4, sl, ur)
        mf_ = sel32(m_mf4, sl, mr)
        mf_buf[0:1, sl] = jnp.sum(uf * mf_, axis=0).reshape(1, CH)

    def stats(href, g, be):
        hv = href[...]
        mean = jnp.sum(hv, axis=1) * (1.0 / B)
        var = jnp.sum(hv * hv, axis=1) * (1.0 / B) - mean * mean
        v = var + EPS
        r = lax.rsqrt(v)
        r = r * (1.5 - 0.5 * v * r * r)
        scale = g[...] * r
        shift = be[...] - mean * scale
        return scale, shift

    scale0, shift0 = stats(h0, g0, be0)

    for c in range(NCH):
        sl = pl.ds(c * CH, CH)
        x = h0[:, sl] * scale0[:, None] + shift0[:, None]
        h1[:, sl] = jnp.maximum(dgen(W1[...], x) + b1v[:, None], 0.0)

    scale1, shift1 = stats(h1, g1, be1)

    for c in range(NCH):
        sl = pl.ds(c * CH, CH)
        x = h1[:, sl] * scale1[:, None] + shift1[:, None]
        h2[:, sl] = jnp.maximum(dgen(W2[...], x) + b2v[:, None], 0.0)

    scale2, shift2 = stats(h2, g2, be2)

    Wov = Wo[...]
    w_mlp = Wov[:, 1:].reshape(16, 1)
    w_mf = Wov[:, 0:1]
    bov = bo[...]
    for c in range(NCH):
        sl = pl.ds(c * CH, CH)
        x = h2[:, sl] * scale2[:, None] + shift2[:, None]
        acc = jnp.sum(x * w_mlp, axis=0).reshape(1, CH)
        out_ref[0:1, sl] = mf_buf[0:1, sl] * w_mf + acc + bov[None, :]


def _dense(u_mf4, m_mf4, u_mlp4, m_mlp4, urem, mrem, weights):
    return pl.pallas_call(
        _dense_body,
        out_shape=jax.ShapeDtypeStruct((1, B), jnp.float32),
        scratch_shapes=[
            pltpu.VMEM((64, B), jnp.float32),
            pltpu.VMEM((32, B), jnp.float32),
            pltpu.VMEM((16, B), jnp.float32),
            pltpu.VMEM((1, B), jnp.float32),
        ],
    )(u_mf4, m_mf4, u_mlp4, m_mlp4, urem, mrem, *weights)


def kernel(user_ids, movie_ids, ue_mf, me_mf, ue_mlp, me_mlp,
           W0, b0, g0, be0, W1, b1, g1, be1, W2, b2, g2, be2, Wo, bo):
    uid = user_ids.astype(jnp.int32)
    mid = movie_ids.astype(jnp.int32)
    uidp = ((uid // LB) * QL + uid % QL).reshape(NW, NR, RB)
    midp = ((mid // LB) * QL + mid % QL).reshape(NW, NR, RB)
    urem = ((uid // QL) % 4).astype(jnp.float32).reshape(1, B)
    mrem = ((mid // QL) % 4).astype(jnp.float32).reshape(1, B)

    tu_mf, tu_mlp = _pack2(ue_mf.T, ue_mlp.T, ue_mf.shape[0])
    tm_mf, tm_mlp = _pack2(me_mf.T, me_mlp.T, me_mf.shape[0])

    u_mf4, m_mf4, u_mlp4, m_mlp4 = _sc_gather(
        uidp, midp, tu_mf, tm_mf, tu_mlp, tm_mlp)
    weights = (W0, b0, g0, be0, W1, b1, g1, be1, W2, b2, g2, be2, Wo, bo)
    out = _dense(u_mf4, m_mf4, u_mlp4, m_mlp4, urem, mrem, weights)
    return out.reshape(B)

# --- scband reference (transcript-rebuilt; emitter-appended) ---
"""Pipeline reference for scband-hybrid-rec-sys-35210141893255 (READ-ONLY COPY).

The authoritative reference and input builder live on the scoring server;
editing this copy changes nothing except your own understanding.
"""

import jax, jax.numpy as jnp
import numpy as np

N_USERS = 1000000
N_MOVIES = 100000
EMB = 32
B = 16384
HIDDEN = [64, 32, 16]
EPS = 1e-5


def setup_inputs(seed: int = 0) -> dict:
    key = jax.random.key(seed)
    ks = jax.random.split(key, 32)
    inp = {}
    inp['user_ids'] = jax.random.randint(ks[0], (B,), 0, N_USERS)
    inp['movie_ids'] = jax.random.randint(ks[1], (B,), 0, N_MOVIES)
    # embedding tables (torch nn.Embedding default init ~ N(0,1); scale down for stability)
    inp['ue_mf'] = jax.random.normal(ks[2], (N_USERS, EMB), dtype=jnp.float32) * 0.05
    inp['me_mf'] = jax.random.normal(ks[3], (N_MOVIES, EMB), dtype=jnp.float32) * 0.05
    inp['ue_mlp'] = jax.random.normal(ks[4], (N_USERS, EMB), dtype=jnp.float32) * 0.05
    inp['me_mlp'] = jax.random.normal(ks[5], (N_MOVIES, EMB), dtype=jnp.float32) * 0.05
    # MLP layers: Linear(in->h) + ReLU + BatchNorm1d(h)
    in_size = EMB * 2
    for i, h in enumerate(HIDDEN):
        inp[f'W{i}'] = jax.random.normal(ks[6 + 4 * i], (h, in_size), dtype=jnp.float32) * (1.0 / np.sqrt(in_size))
        inp[f'b{i}'] = jnp.zeros((h,), dtype=jnp.float32)
        inp[f'g{i}'] = jnp.ones((h,), dtype=jnp.float32)
        inp[f'be{i}'] = jnp.zeros((h,), dtype=jnp.float32)
        in_size = h
    # output layer: Linear(hidden[-1] + 1 -> 1)
    inp['Wo'] = jax.random.normal(ks[30], (1, HIDDEN[-1] + 1), dtype=jnp.float32) * (1.0 / np.sqrt(HIDDEN[-1] + 1))
    inp['bo'] = jnp.zeros((1,), dtype=jnp.float32)
    return inp


def reference(user_ids, movie_ids, ue_mf, me_mf, ue_mlp, me_mlp,
              W0, b0, g0, be0, W1, b1, g1, be1, W2, b2, g2, be2, Wo, bo):
    # MF branch
    u_mf = jnp.take(ue_mf, user_ids, axis=0)
    m_mf = jnp.take(me_mf, movie_ids, axis=0)
    mf_output = jnp.sum(u_mf * m_mf, axis=1)
    # MLP branch
    u_mlp = jnp.take(ue_mlp, user_ids, axis=0)
    m_mlp = jnp.take(me_mlp, movie_ids, axis=0)
    x = jnp.concatenate([u_mlp, m_mlp], axis=1)
    for W, b, g, be in ((W0, b0, g0, be0), (W1, b1, g1, be1), (W2, b2, g2, be2)):
        x = x @ W.T + b
        x = jax.nn.relu(x)
        # BatchNorm1d in training mode: batch statistics (biased variance)
        mean = jnp.mean(x, axis=0)
        var = jnp.var(x, axis=0)
        x = (x - mean) / jnp.sqrt(var + EPS) * g + be
    final = jnp.concatenate([mf_output[:, None], x], axis=1)
    out = final @ Wo.T + bo
    return out.squeeze(1)

if __name__ == "__main__":
    import jax
    _d = setup_inputs()
    print(jax.jit(kernel)(*tuple(_d.values())))

</pallas_src>

<mosaic_0001>
#map = affine_map<(d0, d1) -> (0, 0, 0)>
#map1 = affine_map<(d0, d1) -> (0, 0)>
module attributes {stable_mosaic.version = 14 : i64} {
  func.func @_sc_gather_body(%arg0: i32, %arg1: i32, %arg2: memref<32x16x32xi32, #tpu.memory_space<hbm>>, %arg3: memref<32x16x32xi32, #tpu.memory_space<hbm>>, %arg4: memref<250880x128xf32, #tpu.memory_space<hbm>>, %arg5: memref<25600x128xf32, #tpu.memory_space<hbm>>, %arg6: memref<250880x128xf32, #tpu.memory_space<hbm>>, %arg7: memref<25600x128xf32, #tpu.memory_space<hbm>>, %arg8: memref<16384x128xf32, #tpu.memory_space<hbm>>, %arg9: memref<16384x128xf32, #tpu.memory_space<hbm>>, %arg10: memref<16384x128xf32, #tpu.memory_space<hbm>>, %arg11: memref<16384x128xf32, #tpu.memory_space<hbm>>, %arg12: memref<16x32xi32, #tpu.memory_space<vmem>>, %arg13: memref<16x32xi32, #tpu.memory_space<vmem>>, %arg14: memref<32x128xf32, #tpu.memory_space<vmem>>, %arg15: memref<32x128xf32, #tpu.memory_space<vmem>>, %arg16: memref<32x128xf32, #tpu.memory_space<vmem>>, %arg17: memref<32x128xf32, #tpu.memory_space<vmem>>, %arg18: memref<!tpu.dma_semaphore, #tpu.memory_space<semaphore_mem>>) attributes {dimension_semantics = [#tpu.dimension_semantics<core_parallel>, #tpu.dimension_semantics<subcore_parallel>], iteration_bounds = array<i64: 2, 16>, scalar_prefetch = 0 : i64, scratch_operands = 7 : i64, tpu.core_type = #tpu.core_type<sc_vector_subcore>, window_params = [{transform_indices = #map}, {transform_indices = #map}, {transform_indices = #map1}, {transform_indices = #map1}, {transform_indices = #map1}, {transform_indices = #map1}, {transform_indices = #map1}, {transform_indices = #map1}, {transform_indices = #map1}, {transform_indices = #map1}]} {
    %mul3A = arith.constant 2 : i32
    %mul3A_0 = arith.muli %arg1, %mul3A : i32
    %add3A = arith.addi %mul3A_0, %arg0 : i32
    %mul3A_1 = arith.constant 512 : i32
    %mul3A_2 = arith.muli %add3A, %mul3A_1 : i32
    "tpu.region"() ({
      %run_scoped3A = tpu.sem_alloc : memref<!tpu.dma_semaphore, #tpu.memory_space<semaphore_mem>>
      %dma_start3A_929 = arith.constant 0 : i32
      %dma_start3A_930 = arith.constant 0 : i32
      %dma_start3A_931 = tpu.memref_slice %arg2[%add3A, %dma_start3A_929, %dma_start3A_930] : memref<32x16x32xi32, #tpu.memory_space<hbm>> -> memref<1x16x32xi32, #tpu.memory_space<hbm>>
      %dma_start3A_932 = tpu.memref_squeeze %dma_start3A_931 : memref<1x16x32xi32, #tpu.memory_space<hbm>> -> memref<16x32xi32, #tpu.memory_space<hbm>>
      %dma_start3A_933 = arith.constant 0 : i32
      %dma_start3A_934 = arith.constant 0 : i32
      %dma_start3A_935 = tpu.memref_slice %arg2[%add3A, %dma_start3A_933, %dma_start3A_934] : memref<32x16x32xi32, #tpu.memory_space<hbm>> -> memref<1x16x32xi32, #tpu.memory_space<hbm>>
      %dma_start3A_936 = tpu.memref_squeeze %dma_start3A_935 : memref<1x16x32xi32, #tpu.memory_space<hbm>> -> memref<16x32xi32, #tpu.memory_space<hbm>>
      tpu.enqueue_dma source(%dma_start3A_936 : memref<16x32xi32, #tpu.memory_space<hbm>>) target(%arg12 : memref<16x32xi32, #tpu.memory_space<vmem>>) target_semaphore(%run_scoped3A : memref<!tpu.dma_semaphore, #tpu.memory_space<semaphore_mem>>)
      %dma_wait3A_937 = arith.constant 0 : i32
      %dma_wait3A_938 = arith.constant 0 : i32
      %dma_wait3A_939 = tpu.memref_slice %arg2[%add3A, %dma_wait3A_937, %dma_wait3A_938] : memref<32x16x32xi32, #tpu.memory_space<hbm>> -> memref<1x16x32xi32, #tpu.memory_space<hbm>>
      %dma_wait3A_940 = tpu.memref_squeeze %dma_wait3A_939 : memref<1x16x32xi32, #tpu.memory_space<hbm>> -> memref<16x32xi32, #tpu.memory_space<hbm>>
      %dma_wait3A_941 = arith.constant 0 : i32
      %dma_wait3A_942 = arith.constant 0 : i32
      %dma_wait3A_943 = tpu.memref_slice %arg2[%add3A, %dma_wait3A_941, %dma_wait3A_942] : memref<32x16x32xi32, #tpu.memory_space<hbm>> -> memref<1x16x32xi32, #tpu.memory_space<hbm>>
      %dma_wait3A_944 = tpu.memref_squeeze %dma_wait3A_943 : memref<1x16x32xi32, #tpu.memory_space<hbm>> -> memref<16x32xi32, #tpu.memory_space<hbm>>
      tpu.wait_dma2 semaphore(%run_scoped3A : memref<!tpu.dma_semaphore, #tpu.memory_space<semaphore_mem>>) src(%dma_wait3A_944 : memref<16x32xi32, #tpu.memory_space<hbm>>) dst(%arg12 : memref<16x32xi32, #tpu.memory_space<vmem>>)
      tpu.yield
    }) : () -> ()
    "tpu.region"() ({
      %run_scoped3A = tpu.sem_alloc : memref<!tpu.dma_semaphore, #tpu.memory_space<semaphore_mem>>
      %dma_start3A_929 = arith.constant 0 : i32
      %dma_start3A_930 = arith.constant 0 : i32
      %dma_start3A_931 = tpu.memref_slice %arg3[%add3A, %dma_start3A_929, %dma_start3A_930] : memref<32x16x32xi32, #tpu.memory_space<hbm>> -> memref<1x16x32xi32, #tpu.memory_space<hbm>>
      %dma_start3A_932 = tpu.memref_squeeze %dma_start3A_931 : memref<1x16x32xi32, #tpu.memory_space<hbm>> -> memref<16x32xi32, #tpu.memory_space<hbm>>
      %dma_start3A_933 = arith.constant 0 : i32
      %dma_start3A_934 = arith.constant 0 : i32
      %dma_start3A_935 = tpu.memref_slice %arg3[%add3A, %dma_start3A_933, %dma_start3A_934] : memref<32x16x32xi32, #tpu.memory_space<hbm>> -> memref<1x16x32xi32, #tpu.memory_space<hbm>>
      %dma_start3A_936 = tpu.memref_squeeze %dma_start3A_935 : memref<1x16x32xi32, #tpu.memory_space<hbm>> -> memref<16x32xi32, #tpu.memory_space<hbm>>
      tpu.enqueue_dma source(%dma_start3A_936 : memref<16x32xi32, #tpu.memory_space<hbm>>) target(%arg13 : memref<16x32xi32, #tpu.memory_space<vmem>>) target_semaphore(%run_scoped3A : memref<!tpu.dma_semaphore, #tpu.memory_space<semaphore_mem>>)
      %dma_wait3A_937 = arith.constant 0 : i32
      %dma_wait3A_938 = arith.constant 0 : i32
      %dma_wait3A_939 = tpu.memref_slice %arg3[%add3A, %dma_wait3A_937, %dma_wait3A_938] : memref<32x16x32xi32, #tpu.memory_space<hbm>> -> memref<1x16x32xi32, #tpu.memory_space<hbm>>
      %dma_wait3A_940 = tpu.memref_squeeze %dma_wait3A_939 : memref<1x16x32xi32, #tpu.memory_space<hbm>> -> memref<16x32xi32, #tpu.memory_space<hbm>>
      %dma_wait3A_941 = arith.constant 0 : i32
      %dma_wait3A_942 = arith.constant 0 : i32
      %dma_wait3A_943 = tpu.memref_slice %arg3[%add3A, %dma_wait3A_941, %dma_wait3A_942] : memref<32x16x32xi32, #tpu.memory_space<hbm>> -> memref<1x16x32xi32, #tpu.memory_space<hbm>>
      %dma_wait3A_944 = tpu.memref_squeeze %dma_wait3A_943 : memref<1x16x32xi32, #tpu.memory_space<hbm>> -> memref<16x32xi32, #tpu.memory_space<hbm>>
      tpu.wait_dma2 semaphore(%run_scoped3A : memref<!tpu.dma_semaphore, #tpu.memory_space<semaphore_mem>>) src(%dma_wait3A_944 : memref<16x32xi32, #tpu.memory_space<hbm>>) dst(%arg13 : memref<16x32xi32, #tpu.memory_space<vmem>>)
      tpu.yield
    }) : () -> ()
    %dma_start3A = arith.constant 0 : i32
    %dma_start3A_3 = arith.constant 0 : i32
    %dma_start3A_4 = tpu.memref_slice %arg12[%dma_start3A, %dma_start3A_3] : memref<16x32xi32, #tpu.memory_space<vmem>> -> memref<1x32xi32, #tpu.memory_space<vmem>>
    %dma_start3A_5 = tpu.memref_squeeze %dma_start3A_4 : memref<1x32xi32, #tpu.memory_space<vmem>> -> memref<32xi32, #tpu.memory_space<vmem>>
    %dma_start3A_6 = arith.constant 0 : i32
    %dma_start3A_7 = arith.constant 0 : i32
    %dma_start3A_8 = tpu.memref_slice %arg4[%dma_start3A_6, %dma_start3A_7] : memref<250880x128xf32, #tpu.memory_space<hbm>> -> memref<250880x128xf32, #tpu.memory_space<hbm>>
    tpu.enqueue_indirect_dma source(%dma_start3A_8 : memref<250880x128xf32, #tpu.memory_space<hbm>>) target(%arg14 : memref<32x128xf32, #tpu.memory_space<vmem>>) offsets(%dma_start3A_5 : memref<32xi32, #tpu.memory_space<vmem>>) semaphore(%arg18 : memref<!tpu.dma_semaphore, #tpu.memory_space<semaphore_mem>>)
    %dma_start3A_9 = arith.constant 0 : i32
    %dma_start3A_10 = arith.constant 0 : i32
    %dma_start3A_11 = tpu.memref_slice %arg13[%dma_start3A_9, %dma_start3A_10] : memref<16x32xi32, #tpu.memory_space<vmem>> -> memref<1x32xi32, #tpu.memory_space<vmem>>
    %dma_start3A_12 = tpu.memref_squeeze %dma_start3A_11 : memref<1x32xi32, #tpu.memory_space<vmem>> -> memref<32xi32, #tpu.memory_space<vmem>>
    %dma_start3A_13 = arith.constant 0 : i32
    %dma_start3A_14 = arith.constant 0 : i32
    %dma_start3A_15 = tpu.memref_slice %arg5[%dma_start3A_13, %dma_start3A_14] : memref<25600x128xf32, #tpu.memory_space<hbm>> -> memref<25600x128xf32, #tpu.memory_space<hbm>>
    tpu.enqueue_indirect_dma source(%dma_start3A_15 : memref<25600x128xf32, #tpu.memory_space<hbm>>) target(%arg15 : memref<32x128xf32, #tpu.memory_space<vmem>>) offsets(%dma_start3A_12 : memref<32xi32, #tpu.memory_space<vmem>>) semaphore(%arg18 : memref<!tpu.dma_semaphore, #tpu.memory_space<semaphore_mem>>)
    %dma_start3A_16 = arith.constant 0 : i32
    %dma_start3A_17 = arith.constant 0 : i32
    %dma_start3A_18 = tpu.memref_slice %arg12[%dma_start3A_16, %dma_start3A_17] : memref<16x32xi32, #tpu.memory_space<vmem>> -> memref<1x32xi32, #tpu.memory_space<vmem>>
    %dma_start3A_19 = tpu.memref_squeeze %dma_start3A_18 : memref<1x32xi32, #tpu.memory_space<vmem>> -> memref<32xi32, #tpu.memory_space<vmem>>
    %dma_start3A_20 = arith.constant 0 : i32
    %dma_start3A_21 = arith.constant 0 : i32
    %dma_start3A_22 = tpu.memref_slice %arg6[%dma_start3A_20, %dma_start3A_21] : memref<250880x128xf32, #tpu.memory_space<hbm>> -> memref<250880x128xf32, #tpu.memory_space<hbm>>
    tpu.enqueue_indirect_dma source(%dma_start3A_22 : memref<250880x128xf32, #tpu.memory_space<hbm>>) target(%arg16 : memref<32x128xf32, #tpu.memory_space<vmem>>) offsets(%dma_start3A_19 : memref<32xi32, #tpu.memory_space<vmem>>) semaphore(%arg18 : memref<!tpu.dma_semaphore, #tpu.memory_space<semaphore_mem>>)
    %dma_start3A_23 = arith.constant 0 : i32
    %dma_start3A_24 = arith.constant 0 : i32
    %dma_start3A_25 = tpu.memref_slice %arg13[%dma_start3A_23, %dma_start3A_24] : memref<16x32xi32, #tpu.memory_space<vmem>> -> memref<1x32xi32, #tpu.memory_space<vmem>>
    %dma_start3A_26 = tpu.memref_squeeze %dma_start3A_25 : memref<1x32xi32, #tpu.memory_space<vmem>> -> memref<32xi32, #tpu.memory_space<vmem>>
    %dma_start3A_27 = arith.constant 0 : i32
    %dma_start3A_28 = arith.constant 0 : i32
    %dma_start3A_29 = tpu.memref_slice %arg7[%dma_start3A_27, %dma_start3A_28] : memref<25600x128xf32, #tpu.memory_space<hbm>> -> memref<25600x128xf32, #tpu.memory_space<hbm>>
    tpu.enqueue_indirect_dma source(%dma_start3A_29 : memref<25600x128xf32, #tpu.memory_space<hbm>>) target(%arg17 : memref<32x128xf32, #tpu.memory_space<vmem>>) offsets(%dma_start3A_26 : memref<32xi32, #tpu.memory_space<vmem>>) semaphore(%arg18 : memref<!tpu.dma_semaphore, #tpu.memory_space<semaphore_mem>>)
    %dma_wait3A = arith.constant 0 : i32
    %dma_wait3A_30 = arith.constant 0 : i32
    %dma_wait3A_31 = tpu.memref_slice %arg12[%dma_wait3A, %dma_wait3A_30] : memref<16x32xi32, #tpu.memory_space<vmem>> -> memref<1x32xi32, #tpu.memory_space<vmem>>
    %dma_wait3A_32 = tpu.memref_squeeze %dma_wait3A_31 : memref<1x32xi32, #tpu.memory_space<vmem>> -> memref<32xi32, #tpu.memory_space<vmem>>
    %dma_wait3A_33 = arith.constant 0 : i32
    %dma_wait3A_34 = arith.constant 0 : i32
    %dma_wait3A_35 = tpu.memref_slice %arg4[%dma_wait3A_33, %dma_wait3A_34] : memref<250880x128xf32, #tpu.memory_space<hbm>> -> memref<250880x128xf32, #tpu.memory_space<hbm>>
    tpu.wait_indirect_dma semaphore(%arg18 : memref<!tpu.dma_semaphore, #tpu.memory_space<semaphore_mem>>) src(%dma_wait3A_35 : memref<250880x128xf32, #tpu.memory_space<hbm>>) dst(%arg14 : memref<32x128xf32, #tpu.memory_space<vmem>>)
    %dma_wait3A_36 = arith.constant 0 : i32
    %dma_wait3A_37 = arith.constant 0 : i32
    %dma_wait3A_38 = tpu.memref_slice %arg13[%dma_wait3A_36, %dma_wait3A_37] : memref<16x32xi32, #tpu.memory_space<vmem>> -> memref<1x32xi32, #tpu.memory_space<vmem>>
    %dma_wait3A_39 = tpu.memref_squeeze %dma_wait3A_38 : memref<1x32xi32, #tpu.memory_space<vmem>> -> memref<32xi32, #tpu.memory_space<vmem>>
    %dma_wait3A_40 = arith.constant 0 : i32
    %dma_wait3A_41 = arith.constant 0 : i32
    %dma_wait3A_42 = tpu.memref_slice %arg5[%dma_wait3A_40, %dma_wait3A_41] : memref<25600x128xf32, #tpu.memory_space<hbm>> -> memref<25600x128xf32, #tpu.memory_space<hbm>>
    tpu.wait_indirect_dma semaphore(%arg18 : memref<!tpu.dma_semaphore, #tpu.memory_space<semaphore_mem>>) src(%dma_wait3A_42 : memref<25600x128xf32, #tpu.memory_space<hbm>>) dst(%arg15 : memref<32x128xf32, #tpu.memory_space<vmem>>)
    %dma_wait3A_43 = arith.constant 0 : i32
    %dma_wait3A_44 = arith.constant 0 : i32
    %dma_wait3A_45 = tpu.memref_slice %arg12[%dma_wait3A_43, %dma_wait3A_44] : memref<16x32xi32, #tpu.memory_space<vmem>> -> memref<1x32xi32, #tpu.memory_space<vmem>>
    %dma_wait3A_46 = tpu.memref_squeeze %dma_wait3A_45 : memref<1x32xi32, #tpu.memory_space<vmem>> -> memref<32xi32, #tpu.memory_space<vmem>>
    %dma_wait3A_47 = arith.constant 0 : i32
    %dma_wait3A_48 = arith.constant 0 : i32
    %dma_wait3A_49 = tpu.memref_slice %arg6[%dma_wait3A_47, %dma_wait3A_48] : memref<250880x128xf32, #tpu.memory_space<hbm>> -> memref<250880x128xf32, #tpu.memory_space<hbm>>
    tpu.wait_indirect_dma semaphore(%arg18 : memref<!tpu.dma_semaphore, #tpu.memory_space<semaphore_mem>>) src(%dma_wait3A_49 : memref<250880x128xf32, #tpu.memory_space<hbm>>) dst(%arg16 : memref<32x128xf32, #tpu.memory_space<vmem>>)
    %dma_wait3A_50 = arith.constant 0 : i32
    %dma_wait3A_51 = arith.constant 0 : i32
    %dma_wait3A_52 = tpu.memref_slice %arg13[%dma_wait3A_50, %dma_wait3A_51] : memref<16x32xi32, #tpu.memory_space<vmem>> -> memref<1x32xi32, #tpu.memory_space<vmem>>
    %dma_wait3A_53 = tpu.memref_squeeze %dma_wait3A_52 : memref<1x32xi32, #tpu.memory_space<vmem>> -> memref<32xi32, #tpu.memory_space<vmem>>
    %dma_wait3A_54 = arith.constant 0 : i32
    %dma_wait3A_55 = arith.constant 0 : i32
    %dma_wait3A_56 = tpu.memref_slice %arg7[%dma_wait3A_54, %dma_wait3A_55] : memref<25600x128xf32, #tpu.memory_space<hbm>> -> memref<25600x128xf32, #tpu.memory_space<hbm>>
    tpu.wait_indirect_dma semaphore(%arg18 : memref<!tpu.dma_semaphore, #tpu.memory_space<semaphore_mem>>) src(%dma_wait3A_56 : memref<25600x128xf32, #tpu.memory_space<hbm>>) dst(%arg17 : memref<32x128xf32, #tpu.memory_space<vmem>>)
    %add3A_57 = arith.constant 0 : i32
    %add3A_58 = arith.addi %mul3A_2, %add3A_57 : i32
    "tpu.region"() ({
      %run_scoped3A = tpu.sem_alloc : memref<!tpu.dma_semaphore, #tpu.memory_space<semaphore_mem>>
      %dma_start3A_929 = arith.constant 0 : i32
      %dma_start3A_930 = tpu.memref_slice %arg8[%add3A_58, %dma_start3A_929] : memref<16384x128xf32, #tpu.memory_space<hbm>> -> memref<32x128xf32, #tpu.memory_space<hbm>>
      %dma_start3A_931 = arith.constant 0 : i32
      %dma_start3A_932 = tpu.memref_slice %arg8[%add3A_58, %dma_start3A_931] : memref<16384x128xf32, #tpu.memory_space<hbm>> -> memref<32x128xf32, #tpu.memory_space<hbm>>
      tpu.enqueue_dma source(%arg14 : memref<32x128xf32, #tpu.memory_space<vmem>>) target(%dma_start3A_932 : memref<32x128xf32, #tpu.memory_space<hbm>>) target_semaphore(%run_scoped3A : memref<!tpu.dma_semaphore, #tpu.memory_space<semaphore_mem>>)
      %dma_wait3A_933 = arith.constant 0 : i32
      %dma_wait3A_934 = tpu.memref_slice %arg8[%add3A_58, %dma_wait3A_933] : memref<16384x128xf32, #tpu.memory_space<hbm>> -> memref<32x128xf32, #tpu.memory_space<hbm>>
      %dma_wait3A_935 = arith.constant 0 : i32
      %dma_wait3A_936 = tpu.memref_slice %arg8[%add3A_58, %dma_wait3A_935] : memref<16384x128xf32, #tpu.memory_space<hbm>> -> memref<32x128xf32, #tpu.memory_space<hbm>>
      tpu.wait_dma2 semaphore(%run_scoped3A : memref<!tpu.dma_semaphore, #tpu.memory_space<semaphore_mem>>) src(%arg14 : memref<32x128xf32, #tpu.memory_space<vmem>>) dst(%dma_wait3A_936 : memref<32x128xf32, #tpu.memory_space<hbm>>)
      tpu.yield
    }) : () -> ()
    "tpu.region"() ({
      %run_scoped3A = tpu.sem_alloc : memref<!tpu.dma_semaphore, #tpu.memory_space<semaphore_mem>>
      %dma_start3A_929 = arith.constant 0 : i32
      %dma_start3A_930 = tpu.memref_slice %arg9[%add3A_58, %dma_start3A_929] : memref<16384x128xf32, #tpu.memory_space<hbm>> -> memref<32x128xf32, #tpu.memory_space<hbm>>
      %dma_start3A_931 = arith.constant 0 : i32
      %dma_start3A_932 = tpu.memref_slice %arg9[%add3A_58, %dma_start3A_931] : memref<16384x128xf32, #tpu.memory_space<hbm>> -> memref<32x128xf32, #tpu.memory_space<hbm>>
      tpu.enqueue_dma source(%arg15 : memref<32x128xf32, #tpu.memory_space<vmem>>) target(%dma_start3A_932 : memref<32x128xf32, #tpu.memory_space<hbm>>) target_semaphore(%run_scoped3A : memref<!tpu.dma_semaphore, #tpu.memory_space<semaphore_mem>>)
      %dma_wait3A_933 = arith.constant 0 : i32
      %dma_wait3A_934 = tpu.memref_slice %arg9[%add3A_58, %dma_wait3A_933] : memref<16384x128xf32, #tpu.memory_space<hbm>> -> memref<32x128xf32, #tpu.memory_space<hbm>>
      %dma_wait3A_935 = arith.constant 0 : i32
      %dma_wait3A_936 = tpu.memref_slice %arg9[%add3A_58, %dma_wait3A_935] : memref<16384x128xf32, #tpu.memory_space<hbm>> -> memref<32x128xf32, #tpu.memory_space<hbm>>
      tpu.wait_dma2 semaphore(%run_scoped3A : memref<!tpu.dma_semaphore, #tpu.memory_space<semaphore_mem>>) src(%arg15 : memref<32x128xf32, #tpu.memory_space<vmem>>) dst(%dma_wait3A_936 : memref<32x128xf32, #tpu.memory_space<hbm>>)
      tpu.yield
    }) : () -> ()
    "tpu.region"() ({
      %run_scoped3A = tpu.sem_alloc : memref<!tpu.dma_semaphore, #tpu.memory_space<semaphore_mem>>
      %dma_start3A_929 = arith.constant 0 : i32
      %dma_start3A_930 = tpu.memref_slice %arg10[%add3A_58, %dma_start3A_929] : memref<16384x128xf32, #tpu.memory_space<hbm>> -> memref<32x128xf32, #tpu.memory_space<hbm>>
      %dma_start3A_931 = arith.constant 0 : i32
      %dma_start3A_932 = tpu.memref_slice %arg10[%add3A_58, %dma_start3A_931] : memref<16384x128xf32, #tpu.memory_space<hbm>> -> memref<32x128xf32, #tpu.memory_space<hbm>>
      tpu.enqueue_dma source(%arg16 : memref<32x128xf32, #tpu.memory_space<vmem>>) target(%dma_start3A_932 : memref<32x128xf32, #tpu.memory_space<hbm>>) target_semaphore(%run_scoped3A : memref<!tpu.dma_semaphore, #tpu.memory_space<semaphore_mem>>)
      %dma_wait3A_933 = arith.constant 0 : i32
      %dma_wait3A_934 = tpu.memref_slice %arg10[%add3A_58, %dma_wait3A_933] : memref<16384x128xf32, #tpu.memory_space<hbm>> -> memref<32x128xf32, #tpu.memory_space<hbm>>
      %dma_wait3A_935 = arith.constant 0 : i32
      %dma_wait3A_936 = tpu.memref_slice %arg10[%add3A_58, %dma_wait3A_935] : memref<16384x128xf32, #tpu.memory_space<hbm>> -> memref<32x128xf32, #tpu.memory_space<hbm>>
      tpu.wait_dma2 semaphore(%run_scoped3A : memref<!tpu.dma_semaphore, #tpu.memory_space<semaphore_mem>>) src(%arg16 : memref<32x128xf32, #tpu.memory_space<vmem>>) dst(%dma_wait3A_936 : memref<32x128xf32, #tpu.memory_space<hbm>>)
      tpu.yield
    }) : () -> ()
    "tpu.region"() ({
      %run_scoped3A = tpu.sem_alloc : memref<!tpu.dma_semaphore, #tpu.memory_space<semaphore_mem>>
      %dma_start3A_929 = arith.constant 0 : i32
      %dma_start3A_930 = tpu.memref_slice %arg11[%add3A_58, %dma_start3A_929] : memref<16384x128xf32, #tpu.memory_space<hbm>> -> memref<32x128xf32, #tpu.memory_space<hbm>>
      %dma_start3A_931 = arith.constant 0 : i32
      %dma_start3A_932 = tpu.memref_slice %arg11[%add3A_58, %dma_start3A_931] : memref<16384x128xf32, #tpu.memory_space<hbm>> -> memref<32x128xf32, #tpu.memory_space<hbm>>
      tpu.enqueue_dma source(%arg17 : memref<32x128xf32, #tpu.memory_space<vmem>>) target(%dma_start3A_932 : memref<32x128xf32, #tpu.memory_space<hbm>>) target_semaphore(%run_scoped3A : memref<!tpu.dma_semaphore, #tpu.memory_space<semaphore_mem>>)
      %dma_wait3A_933 = arith.constant 0 : i32
      %dma_wait3A_934 = tpu.memref_slice %arg11[%add3A_58, %dma_wait3A_933] : memref<16384x128xf32, #tpu.memory_space<hbm>> -> memref<32x128xf32, #tpu.memory_space<hbm>>
      %dma_wait3A_935 = arith.constant 0 : i32
      %dma_wait3A_936 = tpu.memref_slice %arg11[%add3A_58, %dma_wait3A_935] : memref<16384x128xf32, #tpu.memory_space<hbm>> -> memref<32x128xf32, #tpu.memory_space<hbm>>
      tpu.wait_dma2 semaphore(%run_scoped3A : memref<!tpu.dma_semaphore, #tpu.memory_space<semaphore_mem>>) src(%arg17 : memref<32x128xf32, #tpu.memory_space<vmem>>) dst(%dma_wait3A_936 : memref<32x128xf32, #tpu.memory_space<hbm>>)
      tpu.yield
    }) : () -> ()
    %dma_start3A_59 = arith.constant 1 : i32
    %dma_start3A_60 = arith.constant 0 : i32
    %dma_start3A_61 = tpu.memref_slice %arg12[%dma_start3A_59, %dma_start3A_60] : memref<16x32xi32, #tpu.memory_space<vmem>> -> memref<1x32xi32, #tpu.memory_space<vmem>>
    %dma_start3A_62 = tpu.memref_squeeze %dma_start3A_61 : memref<1x32xi32, #tpu.memory_space<vmem>> -> memref<32xi32, #tpu.memory_space<vmem>>
    %dma_start3A_63 = arith.constant 0 : i32
    %dma_start3A_64 = arith.constant 0 : i32
    %dma_start3A_65 = tpu.memref_slice %arg4[%dma_start3A_63, %dma_start3A_64] : memref<250880x128xf32, #tpu.memory_space<hbm>> -> memref<250880x128xf32, #tpu.memory_space<hbm>>
    tpu.enqueue_indirect_dma source(%dma_start3A_65 : memref<250880x128xf32, #tpu.memory_space<hbm>>) target(%arg14 : memref<32x128xf32, #tpu.memory_space<vmem>>) offsets(%dma_start3A_62 : memref<32xi32, #tpu.memory_space<vmem>>) semaphore(%arg18 : memref<!tpu.dma_semaphore, #tpu.memory_space<semaphore_mem>>)
    %dma_start3A_66 = arith.constant 1 : i32
    %dma_start3A_67 = arith.constant 0 : i32
    %dma_start3A_68 = tpu.memref_slice %arg13[%dma_start3A_66, %dma_start3A_67] : memref<16x32xi32, #tpu.memory_space<vmem>> -> memref<1x32xi32, #tpu.memory_space<vmem>>
    %dma_start3A_69 = tpu.memref_squeeze %dma_start3A_68 : memref<1x32xi32, #tpu.memory_space<vmem>> -> memref<32xi32, #tpu.memory_space<vmem>>
    %dma_start3A_70 = arith.constant 0 : i32
    %dma_start3A_71 = arith.constant 0 : i32
    %dma_start3A_72 = tpu.memref_slice %arg5[%dma_start3A_70, %dma_start3A_71] : memref<25600x128xf32, #tpu.memory_space<hbm>> -> memref<25600x128xf32, #tpu.memory_space<hbm>>
    tpu.enqueue_indirect_dma source(%dma_start3A_72 : memref<25600x128xf32, #tpu.memory_space<hbm>>) target(%arg15 : memref<32x128xf32, #tpu.memory_space<vmem>>) offsets(%dma_start3A_69 : memref<32xi32, #tpu.memory_space<vmem>>) semaphore(%arg18 : memref<!tpu.dma_semaphore, #tpu.memory_space<semaphore_mem>>)
    %dma_start3A_73 = arith.constant 1 : i32
    %dma_start3A_74 = arith.constant 0 : i32
    %dma_start3A_75 = tpu.memref_slice %arg12[%dma_start3A_73, %dma_start3A_74] : memref<16x32xi32, #tpu.memory_space<vmem>> -> memref<1x32xi32, #tpu.memory_space<vmem>>
    %dma_start3A_76 = tpu.memref_squeeze %dma_start3A_75 : memref<1x32xi32, #tpu.memory_space<vmem>> -> memref<32xi32, #tpu.memory_space<vmem>>
    %dma_start3A_77 = arith.constant 0 : i32
    %dma_start3A_78 = arith.constant 0 : i32
    %dma_start3A_79 = tpu.memref_slice %arg6[%dma_start3A_77, %dma_start3A_78] : memref<250880x128xf32, #tpu.memory_space<hbm>> -> memref<250880x128xf32, #tpu.memory_space<hbm>>
    tpu.enqueue_indirect_dma source(%dma_start3A_79 : memref<250880x128xf32, #tpu.memory_space<hbm>>) target(%arg16 : memref<32x128xf32, #tpu.memory_space<vmem>>) offsets(%dma_start3A_76 : memref<32xi32, #tpu.memory_space<vmem>>) semaphore(%arg18 : memref<!tpu.dma_semaphore, #tpu.memory_space<semaphore_mem>>)
    %dma_start3A_80 = arith.constant 1 : i32
    %dma_start3A_81 = arith.constant 0 : i32
    %dma_start3A_82 = tpu.memref_slice %arg13[%dma_start3A_80, %dma_start3A_81] : memref<16x32xi32, #tpu.memory_space<vmem>> -> memref<1x32xi32, #tpu.memory_space<vmem>>
    %dma_start3A_83 = tpu.memref_squeeze %dma_start3A_82 : memref<1x32xi32, #tpu.memory_space<vmem>> -> memref<32xi32, #tpu.memory_space<vmem>>
    %dma_start3A_84 = arith.constant 0 : i32
    %dma_start3A_85 = arith.constant 0 : i32
    %dma_start3A_86 = tpu.memref_slice %arg7[%dma_start3A_84, %dma_start3A_85] : memref<25600x128xf32, #tpu.memory_space<hbm>> -> memref<25600x128xf32, #tpu.memory_space<hbm>>
    tpu.enqueue_indirect_dma source(%dma_start3A_86 : memref<25600x128xf32, #tpu.memory_space<hbm>>) target(%arg17 : memref<32x128xf32, #tpu.memory_space<vmem>>) offsets(%dma_start3A_83 : memref<32xi32, #tpu.memory_space<vmem>>) semaphore(%arg18 : memref<!tpu.dma_semaphore, #tpu.memory_space<semaphore_mem>>)
    %dma_wait3A_87 = arith.constant 1 : i32
    %dma_wait3A_88 = arith.constant 0 : i32
    %dma_wait3A_89 = tpu.memref_slice %arg12[%dma_wait3A_87, %dma_wait3A_88] : memref<16x32xi32, #tpu.memory_space<vmem>> -> memref<1x32xi32, #tpu.memory_space<vmem>>
    %dma_wait3A_90 = tpu.memref_squeeze %dma_wait3A_89 : memref<1x32xi32, #tpu.memory_space<vmem>> -> memref<32xi32, #tpu.memory_space<vmem>>
    %dma_wait3A_91 = arith.constant 0 : i32
    %dma_wait3A_92 = arith.constant 0 : i32
    %dma_wait3A_93 = tpu.memref_slice %arg4[%dma_wait3A_91, %dma_wait3A_92] : memref<250880x128xf32, #tpu.memory_space<hbm>> -> memref<250880x128xf32, #tpu.memory_space<hbm>>
    tpu.wait_indirect_dma semaphore(%arg18 : memref<!tpu.dma_semaphore, #tpu.memory_space<semaphore_mem>>) src(%dma_wait3A_93 : memref<250880x128xf32, #tpu.memory_space<hbm>>) dst(%arg14 : memref<32x128xf32, #tpu.memory_space<vmem>>)
    %dma_wait3A_94 = arith.constant 1 : i32
    %dma_wait3A_95 = arith.constant 0 : i32
    %dma_wait3A_96 = tpu.memref_slice %arg13[%dma_wait3A_94, %dma_wait3A_95] : memref<16x32xi32, #tpu.memory_space<vmem>> -> memref<1x32xi32, #tpu.memory_space<vmem>>
    %dma_wait3A_97 = tpu.memref_squeeze %dma_wait3A_96 : memref<1x32xi32, #tpu.memory_space<vmem>> -> memref<32xi32, #tpu.memory_space<vmem>>
    %dma_wait3A_98 = arith.constant 0 : i32
    %dma_wait3A_99 = arith.constant 0 : i32
    %dma_wait3A_100 = tpu.memref_slice %arg5[%dma_wait3A_98, %dma_wait3A_99] : memref<25600x128xf32, #tpu.memory_space<hbm>> -> memref<25600x128xf32, #tpu.memory_space<hbm>>
    tpu.wait_indirect_dma semaphore(%arg18 : memref<!tpu.dma_semaphore, #tpu.memory_space<semaphore_mem>>) src(%dma_wait3A_100 : memref<25600x128xf32, #tpu.memory_space<hbm>>) dst(%arg15 : memref<32x128xf32, #tpu.memory_space<vmem>>)
    %dma_wait3A_101 = arith.constant 1 : i32
    %dma_wait3A_102 = arith.constant 0 : i32
    %dma_wait3A_103 = tpu.memref_slice %arg12[%dma_wait3A_101, %dma_wait3A_102] : memref<16x32xi32, #tpu.memory_space<vmem>> -> memref<1x32xi32, #tpu.memory_space<vmem>>
    %dma_wait3A_104 = tpu.memref_squeeze %dma_wait3A_103 : memref<1x32xi32, #tpu.memory_space<vmem>> -> memref<32xi32, #tpu.memory_space<vmem>>
    %dma_wait3A_105 = arith.constant 0 : i32
    %dma_wait3A_106 = arith.constant 0 : i32
    %dma_wait3A_107 = tpu.memref_slice %arg6[%dma_wait3A_105, %dma_wait3A_106] : memref<250880x128xf32, #tpu.memory_space<hbm>> -> memref<250880x128xf32, #tpu.memory_space<hbm>>
    tpu.wait_indirect_dma semaphore(%arg18 : memref<!tpu.dma_semaphore, #tpu.memory_space<semaphore_mem>>) src(%dma_wait3A_107 : memref<250880x128xf32, #tpu.memory_space<hbm>>) dst(%arg16 : memref<32x128xf32, #tpu.memory_space<vmem>>)
    %dma_wait3A_108 = arith.constant 1 : i32
    %dma_wait3A_109 = arith.constant 0 : i32
    %dma_wait3A_110 = tpu.memref_slice %arg13[%dma_wait3A_108, %dma_wait3A_109] : memref<16x32xi32, #tpu.memory_space<vmem>> -> memref<1x32xi32, #tpu.memory_space<vmem>>
    %dma_wait3A_111 = tpu.memref_squeeze %dma_wait3A_110 : memref<1x32xi32, #tpu.memory_space<vmem>> -> memref<32xi32, #tpu.memory_space<vmem>>
    %dma_wait3A_112 = arith.constant 0 : i32
    %dma_wait3A_113 = arith.constant 0 : i32
    %dma_wait3A_114 = tpu.memref_slice %arg7[%dma_wait3A_112, %dma_wait3A_113] : memref<25600x128xf32, #tpu.memory_space<hbm>> -> memref<25600x128xf32, #tpu.memory_space<hbm>>
    tpu.wait_indirect_dma semaphore(%arg18 : memref<!tpu.dma_semaphore, #tpu.memory_space<semaphore_mem>>) src(%dma_wait3A_114 : memref<25600x128xf32, #tpu.memory_space<hbm>>) dst(%arg17 : memref<32x128xf32, #tpu.memory_space<vmem>>)
    %add3A_115 = arith.constant 32 : i32
    %add3A_116 = arith.addi %mul3A_2, %add3A_115 : i32
    "tpu.region"() ({
      %run_scoped3A = tpu.sem_alloc : memref<!tpu.dma_semaphore, #tpu.memory_space<semaphore_mem>>
      %dma_start3A_929 = arith.constant 0 : i32
      %dma_start3A_930 = tpu.memref_slice %arg8[%add3A_116, %dma_start3A_929] : memref<16384x128xf32, #tpu.memory_space<hbm>> -> memref<32x128xf32, #tpu.memory_space<hbm>>
      %dma_start3A_931 = arith.constant 0 : i32
      %dma_start3A_932 = tpu.memref_slice %arg8[%add3A_116, %dma_start3A_931] : memref<16384x128xf32, #tpu.memory_space<hbm>> -> memref<32x128xf32, #tpu.memory_space<hbm>>
      tpu.enqueue_dma source(%arg14 : memref<32x128xf32, #tpu.memory_space<vmem>>) target(%dma_start3A_932 : memref<32x128xf32, #tpu.memory_space<hbm>>) target_semaphore(%run_scoped3A : memref<!tpu.dma_semaphore, #tpu.memory_space<semaphore_mem>>)
      %dma_wait3A_933 = arith.constant 0 : i32
      %dma_wait3A_934 = tpu.memref_slice %arg8[%add3A_116, %dma_wait3A_933] : memref<16384x128xf32, #tpu.memory_space<hbm>> -> memref<32x128xf32, #tpu.memory_space<hbm>>
      %dma_wait3A_935 = arith.constant 0 : i32
      %dma_wait3A_936 = tpu.memref_slice %arg8[%add3A_116, %dma_wait3A_935] : memref<16384x128xf32, #tpu.memory_space<hbm>> -> memref<32x128xf32, #tpu.memory_space<hbm>>
      tpu.wait_dma2 semaphore(%run_scoped3A : memref<!tpu.dma_semaphore, #tpu.memory_space<semaphore_mem>>) src(%arg14 : memref<32x128xf32, #tpu.memory_space<vmem>>) dst(%dma_wait3A_936 : memref<32x128xf32, #tpu.memory_space<hbm>>)
      tpu.yield
    }) : () -> ()
    "tpu.region"() ({
      %run_scoped3A = tpu.sem_alloc : memref<!tpu.dma_semaphore, #tpu.memory_space<semaphore_mem>>
      %dma_start3A_929 = arith.constant 0 : i32
      %dma_start3A_930 = tpu.memref_slice %arg9[%add3A_116, %dma_start3A_929] : memref<16384x128xf32, #tpu.memory_space<hbm>> -> memref<32x128xf32, #tpu.memory_space<hbm>>
      %dma_start3A_931 = arith.constant 0 : i32
      %dma_start3A_932 = tpu.memref_slice %arg9[%add3A_116, %dma_start3A_931] : memref<16384x128xf32, #tpu.memory_space<hbm>> -> memref<32x128xf32, #tpu.memory_space<hbm>>
      tpu.enqueue_dma source(%arg15 : memref<32x128xf32, #tpu.memory_space<vmem>>) target(%dma_start3A_932 : memref<32x128xf32, #tpu.memory_space<hbm>>) target_semaphore(%run_scoped3A : memref<!tpu.dma_semaphore, #tpu.memory_space<semaphore_mem>>)
      %dma_wait3A_933 = arith.constant 0 : i32
      %dma_wait3A_934 = tpu.memref_slice %arg9[%add3A_116, %dma_wait3A_933] : memref<16384x128xf32, #tpu.memory_space<hbm>> -> memref<32x128xf32, #tpu.memory_space<hbm>>
      %dma_wait3A_935 = arith.constant 0 : i32
      %dma_wait3A_936 = tpu.memref_slice %arg9[%add3A_116, %dma_wait3A_935] : memref<16384x128xf32, #tpu.memory_space<hbm>> -> memref<32x128xf32, #tpu.memory_space<hbm>>
      tpu.wait_dma2 semaphore(%run_scoped3A : memref<!tpu.dma_semaphore, #tpu.memory_space<semaphore_mem>>) src(%arg15 : memref<32x128xf32, #tpu.memory_space<vmem>>) dst(%dma_wait3A_936 : memref<32x128xf32, #tpu.memory_space<hbm>>)
      tpu.yield
    }) : () -> ()
    "tpu.region"() ({
      %run_scoped3A = tpu.sem_alloc : memref<!tpu.dma_semaphore, #tpu.memory_space<semaphore_mem>>
      %dma_start3A_929 = arith.constant 0 : i32
      %dma_start3A_930 = tpu.memref_slice %arg10[%add3A_116, %dma_start3A_929] : memref<16384x128xf32, #tpu.memory_space<hbm>> -> memref<32x128xf32, #tpu.memory_space<hbm>>
      %dma_start3A_931 = arith.constant 0 : i32
      %dma_start3A_932 = tpu.memref_slice %arg10[%add3A_116, %dma_start3A_931] : memref<16384x128xf32, #tpu.memory_space<hbm>> -> memref<32x128xf32, #tpu.memory_space<hbm>>
      tpu.enqueue_dma source(%arg16 : memref<32x128xf32, #tpu.memory_space<vmem>>) target(%dma_start3A_932 : memref<32x128xf32, #tpu.memory_space<hbm>>) target_semaphore(%run_scoped3A : memref<!tpu.dma_semaphore, #tpu.memory_space<semaphore_mem>>)
      %dma_wait3A_933 = arith.constant 0 : i32
      %dma_wait3A_934 = tpu.memref_slice %arg10[%add3A_116, %dma_wait3A_933] : memref<16384x128xf32, #tpu.memory_space<hbm>> -> memref<32x128xf32, #tpu.memory_space<hbm>>
      %dma_wait3A_935 = arith.constant 0 : i32
      %dma_wait3A_936 = tpu.memref_slice %arg10[%add3A_116, %dma_wait3A_935] : memref<16384x128xf32, #tpu.memory_space<hbm>> -> memref<32x128xf32, #tpu.memory_space<hbm>>
      tpu.wait_dma2 semaphore(%run_scoped3A : memref<!tpu.dma_semaphore, #tpu.memory_space<semaphore_mem>>) src(%arg16 : memref<32x128xf32, #tpu.memory_space<vmem>>) dst(%dma_wait3A_936 : memref<32x128xf32, #tpu.memory_space<hbm>>)
      tpu.yield
    }) : () -> ()
    "tpu.region"() ({
      %run_scoped3A = tpu.sem_alloc : memref<!tpu.dma_semaphore, #tpu.memory_space<semaphore_mem>>
      %dma_start3A_929 = arith.constant 0 : i32
      %dma_start3A_930 = tpu.memref_slice %arg11[%add3A_116, %dma_start3A_929] : memref<16384x128xf32, #tpu.memory_space<hbm>> -> memref<32x128xf32, #tpu.memory_space<hbm>>
      %dma_start3A_931 = arith.constant 0 : i32
      %dma_start3A_932 = tpu.memref_slice %arg11[%add3A_116, %dma_start3A_931] : memref<16384x128xf32, #tpu.memory_space<hbm>> -> memref<32x128xf32, #tpu.memory_space<hbm>>
      tpu.enqueue_dma source(%arg17 : memref<32x128xf32, #tpu.memory_space<vmem>>) target(%dma_start3A_932 : memref<32x128xf32, #tpu.memory_space<hbm>>) target_semaphore(%run_scoped3A : memref<!tpu.dma_semaphore, #tpu.memory_space<semaphore_mem>>)
      %dma_wait3A_933 = arith.constant 0 : i32
      %dma_wait3A_934 = tpu.memref_slice %arg11[%add3A_116, %dma_wait3A_933] : memref<16384x128xf32, #tpu.memory_space<hbm>> -> memref<32x128xf32, #tpu.memory_space<hbm>>
      %dma_wait3A_935 = arith.constant 0 : i32
      %dma_wait3A_936 = tpu.memref_slice %arg11[%add3A_116, %dma_wait3A_935] : memref<16384x128xf32, #tpu.memory_space<hbm>> -> memref<32x128xf32, #tpu.memory_space<hbm>>
      tpu.wait_dma2 semaphore(%run_scoped3A : memref<!tpu.dma_semaphore, #tpu.memory_space<semaphore_mem>>) src(%arg17 : memref<32x128xf32, #tpu.memory_space<vmem>>) dst(%dma_wait3A_936 : memref<32x128xf32, #tpu.memory_space<hbm>>)
      tpu.yield
    }) : () -> ()
    %dma_start3A_117 = arith.constant 2 : i32
    %dma_start3A_118 = arith.constant 0 : i32
    %dma_start3A_119 = tpu.memref_slice %arg12[%dma_start3A_117, %dma_start3A_118] : memref<16x32xi32, #tpu.memory_space<vmem>> -> memref<1x32xi32, #tpu.memory_space<vmem>>
    %dma_start3A_120 = tpu.memref_squeeze %dma_start3A_119 : memref<1x32xi32, #tpu.memory_space<vmem>> -> memref<32xi32, #tpu.memory_space<vmem>>
    %dma_start3A_121 = arith.constant 0 : i32
    %dma_start3A_122 = arith.constant 0 : i32
    %dma_start3A_123 = tpu.memref_slice %arg4[%dma_start3A_121, %dma_start3A_122] : memref<250880x128xf32, #tpu.memory_space<hbm>> -> memref<250880x128xf32, #tpu.memory_space<hbm>>
    tpu.enqueue_indirect_dma source(%dma_start3A_123 : memref<250880x128xf32, #tpu.memory_space<hbm>>) target(%arg14 : memref<32x128xf32, #tpu.memory_space<vmem>>) offsets(%dma_start3A_120 : memref<32xi32, #tpu.memory_space<vmem>>) semaphore(%arg18 : memref<!tpu.dma_semaphore, #tpu.memory_space<semaphore_mem>>)
    %dma_start3A_124 = arith.constant 2 : i32
    %dma_start3A_125 = arith.constant 0 : i32
    %dma_start3A_126 = tpu.memref_slice %arg13[%dma_start3A_124, %dma_start3A_125] : memref<16x32xi32, #tpu.memory_space<vmem>> -> memref<1x32xi32, #tpu.memory_space<vmem>>
    %dma_start3A_127 = tpu.memref_squeeze %dma_start3A_126 : memref<1x32xi32, #tpu.memory_space<vmem>> -> memref<32xi32, #tpu.memory_space<vmem>>
    %dma_start3A_128 = arith.constant 0 : i32
    %dma_start3A_129 = arith.constant 0 : i32
    %dma_start3A_130 = tpu.memref_slice %arg5[%dma_start3A_128, %dma_start3A_129] : memref<25600x128xf32, #tpu.memory_space<hbm>> -> memref<25600x128xf32, #tpu.memory_space<hbm>>
    tpu.enqueue_indirect_dma source(%dma_start3A_130 : memref<25600x128xf32, #tpu.memory_space<hbm>>) target(%arg15 : memref<32x128xf32, #tpu.memory_space<vmem>>) offsets(%dma_start3A_127 : memref<32xi32, #tpu.memory_space<vmem>>) semaphore(%arg18 : memref<!tpu.dma_semaphore, #tpu.memory_space<semaphore_mem>>)
    %dma_start3A_131 = arith.constant 2 : i32
    %dma_start3A_132 = arith.constant 0 : i32
    %dma_start3A_133 = tpu.memref_slice %arg12[%dma_start3A_131, %dma_start3A_132] : memref<16x32xi32, #tpu.memory_space<vmem>> -> memref<1x32xi32, #tpu.memory_space<vmem>>
    %dma_start3A_134 = tpu.memref_squeeze %dma_start3A_133 : memref<1x32xi32, #tpu.memory_space<vmem>> -> memref<32xi32, #tpu.memory_space<vmem>>
    %dma_start3A_135 = arith.constant 0 : i32
    %dma_start3A_136 = arith.constant 0 : i32
    %dma_start3A_137 = tpu.memref_slice %arg6[%dma_start3A_135, %dma_start3A_136] : memref<250880x128xf32, #tpu.memory_space<hbm>> -> memref<250880x128xf32, #tpu.memory_space<hbm>>
    tpu.enqueue_indirect_dma source(%dma_start3A_137 : memref<250880x128xf32, #tpu.memory_space<hbm>>) target(%arg16 : memref<32x128xf32, #tpu.memory_space<vmem>>) offsets(%dma_start3A_134 : memref<32xi32, #tpu.memory_space<vmem>>) semaphore(%arg18 : memref<!tpu.dma_semaphore, #tpu.memory_space<semaphore_mem>>)
    %dma_start3A_138 = arith.constant 2 : i32
    %dma_start3A_139 = arith.constant 0 : i32
    %dma_start3A_140 = tpu.memref_slice %arg13[%dma_start3A_138, %dma_start3A_139] : memref<16x32xi32, #tpu.memory_space<vmem>> -> memref<1x32xi32, #tpu.memory_space<vmem>>
    %dma_start3A_141 = tpu.memref_squeeze %dma_start3A_140 : memref<1x32xi32, #tpu.memory_space<vmem>> -> memref<32xi32, #tpu.memory_space<vmem>>
    %dma_start3A_142 = arith.constant 0 : i32
    %dma_start3A_143 = arith.constant 0 : i32
    %dma_start3A_144 = tpu.memref_slice %arg7[%dma_start3A_142, %dma_start3A_143] : memref<25600x128xf32, #tpu.memory_space<hbm>> -> memref<25600x128xf32, #tpu.memory_space<hbm>>
    tpu.enqueue_indirect_dma source(%dma_start3A_144 : memref<25600x128xf32, #tpu.memory_space<hbm>>) target(%arg17 : memref<32x128xf32, #tpu.memory_space<vmem>>) offsets(%dma_start3A_141 : memref<32xi32, #tpu.memory_space<vmem>>) semaphore(%arg18 : memref<!tpu.dma_semaphore, #tpu.memory_space<semaphore_mem>>)
    %dma_wait3A_145 = arith.constant 2 : i32
    %dma_wait3A_146 = arith.constant 0 : i32
    %dma_wait3A_147 = tpu.memref_slice %arg12[%dma_wait3A_145, %dma_wait3A_146] : memref<16x32xi32, #tpu.memory_space<vmem>> -> memref<1x32xi32, #tpu.memory_space<vmem>>
    %dma_wait3A_148 = tpu.memref_squeeze %dma_wait3A_147 : memref<1x32xi32, #tpu.memory_space<vmem>> -> memref<32xi32, #tpu.memory_space<vmem>>
    %dma_wait3A_149 = arith.constant 0 : i32
    %dma_wait3A_150 = arith.constant 0 : i32
    %dma_wait3A_151 = tpu.memref_slice %arg4[%dma_wait3A_149, %dma_wait3A_150] : memref<250880x128xf32, #tpu.memory_space<hbm>> -> memref<250880x128xf32, #tpu.memory_space<hbm>>
    tpu.wait_indirect_dma semaphore(%arg18 : memref<!tpu.dma_semaphore, #tpu.memory_space<semaphore_mem>>) src(%dma_wait3A_151 : memref<250880x128xf32, #tpu.memory_space<hbm>>) dst(%arg14 : memref<32x128xf32, #tpu.memory_space<vmem>>)
    %dma_wait3A_152 = arith.constant 2 : i32
    %dma_wait3A_153 = arith.constant 0 : i32
    %dma_wait3A_154 = tpu.memref_slice %arg13[%dma_wait3A_152, %dma_wait3A_153] : memref<16x32xi32, #tpu.memory_space<vmem>> -> memref<1x32xi32, #tpu.memory_space<vmem>>
    %dma_wait3A_155 = tpu.memref_squeeze %dma_wait3A_154 : memref<1x32xi32, #tpu.memory_space<vmem>> -> memref<32xi32, #tpu.memory_space<vmem>>
    %dma_wait3A_156 = arith.constant 0 : i32
    %dma_wait3A_157 = arith.constant 0 : i32
    %dma_wait3A_158 = tpu.memref_slice %arg5[%dma_wait3A_156, %dma_wait3A_157] : memref<25600x128xf32, #tpu.memory_space<hbm>> -> memref<25600x128xf32, #tpu.memory_space<hbm>>
    tpu.wait_indirect_dma semaphore(%arg18 : memref<!tpu.dma_semaphore, #tpu.memory_space<semaphore_mem>>) src(%dma_wait3A_158 : memref<25600x128xf32, #tpu.memory_space<hbm>>) dst(%arg15 : memref<32x128xf32, #tpu.memory_space<vmem>>)
    %dma_wait3A_159 = arith.constant 2 : i32
    %dma_wait3A_160 = arith.constant 0 : i32
    %dma_wait3A_161 = tpu.memref_slice %arg12[%dma_wait3A_159, %dma_wait3A_160] : memref<16x32xi32, #tpu.memory_space<vmem>> -> memref<1x32xi32, #tpu.memory_space<vmem>>
    %dma_wait3A_162 = tpu.memref_squeeze %dma_wait3A_161 : memref<1x32xi32, #tpu.memory_space<vmem>> -> memref<32xi32, #tpu.memory_space<vmem>>
    %dma_wait3A_163 = arith.constant 0 : i32
    %dma_wait3A_164 = arith.constant 0 : i32
    %dma_wait3A_165 = tpu.memref_slice %arg6[%dma_wait3A_163, %dma_wait3A_164] : memref<250880x128xf32, #tpu.memory_space<hbm>> -> memref<250880x128xf32, #tpu.memory_space<hbm>>
    tpu.wait_indirect_dma semaphore(%arg18 : memref<!tpu.dma_semaphore, #tpu.memory_space<semaphore_mem>>) src(%dma_wait3A_165 : memref<250880x128xf32, #tpu.memory_space<hbm>>) dst(%arg16 : memref<32x128xf32, #tpu.memory_space<vmem>>)
    %dma_wait3A_166 = arith.constant 2 : i32
    %dma_wait3A_167 = arith.constant 0 : i32
    %dma_wait3A_168 = tpu.memref_slice %arg13[%dma_wait3A_166, %dma_wait3A_167] : memref<16x32xi32, #tpu.memory_space<vmem>> -> memref<1x32xi32, #tpu.memory_space<vmem>>
    %dma_wait3A_169 = tpu.memref_squeeze %dma_wait3A_168 : memref<1x32xi32, #tpu.memory_space<vmem>> -> memref<32xi32, #tpu.memory_space<vmem>>
    %dma_wait3A_170 = arith.constant 0 : i32
    %dma_wait3A_171 = arith.constant 0 : i32
    %dma_wait3A_172 = tpu.memref_slice %arg7[%dma_wait3A_170, %dma_wait3A_171] : memref<25600x128xf32, #tpu.memory_space<hbm>> -> memref<25600x128xf32, #tpu.memory_space<hbm>>
    tpu.wait_indirect_dma semaphore(%arg18 : memref<!tpu.dma_semaphore, #tpu.memory_space<semaphore_mem>>) src(%dma_wait3A_172 : memref<25600x128xf32, #tpu.memory_space<hbm>>) dst(%arg17 : memref<32x128xf32, #tpu.memory_space<vmem>>)
    %add3A_173 = arith.constant 64 : i32
    %add3A_174 = arith.addi %mul3A_2, %add3A_173 : i32
    "tpu.region"() ({
      %run_scoped3A = tpu.sem_alloc : memref<!tpu.dma_semaphore, #tpu.memory_space<semaphore_mem>>
      %dma_start3A_929 = arith.constant 0 : i32
      %dma_start3A_930 = tpu.memref_slice %arg8[%add3A_174, %dma_start3A_929] : memref<16384x128xf32, #tpu.memory_space<hbm>> -> memref<32x128xf32, #tpu.memory_space<hbm>>
      %dma_start3A_931 = arith.constant 0 : i32
      %dma_start3A_932 = tpu.memref_slice %arg8[%add3A_174, %dma_start3A_931] : memref<16384x128xf32, #tpu.memory_space<hbm>> -> memref<32x128xf32, #tpu.memory_space<hbm>>
      tpu.enqueue_dma source(%arg14 : memref<32x128xf32, #tpu.memory_space<vmem>>) target(%dma_start3A_932 : memref<32x128xf32, #tpu.memory_space<hbm>>) target_semaphore(%run_scoped3A : memref<!tpu.dma_semaphore, #tpu.memory_space<semaphore_mem>>)
      %dma_wait3A_933 = arith.constant 0 : i32
      %dma_wait3A_934 = tpu.memref_slice %arg8[%add3A_174, %dma_wait3A_933] : memref<16384x128xf32, #tpu.memory_space<hbm>> -> memref<32x128xf32, #tpu.memory_space<hbm>>
      %dma_wait3A_935 = arith.constant 0 : i32
      %dma_wait3A_936 = tpu.memref_slice %arg8[%add3A_174, %dma_wait3A_935] : memref<16384x128xf32, #tpu.memory_space<hbm>> -> memref<32x128xf32, #tpu.memory_space<hbm>>
      tpu.wait_dma2 semaphore(%run_scoped3A : memref<!tpu.dma_semaphore, #tpu.memory_space<semaphore_mem>>) src(%arg14 : memref<32x128xf32, #tpu.memory_space<vmem>>) dst(%dma_wait3A_936 : memref<32x128xf32, #tpu.memory_space<hbm>>)
      tpu.yield
    }) : () -> ()
    "tpu.region"() ({
      %run_scoped3A = tpu.sem_alloc : memref<!tpu.dma_semaphore, #tpu.memory_space<semaphore_mem>>
      %dma_start3A_929 = arith.constant 0 : i32
      %dma_start3A_930 = tpu.memref_slice %arg9[%add3A_174, %dma_start3A_929] : memref<16384x128xf32, #tpu.memory_space<hbm>> -> memref<32x128xf32, #tpu.memory_space<hbm>>
      %dma_start3A_931 = arith.constant 0 : i32
      %dma_start3A_932 = tpu.memref_slice %arg9[%add3A_174, %dma_start3A_931] : memref<16384x128xf32, #tpu.memory_space<hbm>> -> memref<32x128xf32, #tpu.memory_space<hbm>>
      tpu.enqueue_dma source(%arg15 : memref<32x128xf32, #tpu.memory_space<vmem>>) target(%dma_start3A_932 : memref<32x128xf32, #tpu.memory_space<hbm>>) target_semaphore(%run_scoped3A : memref<!tpu.dma_semaphore, #tpu.memory_space<semaphore_mem>>)
      %dma_wait3A_933 = arith.constant 0 : i32
      %dma_wait3A_934 = tpu.memref_slice %arg9[%add3A_174, %dma_wait3A_933] : memref<16384x128xf32, #tpu.memory_space<hbm>> -> memref<32x128xf32, #tpu.memory_space<hbm>>
      %dma_wait3A_935 = arith.constant 0 : i32
      %dma_wait3A_936 = tpu.memref_slice %arg9[%add3A_174, %dma_wait3A_935] : memref<16384x128xf32, #tpu.memory_space<hbm>> -> memref<32x128xf32, #tpu.memory_space<hbm>>
      tpu.wait_dma2 semaphore(%run_scoped3A : memref<!tpu.dma_semaphore, #tpu.memory_space<semaphore_mem>>) src(%arg15 : memref<32x128xf32, #tpu.memory_space<vmem>>) dst(%dma_wait3A_936 : memref<32x128xf32, #tpu.memory_space<hbm>>)
      tpu.yield
    }) : () -> ()
    "tpu.region"() ({
      %run_scoped3A = tpu.sem_alloc : memref<!tpu.dma_semaphore, #tpu.memory_space<semaphore_mem>>
      %dma_start3A_929 = arith.constant 0 : i32
      %dma_start3A_930 = tpu.memref_slice %arg10[%add3A_174, %dma_start3A_929] : memref<16384x128xf32, #tpu.memory_space<hbm>> -> memref<32x128xf32, #tpu.memory_space<hbm>>
      %dma_start3A_931 = arith.constant 0 : i32
      %dma_start3A_932 = tpu.memref_slice %arg10[%add3A_174, %dma_start3A_931] : memref<16384x128xf32, #tpu.memory_space<hbm>> -> memref<32x128xf32, #tpu.memory_space<hbm>>
      tpu.enqueue_dma source(%arg16 : memref<32x128xf32, #tpu.memory_space<vmem>>) target(%dma_start3A_932 : memref<32x128xf32, #tpu.memory_space<hbm>>) target_semaphore(%run_scoped3A : memref<!tpu.dma_semaphore, #tpu.memory_space<semaphore_mem>>)
      %dma_wait3A_933 = arith.constant 0 : i32
      %dma_wait3A_934 = tpu.memref_slice %arg10[%add3A_174, %dma_wait3A_933] : memref<16384x128xf32, #tpu.memory_space<hbm>> -> memref<32x128xf32, #tpu.memory_space<hbm>>
      %dma_wait3A_935 = arith.constant 0 : i32
      %dma_wait3A_936 = tpu.memref_slice %arg10[%add3A_174, %dma_wait3A_935] : memref<16384x128xf32, #tpu.memory_space<hbm>> -> memref<32x128xf32, #tpu.memory_space<hbm>>
      tpu.wait_dma2 semaphore(%run_scoped3A : memref<!tpu.dma_semaphore, #tpu.memory_space<semaphore_mem>>) src(%arg16 : memref<32x128xf32, #tpu.memory_space<vmem>>) dst(%dma_wait3A_936 : memref<32x128xf32, #tpu.memory_space<hbm>>)
      tpu.yield
    }) : () -> ()
    "tpu.region"() ({
      %run_scoped3A = tpu.sem_alloc : memref<!tpu.dma_semaphore, #tpu.memory_space<semaphore_mem>>
      %dma_start3A_929 = arith.constant 0 : i32
      %dma_start3A_930 = tpu.memref_slice %arg11[%add3A_174, %dma_start3A_929] : memref<16384x128xf32, #tpu.memory_space<hbm>> -> memref<32x128xf32, #tpu.memory_space<hbm>>
      %dma_start3A_931 = arith.constant 0 : i32
      %dma_start3A_932 = tpu.memref_slice %arg11[%add3A_174, %dma_start3A_931] : memref<16384x128xf32, #tpu.memory_space<hbm>> -> memref<32x128xf32, #tpu.memory_space<hbm>>
      tpu.enqueue_dma source(%arg17 : memref<32x128xf32, #tpu.memory_space<vmem>>) target(%dma_start3A_932 : memref<32x128xf32, #tpu.memory_space<hbm>>) target_semaphore(%run_scoped3A : memref<!tpu.dma_semaphore, #tpu.memory_space<semaphore_mem>>)
      %dma_wait3A_933 = arith.constant 0 : i32
      %dma_wait3A_934 = tpu.memref_slice %arg11[%add3A_174, %dma_wait3A_933] : memref<16384x128xf32, #tpu.memory_space<hbm>> -> memref<32x128xf32, #tpu.memory_space<hbm>>
      %dma_wait3A_935 = arith.constant 0 : i32
      %dma_wait3A_936 = tpu.memref_slice %arg11[%add3A_174, %dma_wait3A_935] : memref<16384x128xf32, #tpu.memory_space<hbm>> -> memref<32x128xf32, #tpu.memory_space<hbm>>
      tpu.wait_dma2 semaphore(%run_scoped3A : memref<!tpu.dma_semaphore, #tpu.memory_space<semaphore_mem>>) src(%arg17 : memref<32x128xf32, #tpu.memory_space<vmem>>) dst(%dma_wait3A_936 : memref<32x128xf32, #tpu.memory_space<hbm>>)
      tpu.yield
    }) : () -> ()
    %dma_start3A_175 = arith.constant 3 : i32
    %dma_start3A_176 = arith.constant 0 : i32
    %dma_start3A_177 = tpu.memref_slice %arg12[%dma_start3A_175, %dma_start3A_176] : memref<16x32xi32, #tpu.memory_space<vmem>> -> memref<1x32xi32, #tpu.memory_space<vmem>>
    %dma_start3A_178 = tpu.memref_squeeze %dma_start3A_177 : memref<1x32xi32, #tpu.memory_space<vmem>> -> memref<32xi32, #tpu.memory_space<vmem>>
    %dma_start3A_179 = arith.constant 0 : i32
    %dma_start3A_180 = arith.constant 0 : i32
    %dma_start3A_181 = tpu.memref_slice %arg4[%dma_start3A_179, %dma_start3A_180] : memref<250880x128xf32, #tpu.memory_space<hbm>> -> memref<250880x128xf32, #tpu.memory_space<hbm>>
    tpu.enqueue_indirect_dma source(%dma_start3A_181 : memref<250880x128xf32, #tpu.memory_space<hbm>>) target(%arg14 : memref<32x128xf32, #tpu.memory_space<vmem>>) offsets(%dma_start3A_178 : memref<32xi32, #tpu.memory_space<vmem>>) semaphore(%arg18 : memref<!tpu.dma_semaphore, #tpu.memory_space<semaphore_mem>>)
    %dma_start3A_182 = arith.constant 3 : i32
    %dma_start3A_183 = arith.constant 0 : i32
    %dma_start3A_184 = tpu.memref_slice %arg13[%dma_start3A_182, %dma_start3A_183] : memref<16x32xi32, #tpu.memory_space<vmem>> -> memref<1x32xi32, #tpu.memory_space<vmem>>
    %dma_start3A_185 = tpu.memref_squeeze %dma_start3A_184 : memref<1x32xi32, #tpu.memory_space<vmem>> -> memref<32xi32, #tpu.memory_space<vmem>>
    %dma_start3A_186 = arith.constant 0 : i32
    %dma_start3A_187 = arith.constant 0 : i32
    %dma_start3A_188 = tpu.memref_slice %arg5[%dma_start3A_186, %dma_start3A_187] : memref<25600x128xf32, #tpu.memory_space<hbm>> -> memref<25600x128xf32, #tpu.memory_space<hbm>>
    tpu.enqueue_indirect_dma source(%dma_start3A_188 : memref<25600x128xf32, #tpu.memory_space<hbm>>) target(%arg15 : memref<32x128xf32, #tpu.memory_space<vmem>>) offsets(%dma_start3A_185 : memref<32xi32, #tpu.memory_space<vmem>>) semaphore(%arg18 : memref<!tpu.dma_semaphore, #tpu.memory_space<semaphore_mem>>)
    %dma_start3A_189 = arith.constant 3 : i32
    %dma_start3A_190 = arith.constant 0 : i32
    %dma_start3A_191 = tpu.memref_slice %arg12[%dma_start3A_189, %dma_start3A_190] : memref<16x32xi32, #tpu.memory_space<vmem>> -> memref<1x32xi32, #tpu.memory_space<vmem>>
    %dma_start3A_192 = tpu.memref_squeeze %dma_start3A_191 : memref<1x32xi32, #tpu.memory_space<vmem>> -> memref<32xi32, #tpu.memory_space<vmem>>
    %dma_start3A_193 = arith.constant 0 : i32
    %dma_start3A_194 = arith.constant 0 : i32
    %dma_start3A_195 = tpu.memref_slice %arg6[%dma_start3A_193, %dma_start3A_194] : memref<250880x128xf32, #tpu.memory_space<hbm>> -> memref<250880x128xf32, #tpu.memory_space<hbm>>
    tpu.enqueue_indirect_dma source(%dma_start3A_195 : memref<250880x128xf32, #tpu.memory_space<hbm>>) target(%arg16 : memref<32x128xf32, #tpu.memory_space<vmem>>) offsets(%dma_start3A_192 : memref<32xi32, #tpu.memory_space<vmem>>) semaphore(%arg18 : memref<!tpu.dma_semaphore, #tpu.memory_space<semaphore_mem>>)
    %dma_start3A_196 = arith.constant 3 : i32
    %dma_start3A_197 = arith.constant 0 : i32
    %dma_start3A_198 = tpu.memref_slice %arg13[%dma_start3A_196, %dma_start3A_197] : memref<16x32xi32, #tpu.memory_space<vmem>> -> memref<1x32xi32, #tpu.memory_space<vmem>>
    %dma_start3A_199 = tpu.memref_squeeze %dma_start3A_198 : memref<1x32xi32, #tpu.memory_space<vmem>> -> memref<32xi32, #tpu.memory_space<vmem>>
    %dma_start3A_200 = arith.constant 0 : i32
    %dma_start3A_201 = arith.constant 0 : i32
    %dma_start3A_202 = tpu.memref_slice %arg7[%dma_start3A_200, %dma_start3A_201] : memref<25600x128xf32, #tpu.memory_space<hbm>> -> memref<25600x128xf32, #tpu.memory_space<hbm>>
    tpu.enqueue_indirect_dma source(%dma_start3A_202 : memref<25600x128xf32, #tpu.memory_space<hbm>>) target(%arg17 : memref<32x128xf32, #tpu.memory_space<vmem>>) offsets(%dma_start3A_199 : memref<32xi32, #tpu.memory_space<vmem>>) semaphore(%arg18 : memref<!tpu.dma_semaphore, #tpu.memory_space<semaphore_mem>>)
    %dma_wait3A_203 = arith.constant 3 : i32
    %dma_wait3A_204 = arith.constant 0 : i32
    %dma_wait3A_205 = tpu.memref_slice %arg12[%dma_wait3A_203, %dma_wait3A_204] : memref<16x32xi32, #tpu.memory_space<vmem>> -> memref<1x32xi32, #tpu.memory_space<vmem>>
    %dma_wait3A_206 = tpu.memref_squeeze %dma_wait3A_205 : memref<1x32xi32, #tpu.memory_space<vmem>> -> memref<32xi32, #tpu.memory_space<vmem>>
    %dma_wait3A_207 = arith.constant 0 : i32
    %dma_wait3A_208 = arith.constant 0 : i32
    %dma_wait3A_209 = tpu.memref_slice %arg4[%dma_wait3A_207, %dma_wait3A_208] : memref<250880x128xf32, #tpu.memory_space<hbm>> -> memref<250880x128xf32, #tpu.memory_space<hbm>>
    tpu.wait_indirect_dma semaphore(%arg18 : memref<!tpu.dma_semaphore, #tpu.memory_space<semaphore_mem>>) src(%dma_wait3A_209 : memref<250880x128xf32, #tpu.memory_space<hbm>>) dst(%arg14 : memref<32x128xf32, #tpu.memory_space<vmem>>)
    %dma_wait3A_210 = arith.constant 3 : i32
    %dma_wait3A_211 = arith.constant 0 : i32
    %dma_wait3A_212 = tpu.memref_slice %arg13[%dma_wait3A_210, %dma_wait3A_211] : memref<16x32xi32, #tpu.memory_space<vmem>> -> memref<1x32xi32, #tpu.memory_space<vmem>>
    %dma_wait3A_213 = tpu.memref_squeeze %dma_wait3A_212 : memref<1x32xi32, #tpu.memory_space<vmem>> -> memref<32xi32, #tpu.memory_space<vmem>>
    %dma_wait3A_214 = arith.constant 0 : i32
    %dma_wait3A_215 = arith.constant 0 : i32
    %dma_wait3A_216 = tpu.memref_slice %arg5[%dma_wait3A_214, %dma_wait3A_215] : memref<25600x128xf32, #tpu.memory_space<hbm>> -> memref<25600x128xf32, #tpu.memory_space<hbm>>
    tpu.wait_indirect_dma semaphore(%arg18 : memref<!tpu.dma_semaphore, #tpu.memory_space<semaphore_mem>>) src(%dma_wait3A_216 : memref<25600x128xf32, #tpu.memory_space<hbm>>) dst(%arg15 : memref<32x128xf32, #tpu.memory_space<vmem>>)
    %dma_wait3A_217 = arith.constant 3 : i32
    %dma_wait3A_218 = arith.constant 0 : i32
    %dma_wait3A_219 = tpu.memref_slice %arg12[%dma_wait3A_217, %dma_wait3A_218] : memref<16x32xi32, #tpu.memory_space<vmem>> -> memref<1x32xi32, #tpu.memory_space<vmem>>
    %dma_wait3A_220 = tpu.memref_squeeze %dma_wait3A_219 : memref<1x32xi32, #tpu.memory_space<vmem>> -> memref<32xi32, #tpu.memory_space<vmem>>
    %dma_wait3A_221 = arith.constant 0 : i32
    %dma_wait3A_222 = arith.constant 0 : i32
    %dma_wait3A_223 = tpu.memref_slice %arg6[%dma_wait3A_221, %dma_wait3A_222] : memref<250880x128xf32, #tpu.memory_space<hbm>> -> memref<250880x128xf32, #tpu.memory_space<hbm>>
    tpu.wait_indirect_dma semaphore(%arg18 : memref<!tpu.dma_semaphore, #tpu.memory_space<semaphore_mem>>) src(%dma_wait3A_223 : memref<250880x128xf32, #tpu.memory_space<hbm>>) dst(%arg16 : memref<32x128xf32, #tpu.memory_space<vmem>>)
    %dma_wait3A_224 = arith.constant 3 : i32
    %dma_wait3A_225 = arith.constant 0 : i32
    %dma_wait3A_226 = tpu.memref_slice %arg13[%dma_wait3A_224, %dma_wait3A_225] : memref<16x32xi32, #tpu.memory_space<vmem>> -> memref<1x32xi32, #tpu.memory_space<vmem>>
    %dma_wait3A_227 = tpu.memref_squeeze %dma_wait3A_226 : memref<1x32xi32, #tpu.memory_space<vmem>> -> memref<32xi32, #tpu.memory_space<vmem>>
    %dma_wait3A_228 = arith.constant 0 : i32
    %dma_wait3A_229 = arith.constant 0 : i32
    %dma_wait3A_230 = tpu.memref_slice %arg7[%dma_wait3A_228, %dma_wait3A_229] : memref<25600x128xf32, #tpu.memory_space<hbm>> -> memref<25600x128xf32, #tpu.memory_space<hbm>>
    tpu.wait_indirect_dma semaphore(%arg18 : memref<!tpu.dma_semaphore, #tpu.memory_space<semaphore_mem>>) src(%dma_wait3A_230 : memref<25600x128xf32, #tpu.memory_space<hbm>>) dst(%arg17 : memref<32x128xf32, #tpu.memory_space<vmem>>)
    %add3A_231 = arith.constant 96 : i32
    %add3A_232 = arith.addi %mul3A_2, %add3A_231 : i32
    "tpu.region"() ({
      %run_scoped3A = tpu.sem_alloc : memref<!tpu.dma_semaphore, #tpu.memory_space<semaphore_mem>>
      %dma_start3A_929 = arith.constant 0 : i32
      %dma_start3A_930 = tpu.memref_slice %arg8[%add3A_232, %dma_start3A_929] : memref<16384x128xf32, #tpu.memory_space<hbm>> -> memref<32x128xf32, #tpu.memory_space<hbm>>
      %dma_start3A_931 = arith.constant 0 : i32
      %dma_start3A_932 = tpu.memref_slice %arg8[%add3A_232, %dma_start3A_931] : memref<16384x128xf32, #tpu.memory_space<hbm>> -> memref<32x128xf32, #tpu.memory_space<hbm>>
      tpu.enqueue_dma source(%arg14 : memref<32x128xf32, #tpu.memory_space<vmem>>) target(%dma_start3A_932 : memref<32x128xf32, #tpu.memory_space<hbm>>) target_semaphore(%run_scoped3A : memref<!tpu.dma_semaphore, #tpu.memory_space<semaphore_mem>>)
      %dma_wait3A_933 = arith.constant 0 : i32
      %dma_wait3A_934 = tpu.memref_slice %arg8[%add3A_232, %dma_wait3A_933] : memref<16384x128xf32, #tpu.memory_space<hbm>> -> memref<32x128xf32, #tpu.memory_space<hbm>>
      %dma_wait3A_935 = arith.constant 0 : i32
      %dma_wait3A_936 = tpu.memref_slice %arg8[%add3A_232, %dma_wait3A_935] : memref<16384x128xf32, #tpu.memory_space<hbm>> -> memref<32x128xf32, #tpu.memory_space<hbm>>
      tpu.wait_dma2 semaphore(%run_scoped3A : memref<!tpu.dma_semaphore, #tpu.memory_space<semaphore_mem>>) src(%arg14 : memref<32x128xf32, #tpu.memory_space<vmem>>) dst(%dma_wait3A_936 : memref<32x128xf32, #tpu.memory_space<hbm>>)
      tpu.yield
    }) : () -> ()
    "tpu.region"() ({
      %run_scoped3A = tpu.sem_alloc : memref<!tpu.dma_semaphore, #tpu.memory_space<semaphore_mem>>
      %dma_start3A_929 = arith.constant 0 : i32
      %dma_start3A_930 = tpu.memref_slice %arg9[%add3A_232, %dma_start3A_929] : memref<16384x128xf32, #tpu.memory_space<hbm>> -> memref<32x128xf32, #tpu.memory_space<hbm>>
      %dma_start3A_931 = arith.constant 0 : i32
      %dma_start3A_932 = tpu.memref_slice %arg9[%add3A_232, %dma_start3A_931] : memref<16384x128xf32, #tpu.memory_space<hbm>> -> memref<32x128xf32, #tpu.memory_space<hbm>>
      tpu.enqueue_dma source(%arg15 : memref<32x128xf32, #tpu.memory_space<vmem>>) target(%dma_start3A_932 : memref<32x128xf32, #tpu.memory_space<hbm>>) target_semaphore(%run_scoped3A : memref<!tpu.dma_semaphore, #tpu.memory_space<semaphore_mem>>)
      %dma_wait3A_933 = arith.constant 0 : i32
      %dma_wait3A_934 = tpu.memref_slice %arg9[%add3A_232, %dma_wait3A_933] : memref<16384x128xf32, #tpu.memory_space<hbm>> -> memref<32x128xf32, #tpu.memory_space<hbm>>
      %dma_wait3A_935 = arith.constant 0 : i32
      %dma_wait3A_936 = tpu.memref_slice %arg9[%add3A_232, %dma_wait3A_935] : memref<16384x128xf32, #tpu.memory_space<hbm>> -> memref<32x128xf32, #tpu.memory_space<hbm>>
      tpu.wait_dma2 semaphore(%run_scoped3A : memref<!tpu.dma_semaphore, #tpu.memory_space<semaphore_mem>>) src(%arg15 : memref<32x128xf32, #tpu.memory_space<vmem>>) dst(%dma_wait3A_936 : memref<32x128xf32, #tpu.memory_space<hbm>>)
      tpu.yield
    }) : () -> ()
    "tpu.region"() ({
      %run_scoped3A = tpu.sem_alloc : memref<!tpu.dma_semaphore, #tpu.memory_space<semaphore_mem>>
      %dma_start3A_929 = arith.constant 0 : i32
      %dma_start3A_930 = tpu.memref_slice %arg10[%add3A_232, %dma_start3A_929] : memref<16384x128xf32, #tpu.memory_space<hbm>> -> memref<32x128xf32, #tpu.memory_space<hbm>>
      %dma_start3A_931 = arith.constant 0 : i32
      %dma_start3A_932 = tpu.memref_slice %arg10[%add3A_232, %dma_start3A_931] : memref<16384x128xf32, #tpu.memory_space<hbm>> -> memref<32x128xf32, #tpu.memory_space<hbm>>
      tpu.enqueue_dma source(%arg16 : memref<32x128xf32, #tpu.memory_space<vmem>>) target(%dma_start3A_932 : memref<32x128xf32, #tpu.memory_space<hbm>>) target_semaphore(%run_scoped3A : memref<!tpu.dma_semaphore, #tpu.memory_space<semaphore_mem>>)
      %dma_wait3A_933 = arith.constant 0 : i32
      %dma_wait3A_934 = tpu.memref_slice %arg10[%add3A_232, %dma_wait3A_933] : memref<16384x128xf32, #tpu.memory_space<hbm>> -> memref<32x128xf32, #tpu.memory_space<hbm>>
      %dma_wait3A_935 = arith.constant 0 : i32
      %dma_wait3A_936 = tpu.memref_slice %arg10[%add3A_232, %dma_wait3A_935] : memref<16384x128xf32, #tpu.memory_space<hbm>> -> memref<32x128xf32, #tpu.memory_space<hbm>>
      tpu.wait_dma2 semaphore(%run_scoped3A : memref<!tpu.dma_semaphore, #tpu.memory_space<semaphore_mem>>) src(%arg16 : memref<32x128xf32, #tpu.memory_space<vmem>>) dst(%dma_wait3A_936 : memref<32x128xf32, #tpu.memory_space<hbm>>)
      tpu.yield
    }) : () -> ()
    "tpu.region"() ({
      %run_scoped3A = tpu.sem_alloc : memref<!tpu.dma_semaphore, #tpu.memory_space<semaphore_mem>>
      %dma_start3A_929 = arith.constant 0 : i32
      %dma_start3A_930 = tpu.memref_slice %arg11[%add3A_232, %dma_start3A_929] : memref<16384x128xf32, #tpu.memory_space<hbm>> -> memref<32x128xf32, #tpu.memory_space<hbm>>
      %dma_start3A_931 = arith.constant 0 : i32
      %dma_start3A_932 = tpu.memref_slice %arg11[%add3A_232, %dma_start3A_931] : memref<16384x128xf32, #tpu.memory_space<hbm>> -> memref<32x128xf32, #tpu.memory_space<hbm>>
      tpu.enqueue_dma source(%arg17 : memref<32x128xf32, #tpu.memory_space<vmem>>) target(%dma_start3A_932 : memref<32x128xf32, #tpu.memory_space<hbm>>) target_semaphore(%run_scoped3A : memref<!tpu.dma_semaphore, #tpu.memory_space<semaphore_mem>>)
      %dma_wait3A_933 = arith.constant 0 : i32
      %dma_wait3A_934 = tpu.memref_slice %arg11[%add3A_232, %dma_wait3A_933] : memref<16384x128xf32, #tpu.memory_space<hbm>> -> memref<32x128xf32, #tpu.memory_space<hbm>>
      %dma_wait3A_935 = arith.constant 0 : i32
      %dma_wait3A_936 = tpu.memref_slice %arg11[%add3A_232, %dma_wait3A_935] : memref<16384x128xf32, #tpu.memory_space<hbm>> -> memref<32x128xf32, #tpu.memory_space<hbm>>
      tpu.wait_dma2 semaphore(%run_scoped3A : memref<!tpu.dma_semaphore, #tpu.memory_space<semaphore_mem>>) src(%arg17 : memref<32x128xf32, #tpu.memory_space<vmem>>) dst(%dma_wait3A_936 : memref<32x128xf32, #tpu.memory_space<hbm>>)
      tpu.yield
    }) : () -> ()
    %dma_start3A_233 = arith.constant 4 : i32
    %dma_start3A_234 = arith.constant 0 : i32
    %dma_start3A_235 = tpu.memref_slice %arg12[%dma_start3A_233, %dma_start3A_234] : memref<16x32xi32, #tpu.memory_space<vmem>> -> memref<1x32xi32, #tpu.memory_space<vmem>>
    %dma_start3A_236 = tpu.memref_squeeze %dma_start3A_235 : memref<1x32xi32, #tpu.memory_space<vmem>> -> memref<32xi32, #tpu.memory_space<vmem>>
    %dma_start3A_237 = arith.constant 0 : i32
    %dma_start3A_238 = arith.constant 0 : i32
    %dma_start3A_239 = tpu.memref_slice %arg4[%dma_start3A_237, %dma_start3A_238] : memref<250880x128xf32, #tpu.memory_space<hbm>> -> memref<250880x128xf32, #tpu.memory_space<hbm>>
    tpu.enqueue_indirect_dma source(%dma_start3A_239 : memref<250880x128xf32, #tpu.memory_space<hbm>>) target(%arg14 : memref<32x128xf32, #tpu.memory_space<vmem>>) offsets(%dma_start3A_236 : memref<32xi32, #tpu.memory_space<vmem>>) semaphore(%arg18 : memref<!tpu.dma_semaphore, #tpu.memory_space<semaphore_mem>>)
    %dma_start3A_240 = arith.constant 4 : i32
    %dma_start3A_241 = arith.constant 0 : i32
    %dma_start3A_242 = tpu.memref_slice %arg13[%dma_start3A_240, %dma_start3A_241] : memref<16x32xi32, #tpu.memory_space<vmem>> -> memref<1x32xi32, #tpu.memory_space<vmem>>
    %dma_start3A_243 = tpu.memref_squeeze %dma_start3A_242 : memref<1x32xi32, #tpu.memory_space<vmem>> -> memref<32xi32, #tpu.memory_space<vmem>>
    %dma_start3A_244 = arith.constant 0 : i32
    %dma_start3A_245 = arith.constant 0 : i32
    %dma_start3A_246 = tpu.memref_slice %arg5[%dma_start3A_244, %dma_start3A_245] : memref<25600x128xf32, #tpu.memory_space<hbm>> -> memref<25600x128xf32, #tpu.memory_space<hbm>>
    tpu.enqueue_indirect_dma source(%dma_start3A_246 : memref<25600x128xf32, #tpu.memory_space<hbm>>) target(%arg15 : memref<32x128xf32, #tpu.memory_space<vmem>>) offsets(%dma_start3A_243 : memref<32xi32, #tpu.memory_space<vmem>>) semaphore(%arg18 : memref<!tpu.dma_semaphore, #tpu.memory_space<semaphore_mem>>)
    %dma_start3A_247 = arith.constant 4 : i32
    %dma_start3A_248 = arith.constant 0 : i32
    %dma_start3A_249 = tpu.memref_slice %arg12[%dma_start3A_247, %dma_start3A_248] : memref<16x32xi32, #tpu.memory_space<vmem>> -> memref<1x32xi32, #tpu.memory_space<vmem>>
    %dma_start3A_250 = tpu.memref_squeeze %dma_start3A_249 : memref<1x32xi32, #tpu.memory_space<vmem>> -> memref<32xi32, #tpu.memory_space<vmem>>
    %dma_start3A_251 = arith.constant 0 : i32
    %dma_start3A_252 = arith.constant 0 : i32
    %dma_start3A_253 = tpu.memref_slice %arg6[%dma_start3A_251, %dma_start3A_252] : memref<250880x128xf32, #tpu.memory_space<hbm>> -> memref<250880x128xf32, #tpu.memory_space<hbm>>
    tpu.enqueue_indirect_dma source(%dma_start3A_253 : memref<250880x128xf32, #tpu.memory_space<hbm>>) target(%arg16 : memref<32x128xf32, #tpu.memory_space<vmem>>) offsets(%dma_start3A_250 : memref<32xi32, #tpu.memory_space<vmem>>) semaphore(%arg18 : memref<!tpu.dma_semaphore, #tpu.memory_space<semaphore_mem>>)
    %dma_start3A_254 = arith.constant 4 : i32
    %dma_start3A_255 = arith.constant 0 : i32
    %dma_start3A_256 = tpu.memref_slice %arg13[%dma_start3A_254, %dma_start3A_255] : memref<16x32xi32, #tpu.memory_space<vmem>> -> memref<1x32xi32, #tpu.memory_space<vmem>>
    %dma_start3A_257 = tpu.memref_squeeze %dma_start3A_256 : memref<1x32xi32, #tpu.memory_space<vmem>> -> memref<32xi32, #tpu.memory_space<vmem>>
    %dma_start3A_258 = arith.constant 0 : i32
    %dma_start3A_259 = arith.constant 0 : i32
    %dma_start3A_260 = tpu.memref_slice %arg7[%dma_start3A_258, %dma_start3A_259] : memref<25600x128xf32, #tpu.memory_space<hbm>> -> memref<25600x128xf32, #tpu.memory_space<hbm>>
    tpu.enqueue_indirect_dma source(%dma_start3A_260 : memref<25600x128xf32, #tpu.memory_space<hbm>>) target(%arg17 : memref<32x128xf32, #tpu.memory_space<vmem>>) offsets(%dma_start3A_257 : memref<32xi32, #tpu.memory_space<vmem>>) semaphore(%arg18 : memref<!tpu.dma_semaphore, #tpu.memory_space<semaphore_mem>>)
    %dma_wait3A_261 = arith.constant 4 : i32
    %dma_wait3A_262 = arith.constant 0 : i32
    %dma_wait3A_263 = tpu.memref_slice %arg12[%dma_wait3A_261, %dma_wait3A_262] : memref<16x32xi32, #tpu.memory_space<vmem>> -> memref<1x32xi32, #tpu.memory_space<vmem>>
    %dma_wait3A_264 = tpu.memref_squeeze %dma_wait3A_263 : memref<1x32xi32, #tpu.memory_space<vmem>> -> memref<32xi32, #tpu.memory_space<vmem>>
    %dma_wait3A_265 = arith.constant 0 : i32
    %dma_wait3A_266 = arith.constant 0 : i32
    %dma_wait3A_267 = tpu.memref_slice %arg4[%dma_wait3A_265, %dma_wait3A_266] : memref<250880x128xf32, #tpu.memory_space<hbm>> -> memref<250880x128xf32, #tpu.memory_space<hbm>>
    tpu.wait_indirect_dma semaphore(%arg18 : memref<!tpu.dma_semaphore, #tpu.memory_space<semaphore_mem>>) src(%dma_wait3A_267 : memref<250880x128xf32, #tpu.memory_space<hbm>>) dst(%arg14 : memref<32x128xf32, #tpu.memory_space<vmem>>)
    %dma_wait3A_268 = arith.constant 4 : i32
    %dma_wait3A_269 = arith.constant 0 : i32
    %dma_wait3A_270 = tpu.memref_slice %arg13[%dma_wait3A_268, %dma_wait3A_269] : memref<16x32xi32, #tpu.memory_space<vmem>> -> memref<1x32xi32, #tpu.memory_space<vmem>>
    %dma_wait3A_271 = tpu.memref_squeeze %dma_wait3A_270 : memref<1x32xi32, #tpu.memory_space<vmem>> -> memref<32xi32, #tpu.memory_space<vmem>>
    %dma_wait3A_272 = arith.constant 0 : i32
    %dma_wait3A_273 = arith.constant 0 : i32
    %dma_wait3A_274 = tpu.memref_slice %arg5[%dma_wait3A_272, %dma_wait3A_273] : memref<25600x128xf32, #tpu.memory_space<hbm>> -> memref<25600x128xf32, #tpu.memory_space<hbm>>
    tpu.wait_indirect_dma semaphore(%arg18 : memref<!tpu.dma_semaphore, #tpu.memory_space<semaphore_mem>>) src(%dma_wait3A_274 : memref<25600x128xf32, #tpu.memory_space<hbm>>) dst(%arg15 : memref<32x128xf32, #tpu.memory_space<vmem>>)
    %dma_wait3A_275 = arith.constant 4 : i32
    %dma_wait3A_276 = arith.constant 0 : i32
    %dma_wait3A_277 = tpu.memref_slice %arg12[%dma_wait3A_275, %dma_wait3A_276] : memref<16x32xi32, #tpu.memory_space<vmem>> -> memref<1x32xi32, #tpu.memory_space<vmem>>
    %dma_wait3A_278 = tpu.memref_squeeze %dma_wait3A_277 : memref<1x32xi32, #tpu.memory_space<vmem>> -> memref<32xi32, #tpu.memory_space<vmem>>
    %dma_wait3A_279 = arith.constant 0 : i32
    %dma_wait3A_280 = arith.constant 0 : i32
    %dma_wait3A_281 = tpu.memref_slice %arg6[%dma_wait3A_279, %dma_wait3A_280] : memref<250880x128xf32, #tpu.memory_space<hbm>> -> memref<250880x128xf32, #tpu.memory_space<hbm>>
    tpu.wait_indirect_dma semaphore(%arg18 : memref<!tpu.dma_semaphore, #tpu.memory_space<semaphore_mem>>) src(%dma_wait3A_281 : memref<250880x128xf32, #tpu.memory_space<hbm>>) dst(%arg16 : memref<32x128xf32, #tpu.memory_space<vmem>>)
    %dma_wait3A_282 = arith.constant 4 : i32
    %dma_wait3A_283 = arith.constant 0 : i32
    %dma_wait3A_284 = tpu.memref_slice %arg13[%dma_wait3A_282, %dma_wait3A_283] : memref<16x32xi32, #tpu.memory_space<vmem>> -> memref<1x32xi32, #tpu.memory_space<vmem>>
    %dma_wait3A_285 = tpu.memref_squeeze %dma_wait3A_284 : memref<1x32xi32, #tpu.memory_space<vmem>> -> memref<32xi32, #tpu.memory_space<vmem>>
    %dma_wait3A_286 = arith.constant 0 : i32
    %dma_wait3A_287 = arith.constant 0 : i32
    %dma_wait3A_288 = tpu.memref_slice %arg7[%dma_wait3A_286, %dma_wait3A_287] : memref<25600x128xf32, #tpu.memory_space<hbm>> -> memref<25600x128xf32, #tpu.memory_space<hbm>>
    tpu.wait_indirect_dma semaphore(%arg18 : memref<!tpu.dma_semaphore, #tpu.memory_space<semaphore_mem>>) src(%dma_wait3A_288 : memref<25600x128xf32, #tpu.memory_space<hbm>>) dst(%arg17 : memref<32x128xf32, #tpu.memory_space<vmem>>)
    %add3A_289 = arith.constant 128 : i32
    %add3A_290 = arith.addi %mul3A_2, %add3A_289 : i32
    "tpu.region"() ({
      %run_scoped3A = tpu.sem_alloc : memref<!tpu.dma_semaphore, #tpu.memory_space<semaphore_mem>>
      %dma_start3A_929 = arith.constant 0 : i32
      %dma_start3A_930 = tpu.memref_slice %arg8[%add3A_290, %dma_start3A_929] : memref<16384x128xf32, #tpu.memory_space<hbm>> -> memref<32x128xf32, #tpu.memory_space<hbm>>
      %dma_start3A_931 = arith.constant 0 : i32
      %dma_start3A_932 = tpu.memref_slice %arg8[%add3A_290, %dma_start3A_931] : memref<16384x128xf32, #tpu.memory_space<hbm>> -> memref<32x128xf32, #tpu.memory_space<hbm>>
      tpu.enqueue_dma source(%arg14 : memref<32x128xf32, #tpu.memory_space<vmem>>) target(%dma_start3A_932 : memref<32x128xf32, #tpu.memory_space<hbm>>) target_semaphore(%run_scoped3A : memref<!tpu.dma_semaphore, #tpu.memory_space<semaphore_mem>>)
      %dma_wait3A_933 = arith.constant 0 : i32
      %dma_wait3A_934 = tpu.memref_slice %arg8[%add3A_290, %dma_wait3A_933] : memref<16384x128xf32, #tpu.memory_space<hbm>> -> memref<32x128xf32, #tpu.memory_space<hbm>>
      %dma_wait3A_935 = arith.constant 0 : i32
      %dma_wait3A_936 = tpu.memref_slice %arg8[%add3A_290, %dma_wait3A_935] : memref<16384x128xf32, #tpu.memory_space<hbm>> -> memref<32x128xf32, #tpu.memory_space<hbm>>
      tpu.wait_dma2 semaphore(%run_scoped3A : memref<!tpu.dma_semaphore, #tpu.memory_space<semaphore_mem>>) src(%arg14 : memref<32x128xf32, #tpu.memory_space<vmem>>) dst(%dma_wait3A_936 : memref<32x128xf32, #tpu.memory_space<hbm>>)
      tpu.yield
    }) : () -> ()
    "tpu.region"() ({
      %run_scoped3A = tpu.sem_alloc : memref<!tpu.dma_semaphore, #tpu.memory_space<semaphore_mem>>
      %dma_start3A_929 = arith.constant 0 : i32
      %dma_start3A_930 = tpu.memref_slice %arg9[%add3A_290, %dma_start3A_929] : memref<16384x128xf32, #tpu.memory_space<hbm>> -> memref<32x128xf32, #tpu.memory_space<hbm>>
      %dma_start3A_931 = arith.constant 0 : i32
      %dma_start3A_932 = tpu.memref_slice %arg9[%add3A_290, %dma_start3A_931] : memref<16384x128xf32, #tpu.memory_space<hbm>> -> memref<32x128xf32, #tpu.memory_space<hbm>>
      tpu.enqueue_dma source(%arg15 : memref<32x128xf32, #tpu.memory_space<vmem>>) target(%dma_start3A_932 : memref<32x128xf32, #tpu.memory_space<hbm>>) target_semaphore(%run_scoped3A : memref<!tpu.dma_semaphore, #tpu.memory_space<semaphore_mem>>)
      %dma_wait3A_933 = arith.constant 0 : i32
      %dma_wait3A_934 = tpu.memref_slice %arg9[%add3A_290, %dma_wait3A_933] : memref<16384x128xf32, #tpu.memory_space<hbm>> -> memref<32x128xf32, #tpu.memory_space<hbm>>
      %dma_wait3A_935 = arith.constant 0 : i32
      %dma_wait3A_936 = tpu.memref_slice %arg9[%add3A_290, %dma_wait3A_935] : memref<16384x128xf32, #tpu.memory_space<hbm>> -> memref<32x128xf32, #tpu.memory_space<hbm>>
      tpu.wait_dma2 semaphore(%run_scoped3A : memref<!tpu.dma_semaphore, #tpu.memory_space<semaphore_mem>>) src(%arg15 : memref<32x128xf32, #tpu.memory_space<vmem>>) dst(%dma_wait3A_936 : memref<32x128xf32, #tpu.memory_space<hbm>>)
      tpu.yield
    }) : () -> ()
    "tpu.region"() ({
      %run_scoped3A = tpu.sem_alloc : memref<!tpu.dma_semaphore, #tpu.memory_space<semaphore_mem>>
      %dma_start3A_929 = arith.constant 0 : i32
      %dma_start3A_930 = tpu.memref_slice %arg10[%add3A_290, %dma_start3A_929] : memref<16384x128xf32, #tpu.memory_space<hbm>> -> memref<32x128xf32, #tpu.memory_space<hbm>>
      %dma_start3A_931 = arith.constant 0 : i32
      %dma_start3A_932 = tpu.memref_slice %arg10[%add3A_290, %dma_start3A_931] : memref<16384x128xf32, #tpu.memory_space<hbm>> -> memref<32x128xf32, #tpu.memory_space<hbm>>
      tpu.enqueue_dma source(%arg16 : memref<32x128xf32, #tpu.memory_space<vmem>>) target(%dma_start3A_932 : memref<32x128xf32, #tpu.memory_space<hbm>>) target_semaphore(%run_scoped3A : memref<!tpu.dma_semaphore, #tpu.memory_space<semaphore_mem>>)
      %dma_wait3A_933 = arith.constant 0 : i32
      %dma_wait3A_934 = tpu.memref_slice %arg10[%add3A_290, %dma_wait3A_933] : memref<16384x128xf32, #tpu.memory_space<hbm>> -> memref<32x128xf32, #tpu.memory_space<hbm>>
      %dma_wait3A_935 = arith.constant 0 : i32
      %dma_wait3A_936 = tpu.memref_slice %arg10[%add3A_290, %dma_wait3A_935] : memref<16384x128xf32, #tpu.memory_space<hbm>> -> memref<32x128xf32, #tpu.memory_space<hbm>>
      tpu.wait_dma2 semaphore(%run_scoped3A : memref<!tpu.dma_semaphore, #tpu.memory_space<semaphore_mem>>) src(%arg16 : memref<32x128xf32, #tpu.memory_space<vmem>>) dst(%dma_wait3A_936 : memref<32x128xf32, #tpu.memory_space<hbm>>)
      tpu.yield
    }) : () -> ()
    "tpu.region"() ({
      %run_scoped3A = tpu.sem_alloc : memref<!tpu.dma_semaphore, #tpu.memory_space<semaphore_mem>>
      %dma_start3A_929 = arith.constant 0 : i32
      %dma_start3A_930 = tpu.memref_slice %arg11[%add3A_290, %dma_start3A_929] : memref<16384x128xf32, #tpu.memory_space<hbm>> -> memref<32x128xf32, #tpu.memory_space<hbm>>
      %dma_start3A_931 = arith.constant 0 : i32
      %dma_start3A_932 = tpu.memref_slice %arg11[%add3A_290, %dma_start3A_931] : memref<16384x128xf32, #tpu.memory_space<hbm>> -> memref<32x128xf32, #tpu.memory_space<hbm>>
      tpu.enqueue_dma source(%arg17 : memref<32x128xf32, #tpu.memory_space<vmem>>) target(%dma_start3A_932 : memref<32x128xf32, #tpu.memory_space<hbm>>) target_semaphore(%run_scoped3A : memref<!tpu.dma_semaphore, #tpu.memory_space<semaphore_mem>>)
      %dma_wait3A_933 = arith.constant 0 : i32
      %dma_wait3A_934 = tpu.memref_slice %arg11[%add3A_290, %dma_wait3A_933] : memref<16384x128xf32, #tpu.memory_space<hbm>> -> memref<32x128xf32, #tpu.memory_space<hbm>>
      %dma_wait3A_935 = arith.constant 0 : i32
      %dma_wait3A_936 = tpu.memref_slice %arg11[%add3A_290, %dma_wait3A_935] : memref<16384x128xf32, #tpu.memory_space<hbm>> -> memref<32x128xf32, #tpu.memory_space<hbm>>
      tpu.wait_dma2 semaphore(%run_scoped3A : memref<!tpu.dma_semaphore, #tpu.memory_space<semaphore_mem>>) src(%arg17 : memref<32x128xf32, #tpu.memory_space<vmem>>) dst(%dma_wait3A_936 : memref<32x128xf32, #tpu.memory_space<hbm>>)
      tpu.yield
    }) : () -> ()
    %dma_start3A_291 = arith.constant 5 : i32
    %dma_start3A_292 = arith.constant 0 : i32
    %dma_start3A_293 = tpu.memref_slice %arg12[%dma_start3A_291, %dma_start3A_292] : memref<16x32xi32, #tpu.memory_space<vmem>> -> memref<1x32xi32, #tpu.memory_space<vmem>>
    %dma_start3A_294 = tpu.memref_squeeze %dma_start3A_293 : memref<1x32xi32, #tpu.memory_space<vmem>> -> memref<32xi32, #tpu.memory_space<vmem>>
    %dma_start3A_295 = arith.constant 0 : i32
    %dma_start3A_296 = arith.constant 0 : i32
    %dma_start3A_297 = tpu.memref_slice %arg4[%dma_start3A_295, %dma_start3A_296] : memref<250880x128xf32, #tpu.memory_space<hbm>> -> memref<250880x128xf32, #tpu.memory_space<hbm>>
    tpu.enqueue_indirect_dma source(%dma_start3A_297 : memref<250880x128xf32, #tpu.memory_space<hbm>>) target(%arg14 : memref<32x128xf32, #tpu.memory_space<vmem>>) offsets(%dma_start3A_294 : memref<32xi32, #tpu.memory_space<vmem>>) semaphore(%arg18 : memref<!tpu.dma_semaphore, #tpu.memory_space<semaphore_mem>>)
    %dma_start3A_298 = arith.constant 5 : i32
    %dma_start3A_299 = arith.constant 0 : i32
    %dma_start3A_300 = tpu.memref_slice %arg13[%dma_start3A_298, %dma_start3A_299] : memref<16x32xi32, #tpu.memory_space<vmem>> -> memref<1x32xi32, #tpu.memory_space<vmem>>
    %dma_start3A_301 = tpu.memref_squeeze %dma_start3A_300 : memref<1x32xi32, #tpu.memory_space<vmem>> -> memref<32xi32, #tpu.memory_space<vmem>>
    %dma_start3A_302 = arith.constant 0 : i32
    %dma_start3A_303 = arith.constant 0 : i32
    %dma_start3A_304 = tpu.memref_slice %arg5[%dma_start3A_302, %dma_start3A_303] : memref<25600x128xf32, #tpu.memory_space<hbm>> -> memref<25600x128xf32, #tpu.memory_space<hbm>>
    tpu.enqueue_indirect_dma source(%dma_start3A_304 : memref<25600x128xf32, #tpu.memory_space<hbm>>) target(%arg15 : memref<32x128xf32, #tpu.memory_space<vmem>>) offsets(%dma_start3A_301 : memref<32xi32, #tpu.memory_space<vmem>>) semaphore(%arg18 : memref<!tpu.dma_semaphore, #tpu.memory_space<semaphore_mem>>)
    %dma_start3A_305 = arith.constant 5 : i32
    %dma_start3A_306 = arith.constant 0 : i32
    %dma_start3A_307 = tpu.memref_slice %arg12[%dma_start3A_305, %dma_start3A_306] : memref<16x32xi32, #tpu.memory_space<vmem>> -> memref<1x32xi32, #tpu.memory_space<vmem>>
    %dma_start3A_308 = tpu.memref_squeeze %dma_start3A_307 : memref<1x32xi32, #tpu.memory_space<vmem>> -> memref<32xi32, #tpu.memory_space<vmem>>
    %dma_start3A_309 = arith.constant 0 : i32
    %dma_start3A_310 = arith.constant 0 : i32
    %dma_start3A_311 = tpu.memref_slice %arg6[%dma_start3A_309, %dma_start3A_310] : memref<250880x128xf32, #tpu.memory_space<hbm>> -> memref<250880x128xf32, #tpu.memory_space<hbm>>
    tpu.enqueue_indirect_dma source(%dma_start3A_311 : memref<250880x128xf32, #tpu.memory_space<hbm>>) target(%arg16 : memref<32x128xf32, #tpu.memory_space<vmem>>) offsets(%dma_start3A_308 : memref<32xi32, #tpu.memory_space<vmem>>) semaphore(%arg18 : memref<!tpu.dma_semaphore, #tpu.memory_space<semaphore_mem>>)
    %dma_start3A_312 = arith.constant 5 : i32
    %dma_start3A_313 = arith.constant 0 : i32
    %dma_start3A_314 = tpu.memref_slice %arg13[%dma_start3A_312, %dma_start3A_313] : memref<16x32xi32, #tpu.memory_space<vmem>> -> memref<1x32xi32, #tpu.memory_space<vmem>>
    %dma_start3A_315 = tpu.memref_squeeze %dma_start3A_314 : memref<1x32xi32, #tpu.memory_space<vmem>> -> memref<32xi32, #tpu.memory_space<vmem>>
    %dma_start3A_316 = arith.constant 0 : i32
    %dma_start3A_317 = arith.constant 0 : i32
    %dma_start3A_318 = tpu.memref_slice %arg7[%dma_start3A_316, %dma_start3A_317] : memref<25600x128xf32, #tpu.memory_space<hbm>> -> memref<25600x128xf32, #tpu.memory_space<hbm>>
    tpu.enqueue_indirect_dma source(%dma_start3A_318 : memref<25600x128xf32, #tpu.memory_space<hbm>>) target(%arg17 : memref<32x128xf32, #tpu.memory_space<vmem>>) offsets(%dma_start3A_315 : memref<32xi32, #tpu.memory_space<vmem>>) semaphore(%arg18 : memref<!tpu.dma_semaphore, #tpu.memory_space<semaphore_mem>>)
    %dma_wait3A_319 = arith.constant 5 : i32
    %dma_wait3A_320 = arith.constant 0 : i32
    %dma_wait3A_321 = tpu.memref_slice %arg12[%dma_wait3A_319, %dma_wait3A_320] : memref<16x32xi32, #tpu.memory_space<vmem>> -> memref<1x32xi32, #tpu.memory_space<vmem>>
    %dma_wait3A_322 = tpu.memref_squeeze %dma_wait3A_321 : memref<1x32xi32, #tpu.memory_space<vmem>> -> memref<32xi32, #tpu.memory_space<vmem>>
    %dma_wait3A_323 = arith.constant 0 : i32
    %dma_wait3A_324 = arith.constant 0 : i32
    %dma_wait3A_325 = tpu.memref_slice %arg4[%dma_wait3A_323, %dma_wait3A_324] : memref<250880x128xf32, #tpu.memory_space<hbm>> -> memref<250880x128xf32, #tpu.memory_space<hbm>>
    tpu.wait_indirect_dma semaphore(%arg18 : memref<!tpu.dma_semaphore, #tpu.memory_space<semaphore_mem>>) src(%dma_wait3A_325 : memref<250880x128xf32, #tpu.memory_space<hbm>>) dst(%arg14 : memref<32x128xf32, #tpu.memory_space<vmem>>)
    %dma_wait3A_326 = arith.constant 5 : i32
    %dma_wait3A_327 = arith.constant 0 : i32
    %dma_wait3A_328 = tpu.memref_slice %arg13[%dma_wait3A_326, %dma_wait3A_327] : memref<16x32xi32, #tpu.memory_space<vmem>> -> memref<1x32xi32, #tpu.memory_space<vmem>>
    %dma_wait3A_329 = tpu.memref_squeeze %dma_wait3A_328 : memref<1x32xi32, #tpu.memory_space<vmem>> -> memref<32xi32, #tpu.memory_space<vmem>>
    %dma_wait3A_330 = arith.constant 0 : i32
    %dma_wait3A_331 = arith.constant 0 : i32
    %dma_wait3A_332 = tpu.memref_slice %arg5[%dma_wait3A_330, %dma_wait3A_331] : memref<25600x128xf32, #tpu.memory_space<hbm>> -> memref<25600x128xf32, #tpu.memory_space<hbm>>
    tpu.wait_indirect_dma semaphore(%arg18 : memref<!tpu.dma_semaphore, #tpu.memory_space<semaphore_mem>>) src(%dma_wait3A_332 : memref<25600x128xf32, #tpu.memory_space<hbm>>) dst(%arg15 : memref<32x128xf32, #tpu.memory_space<vmem>>)
    %dma_wait3A_333 = arith.constant 5 : i32
    %dma_wait3A_334 = arith.constant 0 : i32
    %dma_wait3A_335 = tpu.memref_slice %arg12[%dma_wait3A_333, %dma_wait3A_334] : memref<16x32xi32, #tpu.memory_space<vmem>> -> memref<1x32xi32, #tpu.memory_space<vmem>>
    %dma_wait3A_336 = tpu.memref_squeeze %dma_wait3A_335 : memref<1x32xi32, #tpu.memory_space<vmem>> -> memref<32xi32, #tpu.memory_space<vmem>>
    %dma_wait3A_337 = arith.constant 0 : i32
    %dma_wait3A_338 = arith.constant 0 : i32
    %dma_wait3A_339 = tpu.memref_slice %arg6[%dma_wait3A_337, %dma_wait3A_338] : memref<250880x128xf32, #tpu.memory_space<hbm>> -> memref<250880x128xf32, #tpu.memory_space<hbm>>
    tpu.wait_indirect_dma semaphore(%arg18 : memref<!tpu.dma_semaphore, #tpu.memory_space<semaphore_mem>>) src(%dma_wait3A_339 : memref<250880x128xf32, #tpu.memory_space<hbm>>) dst(%arg16 : memref<32x128xf32, #tpu.memory_space<vmem>>)
    %dma_wait3A_340 = arith.constant 5 : i32
    %dma_wait3A_341 = arith.constant 0 : i32
    %dma_wait3A_342 = tpu.memref_slice %arg13[%dma_wait3A_340, %dma_wait3A_341] : memref<16x32xi32, #tpu.memory_space<vmem>> -> memref<1x32xi32, #tpu.memory_space<vmem>>
    %dma_wait3A_343 = tpu.memref_squeeze %dma_wait3A_342 : memref<1x32xi32, #tpu.memory_space<vmem>> -> memref<32xi32, #tpu.memory_space<vmem>>
    %dma_wait3A_344 = arith.constant 0 : i32
    %dma_wait3A_345 = arith.constant 0 : i32
    %dma_wait3A_346 = tpu.memref_slice %arg7[%dma_wait3A_344, %dma_wait3A_345] : memref<25600x128xf32, #tpu.memory_space<hbm>> -> memref<25600x128xf32, #tpu.memory_space<hbm>>
    tpu.wait_indirect_dma semaphore(%arg18 : memref<!tpu.dma_semaphore, #tpu.memory_space<semaphore_mem>>) src(%dma_wait3A_346 : memref<25600x128xf32, #tpu.memory_space<hbm>>) dst(%arg17 : memref<32x128xf32, #tpu.memory_space<vmem>>)
    %add3A_347 = arith.constant 160 : i32
    %add3A_348 = arith.addi %mul3A_2, %add3A_347 : i32
    "tpu.region"() ({
      %run_scoped3A = tpu.sem_alloc : memref<!tpu.dma_semaphore, #tpu.memory_space<semaphore_mem>>
      %dma_start3A_929 = arith.constant 0 : i32
      %dma_start3A_930 = tpu.memref_slice %arg8[%add3A_348, %dma_start3A_929] : memref<16384x128xf32, #tpu.memory_space<hbm>> -> memref<32x128xf32, #tpu.memory_space<hbm>>
      %dma_start3A_931 = arith.constant 0 : i32
      %dma_start3A_932 = tpu.memref_slice %arg8[%add3A_348, %dma_start3A_931] : memref<16384x128xf32, #tpu.memory_space<hbm>> -> memref<32x128xf32, #tpu.memory_space<hbm>>
      tpu.enqueue_dma source(%arg14 : memref<32x128xf32, #tpu.memory_space<vmem>>) target(%dma_start3A_932 : memref<32x128xf32, #tpu.memory_space<hbm>>) target_semaphore(%run_scoped3A : memref<!tpu.dma_semaphore, #tpu.memory_space<semaphore_mem>>)
      %dma_wait3A_933 = arith.constant 0 : i32
      %dma_wait3A_934 = tpu.memref_slice %arg8[%add3A_348, %dma_wait3A_933] : memref<16384x128xf32, #tpu.memory_space<hbm>> -> memref<32x128xf32, #tpu.memory_space<hbm>>
      %dma_wait3A_935 = arith.constant 0 : i32
      %dma_wait3A_936 = tpu.memref_slice %arg8[%add3A_348, %dma_wait3A_935] : memref<16384x128xf32, #tpu.memory_space<hbm>> -> memref<32x128xf32, #tpu.memory_space<hbm>>
      tpu.wait_dma2 semaphore(%run_scoped3A : memref<!tpu.dma_semaphore, #tpu.memory_space<semaphore_mem>>) src(%arg14 : memref<32x128xf32, #tpu.memory_space<vmem>>) dst(%dma_wait3A_936 : memref<32x128xf32, #tpu.memory_space<hbm>>)
      tpu.yield
    }) : () -> ()
    "tpu.region"() ({
      %run_scoped3A = tpu.sem_alloc : memref<!tpu.dma_semaphore, #tpu.memory_space<semaphore_mem>>
      %dma_start3A_929 = arith.constant 0 : i32
      %dma_start3A_930 = tpu.memref_slice %arg9[%add3A_348, %dma_start3A_929] : memref<16384x128xf32, #tpu.memory_space<hbm>> -> memref<32x128xf32, #tpu.memory_space<hbm>>
      %dma_start3A_931 = arith.constant 0 : i32
      %dma_start3A_932 = tpu.memref_slice %arg9[%add3A_348, %dma_start3A_931] : memref<16384x128xf32, #tpu.memory_space<hbm>> -> memref<32x128xf32, #tpu.memory_space<hbm>>
      tpu.enqueue_dma source(%arg15 : memref<32x128xf32, #tpu.memory_space<vmem>>) target(%dma_start3A_932 : memref<32x128xf32, #tpu.memory_space<hbm>>) target_semaphore(%run_scoped3A : memref<!tpu.dma_semaphore, #tpu.memory_space<semaphore_mem>>)
      %dma_wait3A_933 = arith.constant 0 : i32
      %dma_wait3A_934 = tpu.memref_slice %arg9[%add3A_348, %dma_wait3A_933] : memref<16384x128xf32, #tpu.memory_space<hbm>> -> memref<32x128xf32, #tpu.memory_space<hbm>>
      %dma_wait3A_935 = arith.constant 0 : i32
      %dma_wait3A_936 = tpu.memref_slice %arg9[%add3A_348, %dma_wait3A_935] : memref<16384x128xf32, #tpu.memory_space<hbm>> -> memref<32x128xf32, #tpu.memory_space<hbm>>
      tpu.wait_dma2 semaphore(%run_scoped3A : memref<!tpu.dma_semaphore, #tpu.memory_space<semaphore_mem>>) src(%arg15 : memref<32x128xf32, #tpu.memory_space<vmem>>) dst(%dma_wait3A_936 : memref<32x128xf32, #tpu.memory_space<hbm>>)
      tpu.yield
    }) : () -> ()
    "tpu.region"() ({
      %run_scoped3A = tpu.sem_alloc : memref<!tpu.dma_semaphore, #tpu.memory_space<semaphore_mem>>
      %dma_start3A_929 = arith.constant 0 : i32
      %dma_start3A_930 = tpu.memref_slice %arg10[%add3A_348, %dma_start3A_929] : memref<16384x128xf32, #tpu.memory_space<hbm>> -> memref<32x128xf32, #tpu.memory_space<hbm>>
      %dma_start3A_931 = arith.constant 0 : i32
      %dma_start3A_932 = tpu.memref_slice %arg10[%add3A_348, %dma_start3A_931] : memref<16384x128xf32, #tpu.memory_space<hbm>> -> memref<32x128xf32, #tpu.memory_space<hbm>>
      tpu.enqueue_dma source(%arg16 : memref<32x128xf32, #tpu.memory_space<vmem>>) target(%dma_start3A_932 : memref<32x128xf32, #tpu.memory_space<hbm>>) target_semaphore(%run_scoped3A : memref<!tpu.dma_semaphore, #tpu.memory_space<semaphore_mem>>)
      %dma_wait3A_933 = arith.constant 0 : i32
      %dma_wait3A_934 = tpu.memref_slice %arg10[%add3A_348, %dma_wait3A_933] : memref<16384x128xf32, #tpu.memory_space<hbm>> -> memref<32x128xf32, #tpu.memory_space<hbm>>
      %dma_wait3A_935 = arith.constant 0 : i32
      %dma_wait3A_936 = tpu.memref_slice %arg10[%add3A_348, %dma_wait3A_935] : memref<16384x128xf32, #tpu.memory_space<hbm>> -> memref<32x128xf32, #tpu.memory_space<hbm>>
      tpu.wait_dma2 semaphore(%run_scoped3A : memref<!tpu.dma_semaphore, #tpu.memory_space<semaphore_mem>>) src(%arg16 : memref<32x128xf32, #tpu.memory_space<vmem>>) dst(%dma_wait3A_936 : memref<32x128xf32, #tpu.memory_space<hbm>>)
      tpu.yield
    }) : () -> ()
    "tpu.region"() ({
      %run_scoped3A = tpu.sem_alloc : memref<!tpu.dma_semaphore, #tpu.memory_space<semaphore_mem>>
      %dma_start3A_929 = arith.constant 0 : i32
      %dma_start3A_930 = tpu.memref_slice %arg11[%add3A_348, %dma_start3A_929] : memref<16384x128xf32, #tpu.memory_space<hbm>> -> memref<32x128xf32, #tpu.memory_space<hbm>>
      %dma_start3A_931 = arith.constant 0 : i32
      %dma_start3A_932 = tpu.memref_slice %arg11[%add3A_348, %dma_start3A_931] : memref<16384x128xf32, #tpu.memory_space<hbm>> -> memref<32x128xf32, #tpu.memory_space<hbm>>
      tpu.enqueue_dma source(%arg17 : memref<32x128xf32, #tpu.memory_space<vmem>>) target(%dma_start3A_932 : memref<32x128xf32, #tpu.memory_space<hbm>>) target_semaphore(%run_scoped3A : memref<!tpu.dma_semaphore, #tpu.memory_space<semaphore_mem>>)
      %dma_wait3A_933 = arith.constant 0 : i32
      %dma_wait3A_934 = tpu.memref_slice %arg11[%add3A_348, %dma_wait3A_933] : memref<16384x128xf32, #tpu.memory_space<hbm>> -> memref<32x128xf32, #tpu.memory_space<hbm>>
      %dma_wait3A_935 = arith.constant 0 : i32
      %dma_wait3A_936 = tpu.memref_slice %arg11[%add3A_348, %dma_wait3A_935] : memref<16384x128xf32, #tpu.memory_space<hbm>> -> memref<32x128xf32, #tpu.memory_space<hbm>>
      tpu.wait_dma2 semaphore(%run_scoped3A : memref<!tpu.dma_semaphore, #tpu.memory_space<semaphore_mem>>) src(%arg17 : memref<32x128xf32, #tpu.memory_space<vmem>>) dst(%dma_wait3A_936 : memref<32x128xf32, #tpu.memory_space<hbm>>)
      tpu.yield
    }) : () -> ()
    %dma_start3A_349 = arith.constant 6 : i32
    %dma_start3A_350 = arith.constant 0 : i32
    %dma_start3A_351 = tpu.memref_slice %arg12[%dma_start3A_349, %dma_start3A_350] : memref<16x32xi32, #tpu.memory_space<vmem>> -> memref<1x32xi32, #tpu.memory_space<vmem>>
    %dma_start3A_352 = tpu.memref_squeeze %dma_start3A_351 : memref<1x32xi32, #tpu.memory_space<vmem>> -> memref<32xi32, #tpu.memory_space<vmem>>
    %dma_start3A_353 = arith.constant 0 : i32
    %dma_start3A_354 = arith.constant 0 : i32
    %dma_start3A_355 = tpu.memref_slice %arg4[%dma_start3A_353, %dma_start3A_354] : memref<250880x128xf32, #tpu.memory_space<hbm>> -> memref<250880x128xf32, #tpu.memory_space<hbm>>
    tpu.enqueue_indirect_dma source(%dma_start3A_355 : memref<250880x128xf32, #tpu.memory_space<hbm>>) target(%arg14 : memref<32x128xf32, #tpu.memory_space<vmem>>) offsets(%dma_start3A_352 : memref<32xi32, #tpu.memory_space<vmem>>) semaphore(%arg18 : memref<!tpu.dma_semaphore, #tpu.memory_space<semaphore_mem>>)
    %dma_start3A_356 = arith.constant 6 : i32
    %dma_start3A_357 = arith.constant 0 : i32
    %dma_start3A_358 = tpu.memref_slice %arg13[%dma_start3A_356, %dma_start3A_357] : memref<16x32xi32, #tpu.memory_space<vmem>> -> memref<1x32xi32, #tpu.memory_space<vmem>>
    %dma_start3A_359 = tpu.memref_squeeze %dma_start3A_358 : memref<1x32xi32, #tpu.memory_space<vmem>> -> memref<32xi32, #tpu.memory_space<vmem>>
    %dma_start3A_360 = arith.constant 0 : i32
    %dma_start3A_361 = arith.constant 0 : i32
    %dma_start3A_362 = tpu.memref_slice %arg5[%dma_start3A_360, %dma_start3A_361] : memref<25600x128xf32, #tpu.memory_space<hbm>> -> memref<25600x128xf32, #tpu.memory_space<hbm>>
    tpu.enqueue_indirect_dma source(%dma_start3A_362 : memref<25600x128xf32, #tpu.memory_space<hbm>>) target(%arg15 : memref<32x128xf32, #tpu.memory_space<vmem>>) offsets(%dma_start3A_359 : memref<32xi32, #tpu.memory_space<vmem>>) semaphore(%arg18 : memref<!tpu.dma_semaphore, #tpu.memory_space<semaphore_mem>>)
    %dma_start3A_363 = arith.constant 6 : i32
    %dma_start3A_364 = arith.constant 0 : i32
    %dma_start3A_365 = tpu.memref_slice %arg12[%dma_start3A_363, %dma_start3A_364] : memref<16x32xi32, #tpu.memory_space<vmem>> -> memref<1x32xi32, #tpu.memory_space<vmem>>
    %dma_start3A_366 = tpu.memref_squeeze %dma_start3A_365 : memref<1x32xi32, #tpu.memory_space<vmem>> -> memref<32xi32, #tpu.memory_space<vmem>>
    %dma_start3A_367 = arith.constant 0 : i32
    %dma_start3A_368 = arith.constant 0 : i32
    %dma_start3A_369 = tpu.memref_slice %arg6[%dma_start3A_367, %dma_start3A_368] : memref<250880x128xf32, #tpu.memory_space<hbm>> -> memref<250880x128xf32, #tpu.memory_space<hbm>>
    tpu.enqueue_indirect_dma source(%dma_start3A_369 : memref<250880x128xf32, #tpu.memory_space<hbm>>) target(%arg16 : memref<32x128xf32, #tpu.memory_space<vmem>>) offsets(%dma_start3A_366 : memref<32xi32, #tpu.memory_space<vmem>>) semaphore(%arg18 : memref<!tpu.dma_semaphore, #tpu.memory_space<semaphore_mem>>)
    %dma_start3A_370 = arith.constant 6 : i32
    %dma_start3A_371 = arith.constant 0 : i32
    %dma_start3A_372 = tpu.memref_slice %arg13[%dma_start3A_370, %dma_start3A_371] : memref<16x32xi32, #tpu.memory_space<vmem>> -> memref<1x32xi32, #tpu.memory_space<vmem>>
    %dma_start3A_373 = tpu.memref_squeeze %dma_start3A_372 : memref<1x32xi32, #tpu.memory_space<vmem>> -> memref<32xi32, #tpu.memory_space<vmem>>
    %dma_start3A_374 = arith.constant 0 : i32
    %dma_start3A_375 = arith.constant 0 : i32
    %dma_start3A_376 = tpu.memref_slice %arg7[%dma_start3A_374, %dma_start3A_375] : memref<25600x128xf32, #tpu.memory_space<hbm>> -> memref<25600x128xf32, #tpu.memory_space<hbm>>
    tpu.enqueue_indirect_dma source(%dma_start3A_376 : memref<25600x128xf32, #tpu.memory_space<hbm>>) target(%arg17 : memref<32x128xf32, #tpu.memory_space<vmem>>) offsets(%dma_start3A_373 : memref<32xi32, #tpu.memory_space<vmem>>) semaphore(%arg18 : memref<!tpu.dma_semaphore, #tpu.memory_space<semaphore_mem>>)
    %dma_wait3A_377 = arith.constant 6 : i32
    %dma_wait3A_378 = arith.constant 0 : i32
    %dma_wait3A_379 = tpu.memref_slice %arg12[%dma_wait3A_377, %dma_wait3A_378] : memref<16x32xi32, #tpu.memory_space<vmem>> -> memref<1x32xi32, #tpu.memory_space<vmem>>
    %dma_wait3A_380 = tpu.memref_squeeze %dma_wait3A_379 : memref<1x32xi32, #tpu.memory_space<vmem>> -> memref<32xi32, #tpu.memory_space<vmem>>
    %dma_wait3A_381 = arith.constant 0 : i32
    %dma_wait3A_382 = arith.constant 0 : i32
    %dma_wait3A_383 = tpu.memref_slice %arg4[%dma_wait3A_381, %dma_wait3A_382] : memref<250880x128xf32, #tpu.memory_space<hbm>> -> memref<250880x128xf32, #tpu.memory_space<hbm>>
    tpu.wait_indirect_dma semaphore(%arg18 : memref<!tpu.dma_semaphore, #tpu.memory_space<semaphore_mem>>) src(%dma_wait3A_383 : memref<250880x128xf32, #tpu.memory_space<hbm>>) dst(%arg14 : memref<32x128xf32, #tpu.memory_space<vmem>>)
    %dma_wait3A_384 = arith.constant 6 : i32
    %dma_wait3A_385 = arith.constant 0 : i32
    %dma_wait3A_386 = tpu.memref_slice %arg13[%dma_wait3A_384, %dma_wait3A_385] : memref<16x32xi32, #tpu.memory_space<vmem>> -> memref<1x32xi32, #tpu.memory_space<vmem>>
    %dma_wait3A_387 = tpu.memref_squeeze %dma_wait3A_386 : memref<1x32xi32, #tpu.memory_space<vmem>> -> memref<32xi32, #tpu.memory_space<vmem>>
    %dma_wait3A_388 = arith.constant 0 : i32
    %dma_wait3A_389 = arith.constant 0 : i32
    %dma_wait3A_390 = tpu.memref_slice %arg5[%dma_wait3A_388, %dma_wait3A_389] : memref<25600x128xf32, #tpu.memory_space<hbm>> -> memref<25600x128xf32, #tpu.memory_space<hbm>>
    tpu.wait_indirect_dma semaphore(%arg18 : memref<!tpu.dma_semaphore, #tpu.memory_space<semaphore_mem>>) src(%dma_wait3A_390 : memref<25600x128xf32, #tpu.memory_space<hbm>>) dst(%arg15 : memref<32x128xf32, #tpu.memory_space<vmem>>)
    %dma_wait3A_391 = arith.constant 6 : i32
    %dma_wait3A_392 = arith.constant 0 : i32
    %dma_wait3A_393 = tpu.memref_slice %arg12[%dma_wait3A_391, %dma_wait3A_392] : memref<16x32xi32, #tpu.memory_space<vmem>> -> memref<1x32xi32, #tpu.memory_space<vmem>>
    %dma_wait3A_394 = tpu.memref_squeeze %dma_wait3A_393 : memref<1x32xi32, #tpu.memory_space<vmem>> -> memref<32xi32, #tpu.memory_space<vmem>>
    %dma_wait3A_395 = arith.constant 0 : i32
    %dma_wait3A_396 = arith.constant 0 : i32
    %dma_wait3A_397 = tpu.memref_slice %arg6[%dma_wait3A_395, %dma_wait3A_396] : memref<250880x128xf32, #tpu.memory_space<hbm>> -> memref<250880x128xf32, #tpu.memory_space<hbm>>
    tpu.wait_indirect_dma semaphore(%arg18 : memref<!tpu.dma_semaphore, #tpu.memory_space<semaphore_mem>>) src(%dma_wait3A_397 : memref<250880x128xf32, #tpu.memory_space<hbm>>) dst(%arg16 : memref<32x128xf32, #tpu.memory_space<vmem>>)
    %dma_wait3A_398 = arith.constant 6 : i32
    %dma_wait3A_399 = arith.constant 0 : i32
    %dma_wait3A_400 = tpu.memref_slice %arg13[%dma_wait3A_398, %dma_wait3A_399] : memref<16x32xi32, #tpu.memory_space<vmem>> -> memref<1x32xi32, #tpu.memory_space<vmem>>
    %dma_wait3A_401 = tpu.memref_squeeze %dma_wait3A_400 : memref<1x32xi32, #tpu.memory_space<vmem>> -> memref<32xi32, #tpu.memory_space<vmem>>
    %dma_wait3A_402 = arith.constant 0 : i32
    %dma_wait3A_403 = arith.constant 0 : i32
    %dma_wait3A_404 = tpu.memref_slice %arg7[%dma_wait3A_402, %dma_wait3A_403] : memref<25600x128xf32, #tpu.memory_space<hbm>> -> memref<25600x128xf32, #tpu.memory_space<hbm>>
    tpu.wait_indirect_dma semaphore(%arg18 : memref<!tpu.dma_semaphore, #tpu.memory_space<semaphore_mem>>) src(%dma_wait3A_404 : memref<25600x128xf32, #tpu.memory_space<hbm>>) dst(%arg17 : memref<32x128xf32, #tpu.memory_space<vmem>>)
    %add3A_405 = arith.constant 192 : i32
    %add3A_406 = arith.addi %mul3A_2, %add3A_405 : i32
    "tpu.region"() ({
      %run_scoped3A = tpu.sem_alloc : memref<!tpu.dma_semaphore, #tpu.memory_space<semaphore_mem>>
      %dma_start3A_929 = arith.constant 0 : i32
      %dma_start3A_930 = tpu.memref_slice %arg8[%add3A_406, %dma_start3A_929] : memref<16384x128xf32, #tpu.memory_space<hbm>> -> memref<32x128xf32, #tpu.memory_space<hbm>>
      %dma_start3A_931 = arith.constant 0 : i32
      %dma_start3A_932 = tpu.memref_slice %arg8[%add3A_406, %dma_start3A_931] : memref<16384x128xf32, #tpu.memory_space<hbm>> -> memref<32x128xf32, #tpu.memory_space<hbm>>
      tpu.enqueue_dma source(%arg14 : memref<32x128xf32, #tpu.memory_space<vmem>>) target(%dma_start3A_932 : memref<32x128xf32, #tpu.memory_space<hbm>>) target_semaphore(%run_scoped3A : memref<!tpu.dma_semaphore, #tpu.memory_space<semaphore_mem>>)
      %dma_wait3A_933 = arith.constant 0 : i32
      %dma_wait3A_934 = tpu.memref_slice %arg8[%add3A_406, %dma_wait3A_933] : memref<16384x128xf32, #tpu.memory_space<hbm>> -> memref<32x128xf32, #tpu.memory_space<hbm>>
      %dma_wait3A_935 = arith.constant 0 : i32
      %dma_wait3A_936 = tpu.memref_slice %arg8[%add3A_406, %dma_wait3A_935] : memref<16384x128xf32, #tpu.memory_space<hbm>> -> memref<32x128xf32, #tpu.memory_space<hbm>>
      tpu.wait_dma2 semaphore(%run_scoped3A : memref<!tpu.dma_semaphore, #tpu.memory_space<semaphore_mem>>) src(%arg14 : memref<32x128xf32, #tpu.memory_space<vmem>>) dst(%dma_wait3A_936 : memref<32x128xf32, #tpu.memory_space<hbm>>)
      tpu.yield
    }) : () -> ()
    "tpu.region"() ({
      %run_scoped3A = tpu.sem_alloc : memref<!tpu.dma_semaphore, #tpu.memory_space<semaphore_mem>>
      %dma_start3A_929 = arith.constant 0 : i32
      %dma_start3A_930 = tpu.memref_slice %arg9[%add3A_406, %dma_start3A_929] : memref<16384x128xf32, #tpu.memory_space<hbm>> -> memref<32x128xf32, #tpu.memory_space<hbm>>
      %dma_start3A_931 = arith.constant 0 : i32
      %dma_start3A_932 = tpu.memref_slice %arg9[%add3A_406, %dma_start3A_931] : memref<16384x128xf32, #tpu.memory_space<hbm>> -> memref<32x128xf32, #tpu.memory_space<hbm>>
      tpu.enqueue_dma source(%arg15 : memref<32x128xf32, #tpu.memory_space<vmem>>) target(%dma_start3A_932 : memref<32x128xf32, #tpu.memory_space<hbm>>) target_semaphore(%run_scoped3A : memref<!tpu.dma_semaphore, #tpu.memory_space<semaphore_mem>>)
      %dma_wait3A_933 = arith.constant 0 : i32
      %dma_wait3A_934 = tpu.memref_slice %arg9[%add3A_406, %dma_wait3A_933] : memref<16384x128xf32, #tpu.memory_space<hbm>> -> memref<32x128xf32, #tpu.memory_space<hbm>>
      %dma_wait3A_935 = arith.constant 0 : i32
      %dma_wait3A_936 = tpu.memref_slice %arg9[%add3A_406, %dma_wait3A_935] : memref<16384x128xf32, #tpu.memory_space<hbm>> -> memref<32x128xf32, #tpu.memory_space<hbm>>
      tpu.wait_dma2 semaphore(%run_scoped3A : memref<!tpu.dma_semaphore, #tpu.memory_space<semaphore_mem>>) src(%arg15 : memref<32x128xf32, #tpu.memory_space<vmem>>) dst(%dma_wait3A_936 : memref<32x128xf32, #tpu.memory_space<hbm>>)
      tpu.yield
    }) : () -> ()
    "tpu.region"() ({
      %run_scoped3A = tpu.sem_alloc : memref<!tpu.dma_semaphore, #tpu.memory_space<semaphore_mem>>
      %dma_start3A_929 = arith.constant 0 : i32
      %dma_start3A_930 = tpu.memref_slice %arg10[%add3A_406, %dma_start3A_929] : memref<16384x128xf32, #tpu.memory_space<hbm>> -> memref<32x128xf32, #tpu.memory_space<hbm>>
      %dma_start3A_931 = arith.constant 0 : i32
      %dma_start3A_932 = tpu.memref_slice %arg10[%add3A_406, %dma_start3A_931] : memref<16384x128xf32, #tpu.memory_space<hbm>> -> memref<32x128xf32, #tpu.memory_space<hbm>>
      tpu.enqueue_dma source(%arg16 : memref<32x128xf32, #tpu.memory_space<vmem>>) target(%dma_start3A_932 : memref<32x128xf32, #tpu.memory_space<hbm>>) target_semaphore(%run_scoped3A : memref<!tpu.dma_semaphore, #tpu.memory_space<semaphore_mem>>)
      %dma_wait3A_933 = arith.constant 0 : i32
      %dma_wait3A_934 = tpu.memref_slice %arg10[%add3A_406, %dma_wait3A_933] : memref<16384x128xf32, #tpu.memory_space<hbm>> -> memref<32x128xf32, #tpu.memory_space<hbm>>
      %dma_wait3A_935 = arith.constant 0 : i32
      %dma_wait3A_936 = tpu.memref_slice %arg10[%add3A_406, %dma_wait3A_935] : memref<16384x128xf32, #tpu.memory_space<hbm>> -> memref<32x128xf32, #tpu.memory_space<hbm>>
      tpu.wait_dma2 semaphore(%run_scoped3A : memref<!tpu.dma_semaphore, #tpu.memory_space<semaphore_mem>>) src(%arg16 : memref<32x128xf32, #tpu.memory_space<vmem>>) dst(%dma_wait3A_936 : memref<32x128xf32, #tpu.memory_space<hbm>>)
      tpu.yield
    }) : () -> ()
    "tpu.region"() ({
      %run_scoped3A = tpu.sem_alloc : memref<!tpu.dma_semaphore, #tpu.memory_space<semaphore_mem>>
      %dma_start3A_929 = arith.constant 0 : i32
      %dma_start3A_930 = tpu.memref_slice %arg11[%add3A_406, %dma_start3A_929] : memref<16384x128xf32, #tpu.memory_space<hbm>> -> memref<32x128xf32, #tpu.memory_space<hbm>>
      %dma_start3A_931 = arith.constant 0 : i32
      %dma_start3A_932 = tpu.memref_slice %arg11[%add3A_406, %dma_start3A_931] : memref<16384x128xf32, #tpu.memory_space<hbm>> -> memref<32x128xf32, #tpu.memory_space<hbm>>
      tpu.enqueue_dma source(%arg17 : memref<32x128xf32, #tpu.memory_space<vmem>>) target(%dma_start3A_932 : memref<32x128xf32, #tpu.memory_space<hbm>>) target_semaphore(%run_scoped3A : memref<!tpu.dma_semaphore, #tpu.memory_space<semaphore_mem>>)
      %dma_wait3A_933 = arith.constant 0 : i32
      %dma_wait3A_934 = tpu.memref_slice %arg11[%add3A_406, %dma_wait3A_933] : memref<16384x128xf32, #tpu.memory_space<hbm>> -> memref<32x128xf32, #tpu.memory_space<hbm>>
      %dma_wait3A_935 = arith.constant 0 : i32
      %dma_wait3A_936 = tpu.memref_slice %arg11[%add3A_406, %dma_wait3A_935] : memref<16384x128xf32, #tpu.memory_space<hbm>> -> memref<32x128xf32, #tpu.memory_space<hbm>>
      tpu.wait_dma2 semaphore(%run_scoped3A : memref<!tpu.dma_semaphore, #tpu.memory_space<semaphore_mem>>) src(%arg17 : memref<32x128xf32, #tpu.memory_space<vmem>>) dst(%dma_wait3A_936 : memref<32x128xf32, #tpu.memory_space<hbm>>)
      tpu.yield
    }) : () -> ()
    %dma_start3A_407 = arith.constant 7 : i32
    %dma_start3A_408 = arith.constant 0 : i32
    %dma_start3A_409 = tpu.memref_slice %arg12[%dma_start3A_407, %dma_start3A_408] : memref<16x32xi32, #tpu.memory_space<vmem>> -> memref<1x32xi32, #tpu.memory_space<vmem>>
    %dma_start3A_410 = tpu.memref_squeeze %dma_start3A_409 : memref<1x32xi32, #tpu.memory_space<vmem>> -> memref<32xi32, #tpu.memory_space<vmem>>
    %dma_start3A_411 = arith.constant 0 : i32
    %dma_start3A_412 = arith.constant 0 : i32
    %dma_start3A_413 = tpu.memref_slice %arg4[%dma_start3A_411, %dma_start3A_412] : memref<250880x128xf32, #tpu.memory_space<hbm>> -> memref<250880x128xf32, #tpu.memory_space<hbm>>
    tpu.enqueue_indirect_dma source(%dma_start3A_413 : memref<250880x128xf32, #tpu.memory_space<hbm>>) target(%arg14 : memref<32x128xf32, #tpu.memory_space<vmem>>) offsets(%dma_start3A_410 : memref<32xi32, #tpu.memory_space<vmem>>) semaphore(%arg18 : memref<!tpu.dma_semaphore, #tpu.memory_space<semaphore_mem>>)
    %dma_start3A_414 = arith.constant 7 : i32
    %dma_start3A_415 = arith.constant 0 : i32
    %dma_start3A_416 = tpu.memref_slice %arg13[%dma_start3A_414, %dma_start3A_415] : memref<16x32xi32, #tpu.memory_space<vmem>> -> memref<1x32xi32, #tpu.memory_space<vmem>>
    %dma_start3A_417 = tpu.memref_squeeze %dma_start3A_416 : memref<1x32xi32, #tpu.memory_space<vmem>> -> memref<32xi32, #tpu.memory_space<vmem>>
    %dma_start3A_418 = arith.constant 0 : i32
    %dma_start3A_419 = arith.constant 0 : i32
    %dma_start3A_420 = tpu.memref_slice %arg5[%dma_start3A_418, %dma_start3A_419] : memref<25600x128xf32, #tpu.memory_space<hbm>> -> memref<25600x128xf32, #tpu.memory_space<hbm>>
    tpu.enqueue_indirect_dma source(%dma_start3A_420 : memref<25600x128xf32, #tpu.memory_space<hbm>>) target(%arg15 : memref<32x128xf32, #tpu.memory_space<vmem>>) offsets(%dma_start3A_417 : memref<32xi32, #tpu.memory_space<vmem>>) semaphore(%arg18 : memref<!tpu.dma_semaphore, #tpu.memory_space<semaphore_mem>>)
    %dma_start3A_421 = arith.constant 7 : i32
    %dma_start3A_422 = arith.constant 0 : i32
    %dma_start3A_423 = tpu.memref_slice %arg12[%dma_start3A_421, %dma_start3A_422] : memref<16x32xi32, #tpu.memory_space<vmem>> -> memref<1x32xi32, #tpu.memory_space<vmem>>
    %dma_start3A_424 = tpu.memref_squeeze %dma_start3A_423 : memref<1x32xi32, #tpu.memory_space<vmem>> -> memref<32xi32, #tpu.memory_space<vmem>>
    %dma_start3A_425 = arith.constant 0 : i32
    %dma_start3A_426 = arith.constant 0 : i32
    %dma_start3A_427 = tpu.memref_slice %arg6[%dma_start3A_425, %dma_start3A_426] : memref<250880x128xf32, #tpu.memory_space<hbm>> -> memref<250880x128xf32, #tpu.memory_space<hbm>>
    tpu.enqueue_indirect_dma source(%dma_start3A_427 : memref<250880x128xf32, #tpu.memory_space<hbm>>) target(%arg16 : memref<32x128xf32, #tpu.memory_space<vmem>>) offsets(%dma_start3A_424 : memref<32xi32, #tpu.memory_space<vmem>>) semaphore(%arg18 : memref<!tpu.dma_semaphore, #tpu.memory_space<semaphore_mem>>)
    %dma_start3A_428 = arith.constant 7 : i32
    %dma_start3A_429 = arith.constant 0 : i32
    %dma_start3A_430 = tpu.memref_slice %arg13[%dma_start3A_428, %dma_start3A_429] : memref<16x32xi32, #tpu.memory_space<vmem>> -> memref<1x32xi32, #tpu.memory_space<vmem>>
    %dma_start3A_431 = tpu.memref_squeeze %dma_start3A_430 : memref<1x32xi32, #tpu.memory_space<vmem>> -> memref<32xi32, #tpu.memory_space<vmem>>
    %dma_start3A_432 = arith.constant 0 : i32
    %dma_start3A_433 = arith.constant 0 : i32
    %dma_start3A_434 = tpu.memref_slice %arg7[%dma_start3A_432, %dma_start3A_433] : memref<25600x128xf32, #tpu.memory_space<hbm>> -> memref<25600x128xf32, #tpu.memory_space<hbm>>
    tpu.enqueue_indirect_dma source(%dma_start3A_434 : memref<25600x128xf32, #tpu.memory_space<hbm>>) target(%arg17 : memref<32x128xf32, #tpu.memory_space<vmem>>) offsets(%dma_start3A_431 : memref<32xi32, #tpu.memory_space<vmem>>) semaphore(%arg18 : memref<!tpu.dma_semaphore, #tpu.memory_space<semaphore_mem>>)
    %dma_wait3A_435 = arith.constant 7 : i32
    %dma_wait3A_436 = arith.constant 0 : i32
    %dma_wait3A_437 = tpu.memref_slice %arg12[%dma_wait3A_435, %dma_wait3A_436] : memref<16x32xi32, #tpu.memory_space<vmem>> -> memref<1x32xi32, #tpu.memory_space<vmem>>
    %dma_wait3A_438 = tpu.memref_squeeze %dma_wait3A_437 : memref<1x32xi32, #tpu.memory_space<vmem>> -> memref<32xi32, #tpu.memory_space<vmem>>
    %dma_wait3A_439 = arith.constant 0 : i32
    %dma_wait3A_440 = arith.constant 0 : i32
    %dma_wait3A_441 = tpu.memref_slice %arg4[%dma_wait3A_439, %dma_wait3A_440] : memref<250880x128xf32, #tpu.memory_space<hbm>> -> memref<250880x128xf32, #tpu.memory_space<hbm>>
    tpu.wait_indirect_dma semaphore(%arg18 : memref<!tpu.dma_semaphore, #tpu.memory_space<semaphore_mem>>) src(%dma_wait3A_441 : memref<250880x128xf32, #tpu.memory_space<hbm>>) dst(%arg14 : memref<32x128xf32, #tpu.memory_space<vmem>>)
    %dma_wait3A_442 = arith.constant 7 : i32
    %dma_wait3A_443 = arith.constant 0 : i32
    %dma_wait3A_444 = tpu.memref_slice %arg13[%dma_wait3A_442, %dma_wait3A_443] : memref<16x32xi32, #tpu.memory_space<vmem>> -> memref<1x32xi32, #tpu.memory_space<vmem>>
    %dma_wait3A_445 = tpu.memref_squeeze %dma_wait3A_444 : memref<1x32xi32, #tpu.memory_space<vmem>> -> memref<32xi32, #tpu.memory_space<vmem>>
    %dma_wait3A_446 = arith.constant 0 : i32
    %dma_wait3A_447 = arith.constant 0 : i32
    %dma_wait3A_448 = tpu.memref_slice %arg5[%dma_wait3A_446, %dma_wait3A_447] : memref<25600x128xf32, #tpu.memory_space<hbm>> -> memref<25600x128xf32, #tpu.memory_space<hbm>>
    tpu.wait_indirect_dma semaphore(%arg18 : memref<!tpu.dma_semaphore, #tpu.memory_space<semaphore_mem>>) src(%dma_wait3A_448 : memref<25600x128xf32, #tpu.memory_space<hbm>>) dst(%arg15 : memref<32x128xf32, #tpu.memory_space<vmem>>)
    %dma_wait3A_449 = arith.constant 7 : i32
    %dma_wait3A_450 = arith.constant 0 : i32
    %dma_wait3A_451 = tpu.memref_slice %arg12[%dma_wait3A_449, %dma_wait3A_450] : memref<16x32xi32, #tpu.memory_space<vmem>> -> memref<1x32xi32, #tpu.memory_space<vmem>>
    %dma_wait3A_452 = tpu.memref_squeeze %dma_wait3A_451 : memref<1x32xi32, #tpu.memory_space<vmem>> -> memref<32xi32, #tpu.memory_space<vmem>>
    %dma_wait3A_453 = arith.constant 0 : i32
    %dma_wait3A_454 = arith.constant 0 : i32
    %dma_wait3A_455 = tpu.memref_slice %arg6[%dma_wait3A_453, %dma_wait3A_454] : memref<250880x128xf32, #tpu.memory_space<hbm>> -> memref<250880x128xf32, #tpu.memory_space<hbm>>
    tpu.wait_indirect_dma semaphore(%arg18 : memref<!tpu.dma_semaphore, #tpu.memory_space<semaphore_mem>>) src(%dma_wait3A_455 : memref<250880x128xf32, #tpu.memory_space<hbm>>) dst(%arg16 : memref<32x128xf32, #tpu.memory_space<vmem>>)
    %dma_wait3A_456 = arith.constant 7 : i32
    %dma_wait3A_457 = arith.constant 0 : i32
    %dma_wait3A_458 = tpu.memref_slice %arg13[%dma_wait3A_456, %dma_wait3A_457] : memref<16x32xi32, #tpu.memory_space<vmem>> -> memref<1x32xi32, #tpu.memory_space<vmem>>
    %dma_wait3A_459 = tpu.memref_squeeze %dma_wait3A_458 : memref<1x32xi32, #tpu.memory_space<vmem>> -> memref<32xi32, #tpu.memory_space<vmem>>
    %dma_wait3A_460 = arith.constant 0 : i32
    %dma_wait3A_461 = arith.constant 0 : i32
    %dma_wait3A_462 = tpu.memref_slice %arg7[%dma_wait3A_460, %dma_wait3A_461] : memref<25600x128xf32, #tpu.memory_space<hbm>> -> memref<25600x128xf32, #tpu.memory_space<hbm>>
    tpu.wait_indirect_dma semaphore(%arg18 : memref<!tpu.dma_semaphore, #tpu.memory_space<semaphore_mem>>) src(%dma_wait3A_462 : memref<25600x128xf32, #tpu.memory_space<hbm>>) dst(%arg17 : memref<32x128xf32, #tpu.memory_space<vmem>>)
    %add3A_463 = arith.constant 224 : i32
    %add3A_464 = arith.addi %mul3A_2, %add3A_463 : i32
    "tpu.region"() ({
      %run_scoped3A = tpu.sem_alloc : memref<!tpu.dma_semaphore, #tpu.memory_space<semaphore_mem>>
      %dma_start3A_929 = arith.constant 0 : i32
      %dma_start3A_930 = tpu.memref_slice %arg8[%add3A_464, %dma_start3A_929] : memref<16384x128xf32, #tpu.memory_space<hbm>> -> memref<32x128xf32, #tpu.memory_space<hbm>>
      %dma_start3A_931 = arith.constant 0 : i32
      %dma_start3A_932 = tpu.memref_slice %arg8[%add3A_464, %dma_start3A_931] : memref<16384x128xf32, #tpu.memory_space<hbm>> -> memref<32x128xf32, #tpu.memory_space<hbm>>
      tpu.enqueue_dma source(%arg14 : memref<32x128xf32, #tpu.memory_space<vmem>>) target(%dma_start3A_932 : memref<32x128xf32, #tpu.memory_space<hbm>>) target_semaphore(%run_scoped3A : memref<!tpu.dma_semaphore, #tpu.memory_space<semaphore_mem>>)
      %dma_wait3A_933 = arith.constant 0 : i32
      %dma_wait3A_934 = tpu.memref_slice %arg8[%add3A_464, %dma_wait3A_933] : memref<16384x128xf32, #tpu.memory_space<hbm>> -> memref<32x128xf32, #tpu.memory_space<hbm>>
      %dma_wait3A_935 = arith.constant 0 : i32
      %dma_wait3A_936 = tpu.memref_slice %arg8[%add3A_464, %dma_wait3A_935] : memref<16384x128xf32, #tpu.memory_space<hbm>> -> memref<32x128xf32, #tpu.memory_space<hbm>>
      tpu.wait_dma2 semaphore(%run_scoped3A : memref<!tpu.dma_semaphore, #tpu.memory_space<semaphore_mem>>) src(%arg14 : memref<32x128xf32, #tpu.memory_space<vmem>>) dst(%dma_wait3A_936 : memref<32x128xf32, #tpu.memory_space<hbm>>)
      tpu.yield
    }) : () -> ()
    "tpu.region"() ({
      %run_scoped3A = tpu.sem_alloc : memref<!tpu.dma_semaphore, #tpu.memory_space<semaphore_mem>>
      %dma_start3A_929 = arith.constant 0 : i32
      %dma_start3A_930 = tpu.memref_slice %arg9[%add3A_464, %dma_start3A_929] : memref<16384x128xf32, #tpu.memory_space<hbm>> -> memref<32x128xf32, #tpu.memory_space<hbm>>
      %dma_start3A_931 = arith.constant 0 : i32
      %dma_start3A_932 = tpu.memref_slice %arg9[%add3A_464, %dma_start3A_931] : memref<16384x128xf32, #tpu.memory_space<hbm>> -> memref<32x128xf32, #tpu.memory_space<hbm>>
      tpu.enqueue_dma source(%arg15 : memref<32x128xf32, #tpu.memory_space<vmem>>) target(%dma_start3A_932 : memref<32x128xf32, #tpu.memory_space<hbm>>) target_semaphore(%run_scoped3A : memref<!tpu.dma_semaphore, #tpu.memory_space<semaphore_mem>>)
      %dma_wait3A_933 = arith.constant 0 : i32
      %dma_wait3A_934 = tpu.memref_slice %arg9[%add3A_464, %dma_wait3A_933] : memref<16384x128xf32, #tpu.memory_space<hbm>> -> memref<32x128xf32, #tpu.memory_space<hbm>>
      %dma_wait3A_935 = arith.constant 0 : i32
      %dma_wait3A_936 = tpu.memref_slice %arg9[%add3A_464, %dma_wait3A_935] : memref<16384x128xf32, #tpu.memory_space<hbm>> -> memref<32x128xf32, #tpu.memory_space<hbm>>
      tpu.wait_dma2 semaphore(%run_scoped3A : memref<!tpu.dma_semaphore, #tpu.memory_space<semaphore_mem>>) src(%arg15 : memref<32x128xf32, #tpu.memory_space<vmem>>) dst(%dma_wait3A_936 : memref<32x128xf32, #tpu.memory_space<hbm>>)
      tpu.yield
    }) : () -> ()
    "tpu.region"() ({
      %run_scoped3A = tpu.sem_alloc : memref<!tpu.dma_semaphore, #tpu.memory_space<semaphore_mem>>
      %dma_start3A_929 = arith.constant 0 : i32
      %dma_start3A_930 = tpu.memref_slice %arg10[%add3A_464, %dma_start3A_929] : memref<16384x128xf32, #tpu.memory_space<hbm>> -> memref<32x128xf32, #tpu.memory_space<hbm>>
      %dma_start3A_931 = arith.constant 0 : i32
      %dma_start3A_932 = tpu.memref_slice %arg10[%add3A_464, %dma_start3A_931] : memref<16384x128xf32, #tpu.memory_space<hbm>> -> memref<32x128xf32, #tpu.memory_space<hbm>>
      tpu.enqueue_dma source(%arg16 : memref<32x128xf32, #tpu.memory_space<vmem>>) target(%dma_start3A_932 : memref<32x128xf32, #tpu.memory_space<hbm>>) target_semaphore(%run_scoped3A : memref<!tpu.dma_semaphore, #tpu.memory_space<semaphore_mem>>)
      %dma_wait3A_933 = arith.constant 0 : i32
      %dma_wait3A_934 = tpu.memref_slice %arg10[%add3A_464, %dma_wait3A_933] : memref<16384x128xf32, #tpu.memory_space<hbm>> -> memref<32x128xf32, #tpu.memory_space<hbm>>
      %dma_wait3A_935 = arith.constant 0 : i32
      %dma_wait3A_936 = tpu.memref_slice %arg10[%add3A_464, %dma_wait3A_935] : memref<16384x128xf32, #tpu.memory_space<hbm>> -> memref<32x128xf32, #tpu.memory_space<hbm>>
      tpu.wait_dma2 semaphore(%run_scoped3A : memref<!tpu.dma_semaphore, #tpu.memory_space<semaphore_mem>>) src(%arg16 : memref<32x128xf32, #tpu.memory_space<vmem>>) dst(%dma_wait3A_936 : memref<32x128xf32, #tpu.memory_space<hbm>>)
      tpu.yield
    }) : () -> ()
    "tpu.region"() ({
      %run_scoped3A = tpu.sem_alloc : memref<!tpu.dma_semaphore, #tpu.memory_space<semaphore_mem>>
      %dma_start3A_929 = arith.constant 0 : i32
      %dma_start3A_930 = tpu.memref_slice %arg11[%add3A_464, %dma_start3A_929] : memref<16384x128xf32, #tpu.memory_space<hbm>> -> memref<32x128xf32, #tpu.memory_space<hbm>>
      %dma_start3A_931 = arith.constant 0 : i32
      %dma_start3A_932 = tpu.memref_slice %arg11[%add3A_464, %dma_start3A_931] : memref<16384x128xf32, #tpu.memory_space<hbm>> -> memref<32x128xf32, #tpu.memory_space<hbm>>
      tpu.enqueue_dma source(%arg17 : memref<32x128xf32, #tpu.memory_space<vmem>>) target(%dma_start3A_932 : memref<32x128xf32, #tpu.memory_space<hbm>>) target_semaphore(%run_scoped3A : memref<!tpu.dma_semaphore, #tpu.memory_space<semaphore_mem>>)
      %dma_wait3A_933 = arith.constant 0 : i32
      %dma_wait3A_934 = tpu.memref_slice %arg11[%add3A_464, %dma_wait3A_933] : memref<16384x128xf32, #tpu.memory_space<hbm>> -> memref<32x128xf32, #tpu.memory_space<hbm>>
      %dma_wait3A_935 = arith.constant 0 : i32
      %dma_wait3A_936 = tpu.memref_slice %arg11[%add3A_464, %dma_wait3A_935] : memref<16384x128xf32, #tpu.memory_space<hbm>> -> memref<32x128xf32, #tpu.memory_space<hbm>>
      tpu.wait_dma2 semaphore(%run_scoped3A : memref<!tpu.dma_semaphore, #tpu.memory_space<semaphore_mem>>) src(%arg17 : memref<32x128xf32, #tpu.memory_space<vmem>>) dst(%dma_wait3A_936 : memref<32x128xf32, #tpu.memory_space<hbm>>)
      tpu.yield
    }) : () -> ()
    %dma_start3A_465 = arith.constant 8 : i32
    %dma_start3A_466 = arith.constant 0 : i32
    %dma_start3A_467 = tpu.memref_slice %arg12[%dma_start3A_465, %dma_start3A_466] : memref<16x32xi32, #tpu.memory_space<vmem>> -> memref<1x32xi32, #tpu.memory_space<vmem>>
    %dma_start3A_468 = tpu.memref_squeeze %dma_start3A_467 : memref<1x32xi32, #tpu.memory_space<vmem>> -> memref<32xi32, #tpu.memory_space<vmem>>
    %dma_start3A_469 = arith.constant 0 : i32
    %dma_start3A_470 = arith.constant 0 : i32
    %dma_start3A_471 = tpu.memref_slice %arg4[%dma_start3A_469, %dma_start3A_470] : memref<250880x128xf32, #tpu.memory_space<hbm>> -> memref<250880x128xf32, #tpu.memory_space<hbm>>
    tpu.enqueue_indirect_dma source(%dma_start3A_471 : memref<250880x128xf32, #tpu.memory_space<hbm>>) target(%arg14 : memref<32x128xf32, #tpu.memory_space<vmem>>) offsets(%dma_start3A_468 : memref<32xi32, #tpu.memory_space<vmem>>) semaphore(%arg18 : memref<!tpu.dma_semaphore, #tpu.memory_space<semaphore_mem>>)
    %dma_start3A_472 = arith.constant 8 : i32
    %dma_start3A_473 = arith.constant 0 : i32
    %dma_start3A_474 = tpu.memref_slice %arg13[%dma_start3A_472, %dma_start3A_473] : memref<16x32xi32, #tpu.memory_space<vmem>> -> memref<1x32xi32, #tpu.memory_space<vmem>>
    %dma_start3A_475 = tpu.memref_squeeze %dma_start3A_474 : memref<1x32xi32, #tpu.memory_space<vmem>> -> memref<32xi32, #tpu.memory_space<vmem>>
    %dma_start3A_476 = arith.constant 0 : i32
    %dma_start3A_477 = arith.constant 0 : i32
    %dma_start3A_478 = tpu.memref_slice %arg5[%dma_start3A_476, %dma_start3A_477] : memref<25600x128xf32, #tpu.memory_space<hbm>> -> memref<25600x128xf32, #tpu.memory_space<hbm>>
    tpu.enqueue_indirect_dma source(%dma_start3A_478 : memref<25600x128xf32, #tpu.memory_space<hbm>>) target(%arg15 : memref<32x128xf32, #tpu.memory_space<vmem>>) offsets(%dma_start3A_475 : memref<32xi32, #tpu.memory_space<vmem>>) semaphore(%arg18 : memref<!tpu.dma_semaphore, #tpu.memory_space<semaphore_mem>>)
    %dma_start3A_479 = arith.constant 8 : i32
    %dma_start3A_480 = arith.constant 0 : i32
    %dma_start3A_481 = tpu.memref_slice %arg12[%dma_start3A_479, %dma_start3A_480] : memref<16x32xi32, #tpu.memory_space<vmem>> -> memref<1x32xi32, #tpu.memory_space<vmem>>
    %dma_start3A_482 = tpu.memref_squeeze %dma_start3A_481 : memref<1x32xi32, #tpu.memory_space<vmem>> -> memref<32xi32, #tpu.memory_space<vmem>>
    %dma_start3A_483 = arith.constant 0 : i32
    %dma_start3A_484 = arith.constant 0 : i32
    %dma_start3A_485 = tpu.memref_slice %arg6[%dma_start3A_483, %dma_start3A_484] : memref<250880x128xf32, #tpu.memory_space<hbm>> -> memref<250880x128xf32, #tpu.memory_space<hbm>>
    tpu.enqueue_indirect_dma source(%dma_start3A_485 : memref<250880x128xf32, #tpu.memory_space<hbm>>) target(%arg16 : memref<32x128xf32, #tpu.memory_space<vmem>>) offsets(%dma_start3A_482 : memref<32xi32, #tpu.memory_space<vmem>>) semaphore(%arg18 : memref<!tpu.dma_semaphore, #tpu.memory_space<semaphore_mem>>)
    %dma_start3A_486 = arith.constant 8 : i32
    %dma_start3A_487 = arith.constant 0 : i32
    %dma_start3A_488 = tpu.memref_slice %arg13[%dma_start3A_486, %dma_start3A_487] : memref<16x32xi32, #tpu.memory_space<vmem>> -> memref<1x32xi32, #tpu.memory_space<vmem>>
    %dma_start3A_489 = tpu.memref_squeeze %dma_start3A_488 : memref<1x32xi32, #tpu.memory_space<vmem>> -> memref<32xi32, #tpu.memory_space<vmem>>
    %dma_start3A_490 = arith.constant 0 : i32
    %dma_start3A_491 = arith.constant 0 : i32
    %dma_start3A_492 = tpu.memref_slice %arg7[%dma_start3A_490, %dma_start3A_491] : memref<25600x128xf32, #tpu.memory_space<hbm>> -> memref<25600x128xf32, #tpu.memory_space<hbm>>
    tpu.enqueue_indirect_dma source(%dma_start3A_492 : memref<25600x128xf32, #tpu.memory_space<hbm>>) target(%arg17 : memref<32x128xf32, #tpu.memory_space<vmem>>) offsets(%dma_start3A_489 : memref<32xi32, #tpu.memory_space<vmem>>) semaphore(%arg18 : memref<!tpu.dma_semaphore, #tpu.memory_space<semaphore_mem>>)
    %dma_wait3A_493 = arith.constant 8 : i32
    %dma_wait3A_494 = arith.constant 0 : i32
    %dma_wait3A_495 = tpu.memref_slice %arg12[%dma_wait3A_493, %dma_wait3A_494] : memref<16x32xi32, #tpu.memory_space<vmem>> -> memref<1x32xi32, #tpu.memory_space<vmem>>
    %dma_wait3A_496 = tpu.memref_squeeze %dma_wait3A_495 : memref<1x32xi32, #tpu.memory_space<vmem>> -> memref<32xi32, #tpu.memory_space<vmem>>
    %dma_wait3A_497 = arith.constant 0 : i32
    %dma_wait3A_498 = arith.constant 0 : i32
    %dma_wait3A_499 = tpu.memref_slice %arg4[%dma_wait3A_497, %dma_wait3A_498] : memref<250880x128xf32, #tpu.memory_space<hbm>> -> memref<250880x128xf32, #tpu.memory_space<hbm>>
    tpu.wait_indirect_dma semaphore(%arg18 : memref<!tpu.dma_semaphore, #tpu.memory_space<semaphore_mem>>) src(%dma_wait3A_499 : memref<250880x128xf32, #tpu.memory_space<hbm>>) dst(%arg14 : memref<32x128xf32, #tpu.memory_space<vmem>>)
    %dma_wait3A_500 = arith.constant 8 : i32
    %dma_wait3A_501 = arith.constant 0 : i32
    %dma_wait3A_502 = tpu.memref_slice %arg13[%dma_wait3A_500, %dma_wait3A_501] : memref<16x32xi32, #tpu.memory_space<vmem>> -> memref<1x32xi32, #tpu.memory_space<vmem>>
    %dma_wait3A_503 = tpu.memref_squeeze %dma_wait3A_502 : memref<1x32xi32, #tpu.memory_space<vmem>> -> memref<32xi32, #tpu.memory_space<vmem>>
    %dma_wait3A_504 = arith.constant 0 : i32
    %dma_wait3A_505 = arith.constant 0 : i32
    %dma_wait3A_506 = tpu.memref_slice %arg5[%dma_wait3A_504, %dma_wait3A_505] : memref<25600x128xf32, #tpu.memory_space<hbm>> -> memref<25600x128xf32, #tpu.memory_space<hbm>>
    tpu.wait_indirect_dma semaphore(%arg18 : memref<!tpu.dma_semaphore, #tpu.memory_space<semaphore_mem>>) src(%dma_wait3A_506 : memref<25600x128xf32, #tpu.memory_space<hbm>>) dst(%arg15 : memref<32x128xf32, #tpu.memory_space<vmem>>)
    %dma_wait3A_507 = arith.constant 8 : i32
    %dma_wait3A_508 = arith.constant 0 : i32
    %dma_wait3A_509 = tpu.memref_slice %arg12[%dma_wait3A_507, %dma_wait3A_508] : memref<16x32xi32, #tpu.memory_space<vmem>> -> memref<1x32xi32, #tpu.memory_space<vmem>>
    %dma_wait3A_510 = tpu.memref_squeeze %dma_wait3A_509 : memref<1x32xi32, #tpu.memory_space<vmem>> -> memref<32xi32, #tpu.memory_space<vmem>>
    %dma_wait3A_511 = arith.constant 0 : i32
    %dma_wait3A_512 = arith.constant 0 : i32
    %dma_wait3A_513 = tpu.memref_slice %arg6[%dma_wait3A_511, %dma_wait3A_512] : memref<250880x128xf32, #tpu.memory_space<hbm>> -> memref<250880x128xf32, #tpu.memory_space<hbm>>
    tpu.wait_indirect_dma semaphore(%arg18 : memref<!tpu.dma_semaphore, #tpu.memory_space<semaphore_mem>>) src(%dma_wait3A_513 : memref<250880x128xf32, #tpu.memory_space<hbm>>) dst(%arg16 : memref<32x128xf32, #tpu.memory_space<vmem>>)
    %dma_wait3A_514 = arith.constant 8 : i32
    %dma_wait3A_515 = arith.constant 0 : i32
    %dma_wait3A_516 = tpu.memref_slice %arg13[%dma_wait3A_514, %dma_wait3A_515] : memref<16x32xi32, #tpu.memory_space<vmem>> -> memref<1x32xi32, #tpu.memory_space<vmem>>
    %dma_wait3A_517 = tpu.memref_squeeze %dma_wait3A_516 : memref<1x32xi32, #tpu.memory_space<vmem>> -> memref<32xi32, #tpu.memory_space<vmem>>
    %dma_wait3A_518 = arith.constant 0 : i32
    %dma_wait3A_519 = arith.constant 0 : i32
    %dma_wait3A_520 = tpu.memref_slice %arg7[%dma_wait3A_518, %dma_wait3A_519] : memref<25600x128xf32, #tpu.memory_space<hbm>> -> memref<25600x128xf32, #tpu.memory_space<hbm>>
    tpu.wait_indirect_dma semaphore(%arg18 : memref<!tpu.dma_semaphore, #tpu.memory_space<semaphore_mem>>) src(%dma_wait3A_520 : memref<25600x128xf32, #tpu.memory_space<hbm>>) dst(%arg17 : memref<32x128xf32, #tpu.memory_space<vmem>>)
    %add3A_521 = arith.constant 256 : i32
    %add3A_522 = arith.addi %mul3A_2, %add3A_521 : i32
    "tpu.region"() ({
      %run_scoped3A = tpu.sem_alloc : memref<!tpu.dma_semaphore, #tpu.memory_space<semaphore_mem>>
      %dma_start3A_929 = arith.constant 0 : i32
      %dma_start3A_930 = tpu.memref_slice %arg8[%add3A_522, %dma_start3A_929] : memref<16384x128xf32, #tpu.memory_space<hbm>> -> memref<32x128xf32, #tpu.memory_space<hbm>>
      %dma_start3A_931 = arith.constant 0 : i32
      %dma_start3A_932 = tpu.memref_slice %arg8[%add3A_522, %dma_start3A_931] : memref<16384x128xf32, #tpu.memory_space<hbm>> -> memref<32x128xf32, #tpu.memory_space<hbm>>
      tpu.enqueue_dma source(%arg14 : memref<32x128xf32, #tpu.memory_space<vmem>>) target(%dma_start3A_932 : memref<32x128xf32, #tpu.memory_space<hbm>>) target_semaphore(%run_scoped3A : memref<!tpu.dma_semaphore, #tpu.memory_space<semaphore_mem>>)
      %dma_wait3A_933 = arith.constant 0 : i32
      %dma_wait3A_934 = tpu.memref_slice %arg8[%add3A_522, %dma_wait3A_933] : memref<16384x128xf32, #tpu.memory_space<hbm>> -> memref<32x128xf32, #tpu.memory_space<hbm>>
      %dma_wait3A_935 = arith.constant 0 : i32
      %dma_wait3A_936 = tpu.memref_slice %arg8[%add3A_522, %dma_wait3A_935] : memref<16384x128xf32, #tpu.memory_space<hbm>> -> memref<32x128xf32, #tpu.memory_space<hbm>>
      tpu.wait_dma2 semaphore(%run_scoped3A : memref<!tpu.dma_semaphore, #tpu.memory_space<semaphore_mem>>) src(%arg14 : memref<32x128xf32, #tpu.memory_space<vmem>>) dst(%dma_wait3A_936 : memref<32x128xf32, #tpu.memory_space<hbm>>)
      tpu.yield
    }) : () -> ()
    "tpu.region"() ({
      %run_scoped3A = tpu.sem_alloc : memref<!tpu.dma_semaphore, #tpu.memory_space<semaphore_mem>>
      %dma_start3A_929 = arith.constant 0 : i32
      %dma_start3A_930 = tpu.memref_slice %arg9[%add3A_522, %dma_start3A_929] : memref<16384x128xf32, #tpu.memory_space<hbm>> -> memref<32x128xf32, #tpu.memory_space<hbm>>
      %dma_start3A_931 = arith.constant 0 : i32
      %dma_start3A_932 = tpu.memref_slice %arg9[%add3A_522, %dma_start3A_931] : memref<16384x128xf32, #tpu.memory_space<hbm>> -> memref<32x128xf32, #tpu.memory_space<hbm>>
      tpu.enqueue_dma source(%arg15 : memref<32x128xf32, #tpu.memory_space<vmem>>) target(%dma_start3A_932 : memref<32x128xf32, #tpu.memory_space<hbm>>) target_semaphore(%run_scoped3A : memref<!tpu.dma_semaphore, #tpu.memory_space<semaphore_mem>>)
      %dma_wait3A_933 = arith.constant 0 : i32
      %dma_wait3A_934 = tpu.memref_slice %arg9[%add3A_522, %dma_wait3A_933] : memref<16384x128xf32, #tpu.memory_space<hbm>> -> memref<32x128xf32, #tpu.memory_space<hbm>>
      %dma_wait3A_935 = arith.constant 0 : i32
      %dma_wait3A_936 = tpu.memref_slice %arg9[%add3A_522, %dma_wait3A_935] : memref<16384x128xf32, #tpu.memory_space<hbm>> -> memref<32x128xf32, #tpu.memory_space<hbm>>
      tpu.wait_dma2 semaphore(%run_scoped3A : memref<!tpu.dma_semaphore, #tpu.memory_space<semaphore_mem>>) src(%arg15 : memref<32x128xf32, #tpu.memory_space<vmem>>) dst(%dma_wait3A_936 : memref<32x128xf32, #tpu.memory_space<hbm>>)
      tpu.yield
    }) : () -> ()
    "tpu.region"() ({
      %run_scoped3A = tpu.sem_alloc : memref<!tpu.dma_semaphore, #tpu.memory_space<semaphore_mem>>
      %dma_start3A_929 = arith.constant 0 : i32
      %dma_start3A_930 = tpu.memref_slice %arg10[%add3A_522, %dma_start3A_929] : memref<16384x128xf32, #tpu.memory_space<hbm>> -> memref<32x128xf32, #tpu.memory_space<hbm>>
      %dma_start3A_931 = arith.constant 0 : i32
      %dma_start3A_932 = tpu.memref_slice %arg10[%add3A_522, %dma_start3A_931] : memref<16384x128xf32, #tpu.memory_space<hbm>> -> memref<32x128xf32, #tpu.memory_space<hbm>>
      tpu.enqueue_dma source(%arg16 : memref<32x128xf32, #tpu.memory_space<vmem>>) target(%dma_start3A_932 : memref<32x128xf32, #tpu.memory_space<hbm>>) target_semaphore(%run_scoped3A : memref<!tpu.dma_semaphore, #tpu.memory_space<semaphore_mem>>)
      %dma_wait3A_933 = arith.constant 0 : i32
      %dma_wait3A_934 = tpu.memref_slice %arg10[%add3A_522, %dma_wait3A_933] : memref<16384x128xf32, #tpu.memory_space<hbm>> -> memref<32x128xf32, #tpu.memory_space<hbm>>
      %dma_wait3A_935 = arith.constant 0 : i32
      %dma_wait3A_936 = tpu.memref_slice %arg10[%add3A_522, %dma_wait3A_935] : memref<16384x128xf32, #tpu.memory_space<hbm>> -> memref<32x128xf32, #tpu.memory_space<hbm>>
      tpu.wait_dma2 semaphore(%run_scoped3A : memref<!tpu.dma_semaphore, #tpu.memory_space<semaphore_mem>>) src(%arg16 : memref<32x128xf32, #tpu.memory_space<vmem>>) dst(%dma_wait3A_936 : memref<32x128xf32, #tpu.memory_space<hbm>>)
      tpu.yield
    }) : () -> ()
    "tpu.region"() ({
      %run_scoped3A = tpu.sem_alloc : memref<!tpu.dma_semaphore, #tpu.memory_space<semaphore_mem>>
      %dma_start3A_929 = arith.constant 0 : i32
      %dma_start3A_930 = tpu.memref_slice %arg11[%add3A_522, %dma_start3A_929] : memref<16384x128xf32, #tpu.memory_space<hbm>> -> memref<32x128xf32, #tpu.memory_space<hbm>>
      %dma_start3A_931 = arith.constant 0 : i32
      %dma_start3A_932 = tpu.memref_slice %arg11[%add3A_522, %dma_start3A_931] : memref<16384x128xf32, #tpu.memory_space<hbm>> -> memref<32x128xf32, #tpu.memory_space<hbm>>
      tpu.enqueue_dma source(%arg17 : memref<32x128xf32, #tpu.memory_space<vmem>>) target(%dma_start3A_932 : memref<32x128xf32, #tpu.memory_space<hbm>>) target_semaphore(%run_scoped3A : memref<!tpu.dma_semaphore, #tpu.memory_space<semaphore_mem>>)
      %dma_wait3A_933 = arith.constant 0 : i32
      %dma_wait3A_934 = tpu.memref_slice %arg11[%add3A_522, %dma_wait3A_933] : memref<16384x128xf32, #tpu.memory_space<hbm>> -> memref<32x128xf32, #tpu.memory_space<hbm>>
      %dma_wait3A_935 = arith.constant 0 : i32
      %dma_wait3A_936 = tpu.memref_slice %arg11[%add3A_522, %dma_wait3A_935] : memref<16384x128xf32, #tpu.memory_space<hbm>> -> memref<32x128xf32, #tpu.memory_space<hbm>>
      tpu.wait_dma2 semaphore(%run_scoped3A : memref<!tpu.dma_semaphore, #tpu.memory_space<semaphore_mem>>) src(%arg17 : memref<32x128xf32, #tpu.memory_space<vmem>>) dst(%dma_wait3A_936 : memref<32x128xf32, #tpu.memory_space<hbm>>)
      tpu.yield
    }) : () -> ()
    %dma_start3A_523 = arith.constant 9 : i32
    %dma_start3A_524 = arith.constant 0 : i32
    %dma_start3A_525 = tpu.memref_slice %arg12[%dma_start3A_523, %dma_start3A_524] : memref<16x32xi32, #tpu.memory_space<vmem>> -> memref<1x32xi32, #tpu.memory_space<vmem>>
    %dma_start3A_526 = tpu.memref_squeeze %dma_start3A_525 : memref<1x32xi32, #tpu.memory_space<vmem>> -> memref<32xi32, #tpu.memory_space<vmem>>
    %dma_start3A_527 = arith.constant 0 : i32
    %dma_start3A_528 = arith.constant 0 : i32
    %dma_start3A_529 = tpu.memref_slice %arg4[%dma_start3A_527, %dma_start3A_528] : memref<250880x128xf32, #tpu.memory_space<hbm>> -> memref<250880x128xf32, #tpu.memory_space<hbm>>
    tpu.enqueue_indirect_dma source(%dma_start3A_529 : memref<250880x128xf32, #tpu.memory_space<hbm>>) target(%arg14 : memref<32x128xf32, #tpu.memory_space<vmem>>) offsets(%dma_start3A_526 : memref<32xi32, #tpu.memory_space<vmem>>) semaphore(%arg18 : memref<!tpu.dma_semaphore, #tpu.memory_space<semaphore_mem>>)
    %dma_start3A_530 = arith.constant 9 : i32
    %dma_start3A_531 = arith.constant 0 : i32
    %dma_start3A_532 = tpu.memref_slice %arg13[%dma_start3A_530, %dma_start3A_531] : memref<16x32xi32, #tpu.memory_space<vmem>> -> memref<1x32xi32, #tpu.memory_space<vmem>>
    %dma_start3A_533 = tpu.memref_squeeze %dma_start3A_532 : memref<1x32xi32, #tpu.memory_space<vmem>> -> memref<32xi32, #tpu.memory_space<vmem>>
    %dma_start3A_534 = arith.constant 0 : i32
    %dma_start3A_535 = arith.constant 0 : i32
    %dma_start3A_536 = tpu.memref_slice %arg5[%dma_start3A_534, %dma_start3A_535] : memref<25600x128xf32, #tpu.memory_space<hbm>> -> memref<25600x128xf32, #tpu.memory_space<hbm>>
    tpu.enqueue_indirect_dma source(%dma_start3A_536 : memref<25600x128xf32, #tpu.memory_space<hbm>>) target(%arg15 : memref<32x128xf32, #tpu.memory_space<vmem>>) offsets(%dma_start3A_533 : memref<32xi32, #tpu.memory_space<vmem>>) semaphore(%arg18 : memref<!tpu.dma_semaphore, #tpu.memory_space<semaphore_mem>>)
    %dma_start3A_537 = arith.constant 9 : i32
    %dma_start3A_538 = arith.constant 0 : i32
    %dma_start3A_539 = tpu.memref_slice %arg12[%dma_start3A_537, %dma_start3A_538] : memref<16x32xi32, #tpu.memory_space<vmem>> -> memref<1x32xi32, #tpu.memory_space<vmem>>
    %dma_start3A_540 = tpu.memref_squeeze %dma_start3A_539 : memref<1x32xi32, #tpu.memory_space<vmem>> -> memref<32xi32, #tpu.memory_space<vmem>>
    %dma_start3A_541 = arith.constant 0 : i32
    %dma_start3A_542 = arith.constant 0 : i32
    %dma_start3A_543 = tpu.memref_slice %arg6[%dma_start3A_541, %dma_start3A_542] : memref<250880x128xf32, #tpu.memory_space<hbm>> -> memref<250880x128xf32, #tpu.memory_space<hbm>>
    tpu.enqueue_indirect_dma source(%dma_start3A_543 : memref<250880x128xf32, #tpu.memory_space<hbm>>) target(%arg16 : memref<32x128xf32, #tpu.memory_space<vmem>>) offsets(%dma_start3A_540 : memref<32xi32, #tpu.memory_space<vmem>>) semaphore(%arg18 : memref<!tpu.dma_semaphore, #tpu.memory_space<semaphore_mem>>)
    %dma_start3A_544 = arith.constant 9 : i32
    %dma_start3A_545 = arith.constant 0 : i32
    %dma_start3A_546 = tpu.memref_slice %arg13[%dma_start3A_544, %dma_start3A_545] : memref<16x32xi32, #tpu.memory_space<vmem>> -> memref<1x32xi32, #tpu.memory_space<vmem>>
    %dma_start3A_547 = tpu.memref_squeeze %dma_start3A_546 : memref<1x32xi32, #tpu.memory_space<vmem>> -> memref<32xi32, #tpu.memory_space<vmem>>
    %dma_start3A_548 = arith.constant 0 : i32
    %dma_start3A_549 = arith.constant 0 : i32
    %dma_start3A_550 = tpu.memref_slice %arg7[%dma_start3A_548, %dma_start3A_549] : memref<25600x128xf32, #tpu.memory_space<hbm>> -> memref<25600x128xf32, #tpu.memory_space<hbm>>
    tpu.enqueue_indirect_dma source(%dma_start3A_550 : memref<25600x128xf32, #tpu.memory_space<hbm>>) target(%arg17 : memref<32x128xf32, #tpu.memory_space<vmem>>) offsets(%dma_start3A_547 : memref<32xi32, #tpu.memory_space<vmem>>) semaphore(%arg18 : memref<!tpu.dma_semaphore, #tpu.memory_space<semaphore_mem>>)
    %dma_wait3A_551 = arith.constant 9 : i32
    %dma_wait3A_552 = arith.constant 0 : i32
    %dma_wait3A_553 = tpu.memref_slice %arg12[%dma_wait3A_551, %dma_wait3A_552] : memref<16x32xi32, #tpu.memory_space<vmem>> -> memref<1x32xi32, #tpu.memory_space<vmem>>
    %dma_wait3A_554 = tpu.memref_squeeze %dma_wait3A_553 : memref<1x32xi32, #tpu.memory_space<vmem>> -> memref<32xi32, #tpu.memory_space<vmem>>
    %dma_wait3A_555 = arith.constant 0 : i32
    %dma_wait3A_556 = arith.constant 0 : i32
    %dma_wait3A_557 = tpu.memref_slice %arg4[%dma_wait3A_555, %dma_wait3A_556] : memref<250880x128xf32, #tpu.memory_space<hbm>> -> memref<250880x128xf32, #tpu.memory_space<hbm>>
    tpu.wait_indirect_dma semaphore(%arg18 : memref<!tpu.dma_semaphore, #tpu.memory_space<semaphore_mem>>) src(%dma_wait3A_557 : memref<250880x128xf32, #tpu.memory_space<hbm>>) dst(%arg14 : memref<32x128xf32, #tpu.memory_space<vmem>>)
    %dma_wait3A_558 = arith.constant 9 : i32
    %dma_wait3A_559 = arith.constant 0 : i32
    %dma_wait3A_560 = tpu.memref_slice %arg13[%dma_wait3A_558, %dma_wait3A_559] : memref<16x32xi32, #tpu.memory_space<vmem>> -> memref<1x32xi32, #tpu.memory_space<vmem>>
    %dma_wait3A_561 = tpu.memref_squeeze %dma_wait3A_560 : memref<1x32xi32, #tpu.memory_space<vmem>> -> memref<32xi32, #tpu.memory_space<vmem>>
    %dma_wait3A_562 = arith.constant 0 : i32
    %dma_wait3A_563 = arith.constant 0 : i32
    %dma_wait3A_564 = tpu.memref_slice %arg5[%dma_wait3A_562, %dma_wait3A_563] : memref<25600x128xf32, #tpu.memory_space<hbm>> -> memref<25600x128xf32, #tpu.memory_space<hbm>>
    tpu.wait_indirect_dma semaphore(%arg18 : memref<!tpu.dma_semaphore, #tpu.memory_space<semaphore_mem>>) src(%dma_wait3A_564 : memref<25600x128xf32, #tpu.memory_space<hbm>>) dst(%arg15 : memref<32x128xf32, #tpu.memory_space<vmem>>)
    %dma_wait3A_565 = arith.constant 9 : i32
    %dma_wait3A_566 = arith.constant 0 : i32
    %dma_wait3A_567 = tpu.memref_slice %arg12[%dma_wait3A_565, %dma_wait3A_566] : memref<16x32xi32, #tpu.memory_space<vmem>> -> memref<1x32xi32, #tpu.memory_space<vmem>>
    %dma_wait3A_568 = tpu.memref_squeeze %dma_wait3A_567 : memref<1x32xi32, #tpu.memory_space<vmem>> -> memref<32xi32, #tpu.memory_space<vmem>>
    %dma_wait3A_569 = arith.constant 0 : i32
    %dma_wait3A_570 = arith.constant 0 : i32
    %dma_wait3A_571 = tpu.memref_slice %arg6[%dma_wait3A_569, %dma_wait3A_570] : memref<250880x128xf32, #tpu.memory_space<hbm>> -> memref<250880x128xf32, #tpu.memory_space<hbm>>
    tpu.wait_indirect_dma semaphore(%arg18 : memref<!tpu.dma_semaphore, #tpu.memory_space<semaphore_mem>>) src(%dma_wait3A_571 : memref<250880x128xf32, #tpu.memory_space<hbm>>) dst(%arg16 : memref<32x128xf32, #tpu.memory_space<vmem>>)
    %dma_wait3A_572 = arith.constant 9 : i32
    %dma_wait3A_573 = arith.constant 0 : i32
    %dma_wait3A_574 = tpu.memref_slice %arg13[%dma_wait3A_572, %dma_wait3A_573] : memref<16x32xi32, #tpu.memory_space<vmem>> -> memref<1x32xi32, #tpu.memory_space<vmem>>
    %dma_wait3A_575 = tpu.memref_squeeze %dma_wait3A_574 : memref<1x32xi32, #tpu.memory_space<vmem>> -> memref<32xi32, #tpu.memory_space<vmem>>
    %dma_wait3A_576 = arith.constant 0 : i32
    %dma_wait3A_577 = arith.constant 0 : i32
    %dma_wait3A_578 = tpu.memref_slice %arg7[%dma_wait3A_576, %dma_wait3A_577] : memref<25600x128xf32, #tpu.memory_space<hbm>> -> memref<25600x128xf32, #tpu.memory_space<hbm>>
    tpu.wait_indirect_dma semaphore(%arg18 : memref<!tpu.dma_semaphore, #tpu.memory_space<semaphore_mem>>) src(%dma_wait3A_578 : memref<25600x128xf32, #tpu.memory_space<hbm>>) dst(%arg17 : memref<32x128xf32, #tpu.memory_space<vmem>>)
    %add3A_579 = arith.constant 288 : i32
    %add3A_580 = arith.addi %mul3A_2, %add3A_579 : i32
    "tpu.region"() ({
      %run_scoped3A = tpu.sem_alloc : memref<!tpu.dma_semaphore, #tpu.memory_space<semaphore_mem>>
      %dma_start3A_929 = arith.constant 0 : i32
      %dma_start3A_930 = tpu.memref_slice %arg8[%add3A_580, %dma_start3A_929] : memref<16384x128xf32, #tpu.memory_space<hbm>> -> memref<32x128xf32, #tpu.memory_space<hbm>>
      %dma_start3A_931 = arith.constant 0 : i32
      %dma_start3A_932 = tpu.memref_slice %arg8[%add3A_580, %dma_start3A_931] : memref<16384x128xf32, #tpu.memory_space<hbm>> -> memref<32x128xf32, #tpu.memory_space<hbm>>
      tpu.enqueue_dma source(%arg14 : memref<32x128xf32, #tpu.memory_space<vmem>>) target(%dma_start3A_932 : memref<32x128xf32, #tpu.memory_space<hbm>>) target_semaphore(%run_scoped3A : memref<!tpu.dma_semaphore, #tpu.memory_space<semaphore_mem>>)
      %dma_wait3A_933 = arith.constant 0 : i32
      %dma_wait3A_934 = tpu.memref_slice %arg8[%add3A_580, %dma_wait3A_933] : memref<16384x128xf32, #tpu.memory_space<hbm>> -> memref<32x128xf32, #tpu.memory_space<hbm>>
      %dma_wait3A_935 = arith.constant 0 : i32
      %dma_wait3A_936 = tpu.memref_slice %arg8[%add3A_580, %dma_wait3A_935] : memref<16384x128xf32, #tpu.memory_space<hbm>> -> memref<32x128xf32, #tpu.memory_space<hbm>>
      tpu.wait_dma2 semaphore(%run_scoped3A : memref<!tpu.dma_semaphore, #tpu.memory_space<semaphore_mem>>) src(%arg14 : memref<32x128xf32, #tpu.memory_space<vmem>>) dst(%dma_wait3A_936 : memref<32x128xf32, #tpu.memory_space<hbm>>)
      tpu.yield
    }) : () -> ()
    "tpu.region"() ({
      %run_scoped3A = tpu.sem_alloc : memref<!tpu.dma_semaphore, #tpu.memory_space<semaphore_mem>>
      %dma_start3A_929 = arith.constant 0 : i32
      %dma_start3A_930 = tpu.memref_slice %arg9[%add3A_580, %dma_start3A_929] : memref<16384x128xf32, #tpu.memory_space<hbm>> -> memref<32x128xf32, #tpu.memory_space<hbm>>
      %dma_start3A_931 = arith.constant 0 : i32
      %dma_start3A_932 = tpu.memref_slice %arg9[%add3A_580, %dma_start3A_931] : memref<16384x128xf32, #tpu.memory_space<hbm>> -> memref<32x128xf32, #tpu.memory_space<hbm>>
      tpu.enqueue_dma source(%arg15 : memref<32x128xf32, #tpu.memory_space<vmem>>) target(%dma_start3A_932 : memref<32x128xf32, #tpu.memory_space<hbm>>) target_semaphore(%run_scoped3A : memref<!tpu.dma_semaphore, #tpu.memory_space<semaphore_mem>>)
      %dma_wait3A_933 = arith.constant 0 : i32
      %dma_wait3A_934 = tpu.memref_slice %arg9[%add3A_580, %dma_wait3A_933] : memref<16384x128xf32, #tpu.memory_space<hbm>> -> memref<32x128xf32, #tpu.memory_space<hbm>>
      %dma_wait3A_935 = arith.constant 0 : i32
      %dma_wait3A_936 = tpu.memref_slice %arg9[%add3A_580, %dma_wait3A_935] : memref<16384x128xf32, #tpu.memory_space<hbm>> -> memref<32x128xf32, #tpu.memory_space<hbm>>
      tpu.wait_dma2 semaphore(%run_scoped3A : memref<!tpu.dma_semaphore, #tpu.memory_space<semaphore_mem>>) src(%arg15 : memref<32x128xf32, #tpu.memory_space<vmem>>) dst(%dma_wait3A_936 : memref<32x128xf32, #tpu.memory_space<hbm>>)
      tpu.yield
    }) : () -> ()
    "tpu.region"() ({
      %run_scoped3A = tpu.sem_alloc : memref<!tpu.dma_semaphore, #tpu.memory_space<semaphore_mem>>
      %dma_start3A_929 = arith.constant 0 : i32
      %dma_start3A_930 = tpu.memref_slice %arg10[%add3A_580, %dma_start3A_929] : memref<16384x128xf32, #tpu.memory_space<hbm>> -> memref<32x128xf32, #tpu.memory_space<hbm>>
      %dma_start3A_931 = arith.constant 0 : i32
      %dma_start3A_932 = tpu.memref_slice %arg10[%add3A_580, %dma_start3A_931] : memref<16384x128xf32, #tpu.memory_space<hbm>> -> memref<32x128xf32, #tpu.memory_space<hbm>>
      tpu.enqueue_dma source(%arg16 : memref<32x128xf32, #tpu.memory_space<vmem>>) target(%dma_start3A_932 : memref<32x128xf32, #tpu.memory_space<hbm>>) target_semaphore(%run_scoped3A : memref<!tpu.dma_semaphore, #tpu.memory_space<semaphore_mem>>)
      %dma_wait3A_933 = arith.constant 0 : i32
      %dma_wait3A_934 = tpu.memref_slice %arg10[%add3A_580, %dma_wait3A_933] : memref<16384x128xf32, #tpu.memory_space<hbm>> -> memref<32x128xf32, #tpu.memory_space<hbm>>
      %dma_wait3A_935 = arith.constant 0 : i32
      %dma_wait3A_936 = tpu.memref_slice %arg10[%add3A_580, %dma_wait3A_935] : memref<16384x128xf32, #tpu.memory_space<hbm>> -> memref<32x128xf32, #tpu.memory_space<hbm>>
      tpu.wait_dma2 semaphore(%run_scoped3A : memref<!tpu.dma_semaphore, #tpu.memory_space<semaphore_mem>>) src(%arg16 : memref<32x128xf32, #tpu.memory_space<vmem>>) dst(%dma_wait3A_936 : memref<32x128xf32, #tpu.memory_space<hbm>>)
      tpu.yield
    }) : () -> ()
    "tpu.region"() ({
      %run_scoped3A = tpu.sem_alloc : memref<!tpu.dma_semaphore, #tpu.memory_space<semaphore_mem>>
      %dma_start3A_929 = arith.constant 0 : i32
      %dma_start3A_930 = tpu.memref_slice %arg11[%add3A_580, %dma_start3A_929] : memref<16384x128xf32, #tpu.memory_space<hbm>> -> memref<32x128xf32, #tpu.memory_space<hbm>>
      %dma_start3A_931 = arith.constant 0 : i32
      %dma_start3A_932 = tpu.memref_slice %arg11[%add3A_580, %dma_start3A_931] : memref<16384x128xf32, #tpu.memory_space<hbm>> -> memref<32x128xf32, #tpu.memory_space<hbm>>
      tpu.enqueue_dma source(%arg17 : memref<32x128xf32, #tpu.memory_space<vmem>>) target(%dma_start3A_932 : memref<32x128xf32, #tpu.memory_space<hbm>>) target_semaphore(%run_scoped3A : memref<!tpu.dma_semaphore, #tpu.memory_space<semaphore_mem>>)
      %dma_wait3A_933 = arith.constant 0 : i32
      %dma_wait3A_934 = tpu.memref_slice %arg11[%add3A_580, %dma_wait3A_933] : memref<16384x128xf32, #tpu.memory_space<hbm>> -> memref<32x128xf32, #tpu.memory_space<hbm>>
      %dma_wait3A_935 = arith.constant 0 : i32
      %dma_wait3A_936 = tpu.memref_slice %arg11[%add3A_580, %dma_wait3A_935] : memref<16384x128xf32, #tpu.memory_space<hbm>> -> memref<32x128xf32, #tpu.memory_space<hbm>>
      tpu.wait_dma2 semaphore(%run_scoped3A : memref<!tpu.dma_semaphore, #tpu.memory_space<semaphore_mem>>) src(%arg17 : memref<32x128xf32, #tpu.memory_space<vmem>>) dst(%dma_wait3A_936 : memref<32x128xf32, #tpu.memory_space<hbm>>)
      tpu.yield
    }) : () -> ()
    %dma_start3A_581 = arith.constant 10 : i32
    %dma_start3A_582 = arith.constant 0 : i32
    %dma_start3A_583 = tpu.memref_slice %arg12[%dma_start3A_581, %dma_start3A_582] : memref<16x32xi32, #tpu.memory_space<vmem>> -> memref<1x32xi32, #tpu.memory_space<vmem>>
    %dma_start3A_584 = tpu.memref_squeeze %dma_start3A_583 : memref<1x32xi32, #tpu.memory_space<vmem>> -> memref<32xi32, #tpu.memory_space<vmem>>
    %dma_start3A_585 = arith.constant 0 : i32
    %dma_start3A_586 = arith.constant 0 : i32
    %dma_start3A_587 = tpu.memref_slice %arg4[%dma_start3A_585, %dma_start3A_586] : memref<250880x128xf32, #tpu.memory_space<hbm>> -> memref<250880x128xf32, #tpu.memory_space<hbm>>
    tpu.enqueue_indirect_dma source(%dma_start3A_587 : memref<250880x128xf32, #tpu.memory_space<hbm>>) target(%arg14 : memref<32x128xf32, #tpu.memory_space<vmem>>) offsets(%dma_start3A_584 : memref<32xi32, #tpu.memory_space<vmem>>) semaphore(%arg18 : memref<!tpu.dma_semaphore, #tpu.memory_space<semaphore_mem>>)
    %dma_start3A_588 = arith.constant 10 : i32
    %dma_start3A_589 = arith.constant 0 : i32
    %dma_start3A_590 = tpu.memref_slice %arg13[%dma_start3A_588, %dma_start3A_589] : memref<16x32xi32, #tpu.memory_space<vmem>> -> memref<1x32xi32, #tpu.memory_space<vmem>>
    %dma_start3A_591 = tpu.memref_squeeze %dma_start3A_590 : memref<1x32xi32, #tpu.memory_space<vmem>> -> memref<32xi32, #tpu.memory_space<vmem>>
    %dma_start3A_592 = arith.constant 0 : i32
    %dma_start3A_593 = arith.constant 0 : i32
    %dma_start3A_594 = tpu.memref_slice %arg5[%dma_start3A_592, %dma_start3A_593] : memref<25600x128xf32, #tpu.memory_space<hbm>> -> memref<25600x128xf32, #tpu.memory_space<hbm>>
    tpu.enqueue_indirect_dma source(%dma_start3A_594 : memref<25600x128xf32, #tpu.memory_space<hbm>>) target(%arg15 : memref<32x128xf32, #tpu.memory_space<vmem>>) offsets(%dma_start3A_591 : memref<32xi32, #tpu.memory_space<vmem>>) semaphore(%arg18 : memref<!tpu.dma_semaphore, #tpu.memory_space<semaphore_mem>>)
    %dma_start3A_595 = arith.constant 10 : i32
    %dma_start3A_596 = arith.constant 0 : i32
    %dma_start3A_597 = tpu.memref_slice %arg12[%dma_start3A_595, %dma_start3A_596] : memref<16x32xi32, #tpu.memory_space<vmem>> -> memref<1x32xi32, #tpu.memory_space<vmem>>
    %dma_start3A_598 = tpu.memref_squeeze %dma_start3A_597 : memref<1x32xi32, #tpu.memory_space<vmem>> -> memref<32xi32, #tpu.memory_space<vmem>>
    %dma_start3A_599 = arith.constant 0 : i32
    %dma_start3A_600 = arith.constant 0 : i32
    %dma_start3A_601 = tpu.memref_slice %arg6[%dma_start3A_599, %dma_start3A_600] : memref<250880x128xf32, #tpu.memory_space<hbm>> -> memref<250880x128xf32, #tpu.memory_space<hbm>>
    tpu.enqueue_indirect_dma source(%dma_start3A_601 : memref<250880x128xf32, #tpu.memory_space<hbm>>) target(%arg16 : memref<32x128xf32, #tpu.memory_space<vmem>>) offsets(%dma_start3A_598 : memref<32xi32, #tpu.memory_space<vmem>>) semaphore(%arg18 : memref<!tpu.dma_semaphore, #tpu.memory_space<semaphore_mem>>)
    %dma_start3A_602 = arith.constant 10 : i32
    %dma_start3A_603 = arith.constant 0 : i32
    %dma_start3A_604 = tpu.memref_slice %arg13[%dma_start3A_602, %dma_start3A_603] : memref<16x32xi32, #tpu.memory_space<vmem>> -> memref<1x32xi32, #tpu.memory_space<vmem>>
    %dma_start3A_605 = tpu.memref_squeeze %dma_start3A_604 : memref<1x32xi32, #tpu.memory_space<vmem>> -> memref<32xi32, #tpu.memory_space<vmem>>
    %dma_start3A_606 = arith.constant 0 : i32
    %dma_start3A_607 = arith.constant 0 : i32
    %dma_start3A_608 = tpu.memref_slice %arg7[%dma_start3A_606, %dma_start3A_607] : memref<25600x128xf32, #tpu.memory_space<hbm>> -> memref<25600x128xf32, #tpu.memory_space<hbm>>
    tpu.enqueue_indirect_dma source(%dma_start3A_608 : memref<25600x128xf32, #tpu.memory_space<hbm>>) target(%arg17 : memref<32x128xf32, #tpu.memory_space<vmem>>) offsets(%dma_start3A_605 : memref<32xi32, #tpu.memory_space<vmem>>) semaphore(%arg18 : memref<!tpu.dma_semaphore, #tpu.memory_space<semaphore_mem>>)
    %dma_wait3A_609 = arith.constant 10 : i32
    %dma_wait3A_610 = arith.constant 0 : i32
    %dma_wait3A_611 = tpu.memref_slice %arg12[%dma_wait3A_609, %dma_wait3A_610] : memref<16x32xi32, #tpu.memory_space<vmem>> -> memref<1x32xi32, #tpu.memory_space<vmem>>
    %dma_wait3A_612 = tpu.memref_squeeze %dma_wait3A_611 : memref<1x32xi32, #tpu.memory_space<vmem>> -> memref<32xi32, #tpu.memory_space<vmem>>
    %dma_wait3A_613 = arith.constant 0 : i32
    %dma_wait3A_614 = arith.constant 0 : i32
    %dma_wait3A_615 = tpu.memref_slice %arg4[%dma_wait3A_613, %dma_wait3A_614] : memref<250880x128xf32, #tpu.memory_space<hbm>> -> memref<250880x128xf32, #tpu.memory_space<hbm>>
    tpu.wait_indirect_dma semaphore(%arg18 : memref<!tpu.dma_semaphore, #tpu.memory_space<semaphore_mem>>) src(%dma_wait3A_615 : memref<250880x128xf32, #tpu.memory_space<hbm>>) dst(%arg14 : memref<32x128xf32, #tpu.memory_space<vmem>>)
    %dma_wait3A_616 = arith.constant 10 : i32
    %dma_wait3A_617 = arith.constant 0 : i32
    %dma_wait3A_618 = tpu.memref_slice %arg13[%dma_wait3A_616, %dma_wait3A_617] : memref<16x32xi32, #tpu.memory_space<vmem>> -> memref<1x32xi32, #tpu.memory_space<vmem>>
    %dma_wait3A_619 = tpu.memref_squeeze %dma_wait3A_618 : memref<1x32xi32, #tpu.memory_space<vmem>> -> memref<32xi32, #tpu.memory_space<vmem>>
    %dma_wait3A_620 = arith.constant 0 : i32
    %dma_wait3A_621 = arith.constant 0 : i32
    %dma_wait3A_622 = tpu.memref_slice %arg5[%dma_wait3A_620, %dma_wait3A_621] : memref<25600x128xf32, #tpu.memory_space<hbm>> -> memref<25600x128xf32, #tpu.memory_space<hbm>>
    tpu.wait_indirect_dma semaphore(%arg18 : memref<!tpu.dma_semaphore, #tpu.memory_space<semaphore_mem>>) src(%dma_wait3A_622 : memref<25600x128xf32, #tpu.memory_space<hbm>>) dst(%arg15 : memref<32x128xf32, #tpu.memory_space<vmem>>)
    %dma_wait3A_623 = arith.constant 10 : i32
    %dma_wait3A_624 = arith.constant 0 : i32
    %dma_wait3A_625 = tpu.memref_slice %arg12[%dma_wait3A_623, %dma_wait3A_624] : memref<16x32xi32, #tpu.memory_space<vmem>> -> memref<1x32xi32, #tpu.memory_space<vmem>>
    %dma_wait3A_626 = tpu.memref_squeeze %dma_wait3A_625 : memref<1x32xi32, #tpu.memory_space<vmem>> -> memref<32xi32, #tpu.memory_space<vmem>>
    %dma_wait3A_627 = arith.constant 0 : i32
    %dma_wait3A_628 = arith.constant 0 : i32
    %dma_wait3A_629 = tpu.memref_slice %arg6[%dma_wait3A_627, %dma_wait3A_628] : memref<250880x128xf32, #tpu.memory_space<hbm>> -> memref<250880x128xf32, #tpu.memory_space<hbm>>
    tpu.wait_indirect_dma semaphore(%arg18 : memref<!tpu.dma_semaphore, #tpu.memory_space<semaphore_mem>>) src(%dma_wait3A_629 : memref<250880x128xf32, #tpu.memory_space<hbm>>) dst(%arg16 : memref<32x128xf32, #tpu.memory_space<vmem>>)
    %dma_wait3A_630 = arith.constant 10 : i32
    %dma_wait3A_631 = arith.constant 0 : i32
    %dma_wait3A_632 = tpu.memref_slice %arg13[%dma_wait3A_630, %dma_wait3A_631] : memref<16x32xi32, #tpu.memory_space<vmem>> -> memref<1x32xi32, #tpu.memory_space<vmem>>
    %dma_wait3A_633 = tpu.memref_squeeze %dma_wait3A_632 : memref<1x32xi32, #tpu.memory_space<vmem>> -> memref<32xi32, #tpu.memory_space<vmem>>
    %dma_wait3A_634 = arith.constant 0 : i32
    %dma_wait3A_635 = arith.constant 0 : i32
    %dma_wait3A_636 = tpu.memref_slice %arg7[%dma_wait3A_634, %dma_wait3A_635] : memref<25600x128xf32, #tpu.memory_space<hbm>> -> memref<25600x128xf32, #tpu.memory_space<hbm>>
    tpu.wait_indirect_dma semaphore(%arg18 : memref<!tpu.dma_semaphore, #tpu.memory_space<semaphore_mem>>) src(%dma_wait3A_636 : memref<25600x128xf32, #tpu.memory_space<hbm>>) dst(%arg17 : memref<32x128xf32, #tpu.memory_space<vmem>>)
    %add3A_637 = arith.constant 320 : i32
    %add3A_638 = arith.addi %mul3A_2, %add3A_637 : i32
    "tpu.region"() ({
      %run_scoped3A = tpu.sem_alloc : memref<!tpu.dma_semaphore, #tpu.memory_space<semaphore_mem>>
      %dma_start3A_929 = arith.constant 0 : i32
      %dma_start3A_930 = tpu.memref_slice %arg8[%add3A_638, %dma_start3A_929] : memref<16384x128xf32, #tpu.memory_space<hbm>> -> memref<32x128xf32, #tpu.memory_space<hbm>>
      %dma_start3A_931 = arith.constant 0 : i32
      %dma_start3A_932 = tpu.memref_slice %arg8[%add3A_638, %dma_start3A_931] : memref<16384x128xf32, #tpu.memory_space<hbm>> -> memref<32x128xf32, #tpu.memory_space<hbm>>
      tpu.enqueue_dma source(%arg14 : memref<32x128xf32, #tpu.memory_space<vmem>>) target(%dma_start3A_932 : memref<32x128xf32, #tpu.memory_space<hbm>>) target_semaphore(%run_scoped3A : memref<!tpu.dma_semaphore, #tpu.memory_space<semaphore_mem>>)
      %dma_wait3A_933 = arith.constant 0 : i32
      %dma_wait3A_934 = tpu.memref_slice %arg8[%add3A_638, %dma_wait3A_933] : memref<16384x128xf32, #tpu.memory_space<hbm>> -> memref<32x128xf32, #tpu.memory_space<hbm>>
      %dma_wait3A_935 = arith.constant 0 : i32
      %dma_wait3A_936 = tpu.memref_slice %arg8[%add3A_638, %dma_wait3A_935] : memref<16384x128xf32, #tpu.memory_space<hbm>> -> memref<32x128xf32, #tpu.memory_space<hbm>>
      tpu.wait_dma2 semaphore(%run_scoped3A : memref<!tpu.dma_semaphore, #tpu.memory_space<semaphore_mem>>) src(%arg14 : memref<32x128xf32, #tpu.memory_space<vmem>>) dst(%dma_wait3A_936 : memref<32x128xf32, #tpu.memory_space<hbm>>)
      tpu.yield
    }) : () -> ()
    "tpu.region"() ({
      %run_scoped3A = tpu.sem_alloc : memref<!tpu.dma_semaphore, #tpu.memory_space<semaphore_mem>>
      %dma_start3A_929 = arith.constant 0 : i32
      %dma_start3A_930 = tpu.memref_slice %arg9[%add3A_638, %dma_start3A_929] : memref<16384x128xf32, #tpu.memory_space<hbm>> -> memref<32x128xf32, #tpu.memory_space<hbm>>
      %dma_start3A_931 = arith.constant 0 : i32
      %dma_start3A_932 = tpu.memref_slice %arg9[%add3A_638, %dma_start3A_931] : memref<16384x128xf32, #tpu.memory_space<hbm>> -> memref<32x128xf32, #tpu.memory_space<hbm>>
      tpu.enqueue_dma source(%arg15 : memref<32x128xf32, #tpu.memory_space<vmem>>) target(%dma_start3A_932 : memref<32x128xf32, #tpu.memory_space<hbm>>) target_semaphore(%run_scoped3A : memref<!tpu.dma_semaphore, #tpu.memory_space<semaphore_mem>>)
      %dma_wait3A_933 = arith.constant 0 : i32
      %dma_wait3A_934 = tpu.memref_slice %arg9[%add3A_638, %dma_wait3A_933] : memref<16384x128xf32, #tpu.memory_space<hbm>> -> memref<32x128xf32, #tpu.memory_space<hbm>>
      %dma_wait3A_935 = arith.constant 0 : i32
      %dma_wait3A_936 = tpu.memref_slice %arg9[%add3A_638, %dma_wait3A_935] : memref<16384x128xf32, #tpu.memory_space<hbm>> -> memref<32x128xf32, #tpu.memory_space<hbm>>
      tpu.wait_dma2 semaphore(%run_scoped3A : memref<!tpu.dma_semaphore, #tpu.memory_space<semaphore_mem>>) src(%arg15 : memref<32x128xf32, #tpu.memory_space<vmem>>) dst(%dma_wait3A_936 : memref<32x128xf32, #tpu.memory_space<hbm>>)
      tpu.yield
    }) : () -> ()
    "tpu.region"() ({
      %run_scoped3A = tpu.sem_alloc : memref<!tpu.dma_semaphore, #tpu.memory_space<semaphore_mem>>
      %dma_start3A_929 = arith.constant 0 : i32
      %dma_start3A_930 = tpu.memref_slice %arg10[%add3A_638, %dma_start3A_929] : memref<16384x128xf32, #tpu.memory_space<hbm>> -> memref<32x128xf32, #tpu.memory_space<hbm>>
      %dma_start3A_931 = arith.constant 0 : i32
      %dma_start3A_932 = tpu.memref_slice %arg10[%add3A_638, %dma_start3A_931] : memref<16384x128xf32, #tpu.memory_space<hbm>> -> memref<32x128xf32, #tpu.memory_space<hbm>>
      tpu.enqueue_dma source(%arg16 : memref<32x128xf32, #tpu.memory_space<vmem>>) target(%dma_start3A_932 : memref<32x128xf32, #tpu.memory_space<hbm>>) target_semaphore(%run_scoped3A : memref<!tpu.dma_semaphore, #tpu.memory_space<semaphore_mem>>)
      %dma_wait3A_933 = arith.constant 0 : i32
      %dma_wait3A_934 = tpu.memref_slice %arg10[%add3A_638, %dma_wait3A_933] : memref<16384x128xf32, #tpu.memory_space<hbm>> -> memref<32x128xf32, #tpu.memory_space<hbm>>
      %dma_wait3A_935 = arith.constant 0 : i32
      %dma_wait3A_936 = tpu.memref_slice %arg10[%add3A_638, %dma_wait3A_935] : memref<16384x128xf32, #tpu.memory_space<hbm>> -> memref<32x128xf32, #tpu.memory_space<hbm>>
      tpu.wait_dma2 semaphore(%run_scoped3A : memref<!tpu.dma_semaphore, #tpu.memory_space<semaphore_mem>>) src(%arg16 : memref<32x128xf32, #tpu.memory_space<vmem>>) dst(%dma_wait3A_936 : memref<32x128xf32, #tpu.memory_space<hbm>>)
      tpu.yield
    }) : () -> ()
    "tpu.region"() ({
      %run_scoped3A = tpu.sem_alloc : memref<!tpu.dma_semaphore, #tpu.memory_space<semaphore_mem>>
      %dma_start3A_929 = arith.constant 0 : i32
      %dma_start3A_930 = tpu.memref_slice %arg11[%add3A_638, %dma_start3A_929] : memref<16384x128xf32, #tpu.memory_space<hbm>> -> memref<32x128xf32, #tpu.memory_space<hbm>>
      %dma_start3A_931 = arith.constant 0 : i32
      %dma_start3A_932 = tpu.memref_slice %arg11[%add3A_638, %dma_start3A_931] : memref<16384x128xf32, #tpu.memory_space<hbm>> -> memref<32x128xf32, #tpu.memory_space<hbm>>
      tpu.enqueue_dma source(%arg17 : memref<32x128xf32, #tpu.memory_space<vmem>>) target(%dma_start3A_932 : memref<32x128xf32, #tpu.memory_space<hbm>>) target_semaphore(%run_scoped3A : memref<!tpu.dma_semaphore, #tpu.memory_space<semaphore_mem>>)
      %dma_wait3A_933 = arith.constant 0 : i32
      %dma_wait3A_934 = tpu.memref_slice %arg11[%add3A_638, %dma_wait3A_933] : memref<16384x128xf32, #tpu.memory_space<hbm>> -> memref<32x128xf32, #tpu.memory_space<hbm>>
      %dma_wait3A_935 = arith.constant 0 : i32
      %dma_wait3A_936 = tpu.memref_slice %arg11[%add3A_638, %dma_wait3A_935] : memref<16384x128xf32, #tpu.memory_space<hbm>> -> memref<32x128xf32, #tpu.memory_space<hbm>>
      tpu.wait_dma2 semaphore(%run_scoped3A : memref<!tpu.dma_semaphore, #tpu.memory_space<semaphore_mem>>) src(%arg17 : memref<32x128xf32, #tpu.memory_space<vmem>>) dst(%dma_wait3A_936 : memref<32x128xf32, #tpu.memory_space<hbm>>)
      tpu.yield
    }) : () -> ()
    %dma_start3A_639 = arith.constant 11 : i32
    %dma_start3A_640 = arith.constant 0 : i32
    %dma_start3A_641 = tpu.memref_slice %arg12[%dma_start3A_639, %dma_start3A_640] : memref<16x32xi32, #tpu.memory_space<vmem>> -> memref<1x32xi32, #tpu.memory_space<vmem>>
    %dma_start3A_642 = tpu.memref_squeeze %dma_start3A_641 : memref<1x32xi32, #tpu.memory_space<vmem>> -> memref<32xi32, #tpu.memory_space<vmem>>
    %dma_start3A_643 = arith.constant 0 : i32
    %dma_start3A_644 = arith.constant 0 : i32
    %dma_start3A_645 = tpu.memref_slice %arg4[%dma_start3A_643, %dma_start3A_644] : memref<250880x128xf32, #tpu.memory_space<hbm>> -> memref<250880x128xf32, #tpu.memory_space<hbm>>
    tpu.enqueue_indirect_dma source(%dma_start3A_645 : memref<250880x128xf32, #tpu.memory_space<hbm>>) target(%arg14 : memref<32x128xf32, #tpu.memory_space<vmem>>) offsets(%dma_start3A_642 : memref<32xi32, #tpu.memory_space<vmem>>) semaphore(%arg18 : memref<!tpu.dma_semaphore, #tpu.memory_space<semaphore_mem>>)
    %dma_start3A_646 = arith.constant 11 : i32
    %dma_start3A_647 = arith.constant 0 : i32
    %dma_start3A_648 = tpu.memref_slice %arg13[%dma_start3A_646, %dma_start3A_647] : memref<16x32xi32, #tpu.memory_space<vmem>> -> memref<1x32xi32, #tpu.memory_space<vmem>>
    %dma_start3A_649 = tpu.memref_squeeze %dma_start3A_648 : memref<1x32xi32, #tpu.memory_space<vmem>> -> memref<32xi32, #tpu.memory_space<vmem>>
    %dma_start3A_650 = arith.constant 0 : i32
    %dma_start3A_651 = arith.constant 0 : i32
    %dma_start3A_652 = tpu.memref_slice %arg5[%dma_start3A_650, %dma_start3A_651] : memref<25600x128xf32, #tpu.memory_space<hbm>> -> memref<25600x128xf32, #tpu.memory_space<hbm>>
    tpu.enqueue_indirect_dma source(%dma_start3A_652 : memref<25600x128xf32, #tpu.memory_space<hbm>>) target(%arg15 : memref<32x128xf32, #tpu.memory_space<vmem>>) offsets(%dma_start3A_649 : memref<32xi32, #tpu.memory_space<vmem>>) semaphore(%arg18 : memref<!tpu.dma_semaphore, #tpu.memory_space<semaphore_mem>>)
    %dma_start3A_653 = arith.constant 11 : i32
    %dma_start3A_654 = arith.constant 0 : i32
    %dma_start3A_655 = tpu.memref_slice %arg12[%dma_start3A_653, %dma_start3A_654] : memref<16x32xi32, #tpu.memory_space<vmem>> -> memref<1x32xi32, #tpu.memory_space<vmem>>
    %dma_start3A_656 = tpu.memref_squeeze %dma_start3A_655 : memref<1x32xi32, #tpu.memory_space<vmem>> -> memref<32xi32, #tpu.memory_space<vmem>>
    %dma_start3A_657 = arith.constant 0 : i32
    %dma_start3A_658 = arith.constant 0 : i32
    %dma_start3A_659 = tpu.memref_slice %arg6[%dma_start3A_657, %dma_start3A_658] : memref<250880x128xf32, #tpu.memory_space<hbm>> -> memref<250880x128xf32, #tpu.memory_space<hbm>>
    tpu.enqueue_indirect_dma source(%dma_start3A_659 : memref<250880x128xf32, #tpu.memory_space<hbm>>) target(%arg16 : memref<32x128xf32, #tpu.memory_space<vmem>>) offsets(%dma_start3A_656 : memref<32xi32, #tpu.memory_space<vmem>>) semaphore(%arg18 : memref<!tpu.dma_semaphore, #tpu.memory_space<semaphore_mem>>)
    %dma_start3A_660 = arith.constant 11 : i32
    %dma_start3A_661 = arith.constant 0 : i32
    %dma_start3A_662 = tpu.memref_slice %arg13[%dma_start3A_660, %dma_start3A_661] : memref<16x32xi32, #tpu.memory_space<vmem>> -> memref<1x32xi32, #tpu.memory_space<vmem>>
    %dma_start3A_663 = tpu.memref_squeeze %dma_start3A_662 : memref<1x32xi32, #tpu.memory_space<vmem>> -> memref<32xi32, #tpu.memory_space<vmem>>
    %dma_start3A_664 = arith.constant 0 : i32
    %dma_start3A_665 = arith.constant 0 : i32
    %dma_start3A_666 = tpu.memref_slice %arg7[%dma_start3A_664, %dma_start3A_665] : memref<25600x128xf32, #tpu.memory_space<hbm>> -> memref<25600x128xf32, #tpu.memory_space<hbm>>
    tpu.enqueue_indirect_dma source(%dma_start3A_666 : memref<25600x128xf32, #tpu.memory_space<hbm>>) target(%arg17 : memref<32x128xf32, #tpu.memory_space<vmem>>) offsets(%dma_start3A_663 : memref<32xi32, #tpu.memory_space<vmem>>) semaphore(%arg18 : memref<!tpu.dma_semaphore, #tpu.memory_space<semaphore_mem>>)
    %dma_wait3A_667 = arith.constant 11 : i32
    %dma_wait3A_668 = arith.constant 0 : i32
    %dma_wait3A_669 = tpu.memref_slice %arg12[%dma_wait3A_667, %dma_wait3A_668] : memref<16x32xi32, #tpu.memory_space<vmem>> -> memref<1x32xi32, #tpu.memory_space<vmem>>
    %dma_wait3A_670 = tpu.memref_squeeze %dma_wait3A_669 : memref<1x32xi32, #tpu.memory_space<vmem>> -> memref<32xi32, #tpu.memory_space<vmem>>
    %dma_wait3A_671 = arith.constant 0 : i32
    %dma_wait3A_672 = arith.constant 0 : i32
    %dma_wait3A_673 = tpu.memref_slice %arg4[%dma_wait3A_671, %dma_wait3A_672] : memref<250880x128xf32, #tpu.memory_space<hbm>> -> memref<250880x128xf32, #tpu.memory_space<hbm>>
    tpu.wait_indirect_dma semaphore(%arg18 : memref<!tpu.dma_semaphore, #tpu.memory_space<semaphore_mem>>) src(%dma_wait3A_673 : memref<250880x128xf32, #tpu.memory_space<hbm>>) dst(%arg14 : memref<32x128xf32, #tpu.memory_space<vmem>>)
    %dma_wait3A_674 = arith.constant 11 : i32
    %dma_wait3A_675 = arith.constant 0 : i32
    %dma_wait3A_676 = tpu.memref_slice %arg13[%dma_wait3A_674, %dma_wait3A_675] : memref<16x32xi32, #tpu.memory_space<vmem>> -> memref<1x32xi32, #tpu.memory_space<vmem>>
    %dma_wait3A_677 = tpu.memref_squeeze %dma_wait3A_676 : memref<1x32xi32, #tpu.memory_space<vmem>> -> memref<32xi32, #tpu.memory_space<vmem>>
    %dma_wait3A_678 = arith.constant 0 : i32
    %dma_wait3A_679 = arith.constant 0 : i32
    %dma_wait3A_680 = tpu.memref_slice %arg5[%dma_wait3A_678, %dma_wait3A_679] : memref<25600x128xf32, #tpu.memory_space<hbm>> -> memref<25600x128xf32, #tpu.memory_space<hbm>>
    tpu.wait_indirect_dma semaphore(%arg18 : memref<!tpu.dma_semaphore, #tpu.memory_space<semaphore_mem>>) src(%dma_wait3A_680 : memref<25600x128xf32, #tpu.memory_space<hbm>>) dst(%arg15 : memref<32x128xf32, #tpu.memory_space<vmem>>)
    %dma_wait3A_681 = arith.constant 11 : i32
    %dma_wait3A_682 = arith.constant 0 : i32
    %dma_wait3A_683 = tpu.memref_slice %arg12[%dma_wait3A_681, %dma_wait3A_682] : memref<16x32xi32, #tpu.memory_space<vmem>> -> memref<1x32xi32, #tpu.memory_space<vmem>>
    %dma_wait3A_684 = tpu.memref_squeeze %dma_wait3A_683 : memref<1x32xi32, #tpu.memory_space<vmem>> -> memref<32xi32, #tpu.memory_space<vmem>>
    %dma_wait3A_685 = arith.constant 0 : i32
    %dma_wait3A_686 = arith.constant 0 : i32
    %dma_wait3A_687 = tpu.memref_slice %arg6[%dma_wait3A_685, %dma_wait3A_686] : memref<250880x128xf32, #tpu.memory_space<hbm>> -> memref<250880x128xf32, #tpu.memory_space<hbm>>
    tpu.wait_indirect_dma semaphore(%arg18 : memref<!tpu.dma_semaphore, #tpu.memory_space<semaphore_mem>>) src(%dma_wait3A_687 : memref<250880x128xf32, #tpu.memory_space<hbm>>) dst(%arg16 : memref<32x128xf32, #tpu.memory_space<vmem>>)
    %dma_wait3A_688 = arith.constant 11 : i32
    %dma_wait3A_689 = arith.constant 0 : i32
    %dma_wait3A_690 = tpu.memref_slice %arg13[%dma_wait3A_688, %dma_wait3A_689] : memref<16x32xi32, #tpu.memory_space<vmem>> -> memref<1x32xi32, #tpu.memory_space<vmem>>
    %dma_wait3A_691 = tpu.memref_squeeze %dma_wait3A_690 : memref<1x32xi32, #tpu.memory_space<vmem>> -> memref<32xi32, #tpu.memory_space<vmem>>
    %dma_wait3A_692 = arith.constant 0 : i32
    %dma_wait3A_693 = arith.constant 0 : i32
    %dma_wait3A_694 = tpu.memref_slice %arg7[%dma_wait3A_692, %dma_wait3A_693] : memref<25600x128xf32, #tpu.memory_space<hbm>> -> memref<25600x128xf32, #tpu.memory_space<hbm>>
    tpu.wait_indirect_dma semaphore(%arg18 : memref<!tpu.dma_semaphore, #tpu.memory_space<semaphore_mem>>) src(%dma_wait3A_694 : memref<25600x128xf32, #tpu.memory_space<hbm>>) dst(%arg17 : memref<32x128xf32, #tpu.memory_space<vmem>>)
    %add3A_695 = arith.constant 352 : i32
    %add3A_696 = arith.addi %mul3A_2, %add3A_695 : i32
    "tpu.region"() ({
      %run_scoped3A = tpu.sem_alloc : memref<!tpu.dma_semaphore, #tpu.memory_space<semaphore_mem>>
      %dma_start3A_929 = arith.constant 0 : i32
      %dma_start3A_930 = tpu.memref_slice %arg8[%add3A_696, %dma_start3A_929] : memref<16384x128xf32, #tpu.memory_space<hbm>> -> memref<32x128xf32, #tpu.memory_space<hbm>>
      %dma_start3A_931 = arith.constant 0 : i32
      %dma_start3A_932 = tpu.memref_slice %arg8[%add3A_696, %dma_start3A_931] : memref<16384x128xf32, #tpu.memory_space<hbm>> -> memref<32x128xf32, #tpu.memory_space<hbm>>
      tpu.enqueue_dma source(%arg14 : memref<32x128xf32, #tpu.memory_space<vmem>>) target(%dma_start3A_932 : memref<32x128xf32, #tpu.memory_space<hbm>>) target_semaphore(%run_scoped3A : memref<!tpu.dma_semaphore, #tpu.memory_space<semaphore_mem>>)
      %dma_wait3A_933 = arith.constant 0 : i32
      %dma_wait3A_934 = tpu.memref_slice %arg8[%add3A_696, %dma_wait3A_933] : memref<16384x128xf32, #tpu.memory_space<hbm>> -> memref<32x128xf32, #tpu.memory_space<hbm>>
      %dma_wait3A_935 = arith.constant 0 : i32
      %dma_wait3A_936 = tpu.memref_slice %arg8[%add3A_696, %dma_wait3A_935] : memref<16384x128xf32, #tpu.memory_space<hbm>> -> memref<32x128xf32, #tpu.memory_space<hbm>>
      tpu.wait_dma2 semaphore(%run_scoped3A : memref<!tpu.dma_semaphore, #tpu.memory_space<semaphore_mem>>) src(%arg14 : memref<32x128xf32, #tpu.memory_space<vmem>>) dst(%dma_wait3A_936 : memref<32x128xf32, #tpu.memory_space<hbm>>)
      tpu.yield
    }) : () -> ()
    "tpu.region"() ({
      %run_scoped3A = tpu.sem_alloc : memref<!tpu.dma_semaphore, #tpu.memory_space<semaphore_mem>>
      %dma_start3A_929 = arith.constant 0 : i32
      %dma_start3A_930 = tpu.memref_slice %arg9[%add3A_696, %dma_start3A_929] : memref<16384x128xf32, #tpu.memory_space<hbm>> -> memref<32x128xf32, #tpu.memory_space<hbm>>
      %dma_start3A_931 = arith.constant 0 : i32
      %dma_start3A_932 = tpu.memref_slice %arg9[%add3A_696, %dma_start3A_931] : memref<16384x128xf32, #tpu.memory_space<hbm>> -> memref<32x128xf32, #tpu.memory_space<hbm>>
      tpu.enqueue_dma source(%arg15 : memref<32x128xf32, #tpu.memory_space<vmem>>) target(%dma_start3A_932 : memref<32x128xf32, #tpu.memory_space<hbm>>) target_semaphore(%run_scoped3A : memref<!tpu.dma_semaphore, #tpu.memory_space<semaphore_mem>>)
      %dma_wait3A_933 = arith.constant 0 : i32
      %dma_wait3A_934 = tpu.memref_slice %arg9[%add3A_696, %dma_wait3A_933] : memref<16384x128xf32, #tpu.memory_space<hbm>> -> memref<32x128xf32, #tpu.memory_space<hbm>>
      %dma_wait3A_935 = arith.constant 0 : i32
      %dma_wait3A_936 = tpu.memref_slice %arg9[%add3A_696, %dma_wait3A_935] : memref<16384x128xf32, #tpu.memory_space<hbm>> -> memref<32x128xf32, #tpu.memory_space<hbm>>
      tpu.wait_dma2 semaphore(%run_scoped3A : memref<!tpu.dma_semaphore, #tpu.memory_space<semaphore_mem>>) src(%arg15 : memref<32x128xf32, #tpu.memory_space<vmem>>) dst(%dma_wait3A_936 : memref<32x128xf32, #tpu.memory_space<hbm>>)
      tpu.yield
    }) : () -> ()
    "tpu.region"() ({
      %run_scoped3A = tpu.sem_alloc : memref<!tpu.dma_semaphore, #tpu.memory_space<semaphore_mem>>
      %dma_start3A_929 = arith.constant 0 : i32
      %dma_start3A_930 = tpu.memref_slice %arg10[%add3A_696, %dma_start3A_929] : memref<16384x128xf32, #tpu.memory_space<hbm>> -> memref<32x128xf32, #tpu.memory_space<hbm>>
      %dma_start3A_931 = arith.constant 0 : i32
      %dma_start3A_932 = tpu.memref_slice %arg10[%add3A_696, %dma_start3A_931] : memref<16384x128xf32, #tpu.memory_space<hbm>> -> memref<32x128xf32, #tpu.memory_space<hbm>>
      tpu.enqueue_dma source(%arg16 : memref<32x128xf32, #tpu.memory_space<vmem>>) target(%dma_start3A_932 : memref<32x128xf32, #tpu.memory_space<hbm>>) target_semaphore(%run_scoped3A : memref<!tpu.dma_semaphore, #tpu.memory_space<semaphore_mem>>)
      %dma_wait3A_933 = arith.constant 0 : i32
      %dma_wait3A_934 = tpu.memref_slice %arg10[%add3A_696, %dma_wait3A_933] : memref<16384x128xf32, #tpu.memory_space<hbm>> -> memref<32x128xf32, #tpu.memory_space<hbm>>
      %dma_wait3A_935 = arith.constant 0 : i32
      %dma_wait3A_936 = tpu.memref_slice %arg10[%add3A_696, %dma_wait3A_935] : memref<16384x128xf32, #tpu.memory_space<hbm>> -> memref<32x128xf32, #tpu.memory_space<hbm>>
      tpu.wait_dma2 semaphore(%run_scoped3A : memref<!tpu.dma_semaphore, #tpu.memory_space<semaphore_mem>>) src(%arg16 : memref<32x128xf32, #tpu.memory_space<vmem>>) dst(%dma_wait3A_936 : memref<32x128xf32, #tpu.memory_space<hbm>>)
      tpu.yield
    }) : () -> ()
    "tpu.region"() ({
      %run_scoped3A = tpu.sem_alloc : memref<!tpu.dma_semaphore, #tpu.memory_space<semaphore_mem>>
      %dma_start3A_929 = arith.constant 0 : i32
      %dma_start3A_930 = tpu.memref_slice %arg11[%add3A_696, %dma_start3A_929] : memref<16384x128xf32, #tpu.memory_space<hbm>> -> memref<32x128xf32, #tpu.memory_space<hbm>>
      %dma_start3A_931 = arith.constant 0 : i32
      %dma_start3A_932 = tpu.memref_slice %arg11[%add3A_696, %dma_start3A_931] : memref<16384x128xf32, #tpu.memory_space<hbm>> -> memref<32x128xf32, #tpu.memory_space<hbm>>
      tpu.enqueue_dma source(%arg17 : memref<32x128xf32, #tpu.memory_space<vmem>>) target(%dma_start3A_932 : memref<32x128xf32, #tpu.memory_space<hbm>>) target_semaphore(%run_scoped3A : memref<!tpu.dma_semaphore, #tpu.memory_space<semaphore_mem>>)
      %dma_wait3A_933 = arith.constant 0 : i32
      %dma_wait3A_934 = tpu.memref_slice %arg11[%add3A_696, %dma_wait3A_933] : memref<16384x128xf32, #tpu.memory_space<hbm>> -> memref<32x128xf32, #tpu.memory_space<hbm>>
      %dma_wait3A_935 = arith.constant 0 : i32
      %dma_wait3A_936 = tpu.memref_slice %arg11[%add3A_696, %dma_wait3A_935] : memref<16384x128xf32, #tpu.memory_space<hbm>> -> memref<32x128xf32, #tpu.memory_space<hbm>>
      tpu.wait_dma2 semaphore(%run_scoped3A : memref<!tpu.dma_semaphore, #tpu.memory_space<semaphore_mem>>) src(%arg17 : memref<32x128xf32, #tpu.memory_space<vmem>>) dst(%dma_wait3A_936 : memref<32x128xf32, #tpu.memory_space<hbm>>)
      tpu.yield
    }) : () -> ()
    %dma_start3A_697 = arith.constant 12 : i32
    %dma_start3A_698 = arith.constant 0 : i32
    %dma_start3A_699 = tpu.memref_slice %arg12[%dma_start3A_697, %dma_start3A_698] : memref<16x32xi32, #tpu.memory_space<vmem>> -> memref<1x32xi32, #tpu.memory_space<vmem>>
    %dma_start3A_700 = tpu.memref_squeeze %dma_start3A_699 : memref<1x32xi32, #tpu.memory_space<vmem>> -> memref<32xi32, #tpu.memory_space<vmem>>
    %dma_start3A_701 = arith.constant 0 : i32
    %dma_start3A_702 = arith.constant 0 : i32
    %dma_start3A_703 = tpu.memref_slice %arg4[%dma_start3A_701, %dma_start3A_702] : memref<250880x128xf32, #tpu.memory_space<hbm>> -> memref<250880x128xf32, #tpu.memory_space<hbm>>
    tpu.enqueue_indirect_dma source(%dma_start3A_703 : memref<250880x128xf32, #tpu.memory_space<hbm>>) target(%arg14 : memref<32x128xf32, #tpu.memory_space<vmem>>) offsets(%dma_start3A_700 : memref<32xi32, #tpu.memory_space<vmem>>) semaphore(%arg18 : memref<!tpu.dma_semaphore, #tpu.memory_space<semaphore_mem>>)
    %dma_start3A_704 = arith.constant 12 : i32
    %dma_start3A_705 = arith.constant 0 : i32
    %dma_start3A_706 = tpu.memref_slice %arg13[%dma_start3A_704, %dma_start3A_705] : memref<16x32xi32, #tpu.memory_space<vmem>> -> memref<1x32xi32, #tpu.memory_space<vmem>>
    %dma_start3A_707 = tpu.memref_squeeze %dma_start3A_706 : memref<1x32xi32, #tpu.memory_space<vmem>> -> memref<32xi32, #tpu.memory_space<vmem>>
    %dma_start3A_708 = arith.constant 0 : i32
    %dma_start3A_709 = arith.constant 0 : i32
    %dma_start3A_710 = tpu.memref_slice %arg5[%dma_start3A_708, %dma_start3A_709] : memref<25600x128xf32, #tpu.memory_space<hbm>> -> memref<25600x128xf32, #tpu.memory_space<hbm>>
    tpu.enqueue_indirect_dma source(%dma_start3A_710 : memref<25600x128xf32, #tpu.memory_space<hbm>>) target(%arg15 : memref<32x128xf32, #tpu.memory_space<vmem>>) offsets(%dma_start3A_707 : memref<32xi32, #tpu.memory_space<vmem>>) semaphore(%arg18 : memref<!tpu.dma_semaphore, #tpu.memory_space<semaphore_mem>>)
    %dma_start3A_711 = arith.constant 12 : i32
    %dma_start3A_712 = arith.constant 0 : i32
    %dma_start3A_713 = tpu.memref_slice %arg12[%dma_start3A_711, %dma_start3A_712] : memref<16x32xi32, #tpu.memory_space<vmem>> -> memref<1x32xi32, #tpu.memory_space<vmem>>
    %dma_start3A_714 = tpu.memref_squeeze %dma_start3A_713 : memref<1x32xi32, #tpu.memory_space<vmem>> -> memref<32xi32, #tpu.memory_space<vmem>>
    %dma_start3A_715 = arith.constant 0 : i32
    %dma_start3A_716 = arith.constant 0 : i32
    %dma_start3A_717 = tpu.memref_slice %arg6[%dma_start3A_715, %dma_start3A_716] : memref<250880x128xf32, #tpu.memory_space<hbm>> -> memref<250880x128xf32, #tpu.memory_space<hbm>>
    tpu.enqueue_indirect_dma source(%dma_start3A_717 : memref<250880x128xf32, #tpu.memory_space<hbm>>) target(%arg16 : memref<32x128xf32, #tpu.memory_space<vmem>>) offsets(%dma_start3A_714 : memref<32xi32, #tpu.memory_space<vmem>>) semaphore(%arg18 : memref<!tpu.dma_semaphore, #tpu.memory_space<semaphore_mem>>)
    %dma_start3A_718 = arith.constant 12 : i32
    %dma_start3A_719 = arith.constant 0 : i32
    %dma_start3A_720 = tpu.memref_slice %arg13[%dma_start3A_718, %dma_start3A_719] : memref<16x32xi32, #tpu.memory_space<vmem>> -> memref<1x32xi32, #tpu.memory_space<vmem>>
    %dma_start3A_721 = tpu.memref_squeeze %dma_start3A_720 : memref<1x32xi32, #tpu.memory_space<vmem>> -> memref<32xi32, #tpu.memory_space<vmem>>
    %dma_start3A_722 = arith.constant 0 : i32
    %dma_start3A_723 = arith.constant 0 : i32
    %dma_start3A_724 = tpu.memref_slice %arg7[%dma_start3A_722, %dma_start3A_723] : memref<25600x128xf32, #tpu.memory_space<hbm>> -> memref<25600x128xf32, #tpu.memory_space<hbm>>
    tpu.enqueue_indirect_dma source(%dma_start3A_724 : memref<25600x128xf32, #tpu.memory_space<hbm>>) target(%arg17 : memref<32x128xf32, #tpu.memory_space<vmem>>) offsets(%dma_start3A_721 : memref<32xi32, #tpu.memory_space<vmem>>) semaphore(%arg18 : memref<!tpu.dma_semaphore, #tpu.memory_space<semaphore_mem>>)
    %dma_wait3A_725 = arith.constant 12 : i32
    %dma_wait3A_726 = arith.constant 0 : i32
    %dma_wait3A_727 = tpu.memref_slice %arg12[%dma_wait3A_725, %dma_wait3A_726] : memref<16x32xi32, #tpu.memory_space<vmem>> -> memref<1x32xi32, #tpu.memory_space<vmem>>
    %dma_wait3A_728 = tpu.memref_squeeze %dma_wait3A_727 : memref<1x32xi32, #tpu.memory_space<vmem>> -> memref<32xi32, #tpu.memory_space<vmem>>
    %dma_wait3A_729 = arith.constant 0 : i32
    %dma_wait3A_730 = arith.constant 0 : i32
    %dma_wait3A_731 = tpu.memref_slice %arg4[%dma_wait3A_729, %dma_wait3A_730] : memref<250880x128xf32, #tpu.memory_space<hbm>> -> memref<250880x128xf32, #tpu.memory_space<hbm>>
    tpu.wait_indirect_dma semaphore(%arg18 : memref<!tpu.dma_semaphore, #tpu.memory_space<semaphore_mem>>) src(%dma_wait3A_731 : memref<250880x128xf32, #tpu.memory_space<hbm>>) dst(%arg14 : memref<32x128xf32, #tpu.memory_space<vmem>>)
    %dma_wait3A_732 = arith.constant 12 : i32
    %dma_wait3A_733 = arith.constant 0 : i32
    %dma_wait3A_734 = tpu.memref_slice %arg13[%dma_wait3A_732, %dma_wait3A_733] : memref<16x32xi32, #tpu.memory_space<vmem>> -> memref<1x32xi32, #tpu.memory_space<vmem>>
    %dma_wait3A_735 = tpu.memref_squeeze %dma_wait3A_734 : memref<1x32xi32, #tpu.memory_space<vmem>> -> memref<32xi32, #tpu.memory_space<vmem>>
    %dma_wait3A_736 = arith.constant 0 : i32
    %dma_wait3A_737 = arith.constant 0 : i32
    %dma_wait3A_738 = tpu.memref_slice %arg5[%dma_wait3A_736, %dma_wait3A_737] : memref<25600x128xf32, #tpu.memory_space<hbm>> -> memref<25600x128xf32, #tpu.memory_space<hbm>>
    tpu.wait_indirect_dma semaphore(%arg18 : memref<!tpu.dma_semaphore, #tpu.memory_space<semaphore_mem>>) src(%dma_wait3A_738 : memref<25600x128xf32, #tpu.memory_space<hbm>>) dst(%arg15 : memref<32x128xf32, #tpu.memory_space<vmem>>)
    %dma_wait3A_739 = arith.constant 12 : i32
    %dma_wait3A_740 = arith.constant 0 : i32
    %dma_wait3A_741 = tpu.memref_slice %arg12[%dma_wait3A_739, %dma_wait3A_740] : memref<16x32xi32, #tpu.memory_space<vmem>> -> memref<1x32xi32, #tpu.memory_space<vmem>>
    %dma_wait3A_742 = tpu.memref_squeeze %dma_wait3A_741 : memref<1x32xi32, #tpu.memory_space<vmem>> -> memref<32xi32, #tpu.memory_space<vmem>>
    %dma_wait3A_743 = arith.constant 0 : i32
    %dma_wait3A_744 = arith.constant 0 : i32
    %dma_wait3A_745 = tpu.memref_slice %arg6[%dma_wait3A_743, %dma_wait3A_744] : memref<250880x128xf32, #tpu.memory_space<hbm>> -> memref<250880x128xf32, #tpu.memory_space<hbm>>
    tpu.wait_indirect_dma semaphore(%arg18 : memref<!tpu.dma_semaphore, #tpu.memory_space<semaphore_mem>>) src(%dma_wait3A_745 : memref<250880x128xf32, #tpu.memory_space<hbm>>) dst(%arg16 : memref<32x128xf32, #tpu.memory_space<vmem>>)
    %dma_wait3A_746 = arith.constant 12 : i32
    %dma_wait3A_747 = arith.constant 0 : i32
    %dma_wait3A_748 = tpu.memref_slice %arg13[%dma_wait3A_746, %dma_wait3A_747] : memref<16x32xi32, #tpu.memory_space<vmem>> -> memref<1x32xi32, #tpu.memory_space<vmem>>
    %dma_wait3A_749 = tpu.memref_squeeze %dma_wait3A_748 : memref<1x32xi32, #tpu.memory_space<vmem>> -> memref<32xi32, #tpu.memory_space<vmem>>
    %dma_wait3A_750 = arith.constant 0 : i32
    %dma_wait3A_751 = arith.constant 0 : i32
    %dma_wait3A_752 = tpu.memref_slice %arg7[%dma_wait3A_750, %dma_wait3A_751] : memref<25600x128xf32, #tpu.memory_space<hbm>> -> memref<25600x128xf32, #tpu.memory_space<hbm>>
    tpu.wait_indirect_dma semaphore(%arg18 : memref<!tpu.dma_semaphore, #tpu.memory_space<semaphore_mem>>) src(%dma_wait3A_752 : memref<25600x128xf32, #tpu.memory_space<hbm>>) dst(%arg17 : memref<32x128xf32, #tpu.memory_space<vmem>>)
    %add3A_753 = arith.constant 384 : i32
    %add3A_754 = arith.addi %mul3A_2, %add3A_753 : i32
    "tpu.region"() ({
      %run_scoped3A = tpu.sem_alloc : memref<!tpu.dma_semaphore, #tpu.memory_space<semaphore_mem>>
      %dma_start3A_929 = arith.constant 0 : i32
      %dma_start3A_930 = tpu.memref_slice %arg8[%add3A_754, %dma_start3A_929] : memref<16384x128xf32, #tpu.memory_space<hbm>> -> memref<32x128xf32, #tpu.memory_space<hbm>>
      %dma_start3A_931 = arith.constant 0 : i32
      %dma_start3A_932 = tpu.memref_slice %arg8[%add3A_754, %dma_start3A_931] : memref<16384x128xf32, #tpu.memory_space<hbm>> -> memref<32x128xf32, #tpu.memory_space<hbm>>
      tpu.enqueue_dma source(%arg14 : memref<32x128xf32, #tpu.memory_space<vmem>>) target(%dma_start3A_932 : memref<32x128xf32, #tpu.memory_space<hbm>>) target_semaphore(%run_scoped3A : memref<!tpu.dma_semaphore, #tpu.memory_space<semaphore_mem>>)
      %dma_wait3A_933 = arith.constant 0 : i32
      %dma_wait3A_934 = tpu.memref_slice %arg8[%add3A_754, %dma_wait3A_933] : memref<16384x128xf32, #tpu.memory_space<hbm>> -> memref<32x128xf32, #tpu.memory_space<hbm>>
      %dma_wait3A_935 = arith.constant 0 : i32
      %dma_wait3A_936 = tpu.memref_slice %arg8[%add3A_754, %dma_wait3A_935] : memref<16384x128xf32, #tpu.memory_space<hbm>> -> memref<32x128xf32, #tpu.memory_space<hbm>>
      tpu.wait_dma2 semaphore(%run_scoped3A : memref<!tpu.dma_semaphore, #tpu.memory_space<semaphore_mem>>) src(%arg14 : memref<32x128xf32, #tpu.memory_space<vmem>>) dst(%dma_wait3A_936 : memref<32x128xf32, #tpu.memory_space<hbm>>)
      tpu.yield
    }) : () -> ()
    "tpu.region"() ({
      %run_scoped3A = tpu.sem_alloc : memref<!tpu.dma_semaphore, #tpu.memory_space<semaphore_mem>>
      %dma_start3A_929 = arith.constant 0 : i32
      %dma_start3A_930 = tpu.memref_slice %arg9[%add3A_754, %dma_start3A_929] : memref<16384x128xf32, #tpu.memory_space<hbm>> -> memref<32x128xf32, #tpu.memory_space<hbm>>
      %dma_start3A_931 = arith.constant 0 : i32
      %dma_start3A_932 = tpu.memref_slice %arg9[%add3A_754, %dma_start3A_931] : memref<16384x128xf32, #tpu.memory_space<hbm>> -> memref<32x128xf32, #tpu.memory_space<hbm>>
      tpu.enqueue_dma source(%arg15 : memref<32x128xf32, #tpu.memory_space<vmem>>) target(%dma_start3A_932 : memref<32x128xf32, #tpu.memory_space<hbm>>) target_semaphore(%run_scoped3A : memref<!tpu.dma_semaphore, #tpu.memory_space<semaphore_mem>>)
      %dma_wait3A_933 = arith.constant 0 : i32
      %dma_wait3A_934 = tpu.memref_slice %arg9[%add3A_754, %dma_wait3A_933] : memref<16384x128xf32, #tpu.memory_space<hbm>> -> memref<32x128xf32, #tpu.memory_space<hbm>>
      %dma_wait3A_935 = arith.constant 0 : i32
      %dma_wait3A_936 = tpu.memref_slice %arg9[%add3A_754, %dma_wait3A_935] : memref<16384x128xf32, #tpu.memory_space<hbm>> -> memref<32x128xf32, #tpu.memory_space<hbm>>
      tpu.wait_dma2 semaphore(%run_scoped3A : memref<!tpu.dma_semaphore, #tpu.memory_space<semaphore_mem>>) src(%arg15 : memref<32x128xf32, #tpu.memory_space<vmem>>) dst(%dma_wait3A_936 : memref<32x128xf32, #tpu.memory_space<hbm>>)
      tpu.yield
    }) : () -> ()
    "tpu.region"() ({
      %run_scoped3A = tpu.sem_alloc : memref<!tpu.dma_semaphore, #tpu.memory_space<semaphore_mem>>
      %dma_start3A_929 = arith.constant 0 : i32
      %dma_start3A_930 = tpu.memref_slice %arg10[%add3A_754, %dma_start3A_929] : memref<16384x128xf32, #tpu.memory_space<hbm>> -> memref<32x128xf32, #tpu.memory_space<hbm>>
      %dma_start3A_931 = arith.constant 0 : i32
      %dma_start3A_932 = tpu.memref_slice %arg10[%add3A_754, %dma_start3A_931] : memref<16384x128xf32, #tpu.memory_space<hbm>> -> memref<32x128xf32, #tpu.memory_space<hbm>>
      tpu.enqueue_dma source(%arg16 : memref<32x128xf32, #tpu.memory_space<vmem>>) target(%dma_start3A_932 : memref<32x128xf32, #tpu.memory_space<hbm>>) target_semaphore(%run_scoped3A : memref<!tpu.dma_semaphore, #tpu.memory_space<semaphore_mem>>)
      %dma_wait3A_933 = arith.constant 0 : i32
      %dma_wait3A_934 = tpu.memref_slice %arg10[%add3A_754, %dma_wait3A_933] : memref<16384x128xf32, #tpu.memory_space<hbm>> -> memref<32x128xf32, #tpu.memory_space<hbm>>
      %dma_wait3A_935 = arith.constant 0 : i32
      %dma_wait3A_936 = tpu.memref_slice %arg10[%add3A_754, %dma_wait3A_935] : memref<16384x128xf32, #tpu.memory_space<hbm>> -> memref<32x128xf32, #tpu.memory_space<hbm>>
      tpu.wait_dma2 semaphore(%run_scoped3A : memref<!tpu.dma_semaphore, #tpu.memory_space<semaphore_mem>>) src(%arg16 : memref<32x128xf32, #tpu.memory_space<vmem>>) dst(%dma_wait3A_936 : memref<32x128xf32, #tpu.memory_space<hbm>>)
      tpu.yield
    }) : () -> ()
    "tpu.region"() ({
      %run_scoped3A = tpu.sem_alloc : memref<!tpu.dma_semaphore, #tpu.memory_space<semaphore_mem>>
      %dma_start3A_929 = arith.constant 0 : i32
      %dma_start3A_930 = tpu.memref_slice %arg11[%add3A_754, %dma_start3A_929] : memref<16384x128xf32, #tpu.memory_space<hbm>> -> memref<32x128xf32, #tpu.memory_space<hbm>>
      %dma_start3A_931 = arith.constant 0 : i32
      %dma_start3A_932 = tpu.memref_slice %arg11[%add3A_754, %dma_start3A_931] : memref<16384x128xf32, #tpu.memory_space<hbm>> -> memref<32x128xf32, #tpu.memory_space<hbm>>
      tpu.enqueue_dma source(%arg17 : memref<32x128xf32, #tpu.memory_space<vmem>>) target(%dma_start3A_932 : memref<32x128xf32, #tpu.memory_space<hbm>>) target_semaphore(%run_scoped3A : memref<!tpu.dma_semaphore, #tpu.memory_space<semaphore_mem>>)
      %dma_wait3A_933 = arith.constant 0 : i32
      %dma_wait3A_934 = tpu.memref_slice %arg11[%add3A_754, %dma_wait3A_933] : memref<16384x128xf32, #tpu.memory_space<hbm>> -> memref<32x128xf32, #tpu.memory_space<hbm>>
      %dma_wait3A_935 = arith.constant 0 : i32
      %dma_wait3A_936 = tpu.memref_slice %arg11[%add3A_754, %dma_wait3A_935] : memref<16384x128xf32, #tpu.memory_space<hbm>> -> memref<32x128xf32, #tpu.memory_space<hbm>>
      tpu.wait_dma2 semaphore(%run_scoped3A : memref<!tpu.dma_semaphore, #tpu.memory_space<semaphore_mem>>) src(%arg17 : memref<32x128xf32, #tpu.memory_space<vmem>>) dst(%dma_wait3A_936 : memref<32x128xf32, #tpu.memory_space<hbm>>)
      tpu.yield
    }) : () -> ()
    %dma_start3A_755 = arith.constant 13 : i32
    %dma_start3A_756 = arith.constant 0 : i32
    %dma_start3A_757 = tpu.memref_slice %arg12[%dma_start3A_755, %dma_start3A_756] : memref<16x32xi32, #tpu.memory_space<vmem>> -> memref<1x32xi32, #tpu.memory_space<vmem>>
    %dma_start3A_758 = tpu.memref_squeeze %dma_start3A_757 : memref<1x32xi32, #tpu.memory_space<vmem>> -> memref<32xi32, #tpu.memory_space<vmem>>
    %dma_start3A_759 = arith.constant 0 : i32
    %dma_start3A_760 = arith.constant 0 : i32
    %dma_start3A_761 = tpu.memref_slice %arg4[%dma_start3A_759, %dma_start3A_760] : memref<250880x128xf32, #tpu.memory_space<hbm>> -> memref<250880x128xf32, #tpu.memory_space<hbm>>
    tpu.enqueue_indirect_dma source(%dma_start3A_761 : memref<250880x128xf32, #tpu.memory_space<hbm>>) target(%arg14 : memref<32x128xf32, #tpu.memory_space<vmem>>) offsets(%dma_start3A_758 : memref<32xi32, #tpu.memory_space<vmem>>) semaphore(%arg18 : memref<!tpu.dma_semaphore, #tpu.memory_space<semaphore_mem>>)
    %dma_start3A_762 = arith.constant 13 : i32
    %dma_start3A_763 = arith.constant 0 : i32
    %dma_start3A_764 = tpu.memref_slice %arg13[%dma_start3A_762, %dma_start3A_763] : memref<16x32xi32, #tpu.memory_space<vmem>> -> memref<1x32xi32, #tpu.memory_space<vmem>>
    %dma_start3A_765 = tpu.memref_squeeze %dma_start3A_764 : memref<1x32xi32, #tpu.memory_space<vmem>> -> memref<32xi32, #tpu.memory_space<vmem>>
    %dma_start3A_766 = arith.constant 0 : i32
    %dma_start3A_767 = arith.constant 0 : i32
    %dma_start3A_768 = tpu.memref_slice %arg5[%dma_start3A_766, %dma_start3A_767] : memref<25600x128xf32, #tpu.memory_space<hbm>> -> memref<25600x128xf32, #tpu.memory_space<hbm>>
    tpu.enqueue_indirect_dma source(%dma_start3A_768 : memref<25600x128xf32, #tpu.memory_space<hbm>>) target(%arg15 : memref<32x128xf32, #tpu.memory_space<vmem>>) offsets(%dma_start3A_765 : memref<32xi32, #tpu.memory_space<vmem>>) semaphore(%arg18 : memref<!tpu.dma_semaphore, #tpu.memory_space<semaphore_mem>>)
    %dma_start3A_769 = arith.constant 13 : i32
    %dma_start3A_770 = arith.constant 0 : i32
    %dma_start3A_771 = tpu.memref_slice %arg12[%dma_start3A_769, %dma_start3A_770] : memref<16x32xi32, #tpu.memory_space<vmem>> -> memref<1x32xi32, #tpu.memory_space<vmem>>
    %dma_start3A_772 = tpu.memref_squeeze %dma_start3A_771 : memref<1x32xi32, #tpu.memory_space<vmem>> -> memref<32xi32, #tpu.memory_space<vmem>>
    %dma_start3A_773 = arith.constant 0 : i32
    %dma_start3A_774 = arith.constant 0 : i32
    %dma_start3A_775 = tpu.memref_slice %arg6[%dma_start3A_773, %dma_start3A_774] : memref<250880x128xf32, #tpu.memory_space<hbm>> -> memref<250880x128xf32, #tpu.memory_space<hbm>>
    tpu.enqueue_indirect_dma source(%dma_start3A_775 : memref<250880x128xf32, #tpu.memory_space<hbm>>) target(%arg16 : memref<32x128xf32, #tpu.memory_space<vmem>>) offsets(%dma_start3A_772 : memref<32xi32, #tpu.memory_space<vmem>>) semaphore(%arg18 : memref<!tpu.dma_semaphore, #tpu.memory_space<semaphore_mem>>)
    %dma_start3A_776 = arith.constant 13 : i32
    %dma_start3A_777 = arith.constant 0 : i32
    %dma_start3A_778 = tpu.memref_slice %arg13[%dma_start3A_776, %dma_start3A_777] : memref<16x32xi32, #tpu.memory_space<vmem>> -> memref<1x32xi32, #tpu.memory_space<vmem>>
    %dma_start3A_779 = tpu.memref_squeeze %dma_start3A_778 : memref<1x32xi32, #tpu.memory_space<vmem>> -> memref<32xi32, #tpu.memory_space<vmem>>
    %dma_start3A_780 = arith.constant 0 : i32
    %dma_start3A_781 = arith.constant 0 : i32
    %dma_start3A_782 = tpu.memref_slice %arg7[%dma_start3A_780, %dma_start3A_781] : memref<25600x128xf32, #tpu.memory_space<hbm>> -> memref<25600x128xf32, #tpu.memory_space<hbm>>
    tpu.enqueue_indirect_dma source(%dma_start3A_782 : memref<25600x128xf32, #tpu.memory_space<hbm>>) target(%arg17 : memref<32x128xf32, #tpu.memory_space<vmem>>) offsets(%dma_start3A_779 : memref<32xi32, #tpu.memory_space<vmem>>) semaphore(%arg18 : memref<!tpu.dma_semaphore, #tpu.memory_space<semaphore_mem>>)
    %dma_wait3A_783 = arith.constant 13 : i32
    %dma_wait3A_784 = arith.constant 0 : i32
    %dma_wait3A_785 = tpu.memref_slice %arg12[%dma_wait3A_783, %dma_wait3A_784] : memref<16x32xi32, #tpu.memory_space<vmem>> -> memref<1x32xi32, #tpu.memory_space<vmem>>
    %dma_wait3A_786 = tpu.memref_squeeze %dma_wait3A_785 : memref<1x32xi32, #tpu.memory_space<vmem>> -> memref<32xi32, #tpu.memory_space<vmem>>
    %dma_wait3A_787 = arith.constant 0 : i32
    %dma_wait3A_788 = arith.constant 0 : i32
    %dma_wait3A_789 = tpu.memref_slice %arg4[%dma_wait3A_787, %dma_wait3A_788] : memref<250880x128xf32, #tpu.memory_space<hbm>> -> memref<250880x128xf32, #tpu.memory_space<hbm>>
    tpu.wait_indirect_dma semaphore(%arg18 : memref<!tpu.dma_semaphore, #tpu.memory_space<semaphore_mem>>) src(%dma_wait3A_789 : memref<250880x128xf32, #tpu.memory_space<hbm>>) dst(%arg14 : memref<32x128xf32, #tpu.memory_space<vmem>>)
    %dma_wait3A_790 = arith.constant 13 : i32
    %dma_wait3A_791 = arith.constant 0 : i32
    %dma_wait3A_792 = tpu.memref_slice %arg13[%dma_wait3A_790, %dma_wait3A_791] : memref<16x32xi32, #tpu.memory_space<vmem>> -> memref<1x32xi32, #tpu.memory_space<vmem>>
    %dma_wait3A_793 = tpu.memref_squeeze %dma_wait3A_792 : memref<1x32xi32, #tpu.memory_space<vmem>> -> memref<32xi32, #tpu.memory_space<vmem>>
    %dma_wait3A_794 = arith.constant 0 : i32
    %dma_wait3A_795 = arith.constant 0 : i32
    %dma_wait3A_796 = tpu.memref_slice %arg5[%dma_wait3A_794, %dma_wait3A_795] : memref<25600x128xf32, #tpu.memory_space<hbm>> -> memref<25600x128xf32, #tpu.memory_space<hbm>>
    tpu.wait_indirect_dma semaphore(%arg18 : memref<!tpu.dma_semaphore, #tpu.memory_space<semaphore_mem>>) src(%dma_wait3A_796 : memref<25600x128xf32, #tpu.memory_space<hbm>>) dst(%arg15 : memref<32x128xf32, #tpu.memory_space<vmem>>)
    %dma_wait3A_797 = arith.constant 13 : i32
    %dma_wait3A_798 = arith.constant 0 : i32
    %dma_wait3A_799 = tpu.memref_slice %arg12[%dma_wait3A_797, %dma_wait3A_798] : memref<16x32xi32, #tpu.memory_space<vmem>> -> memref<1x32xi32, #tpu.memory_space<vmem>>
    %dma_wait3A_800 = tpu.memref_squeeze %dma_wait3A_799 : memref<1x32xi32, #tpu.memory_space<vmem>> -> memref<32xi32, #tpu.memory_space<vmem>>
    %dma_wait3A_801 = arith.constant 0 : i32
    %dma_wait3A_802 = arith.constant 0 : i32
    %dma_wait3A_803 = tpu.memref_slice %arg6[%dma_wait3A_801, %dma_wait3A_802] : memref<250880x128xf32, #tpu.memory_space<hbm>> -> memref<250880x128xf32, #tpu.memory_space<hbm>>
    tpu.wait_indirect_dma semaphore(%arg18 : memref<!tpu.dma_semaphore, #tpu.memory_space<semaphore_mem>>) src(%dma_wait3A_803 : memref<250880x128xf32, #tpu.memory_space<hbm>>) dst(%arg16 : memref<32x128xf32, #tpu.memory_space<vmem>>)
    %dma_wait3A_804 = arith.constant 13 : i32
    %dma_wait3A_805 = arith.constant 0 : i32
    %dma_wait3A_806 = tpu.memref_slice %arg13[%dma_wait3A_804, %dma_wait3A_805] : memref<16x32xi32, #tpu.memory_space<vmem>> -> memref<1x32xi32, #tpu.memory_space<vmem>>
    %dma_wait3A_807 = tpu.memref_squeeze %dma_wait3A_806 : memref<1x32xi32, #tpu.memory_space<vmem>> -> memref<32xi32, #tpu.memory_space<vmem>>
    %dma_wait3A_808 = arith.constant 0 : i32
    %dma_wait3A_809 = arith.constant 0 : i32
    %dma_wait3A_810 = tpu.memref_slice %arg7[%dma_wait3A_808, %dma_wait3A_809] : memref<25600x128xf32, #tpu.memory_space<hbm>> -> memref<25600x128xf32, #tpu.memory_space<hbm>>
    tpu.wait_indirect_dma semaphore(%arg18 : memref<!tpu.dma_semaphore, #tpu.memory_space<semaphore_mem>>) src(%dma_wait3A_810 : memref<25600x128xf32, #tpu.memory_space<hbm>>) dst(%arg17 : memref<32x128xf32, #tpu.memory_space<vmem>>)
    %add3A_811 = arith.constant 416 : i32
    %add3A_812 = arith.addi %mul3A_2, %add3A_811 : i32
    "tpu.region"() ({
      %run_scoped3A = tpu.sem_alloc : memref<!tpu.dma_semaphore, #tpu.memory_space<semaphore_mem>>
      %dma_start3A_929 = arith.constant 0 : i32
      %dma_start3A_930 = tpu.memref_slice %arg8[%add3A_812, %dma_start3A_929] : memref<16384x128xf32, #tpu.memory_space<hbm>> -> memref<32x128xf32, #tpu.memory_space<hbm>>
      %dma_start3A_931 = arith.constant 0 : i32
      %dma_start3A_932 = tpu.memref_slice %arg8[%add3A_812, %dma_start3A_931] : memref<16384x128xf32, #tpu.memory_space<hbm>> -> memref<32x128xf32, #tpu.memory_space<hbm>>
      tpu.enqueue_dma source(%arg14 : memref<32x128xf32, #tpu.memory_space<vmem>>) target(%dma_start3A_932 : memref<32x128xf32, #tpu.memory_space<hbm>>) target_semaphore(%run_scoped3A : memref<!tpu.dma_semaphore, #tpu.memory_space<semaphore_mem>>)
      %dma_wait3A_933 = arith.constant 0 : i32
      %dma_wait3A_934 = tpu.memref_slice %arg8[%add3A_812, %dma_wait3A_933] : memref<16384x128xf32, #tpu.memory_space<hbm>> -> memref<32x128xf32, #tpu.memory_space<hbm>>
      %dma_wait3A_935 = arith.constant 0 : i32
      %dma_wait3A_936 = tpu.memref_slice %arg8[%add3A_812, %dma_wait3A_935] : memref<16384x128xf32, #tpu.memory_space<hbm>> -> memref<32x128xf32, #tpu.memory_space<hbm>>
      tpu.wait_dma2 semaphore(%run_scoped3A : memref<!tpu.dma_semaphore, #tpu.memory_space<semaphore_mem>>) src(%arg14 : memref<32x128xf32, #tpu.memory_space<vmem>>) dst(%dma_wait3A_936 : memref<32x128xf32, #tpu.memory_space<hbm>>)
      tpu.yield
    }) : () -> ()
    "tpu.region"() ({
      %run_scoped3A = tpu.sem_alloc : memref<!tpu.dma_semaphore, #tpu.memory_space<semaphore_mem>>
      %dma_start3A_929 = arith.constant 0 : i32
      %dma_start3A_930 = tpu.memref_slice %arg9[%add3A_812, %dma_start3A_929] : memref<16384x128xf32, #tpu.memory_space<hbm>> -> memref<32x128xf32, #tpu.memory_space<hbm>>
      %dma_start3A_931 = arith.constant 0 : i32
      %dma_start3A_932 = tpu.memref_slice %arg9[%add3A_812, %dma_start3A_931] : memref<16384x128xf32, #tpu.memory_space<hbm>> -> memref<32x128xf32, #tpu.memory_space<hbm>>
      tpu.enqueue_dma source(%arg15 : memref<32x128xf32, #tpu.memory_space<vmem>>) target(%dma_start3A_932 : memref<32x128xf32, #tpu.memory_space<hbm>>) target_semaphore(%run_scoped3A : memref<!tpu.dma_semaphore, #tpu.memory_space<semaphore_mem>>)
      %dma_wait3A_933 = arith.constant 0 : i32
      %dma_wait3A_934 = tpu.memref_slice %arg9[%add3A_812, %dma_wait3A_933] : memref<16384x128xf32, #tpu.memory_space<hbm>> -> memref<32x128xf32, #tpu.memory_space<hbm>>
      %dma_wait3A_935 = arith.constant 0 : i32
      %dma_wait3A_936 = tpu.memref_slice %arg9[%add3A_812, %dma_wait3A_935] : memref<16384x128xf32, #tpu.memory_space<hbm>> -> memref<32x128xf32, #tpu.memory_space<hbm>>
      tpu.wait_dma2 semaphore(%run_scoped3A : memref<!tpu.dma_semaphore, #tpu.memory_space<semaphore_mem>>) src(%arg15 : memref<32x128xf32, #tpu.memory_space<vmem>>) dst(%dma_wait3A_936 : memref<32x128xf32, #tpu.memory_space<hbm>>)
      tpu.yield
    }) : () -> ()
    "tpu.region"() ({
      %run_scoped3A = tpu.sem_alloc : memref<!tpu.dma_semaphore, #tpu.memory_space<semaphore_mem>>
      %dma_start3A_929 = arith.constant 0 : i32
      %dma_start3A_930 = tpu.memref_slice %arg10[%add3A_812, %dma_start3A_929] : memref<16384x128xf32, #tpu.memory_space<hbm>> -> memref<32x128xf32, #tpu.memory_space<hbm>>
      %dma_start3A_931 = arith.constant 0 : i32
      %dma_start3A_932 = tpu.memref_slice %arg10[%add3A_812, %dma_start3A_931] : memref<16384x128xf32, #tpu.memory_space<hbm>> -> memref<32x128xf32, #tpu.memory_space<hbm>>
      tpu.enqueue_dma source(%arg16 : memref<32x128xf32, #tpu.memory_space<vmem>>) target(%dma_start3A_932 : memref<32x128xf32, #tpu.memory_space<hbm>>) target_semaphore(%run_scoped3A : memref<!tpu.dma_semaphore, #tpu.memory_space<semaphore_mem>>)
      %dma_wait3A_933 = arith.constant 0 : i32
      %dma_wait3A_934 = tpu.memref_slice %arg10[%add3A_812, %dma_wait3A_933] : memref<16384x128xf32, #tpu.memory_space<hbm>> -> memref<32x128xf32, #tpu.memory_space<hbm>>
      %dma_wait3A_935 = arith.constant 0 : i32
      %dma_wait3A_936 = tpu.memref_slice %arg10[%add3A_812, %dma_wait3A_935] : memref<16384x128xf32, #tpu.memory_space<hbm>> -> memref<32x128xf32, #tpu.memory_space<hbm>>
      tpu.wait_dma2 semaphore(%run_scoped3A : memref<!tpu.dma_semaphore, #tpu.memory_space<semaphore_mem>>) src(%arg16 : memref<32x128xf32, #tpu.memory_space<vmem>>) dst(%dma_wait3A_936 : memref<32x128xf32, #tpu.memory_space<hbm>>)
      tpu.yield
    }) : () -> ()
    "tpu.region"() ({
      %run_scoped3A = tpu.sem_alloc : memref<!tpu.dma_semaphore, #tpu.memory_space<semaphore_mem>>
      %dma_start3A_929 = arith.constant 0 : i32
      %dma_start3A_930 = tpu.memref_slice %arg11[%add3A_812, %dma_start3A_929] : memref<16384x128xf32, #tpu.memory_space<hbm>> -> memref<32x128xf32, #tpu.memory_space<hbm>>
      %dma_start3A_931 = arith.constant 0 : i32
      %dma_start3A_932 = tpu.memref_slice %arg11[%add3A_812, %dma_start3A_931] : memref<16384x128xf32, #tpu.memory_space<hbm>> -> memref<32x128xf32, #tpu.memory_space<hbm>>
      tpu.enqueue_dma source(%arg17 : memref<32x128xf32, #tpu.memory_space<vmem>>) target(%dma_start3A_932 : memref<32x128xf32, #tpu.memory_space<hbm>>) target_semaphore(%run_scoped3A : memref<!tpu.dma_semaphore, #tpu.memory_space<semaphore_mem>>)
      %dma_wait3A_933 = arith.constant 0 : i32
      %dma_wait3A_934 = tpu.memref_slice %arg11[%add3A_812, %dma_wait3A_933] : memref<16384x128xf32, #tpu.memory_space<hbm>> -> memref<32x128xf32, #tpu.memory_space<hbm>>
      %dma_wait3A_935 = arith.constant 0 : i32
      %dma_wait3A_936 = tpu.memref_slice %arg11[%add3A_812, %dma_wait3A_935] : memref<16384x128xf32, #tpu.memory_space<hbm>> -> memref<32x128xf32, #tpu.memory_space<hbm>>
      tpu.wait_dma2 semaphore(%run_scoped3A : memref<!tpu.dma_semaphore, #tpu.memory_space<semaphore_mem>>) src(%arg17 : memref<32x128xf32, #tpu.memory_space<vmem>>) dst(%dma_wait3A_936 : memref<32x128xf32, #tpu.memory_space<hbm>>)
      tpu.yield
    }) : () -> ()
    %dma_start3A_813 = arith.constant 14 : i32
    %dma_start3A_814 = arith.constant 0 : i32
    %dma_start3A_815 = tpu.memref_slice %arg12[%dma_start3A_813, %dma_start3A_814] : memref<16x32xi32, #tpu.memory_space<vmem>> -> memref<1x32xi32, #tpu.memory_space<vmem>>
    %dma_start3A_816 = tpu.memref_squeeze %dma_start3A_815 : memref<1x32xi32, #tpu.memory_space<vmem>> -> memref<32xi32, #tpu.memory_space<vmem>>
    %dma_start3A_817 = arith.constant 0 : i32
    %dma_start3A_818 = arith.constant 0 : i32
    %dma_start3A_819 = tpu.memref_slice %arg4[%dma_start3A_817, %dma_start3A_818] : memref<250880x128xf32, #tpu.memory_space<hbm>> -> memref<250880x128xf32, #tpu.memory_space<hbm>>
    tpu.enqueue_indirect_dma source(%dma_start3A_819 : memref<250880x128xf32, #tpu.memory_space<hbm>>) target(%arg14 : memref<32x128xf32, #tpu.memory_space<vmem>>) offsets(%dma_start3A_816 : memref<32xi32, #tpu.memory_space<vmem>>) semaphore(%arg18 : memref<!tpu.dma_semaphore, #tpu.memory_space<semaphore_mem>>)
    %dma_start3A_820 = arith.constant 14 : i32
    %dma_start3A_821 = arith.constant 0 : i32
    %dma_start3A_822 = tpu.memref_slice %arg13[%dma_start3A_820, %dma_start3A_821] : memref<16x32xi32, #tpu.memory_space<vmem>> -> memref<1x32xi32, #tpu.memory_space<vmem>>
    %dma_start3A_823 = tpu.memref_squeeze %dma_start3A_822 : memref<1x32xi32, #tpu.memory_space<vmem>> -> memref<32xi32, #tpu.memory_space<vmem>>
    %dma_start3A_824 = arith.constant 0 : i32
    %dma_start3A_825 = arith.constant 0 : i32
    %dma_start3A_826 = tpu.memref_slice %arg5[%dma_start3A_824, %dma_start3A_825] : memref<25600x128xf32, #tpu.memory_space<hbm>> -> memref<25600x128xf32, #tpu.memory_space<hbm>>
    tpu.enqueue_indirect_dma source(%dma_start3A_826 : memref<25600x128xf32, #tpu.memory_space<hbm>>) target(%arg15 : memref<32x128xf32, #tpu.memory_space<vmem>>) offsets(%dma_start3A_823 : memref<32xi32, #tpu.memory_space<vmem>>) semaphore(%arg18 : memref<!tpu.dma_semaphore, #tpu.memory_space<semaphore_mem>>)
    %dma_start3A_827 = arith.constant 14 : i32
    %dma_start3A_828 = arith.constant 0 : i32
    %dma_start3A_829 = tpu.memref_slice %arg12[%dma_start3A_827, %dma_start3A_828] : memref<16x32xi32, #tpu.memory_space<vmem>> -> memref<1x32xi32, #tpu.memory_space<vmem>>
    %dma_start3A_830 = tpu.memref_squeeze %dma_start3A_829 : memref<1x32xi32, #tpu.memory_space<vmem>> -> memref<32xi32, #tpu.memory_space<vmem>>
    %dma_start3A_831 = arith.constant 0 : i32
    %dma_start3A_832 = arith.constant 0 : i32
    %dma_start3A_833 = tpu.memref_slice %arg6[%dma_start3A_831, %dma_start3A_832] : memref<250880x128xf32, #tpu.memory_space<hbm>> -> memref<250880x128xf32, #tpu.memory_space<hbm>>
    tpu.enqueue_indirect_dma source(%dma_start3A_833 : memref<250880x128xf32, #tpu.memory_space<hbm>>) target(%arg16 : memref<32x128xf32, #tpu.memory_space<vmem>>) offsets(%dma_start3A_830 : memref<32xi32, #tpu.memory_space<vmem>>) semaphore(%arg18 : memref<!tpu.dma_semaphore, #tpu.memory_space<semaphore_mem>>)
    %dma_start3A_834 = arith.constant 14 : i32
    %dma_start3A_835 = arith.constant 0 : i32
    %dma_start3A_836 = tpu.memref_slice %arg13[%dma_start3A_834, %dma_start3A_835] : memref<16x32xi32, #tpu.memory_space<vmem>> -> memref<1x32xi32, #tpu.memory_space<vmem>>
    %dma_start3A_837 = tpu.memref_squeeze %dma_start3A_836 : memref<1x32xi32, #tpu.memory_space<vmem>> -> memref<32xi32, #tpu.memory_space<vmem>>
    %dma_start3A_838 = arith.constant 0 : i32
    %dma_start3A_839 = arith.constant 0 : i32
    %dma_start3A_840 = tpu.memref_slice %arg7[%dma_start3A_838, %dma_start3A_839] : memref<25600x128xf32, #tpu.memory_space<hbm>> -> memref<25600x128xf32, #tpu.memory_space<hbm>>
    tpu.enqueue_indirect_dma source(%dma_start3A_840 : memref<25600x128xf32, #tpu.memory_space<hbm>>) target(%arg17 : memref<32x128xf32, #tpu.memory_space<vmem>>) offsets(%dma_start3A_837 : memref<32xi32, #tpu.memory_space<vmem>>) semaphore(%arg18 : memref<!tpu.dma_semaphore, #tpu.memory_space<semaphore_mem>>)
    %dma_wait3A_841 = arith.constant 14 : i32
    %dma_wait3A_842 = arith.constant 0 : i32
    %dma_wait3A_843 = tpu.memref_slice %arg12[%dma_wait3A_841, %dma_wait3A_842] : memref<16x32xi32, #tpu.memory_space<vmem>> -> memref<1x32xi32, #tpu.memory_space<vmem>>
    %dma_wait3A_844 = tpu.memref_squeeze %dma_wait3A_843 : memref<1x32xi32, #tpu.memory_space<vmem>> -> memref<32xi32, #tpu.memory_space<vmem>>
    %dma_wait3A_845 = arith.constant 0 : i32
    %dma_wait3A_846 = arith.constant 0 : i32
    %dma_wait3A_847 = tpu.memref_slice %arg4[%dma_wait3A_845, %dma_wait3A_846] : memref<250880x128xf32, #tpu.memory_space<hbm>> -> memref<250880x128xf32, #tpu.memory_space<hbm>>
    tpu.wait_indirect_dma semaphore(%arg18 : memref<!tpu.dma_semaphore, #tpu.memory_space<semaphore_mem>>) src(%dma_wait3A_847 : memref<250880x128xf32, #tpu.memory_space<hbm>>) dst(%arg14 : memref<32x128xf32, #tpu.memory_space<vmem>>)
    %dma_wait3A_848 = arith.constant 14 : i32
    %dma_wait3A_849 = arith.constant 0 : i32
    %dma_wait3A_850 = tpu.memref_slice %arg13[%dma_wait3A_848, %dma_wait3A_849] : memref<16x32xi32, #tpu.memory_space<vmem>> -> memref<1x32xi32, #tpu.memory_space<vmem>>
    %dma_wait3A_851 = tpu.memref_squeeze %dma_wait3A_850 : memref<1x32xi32, #tpu.memory_space<vmem>> -> memref<32xi32, #tpu.memory_space<vmem>>
    %dma_wait3A_852 = arith.constant 0 : i32
    %dma_wait3A_853 = arith.constant 0 : i32
    %dma_wait3A_854 = tpu.memref_slice %arg5[%dma_wait3A_852, %dma_wait3A_853] : memref<25600x128xf32, #tpu.memory_space<hbm>> -> memref<25600x128xf32, #tpu.memory_space<hbm>>
    tpu.wait_indirect_dma semaphore(%arg18 : memref<!tpu.dma_semaphore, #tpu.memory_space<semaphore_mem>>) src(%dma_wait3A_854 : memref<25600x128xf32, #tpu.memory_space<hbm>>) dst(%arg15 : memref<32x128xf32, #tpu.memory_space<vmem>>)
    %dma_wait3A_855 = arith.constant 14 : i32
    %dma_wait3A_856 = arith.constant 0 : i32
    %dma_wait3A_857 = tpu.memref_slice %arg12[%dma_wait3A_855, %dma_wait3A_856] : memref<16x32xi32, #tpu.memory_space<vmem>> -> memref<1x32xi32, #tpu.memory_space<vmem>>
    %dma_wait3A_858 = tpu.memref_squeeze %dma_wait3A_857 : memref<1x32xi32, #tpu.memory_space<vmem>> -> memref<32xi32, #tpu.memory_space<vmem>>
    %dma_wait3A_859 = arith.constant 0 : i32
    %dma_wait3A_860 = arith.constant 0 : i32
    %dma_wait3A_861 = tpu.memref_slice %arg6[%dma_wait3A_859, %dma_wait3A_860] : memref<250880x128xf32, #tpu.memory_space<hbm>> -> memref<250880x128xf32, #tpu.memory_space<hbm>>
    tpu.wait_indirect_dma semaphore(%arg18 : memref<!tpu.dma_semaphore, #tpu.memory_space<semaphore_mem>>) src(%dma_wait3A_861 : memref<250880x128xf32, #tpu.memory_space<hbm>>) dst(%arg16 : memref<32x128xf32, #tpu.memory_space<vmem>>)
    %dma_wait3A_862 = arith.constant 14 : i32
    %dma_wait3A_863 = arith.constant 0 : i32
    %dma_wait3A_864 = tpu.memref_slice %arg13[%dma_wait3A_862, %dma_wait3A_863] : memref<16x32xi32, #tpu.memory_space<vmem>> -> memref<1x32xi32, #tpu.memory_space<vmem>>
    %dma_wait3A_865 = tpu.memref_squeeze %dma_wait3A_864 : memref<1x32xi32, #tpu.memory_space<vmem>> -> memref<32xi32, #tpu.memory_space<vmem>>
    %dma_wait3A_866 = arith.constant 0 : i32
    %dma_wait3A_867 = arith.constant 0 : i32
    %dma_wait3A_868 = tpu.memref_slice %arg7[%dma_wait3A_866, %dma_wait3A_867] : memref<25600x128xf32, #tpu.memory_space<hbm>> -> memref<25600x128xf32, #tpu.memory_space<hbm>>
    tpu.wait_indirect_dma semaphore(%arg18 : memref<!tpu.dma_semaphore, #tpu.memory_space<semaphore_mem>>) src(%dma_wait3A_868 : memref<25600x128xf32, #tpu.memory_space<hbm>>) dst(%arg17 : memref<32x128xf32, #tpu.memory_space<vmem>>)
    %add3A_869 = arith.constant 448 : i32
    %add3A_870 = arith.addi %mul3A_2, %add3A_869 : i32
    "tpu.region"() ({
      %run_scoped3A = tpu.sem_alloc : memref<!tpu.dma_semaphore, #tpu.memory_space<semaphore_mem>>
      %dma_start3A_929 = arith.constant 0 : i32
      %dma_start3A_930 = tpu.memref_slice %arg8[%add3A_870, %dma_start3A_929] : memref<16384x128xf32, #tpu.memory_space<hbm>> -> memref<32x128xf32, #tpu.memory_space<hbm>>
      %dma_start3A_931 = arith.constant 0 : i32
      %dma_start3A_932 = tpu.memref_slice %arg8[%add3A_870, %dma_start3A_931] : memref<16384x128xf32, #tpu.memory_space<hbm>> -> memref<32x128xf32, #tpu.memory_space<hbm>>
      tpu.enqueue_dma source(%arg14 : memref<32x128xf32, #tpu.memory_space<vmem>>) target(%dma_start3A_932 : memref<32x128xf32, #tpu.memory_space<hbm>>) target_semaphore(%run_scoped3A : memref<!tpu.dma_semaphore, #tpu.memory_space<semaphore_mem>>)
      %dma_wait3A_933 = arith.constant 0 : i32
      %dma_wait3A_934 = tpu.memref_slice %arg8[%add3A_870, %dma_wait3A_933] : memref<16384x128xf32, #tpu.memory_space<hbm>> -> memref<32x128xf32, #tpu.memory_space<hbm>>
      %dma_wait3A_935 = arith.constant 0 : i32
      %dma_wait3A_936 = tpu.memref_slice %arg8[%add3A_870, %dma_wait3A_935] : memref<16384x128xf32, #tpu.memory_space<hbm>> -> memref<32x128xf32, #tpu.memory_space<hbm>>
      tpu.wait_dma2 semaphore(%run_scoped3A : memref<!tpu.dma_semaphore, #tpu.memory_space<semaphore_mem>>) src(%arg14 : memref<32x128xf32, #tpu.memory_space<vmem>>) dst(%dma_wait3A_936 : memref<32x128xf32, #tpu.memory_space<hbm>>)
      tpu.yield
    }) : () -> ()
    "tpu.region"() ({
      %run_scoped3A = tpu.sem_alloc : memref<!tpu.dma_semaphore, #tpu.memory_space<semaphore_mem>>
      %dma_start3A_929 = arith.constant 0 : i32
      %dma_start3A_930 = tpu.memref_slice %arg9[%add3A_870, %dma_start3A_929] : memref<16384x128xf32, #tpu.memory_space<hbm>> -> memref<32x128xf32, #tpu.memory_space<hbm>>
      %dma_start3A_931 = arith.constant 0 : i32
      %dma_start3A_932 = tpu.memref_slice %arg9[%add3A_870, %dma_start3A_931] : memref<16384x128xf32, #tpu.memory_space<hbm>> -> memref<32x128xf32, #tpu.memory_space<hbm>>
      tpu.enqueue_dma source(%arg15 : memref<32x128xf32, #tpu.memory_space<vmem>>) target(%dma_start3A_932 : memref<32x128xf32, #tpu.memory_space<hbm>>) target_semaphore(%run_scoped3A : memref<!tpu.dma_semaphore, #tpu.memory_space<semaphore_mem>>)
      %dma_wait3A_933 = arith.constant 0 : i32
      %dma_wait3A_934 = tpu.memref_slice %arg9[%add3A_870, %dma_wait3A_933] : memref<16384x128xf32, #tpu.memory_space<hbm>> -> memref<32x128xf32, #tpu.memory_space<hbm>>
      %dma_wait3A_935 = arith.constant 0 : i32
      %dma_wait3A_936 = tpu.memref_slice %arg9[%add3A_870, %dma_wait3A_935] : memref<16384x128xf32, #tpu.memory_space<hbm>> -> memref<32x128xf32, #tpu.memory_space<hbm>>
      tpu.wait_dma2 semaphore(%run_scoped3A : memref<!tpu.dma_semaphore, #tpu.memory_space<semaphore_mem>>) src(%arg15 : memref<32x128xf32, #tpu.memory_space<vmem>>) dst(%dma_wait3A_936 : memref<32x128xf32, #tpu.memory_space<hbm>>)
      tpu.yield
    }) : () -> ()
    "tpu.region"() ({
      %run_scoped3A = tpu.sem_alloc : memref<!tpu.dma_semaphore, #tpu.memory_space<semaphore_mem>>
      %dma_start3A_929 = arith.constant 0 : i32
      %dma_start3A_930 = tpu.memref_slice %arg10[%add3A_870, %dma_start3A_929] : memref<16384x128xf32, #tpu.memory_space<hbm>> -> memref<32x128xf32, #tpu.memory_space<hbm>>
      %dma_start3A_931 = arith.constant 0 : i32
      %dma_start3A_932 = tpu.memref_slice %arg10[%add3A_870, %dma_start3A_931] : memref<16384x128xf32, #tpu.memory_space<hbm>> -> memref<32x128xf32, #tpu.memory_space<hbm>>
      tpu.enqueue_dma source(%arg16 : memref<32x128xf32, #tpu.memory_space<vmem>>) target(%dma_start3A_932 : memref<32x128xf32, #tpu.memory_space<hbm>>) target_semaphore(%run_scoped3A : memref<!tpu.dma_semaphore, #tpu.memory_space<semaphore_mem>>)
      %dma_wait3A_933 = arith.constant 0 : i32
      %dma_wait3A_934 = tpu.memref_slice %arg10[%add3A_870, %dma_wait3A_933] : memref<16384x128xf32, #tpu.memory_space<hbm>> -> memref<32x128xf32, #tpu.memory_space<hbm>>
      %dma_wait3A_935 = arith.constant 0 : i32
      %dma_wait3A_936 = tpu.memref_slice %arg10[%add3A_870, %dma_wait3A_935] : memref<16384x128xf32, #tpu.memory_space<hbm>> -> memref<32x128xf32, #tpu.memory_space<hbm>>
      tpu.wait_dma2 semaphore(%run_scoped3A : memref<!tpu.dma_semaphore, #tpu.memory_space<semaphore_mem>>) src(%arg16 : memref<32x128xf32, #tpu.memory_space<vmem>>) dst(%dma_wait3A_936 : memref<32x128xf32, #tpu.memory_space<hbm>>)
      tpu.yield
    }) : () -> ()
    "tpu.region"() ({
      %run_scoped3A = tpu.sem_alloc : memref<!tpu.dma_semaphore, #tpu.memory_space<semaphore_mem>>
      %dma_start3A_929 = arith.constant 0 : i32
      %dma_start3A_930 = tpu.memref_slice %arg11[%add3A_870, %dma_start3A_929] : memref<16384x128xf32, #tpu.memory_space<hbm>> -> memref<32x128xf32, #tpu.memory_space<hbm>>
      %dma_start3A_931 = arith.constant 0 : i32
      %dma_start3A_932 = tpu.memref_slice %arg11[%add3A_870, %dma_start3A_931] : memref<16384x128xf32, #tpu.memory_space<hbm>> -> memref<32x128xf32, #tpu.memory_space<hbm>>
      tpu.enqueue_dma source(%arg17 : memref<32x128xf32, #tpu.memory_space<vmem>>) target(%dma_start3A_932 : memref<32x128xf32, #tpu.memory_space<hbm>>) target_semaphore(%run_scoped3A : memref<!tpu.dma_semaphore, #tpu.memory_space<semaphore_mem>>)
      %dma_wait3A_933 = arith.constant 0 : i32
      %dma_wait3A_934 = tpu.memref_slice %arg11[%add3A_870, %dma_wait3A_933] : memref<16384x128xf32, #tpu.memory_space<hbm>> -> memref<32x128xf32, #tpu.memory_space<hbm>>
      %dma_wait3A_935 = arith.constant 0 : i32
      %dma_wait3A_936 = tpu.memref_slice %arg11[%add3A_870, %dma_wait3A_935] : memref<16384x128xf32, #tpu.memory_space<hbm>> -> memref<32x128xf32, #tpu.memory_space<hbm>>
      tpu.wait_dma2 semaphore(%run_scoped3A : memref<!tpu.dma_semaphore, #tpu.memory_space<semaphore_mem>>) src(%arg17 : memref<32x128xf32, #tpu.memory_space<vmem>>) dst(%dma_wait3A_936 : memref<32x128xf32, #tpu.memory_space<hbm>>)
      tpu.yield
    }) : () -> ()
    %dma_start3A_871 = arith.constant 15 : i32
    %dma_start3A_872 = arith.constant 0 : i32
    %dma_start3A_873 = tpu.memref_slice %arg12[%dma_start3A_871, %dma_start3A_872] : memref<16x32xi32, #tpu.memory_space<vmem>> -> memref<1x32xi32, #tpu.memory_space<vmem>>
    %dma_start3A_874 = tpu.memref_squeeze %dma_start3A_873 : memref<1x32xi32, #tpu.memory_space<vmem>> -> memref<32xi32, #tpu.memory_space<vmem>>
    %dma_start3A_875 = arith.constant 0 : i32
    %dma_start3A_876 = arith.constant 0 : i32
    %dma_start3A_877 = tpu.memref_slice %arg4[%dma_start3A_875, %dma_start3A_876] : memref<250880x128xf32, #tpu.memory_space<hbm>> -> memref<250880x128xf32, #tpu.memory_space<hbm>>
    tpu.enqueue_indirect_dma source(%dma_start3A_877 : memref<250880x128xf32, #tpu.memory_space<hbm>>) target(%arg14 : memref<32x128xf32, #tpu.memory_space<vmem>>) offsets(%dma_start3A_874 : memref<32xi32, #tpu.memory_space<vmem>>) semaphore(%arg18 : memref<!tpu.dma_semaphore, #tpu.memory_space<semaphore_mem>>)
    %dma_start3A_878 = arith.constant 15 : i32
    %dma_start3A_879 = arith.constant 0 : i32
    %dma_start3A_880 = tpu.memref_slice %arg13[%dma_start3A_878, %dma_start3A_879] : memref<16x32xi32, #tpu.memory_space<vmem>> -> memref<1x32xi32, #tpu.memory_space<vmem>>
    %dma_start3A_881 = tpu.memref_squeeze %dma_start3A_880 : memref<1x32xi32, #tpu.memory_space<vmem>> -> memref<32xi32, #tpu.memory_space<vmem>>
    %dma_start3A_882 = arith.constant 0 : i32
    %dma_start3A_883 = arith.constant 0 : i32
    %dma_start3A_884 = tpu.memref_slice %arg5[%dma_start3A_882, %dma_start3A_883] : memref<25600x128xf32, #tpu.memory_space<hbm>> -> memref<25600x128xf32, #tpu.memory_space<hbm>>
    tpu.enqueue_indirect_dma source(%dma_start3A_884 : memref<25600x128xf32, #tpu.memory_space<hbm>>) target(%arg15 : memref<32x128xf32, #tpu.memory_space<vmem>>) offsets(%dma_start3A_881 : memref<32xi32, #tpu.memory_space<vmem>>) semaphore(%arg18 : memref<!tpu.dma_semaphore, #tpu.memory_space<semaphore_mem>>)
    %dma_start3A_885 = arith.constant 15 : i32
    %dma_start3A_886 = arith.constant 0 : i32
    %dma_start3A_887 = tpu.memref_slice %arg12[%dma_start3A_885, %dma_start3A_886] : memref<16x32xi32, #tpu.memory_space<vmem>> -> memref<1x32xi32, #tpu.memory_space<vmem>>
    %dma_start3A_888 = tpu.memref_squeeze %dma_start3A_887 : memref<1x32xi32, #tpu.memory_space<vmem>> -> memref<32xi32, #tpu.memory_space<vmem>>
    %dma_start3A_889 = arith.constant 0 : i32
    %dma_start3A_890 = arith.constant 0 : i32
    %dma_start3A_891 = tpu.memref_slice %arg6[%dma_start3A_889, %dma_start3A_890] : memref<250880x128xf32, #tpu.memory_space<hbm>> -> memref<250880x128xf32, #tpu.memory_space<hbm>>
    tpu.enqueue_indirect_dma source(%dma_start3A_891 : memref<250880x128xf32, #tpu.memory_space<hbm>>) target(%arg16 : memref<32x128xf32, #tpu.memory_space<vmem>>) offsets(%dma_start3A_888 : memref<32xi32, #tpu.memory_space<vmem>>) semaphore(%arg18 : memref<!tpu.dma_semaphore, #tpu.memory_space<semaphore_mem>>)
    %dma_start3A_892 = arith.constant 15 : i32
    %dma_start3A_893 = arith.constant 0 : i32
    %dma_start3A_894 = tpu.memref_slice %arg13[%dma_start3A_892, %dma_start3A_893] : memref<16x32xi32, #tpu.memory_space<vmem>> -> memref<1x32xi32, #tpu.memory_space<vmem>>
    %dma_start3A_895 = tpu.memref_squeeze %dma_start3A_894 : memref<1x32xi32, #tpu.memory_space<vmem>> -> memref<32xi32, #tpu.memory_space<vmem>>
    %dma_start3A_896 = arith.constant 0 : i32
    %dma_start3A_897 = arith.constant 0 : i32
    %dma_start3A_898 = tpu.memref_slice %arg7[%dma_start3A_896, %dma_start3A_897] : memref<25600x128xf32, #tpu.memory_space<hbm>> -> memref<25600x128xf32, #tpu.memory_space<hbm>>
    tpu.enqueue_indirect_dma source(%dma_start3A_898 : memref<25600x128xf32, #tpu.memory_space<hbm>>) target(%arg17 : memref<32x128xf32, #tpu.memory_space<vmem>>) offsets(%dma_start3A_895 : memref<32xi32, #tpu.memory_space<vmem>>) semaphore(%arg18 : memref<!tpu.dma_semaphore, #tpu.memory_space<semaphore_mem>>)
    %dma_wait3A_899 = arith.constant 15 : i32
    %dma_wait3A_900 = arith.constant 0 : i32
    %dma_wait3A_901 = tpu.memref_slice %arg12[%dma_wait3A_899, %dma_wait3A_900] : memref<16x32xi32, #tpu.memory_space<vmem>> -> memref<1x32xi32, #tpu.memory_space<vmem>>
    %dma_wait3A_902 = tpu.memref_squeeze %dma_wait3A_901 : memref<1x32xi32, #tpu.memory_space<vmem>> -> memref<32xi32, #tpu.memory_space<vmem>>
    %dma_wait3A_903 = arith.constant 0 : i32
    %dma_wait3A_904 = arith.constant 0 : i32
    %dma_wait3A_905 = tpu.memref_slice %arg4[%dma_wait3A_903, %dma_wait3A_904] : memref<250880x128xf32, #tpu.memory_space<hbm>> -> memref<250880x128xf32, #tpu.memory_space<hbm>>
    tpu.wait_indirect_dma semaphore(%arg18 : memref<!tpu.dma_semaphore, #tpu.memory_space<semaphore_mem>>) src(%dma_wait3A_905 : memref<250880x128xf32, #tpu.memory_space<hbm>>) dst(%arg14 : memref<32x128xf32, #tpu.memory_space<vmem>>)
    %dma_wait3A_906 = arith.constant 15 : i32
    %dma_wait3A_907 = arith.constant 0 : i32
    %dma_wait3A_908 = tpu.memref_slice %arg13[%dma_wait3A_906, %dma_wait3A_907] : memref<16x32xi32, #tpu.memory_space<vmem>> -> memref<1x32xi32, #tpu.memory_space<vmem>>
    %dma_wait3A_909 = tpu.memref_squeeze %dma_wait3A_908 : memref<1x32xi32, #tpu.memory_space<vmem>> -> memref<32xi32, #tpu.memory_space<vmem>>
    %dma_wait3A_910 = arith.constant 0 : i32
    %dma_wait3A_911 = arith.constant 0 : i32
    %dma_wait3A_912 = tpu.memref_slice %arg5[%dma_wait3A_910, %dma_wait3A_911] : memref<25600x128xf32, #tpu.memory_space<hbm>> -> memref<25600x128xf32, #tpu.memory_space<hbm>>
    tpu.wait_indirect_dma semaphore(%arg18 : memref<!tpu.dma_semaphore, #tpu.memory_space<semaphore_mem>>) src(%dma_wait3A_912 : memref<25600x128xf32, #tpu.memory_space<hbm>>) dst(%arg15 : memref<32x128xf32, #tpu.memory_space<vmem>>)
    %dma_wait3A_913 = arith.constant 15 : i32
    %dma_wait3A_914 = arith.constant 0 : i32
    %dma_wait3A_915 = tpu.memref_slice %arg12[%dma_wait3A_913, %dma_wait3A_914] : memref<16x32xi32, #tpu.memory_space<vmem>> -> memref<1x32xi32, #tpu.memory_space<vmem>>
    %dma_wait3A_916 = tpu.memref_squeeze %dma_wait3A_915 : memref<1x32xi32, #tpu.memory_space<vmem>> -> memref<32xi32, #tpu.memory_space<vmem>>
    %dma_wait3A_917 = arith.constant 0 : i32
    %dma_wait3A_918 = arith.constant 0 : i32
    %dma_wait3A_919 = tpu.memref_slice %arg6[%dma_wait3A_917, %dma_wait3A_918] : memref<250880x128xf32, #tpu.memory_space<hbm>> -> memref<250880x128xf32, #tpu.memory_space<hbm>>
    tpu.wait_indirect_dma semaphore(%arg18 : memref<!tpu.dma_semaphore, #tpu.memory_space<semaphore_mem>>) src(%dma_wait3A_919 : memref<250880x128xf32, #tpu.memory_space<hbm>>) dst(%arg16 : memref<32x128xf32, #tpu.memory_space<vmem>>)
    %dma_wait3A_920 = arith.constant 15 : i32
    %dma_wait3A_921 = arith.constant 0 : i32
    %dma_wait3A_922 = tpu.memref_slice %arg13[%dma_wait3A_920, %dma_wait3A_921] : memref<16x32xi32, #tpu.memory_space<vmem>> -> memref<1x32xi32, #tpu.memory_space<vmem>>
    %dma_wait3A_923 = tpu.memref_squeeze %dma_wait3A_922 : memref<1x32xi32, #tpu.memory_space<vmem>> -> memref<32xi32, #tpu.memory_space<vmem>>
    %dma_wait3A_924 = arith.constant 0 : i32
    %dma_wait3A_925 = arith.constant 0 : i32
    %dma_wait3A_926 = tpu.memref_slice %arg7[%dma_wait3A_924, %dma_wait3A_925] : memref<25600x128xf32, #tpu.memory_space<hbm>> -> memref<25600x128xf32, #tpu.memory_space<hbm>>
    tpu.wait_indirect_dma semaphore(%arg18 : memref<!tpu.dma_semaphore, #tpu.memory_space<semaphore_mem>>) src(%dma_wait3A_926 : memref<25600x128xf32, #tpu.memory_space<hbm>>) dst(%arg17 : memref<32x128xf32, #tpu.memory_space<vmem>>)
    %add3A_927 = arith.constant 480 : i32
    %add3A_928 = arith.addi %mul3A_2, %add3A_927 : i32
    "tpu.region"() ({
      %run_scoped3A = tpu.sem_alloc : memref<!tpu.dma_semaphore, #tpu.memory_space<semaphore_mem>>
      %dma_start3A_929 = arith.constant 0 : i32
      %dma_start3A_930 = tpu.memref_slice %arg8[%add3A_928, %dma_start3A_929] : memref<16384x128xf32, #tpu.memory_space<hbm>> -> memref<32x128xf32, #tpu.memory_space<hbm>>
      %dma_start3A_931 = arith.constant 0 : i32
      %dma_start3A_932 = tpu.memref_slice %arg8[%add3A_928, %dma_start3A_931] : memref<16384x128xf32, #tpu.memory_space<hbm>> -> memref<32x128xf32, #tpu.memory_space<hbm>>
      tpu.enqueue_dma source(%arg14 : memref<32x128xf32, #tpu.memory_space<vmem>>) target(%dma_start3A_932 : memref<32x128xf32, #tpu.memory_space<hbm>>) target_semaphore(%run_scoped3A : memref<!tpu.dma_semaphore, #tpu.memory_space<semaphore_mem>>)
      %dma_wait3A_933 = arith.constant 0 : i32
      %dma_wait3A_934 = tpu.memref_slice %arg8[%add3A_928, %dma_wait3A_933] : memref<16384x128xf32, #tpu.memory_space<hbm>> -> memref<32x128xf32, #tpu.memory_space<hbm>>
      %dma_wait3A_935 = arith.constant 0 : i32
      %dma_wait3A_936 = tpu.memref_slice %arg8[%add3A_928, %dma_wait3A_935] : memref<16384x128xf32, #tpu.memory_space<hbm>> -> memref<32x128xf32, #tpu.memory_space<hbm>>
      tpu.wait_dma2 semaphore(%run_scoped3A : memref<!tpu.dma_semaphore, #tpu.memory_space<semaphore_mem>>) src(%arg14 : memref<32x128xf32, #tpu.memory_space<vmem>>) dst(%dma_wait3A_936 : memref<32x128xf32, #tpu.memory_space<hbm>>)
      tpu.yield
    }) : () -> ()
    "tpu.region"() ({
      %run_scoped3A = tpu.sem_alloc : memref<!tpu.dma_semaphore, #tpu.memory_space<semaphore_mem>>
      %dma_start3A_929 = arith.constant 0 : i32
      %dma_start3A_930 = tpu.memref_slice %arg9[%add3A_928, %dma_start3A_929] : memref<16384x128xf32, #tpu.memory_space<hbm>> -> memref<32x128xf32, #tpu.memory_space<hbm>>
      %dma_start3A_931 = arith.constant 0 : i32
      %dma_start3A_932 = tpu.memref_slice %arg9[%add3A_928, %dma_start3A_931] : memref<16384x128xf32, #tpu.memory_space<hbm>> -> memref<32x128xf32, #tpu.memory_space<hbm>>
      tpu.enqueue_dma source(%arg15 : memref<32x128xf32, #tpu.memory_space<vmem>>) target(%dma_start3A_932 : memref<32x128xf32, #tpu.memory_space<hbm>>) target_semaphore(%run_scoped3A : memref<!tpu.dma_semaphore, #tpu.memory_space<semaphore_mem>>)
      %dma_wait3A_933 = arith.constant 0 : i32
      %dma_wait3A_934 = tpu.memref_slice %arg9[%add3A_928, %dma_wait3A_933] : memref<16384x128xf32, #tpu.memory_space<hbm>> -> memref<32x128xf32, #tpu.memory_space<hbm>>
      %dma_wait3A_935 = arith.constant 0 : i32
      %dma_wait3A_936 = tpu.memref_slice %arg9[%add3A_928, %dma_wait3A_935] : memref<16384x128xf32, #tpu.memory_space<hbm>> -> memref<32x128xf32, #tpu.memory_space<hbm>>
      tpu.wait_dma2 semaphore(%run_scoped3A : memref<!tpu.dma_semaphore, #tpu.memory_space<semaphore_mem>>) src(%arg15 : memref<32x128xf32, #tpu.memory_space<vmem>>) dst(%dma_wait3A_936 : memref<32x128xf32, #tpu.memory_space<hbm>>)
      tpu.yield
    }) : () -> ()
    "tpu.region"() ({
      %run_scoped3A = tpu.sem_alloc : memref<!tpu.dma_semaphore, #tpu.memory_space<semaphore_mem>>
      %dma_start3A_929 = arith.constant 0 : i32
      %dma_start3A_930 = tpu.memref_slice %arg10[%add3A_928, %dma_start3A_929] : memref<16384x128xf32, #tpu.memory_space<hbm>> -> memref<32x128xf32, #tpu.memory_space<hbm>>
      %dma_start3A_931 = arith.constant 0 : i32
      %dma_start3A_932 = tpu.memref_slice %arg10[%add3A_928, %dma_start3A_931] : memref<16384x128xf32, #tpu.memory_space<hbm>> -> memref<32x128xf32, #tpu.memory_space<hbm>>
      tpu.enqueue_dma source(%arg16 : memref<32x128xf32, #tpu.memory_space<vmem>>) target(%dma_start3A_932 : memref<32x128xf32, #tpu.memory_space<hbm>>) target_semaphore(%run_scoped3A : memref<!tpu.dma_semaphore, #tpu.memory_space<semaphore_mem>>)
      %dma_wait3A_933 = arith.constant 0 : i32
      %dma_wait3A_934 = tpu.memref_slice %arg10[%add3A_928, %dma_wait3A_933] : memref<16384x128xf32, #tpu.memory_space<hbm>> -> memref<32x128xf32, #tpu.memory_space<hbm>>
      %dma_wait3A_935 = arith.constant 0 : i32
      %dma_wait3A_936 = tpu.memref_slice %arg10[%add3A_928, %dma_wait3A_935] : memref<16384x128xf32, #tpu.memory_space<hbm>> -> memref<32x128xf32, #tpu.memory_space<hbm>>
      tpu.wait_dma2 semaphore(%run_scoped3A : memref<!tpu.dma_semaphore, #tpu.memory_space<semaphore_mem>>) src(%arg16 : memref<32x128xf32, #tpu.memory_space<vmem>>) dst(%dma_wait3A_936 : memref<32x128xf32, #tpu.memory_space<hbm>>)
      tpu.yield
    }) : () -> ()
    "tpu.region"() ({
      %run_scoped3A = tpu.sem_alloc : memref<!tpu.dma_semaphore, #tpu.memory_space<semaphore_mem>>
      %dma_start3A_929 = arith.constant 0 : i32
      %dma_start3A_930 = tpu.memref_slice %arg11[%add3A_928, %dma_start3A_929] : memref<16384x128xf32, #tpu.memory_space<hbm>> -> memref<32x128xf32, #tpu.memory_space<hbm>>
      %dma_start3A_931 = arith.constant 0 : i32
      %dma_start3A_932 = tpu.memref_slice %arg11[%add3A_928, %dma_start3A_931] : memref<16384x128xf32, #tpu.memory_space<hbm>> -> memref<32x128xf32, #tpu.memory_space<hbm>>
      tpu.enqueue_dma source(%arg17 : memref<32x128xf32, #tpu.memory_space<vmem>>) target(%dma_start3A_932 : memref<32x128xf32, #tpu.memory_space<hbm>>) target_semaphore(%run_scoped3A : memref<!tpu.dma_semaphore, #tpu.memory_space<semaphore_mem>>)
      %dma_wait3A_933 = arith.constant 0 : i32
      %dma_wait3A_934 = tpu.memref_slice %arg11[%add3A_928, %dma_wait3A_933] : memref<16384x128xf32, #tpu.memory_space<hbm>> -> memref<32x128xf32, #tpu.memory_space<hbm>>
      %dma_wait3A_935 = arith.constant 0 : i32
      %dma_wait3A_936 = tpu.memref_slice %arg11[%add3A_928, %dma_wait3A_935] : memref<16384x128xf32, #tpu.memory_space<hbm>> -> memref<32x128xf32, #tpu.memory_space<hbm>>
      tpu.wait_dma2 semaphore(%run_scoped3A : memref<!tpu.dma_semaphore, #tpu.memory_space<semaphore_mem>>) src(%arg17 : memref<32x128xf32, #tpu.memory_space<vmem>>) dst(%dma_wait3A_936 : memref<32x128xf32, #tpu.memory_space<hbm>>)
      tpu.yield
    }) : () -> ()
    return
  }
}

</mosaic_0001>

<sc_bundles>
// kernel: _sc_gather.3.cloned.1.call-start
scs
__scs_entry_jumppad:
0x0: {  	(pc) =	sbr.rel $0x88, $3  }
0x1: {  	(tag) =	ssettag $0x0;
	lr =	simm.s32 $0x1  }
0x2: {  	[smem:$0x3F9B] =	sst lr;
	_ =	strace $0xD0000000  }
0x3: {  	_ = 	snop  }
0x4: {  	_ = 	snop  }
0x5: {  	_ = 	snop  }
0x6: {  	_ = 	snop  }
0x7: {  	_ = 	snop  }
__scs_overlays_trampoline_lowered:
0x8: {  	[smem:$0x3FAA] =	sst s0  }
0x9: {  	[smem:$0x3FAB] =	sst s1  }
0xa: {  	[smem:$0x3FAC] =	sst s2  }
0xb: {  	[smem:$0x3FAD] =	sst s3  }
0xc: {  	[smem:$0x3FAE] =	sst s4  }
0xd: {  	[smem:$0x3FAF] =	sst s5  }
0xe: {  	[smem:$0x3FB0] =	sst s6  }
0xf: {  	[smem:$0x3FB1] =	sst s7  }
0x10: {  	[smem:$0x3FB2] =	sst s8  }
0x11: {  	[smem:$0x3FB3] =	sst s9;
	s0 =	simm.s32 @!p0 $0x0  }
0x12: {  	s1 =	sld [smem:$0x3F99];
	s0 =	simm.s32 @p0 $0x1  }
0x13: {  	[smem:$0x3FB4] =	sst s0;
	s0 =	simm.s32 @!p1 $0x0  }
0x14: {  	s2 =	sld [smem:$0x3F98];
	s0 =	simm.s32 @p1 $0x1  }
0x15: {  	[smem:$0x3FB5] =	sst s0;
	s0 =	simm.s32 @!p2 $0x0  }
0x16: {  	s3 =	sld [smem:$0x3FDB];
	s0 =	simm.s32 @p2 $0x1  }
0x17: {  	s4 =	simm.s32 $0x1BF5;
	[smem:$0x3FB7] =	sst s0  }
0x18: {  	s0 =	sld [smem:$0x3F9A];
	_ =	swait.ge [sflag:s4], $0x0  }
0x19: {  	s7 =	sld [smem:$0x3F9B]  }
0x1a: {  	s8 =	sadd.s32 $0xFFFFE003, lr  }
0x1b: {  	s9 =	sadd.s32 $0xFFFFFEF7, lr;
	s5 =	simm.s32 $0xFFFFFFFF;
	p2 =	slt.u32 s8, $0xFFFFF086  }
0x1c: {  	p1 =	slt.u32 s9, $0xF7A;
	s5 =	simm.s32 @!p2 $0x0  }
0x1d: {  	s5 =	simm.s32 @p1 $0x1;
	p0 =	seq.s32 s7, s2  }
0x1e: {  	s7 =	smul.u32 @!p0 $0xF7A, s2;
	p2 =	seq.s32 @!p0 s5, $0x0  }
0x1f: {  	s9 =	smul.u32 $0xF7A, s1;
	s8 =	simm.s32 @!p0 $0x1BF5;
	p2 =	por !p2, p0  }
0x20: {  	[sflag:s8] =	ssyncset.s32 @!p0 $0xFFFFF086;
	s6 =	sadd.s32 @!p0 s3, s7;
	s7 =	simm.s32 @!p0 $0x108  }
0x21: {  	s3 =	sadd.s32 s3, s9;
	s6 =	sadd.s32 @!p0 $0x88, s6;
	s7 =	simm.s32 @p2 $0x1082  }
0x22: {  	[simem:s7], [sflag:s8] =	dma.local @!p0 [hbm:s6], $0xF7A  }
0x23: {  	s9 =	sor.u32 $0xD0000000, s2;
	s6 =	simm.s32 $0x108;
	_ =	swait.ge @!p0 [sflag:s8], $0x0  }
0x24: {  	s3 =	sadd.s32 $0x88, s3;
	s6 =	simm.s32 @!p1 $0x1082;
	[sflag:s4] =	ssyncset.s32 $0xFFFFF086  }
0x25: {  	[simem:s6], [sflag:s4] =	dma.local [hbm:s3], $0xF7A  }
0x26: {  	[smem:$0x3F9B] =	sst s1;
	(tag) =	ssettag s2;
	_ =	strace s9  }
0x27: {  	s1 =	sld [smem:$0x3FAB]  }
0x28: {  	s2 =	sld [smem:$0x3FAC]  }
0x29: {  	s4 =	sld [smem:$0x3FAE]  }
0x2a: {  	p0 =	seq.s32 s5, $0x0;
	s5 =	sld [smem:$0x3FAF]  }
0x2b: {  	s6 =	sld [smem:$0x3FB0]  }
0x2c: {  	s7 =	sld [smem:$0x3FB1]  }
0x2d: {  	s3 =	simm.s32 $0x108;
	s8 =	sld [smem:$0x3FB2]  }
0x2e: {  	s3 =	simm.s32 @!p0 $0x1082;
	s9 =	sld [smem:$0x3FB3]  }
0x2f: {  	lr =	sadd.s32 s0, s3;
	s0 =	sld [smem:$0x3FAA]  }
0x30: {  	s3 =	sld [smem:$0x3FAD]  }
0x31: {  	[smem:$0x3FB6] =	sst s10  }
0x32: {  	s10 =	sld [smem:$0x3FB4];
	_ =	sdelay $0x3  }
0x33: {  	p0 =	seq.s32 s10, $0x1;
	s10 =	sld [smem:$0x3FB6];
	_ =	sdelay $0x3  }
0x34: {  	[smem:$0x3FB6] =	sst s10  }
0x35: {  	s10 =	sld [smem:$0x3FB5];
	_ =	sdelay $0x3  }
0x36: {  	p1 =	seq.s32 s10, $0x1;
	s10 =	sld [smem:$0x3FB6];
	_ =	sdelay $0x3  }
0x37: {  	[smem:$0x3FB6] =	sst s10  }
0x38: {  	s10 =	sld [smem:$0x3FB7]  }
0x39: {  	_ = 	snop;
	(pc) =	sbr.ind lr, $3  }
0x3a: {  	_ = 	snop  }
0x3b: {  	_ = 	snop  }
0x3c: {  	p2 =	seq.s32 s10, $0x1;
	s10 =	sld [smem:$0x3FB6]  }
0x3d: {  	_ =	shalt  }
0x3e: {  	_ =	shalt  }
0x3f: {  	_ =	shalt  }
0x40: {  	_ =	shalt  }
0x41: {  	_ =	shalt  }
0x42: {  	_ =	shalt  }
0x43: {  	_ =	shalt  }
0x44: {  	_ =	shalt  }
0x45: {  	_ =	shalt  }
0x46: {  	_ =	shalt  }
0x47: {  	_ =	shalt  }
0x48: {  	_ =	shalt  }
0x49: {  	_ =	shalt  }
0x4a: {  	_ =	shalt  }
0x4b: {  	_ =	shalt  }
0x4c: {  	_ =	shalt  }
0x4d: {  	_ =	shalt  }
0x4e: {  	_ =	shalt  }
0x4f: {  	_ =	shalt  }
0x50: {  	_ =	shalt  }
0x51: {  	_ =	shalt  }
0x52: {  	_ =	shalt  }
0x53: {  	_ =	shalt  }
0x54: {  	_ =	shalt  }
0x55: {  	_ =	shalt  }
0x56: {  	_ =	shalt  }
0x57: {  	_ =	shalt  }
0x58: {  	_ =	shalt  }
0x59: {  	_ =	shalt  }
0x5a: {  	_ =	shalt  }
0x5b: {  	_ =	shalt  }
0x5c: {  	_ =	shalt  }
0x5d: {  	_ =	shalt  }
0x5e: {  	_ =	shalt  }
0x5f: {  	_ =	shalt  }
0x60: {  	_ =	shalt  }
0x61: {  	_ =	shalt  }
0x62: {  	_ =	shalt  }
0x63: {  	_ =	shalt  }
0x64: {  	_ =	shalt  }
0x65: {  	_ =	shalt  }
0x66: {  	_ =	shalt  }
0x67: {  	_ =	shalt  }
0x68: {  	_ =	shalt  }
0x69: {  	_ =	shalt  }
0x6a: {  	_ =	shalt  }
0x6b: {  	_ =	shalt  }
0x6c: {  	_ =	shalt  }
0x6d: {  	_ =	shalt  }
0x6e: {  	_ =	shalt  }
0x6f: {  	_ =	shalt  }
0x70: {  	_ =	shalt  }
0x71: {  	_ =	shalt  }
0x72: {  	_ =	shalt  }
0x73: {  	_ =	shalt  }
0x74: {  	_ =	shalt  }
0x75: {  	_ =	shalt  }
0x76: {  	_ =	shalt  }
0x77: {  	_ =	shalt  }
0x78: {  	_ =	shalt  }
0x79: {  	_ =	shalt  }
0x7a: {  	_ =	shalt  }
0x7b: {  	_ =	shalt  }
0x7c: {  	_ =	shalt  }
0x7d: {  	_ =	shalt  }
0x7e: {  	_ =	shalt  }
0x7f: {  	_ =	shalt  }
0x80: {  	_ =	shalt  }
0x81: {  	_ =	shalt  }
0x82: {  	_ =	shalt  }
0x83: {  	_ =	shalt  }
0x84: {  	_ =	shalt  }
0x85: {  	_ =	shalt  }
0x86: {  	_ =	shalt  }
0x87: {  	_ =	shalt  }
.Lfunc_end0:
.L_simem_size_0:
called_computation_lowered:
.L_overlay_start_0:
0x88: {  	s2 =	sld [smem:$0x3FD9]  }
0x89: {  	s3 =	sld [smem:$0x3FFE];
	_ =	sdelay $0x1  }
0x8a: {  	s1 =	srdreg.scid  }
0x8b: {  	s0 =	sand.u32 $0x1, s1  }
0x8c: {  	s30 =	sshll.u32 s0, $0xA;
	s2 =	sadd.s32 s3, s2  }
0x8d: {  	s2 =	sadd.s32 s2, s30  }
0x8e: {  	[smem:$0x3FC2] =	sst s2  }
0x8f: {  	_ = 	snop  }
0x90: {  	s2 =	sld [smem:$0x3FC9]  }
0x91: {  	s31 =	sld [smem:$0x3FC8]  }
0x92: {  	s4 =	sld [smem:$0x3FC7]  }
0x93: {  	s5 =	sld [smem:$0x3FD0]  }
0x94: {  	s6 =	sld [smem:$0x3FC6]  }
0x95: {  	s7 =	sld [smem:$0x3FC5]  }
0x96: {  	s9 =	simm.s32 $0xA;
	s10 =	simm.s32 $0x10;
	s8 =	sld [smem:$0x3FC4]  }
0x97: {  	[smem:s10], [sflag:s9] =	dma.local [hbm:s5], $0x1  }
0x98: {  	_ =	swait.eq [sflag:s9], $0x1  }
0x99: {  	s17 =	sld [smem:$0x10]  }
0x9a: {  	s18 =	sld [smem:$0x11];
	[sflag:s9] =	ssyncset.done $0x0  }
0x9b: {  	s11 =	sld [smem:$0x12];
	[sflag:s9] =	ssyncadd.s32 $0xFFFFFFFF  }
0x9c: {  	s19 =	sld [smem:$0x13];
	(tm) =	ssettm $0x1  }
0x9d: {  	s12 =	sld [smem:$0x3FFB];
	_ =	sdelay $0x3  }
0x9e: {  	_ =	strace s12  }
0x9f: {  	s12 =	sld [smem:$0x3FFC];
	_ =	sdelay $0x3  }
0xa0: {  	_ =	strace s12  }
0xa1: {  	s12 =	sld [smem:$0x3FFD];
	_ =	sdelay $0x3  }
0xa2: {  	_ =	strace s12  }
0xa3: {  	_ =	strace $0x8FFFFFFF  }
0xa4: {  	s20 =	sld [smem:$0x3FDB];
	_ =	sdelay $0x1  }
0xa5: {  	s13 =	simm.s32 $_scs_section_size  }
0xa6: {  	s14 =	simm.s32 $_size__tile_overlayer_lowered;
	s15 =	simm.s32 $_tile_overlayer_lowered  }
0xa7: {  	s23 =	simm.s32 $0x1BFF;
	s22 =	sshll.u32 s15, $0x1;
	s12 =	sadd.s32 s13, s20  }
0xa8: {  	s16 =	simm.s32 $0x0;
	s21 =	sshll.u32 s14, $0x1;
	s14 =	sadd.s32 s22, s12  }
0xa9: {  	[timem:s16], [sflag:s23] =	dma.local [hbm:s14], s21  }
0xaa: {  	_ =	swait.ge [sflag:s23], s21  }
0xab: {  	s13 =	ssub.s32 $0x0, s21;
	[sflag:s23] =	ssyncset.done $0x0  }
0xac: {  	[sflag:s23] =	ssyncadd.s32 s13;
	_ =	sdelay $0x1  }
0xad: {  	s24 =	simm.s32 $0x1B8B  }
0xae: {  	_ =	swait.ge [sflag:s24], $0x1  }
0xaf: {  	[sflag:s24] =	ssyncset.done $0x0  }
0xb0: {  	s25 =	simm.s32 $0x1B8E;
	[sflag:s24] =	ssyncadd.s32 $0xFFFFFFFF  }
0xb1: {  	s26 =	simm.s32 $execute0_lowered;
	[smem:$0x3FD2] =	sst s25  }
0xb2: {  	s13 =	sshll.u32 s26, $0x1;
	_ =	strace $0x80000046;
	[dreg:$0x1] =	wrdreg $0xFFFFFFFF  }
0xb3: {  	s28 =	simm.s32 $_size_execute0_lowered;
	s12 =	sadd.s32 s12, s13;
	[dreg:$0x0] =	wrdreg $0x0  }
0xb4: {  	s13 =	sshll.u32 s28, $0x1;
	[dreg:$0x2] =	wrdreg s12  }
0xb5: {  	[dreg:$0x3] =	wrdreg s13  }
0xb6: {  	[dreg:$0x4] =	wrdreg $0xC0  }
0xb7: {  	_ =	task [dreg:s16], $0x5FFFF  }
0xb8: {  	[dreg:$0x1] =	wrdreg $0xFFFFFFFF  }
0xb9: {  	[dreg:$0x0] =	wrdreg $0x60  }
0xba: {  	[dreg:$0x2] =	wrdreg s2  }
0xbb: {  	[dreg:$0x3] =	wrdreg s31  }
0xbc: {  	[dreg:$0x4] =	wrdreg s4  }
0xbd: {  	[dreg:$0x5] =	wrdreg s6  }
0xbe: {  	[dreg:$0x6] =	wrdreg s7  }
0xbf: {  	[dreg:$0x7] =	wrdreg s8  }
0xc0: {  	[dreg:$0x8] =	wrdreg s17  }
0xc1: {  	[dreg:$0x9] =	wrdreg s18  }
0xc2: {  	[dreg:$0xa] =	wrdreg s11  }
0xc3: {  	[dreg:$0xb] =	wrdreg s19  }
0xc4: {  	[dreg:$0xc] =	wrdreg $0x9  }
0xc5: {  	_ =	task.clear_ibuf [dreg:s16], $0xDFFFF;
	_ =	strace $0x90000046  }
0xc6: {  	s29 =	simm.s32 $0x9;
	_ =	strace $0x80000048  }
0xc7: {  	_ =	swait.ge [sflag:s29], $0x1  }
0xc8: {  	[sflag:s29] =	ssyncadd.s32 $0xFFFFFFFF  }
0xc9: {  	_ =	strace $0x90000048  }
0xca: {  	_ =	sfence  }
0xcb: {  	s30 =	sld [smem:$0x0];
	_ =	sdelay $0x2  }
0xcc: {  	s31 =	sshll.u32 s1, $0xD;
	s1 =	sshrl.u32 s1, $0x2  }
0xcd: {  	s3 =	sand.u32 $0x4000, s31;
	s1 =	sadd.s32 s1, s30  }
0xce: {  	s0 =	sor.u32 s3, s0;
	s1 =	sshll.u32 s1, $0x11  }
0xcf: {  	s0 =	sor.u32 s1, s0  }
0xd0: {  	s0 =	sadd.s32 $0x8F2B, s0  }
0xd1: {  	[sflag:s0] =	ssyncadd.remote.s32 $0x1  }
0xd2: {  	_ =	sfence.sel $0xFFFF  }
0xd3: {  	[dreg:$0x0] =	wrdreg $0xFFFFFFFF;
	(pc) =	sbr.abs _section_cstart, $3  }
0xd4: {  	[dreg:$0x1] =	wrdreg $0xFFFFFFFF  }
0xd5: {  	_ =	task.clear_ibuf [dreg:s16], $0x2FFFF;
	_ =	strace $0x9FFFFFFF  }
0xd6: {  	(tm) =	ssettm $0x7FFFFFFF  }
0xd7: {  	_ =	shalt  }
tec
execute0_lowered:
.L_overlay_start_1:
0x0: {  	(tag) =	ssettag $0x1  }
0x1: {  	s10 =	rddreg [dreg:$0x0]  }
0x2: {  	s11 =	rddreg [dreg:$0x1]  }
0x3: {  	s3 =	rddreg [dreg:$0x2]  }
0x4: {  	s4 =	rddreg [dreg:$0x3]  }
0x5: {  	s5 =	rddreg [dreg:$0x4]  }
0x6: {  	s6 =	rddreg [dreg:$0x5]  }
0x7: {  	s8 =	rddreg [dreg:$0x6]  }
0x8: {  	s2 =	srdreg.scid;
	s12 =	stileid.u32  }
0x9: {  	s7 =	rddreg [dreg:$0x7];
	s9 =	sand.u32 $0x1, s2;
	s12 =	sshll.u32 s12, $0x1  }
0xa: {  	s0 =	rddreg [dreg:$0x8];
	s12 =	sor.u32 s9, s12  }
0xb: {  	s1 =	rddreg [dreg:$0x9];
	s2 =	simm.s32 $0x0;
	s13 =	sshll.u32 s12, $0x8  }
0xc: {  	[smem:$0x7FF] =	sst s2;
	s10 =	sadd.s32 s10, s13  }
0xd: {  	_ =	strace $0x80000047;
	s11 =	sadd.s32 s11, s13;
	[dreg:$0xb] =	wrdreg s10  }
0xe: {  	s10 =	sshll.u32 s12, $0xD;
	[dreg:$0xc] =	wrdreg s11  }
0xf: {  	s25 =	sadd.s32 s8, s10;
	s28 =	rddreg [dreg:$0xb]  }
0x10: {  	s26 =	sadd.s32 s7, s10;
	[dreg:$0xd] =	wrdreg s25  }
0x11: {  	s12 =	sadd.s32 s0, s10;
	[dreg:$0xe] =	wrdreg s26  }
0x12: {  	s13 =	sadd.s32 s1, s10;
	s18 =	sor.u32 $0x400, s10;
	[dreg:$0xf] =	wrdreg s12  }
0x13: {  	[dreg:$0x10] =	wrdreg s13;
	s19 =	sadd.s32 s8, s18  }
0x14: {  	s20 =	sadd.s32 s7, s18;
	[dreg:$0x15] =	wrdreg s19  }
0x15: {  	s21 =	sadd.s32 s0, s18;
	[dreg:$0x16] =	wrdreg s20  }
0x16: {  	s23 =	sor.u32 $0x600, s10;
	s22 =	sadd.s32 s1, s18;
	[dreg:$0x17] =	wrdreg s21  }
0x17: {  	s24 =	sadd.s32 s8, s23;
	[dreg:$0x18] =	wrdreg s22  }
0x18: {  	s25 =	sadd.s32 s7, s23;
	[dreg:$0x19] =	wrdreg s24  }
0x19: {  	s12 =	sor.u32 $0x200, s10;
	s26 =	sadd.s32 s0, s23;
	[dreg:$0x1a] =	wrdreg s25  }
0x1a: {  	s14 =	sadd.s32 s8, s12;
	[dreg:$0x1b] =	wrdreg s26  }
0x1b: {  	s15 =	sadd.s32 s7, s12;
	[dreg:$0x11] =	wrdreg s14  }
0x1c: {  	s16 =	sadd.s32 s0, s12;
	[dreg:$0x12] =	wrdreg s15  }
0x1d: {  	s17 =	sadd.s32 s1, s12;
	[dreg:$0x13] =	wrdreg s16  }
0x1e: {  	s18 =	sor.u32 $0xA00, s10;
	s12 =	sadd.s32 s1, s23;
	[dreg:$0x14] =	wrdreg s17  }
0x1f: {  	s19 =	sadd.s32 s8, s18;
	[dreg:$0x1c] =	wrdreg s12  }
0x20: {  	s20 =	sadd.s32 s7, s18;
	[smem:$0x7D2] =	sst s19  }
0x21: {  	s21 =	sadd.s32 s0, s18;
	[smem:$0x7D3] =	sst s20  }
0x22: {  	s13 =	sor.u32 $0x800, s10;
	s22 =	sadd.s32 s1, s18;
	[smem:$0x7D4] =	sst s21  }
0x23: {  	s14 =	sadd.s32 s8, s13;
	[smem:$0x7D5] =	sst s22  }
0x24: {  	s15 =	sadd.s32 s7, s13;
	[dreg:$0x1d] =	wrdreg s14  }
0x25: {  	s16 =	sadd.s32 s0, s13;
	[dreg:$0x1e] =	wrdreg s15  }
0x26: {  	s23 =	sor.u32 $0xC00, s10;
	s17 =	sadd.s32 s1, s13;
	[dreg:$0x1f] =	wrdreg s16  }
0x27: {  	s24 =	sadd.s32 s8, s23;
	[smem:$0x7D1] =	sst s17  }
0x28: {  	s25 =	sadd.s32 s7, s23;
	[smem:$0x7D6] =	sst s24  }
0x29: {  	s26 =	sadd.s32 s0, s23;
	[smem:$0x7D7] =	sst s25  }
0x2a: {  	s18 =	sor.u32 $0x1000, s10;
	s12 =	sadd.s32 s1, s23;
	[smem:$0x7D8] =	sst s26  }
0x2b: {  	s19 =	sadd.s32 s8, s18;
	[smem:$0x7D9] =	sst s12  }
0x2c: {  	s20 =	sadd.s32 s7, s18;
	[smem:$0x7DE] =	sst s19  }
0x2d: {  	s21 =	sadd.s32 s0, s18;
	[smem:$0x7DF] =	sst s20  }
0x2e: {  	s13 =	sor.u32 $0xE00, s10;
	s22 =	sadd.s32 s1, s18;
	[smem:$0x7E0] =	sst s21  }
0x2f: {  	s14 =	sadd.s32 s8, s13;
	[smem:$0x7E1] =	sst s22  }
0x30: {  	s15 =	sadd.s32 s7, s13;
	[smem:$0x7DA] =	sst s14  }
0x31: {  	s16 =	sadd.s32 s0, s13;
	[smem:$0x7DB] =	sst s15  }
0x32: {  	s23 =	sor.u32 $0x1200, s10;
	s17 =	sadd.s32 s1, s13;
	[smem:$0x7DC] =	sst s16  }
0x33: {  	s24 =	sadd.s32 s8, s23;
	[smem:$0x7DD] =	sst s17  }
0x34: {  	s25 =	sadd.s32 s7, s23;
	[smem:$0x7E2] =	sst s24  }
0x35: {  	p0 =	por $0x0, $0x0;
	s26 =	sadd.s32 s0, s23;
	[smem:$0x7E3] =	sst s25  }
0x36: {  	s18 =	sor.u32 $0x1600, s10;
	s12 =	sadd.s32 s1, s23;
	[smem:$0x7E4] =	sst s26  }
0x37: {  	s31 =	simm.s32 $0xF00;
	s19 =	sadd.s32 s8, s18;
	[smem:$0x7E5] =	sst s12  }
0x38: {  	s29 =	simm.s32 $0x780;
	s20 =	sadd.s32 s7, s18;
	[smem:$0x7EA] =	sst s19  }
0x39: {  	s30 =	simm.s32 $0xF80;
	s21 =	sadd.s32 s0, s18;
	[smem:$0x7EB] =	sst s20  }
0x3a: {  	s13 =	sor.u32 $0x1400, s10;
	s22 =	sadd.s32 s1, s18;
	[smem:$0x7EC] =	sst s21  }
0x3b: {  	s9 =	ssub.s32 $0x2, s9;
	s14 =	sadd.s32 s8, s13;
	[smem:$0x7ED] =	sst s22  }
0x3c: {  	s11 =	simm.s32 $0x1000;
	s15 =	sadd.s32 s7, s13;
	[smem:$0x7E6] =	sst s14  }
0x3d: {  	s23 =	sor.u32 $0x1800, s10;
	s16 =	sadd.s32 s0, s13;
	[smem:$0x7E7] =	sst s15  }
0x3e: {  	s18 =	sor.u32 $0x1C00, s10;
	s17 =	sadd.s32 s1, s13;
	[smem:$0x7E8] =	sst s16  }
0x3f: {  	s24 =	sadd.s32 s8, s23;
	s25 =	sadd.s32 s7, s23;
	[smem:$0x7E9] =	sst s17  }
0x40: {  	s26 =	sadd.s32 s0, s23;
	s12 =	sadd.s32 s1, s23;
	[smem:$0x7EE] =	sst s24  }
0x41: {  	s13 =	sor.u32 $0x1A00, s10;
	s19 =	sadd.s32 s8, s18;
	[smem:$0x7EF] =	sst s25  }
0x42: {  	s20 =	sadd.s32 s7, s18;
	s21 =	sadd.s32 s0, s18;
	[smem:$0x7F0] =	sst s26  }
0x43: {  	s22 =	sadd.s32 s1, s18;
	s10 =	sor.u32 $0x1E00, s10;
	[smem:$0x7F1] =	sst s12  }
0x44: {  	s23 =	sshrl.u32 s9, $0x1;
	s18 =	simm.s32 $0xD80;
	[smem:$0x7F6] =	sst s19  }
0x45: {  	s14 =	sadd.s32 s8, s13;
	s15 =	sadd.s32 s7, s13;
	[smem:$0x7F7] =	sst s20  }
0x46: {  	s16 =	sadd.s32 s0, s13;
	s17 =	sadd.s32 s1, s13;
	[smem:$0x7F8] =	sst s21  }
0x47: {  	[smem:$0x7F9] =	sst s22;
	s8 =	sadd.s32 s8, s10;
	s7 =	sadd.s32 s7, s10  }
0x48: {  	s0 =	sadd.s32 s0, s10;
	s24 =	ssub.s32 s9, s23;
	[smem:$0x7F2] =	sst s14  }
0x49: {  	s25 =	sadd.s32 s1, s10;
	s13 =	simm.s32 $0x20;
	[smem:$0x7F3] =	sst s15  }
0x4a: {  	s10 =	simm.s32 $0x2000;
	s9 =	simm.s32 $0x3000;
	[smem:$0x7F4] =	sst s16  }
0x4b: {  	s12 =	simm.s32 $0x1;
	s1 =	simm.s32 $0xB00;
	[smem:$0x7F5] =	sst s17  }
0x4c: {  	s23 =	simm.s32 $0x400;
	[smem:$0x7FA] =	sst s8;
	s26 =	smax.u32 s24, $0x1  }
0x4d: {  	s21 =	simm.s32 $0x480;
	[smem:$0x7FB] =	sst s7;
	p1 =	sne.s32 s26, $0x1  }
.Ltmp0:
0x4e: {  	s22 =	simm.s32 $0xC80;
	[smem:$0x7FC] =	sst s0;
	(pc) =	sbr.rel @!p1 .LBB2_3-.Ltmp0, $4  }
0x4f: {  	s19 =	simm.s32 $0x500;
	s20 =	simm.s32 $0xD00;
	[smem:$0x7FD] =	sst s25  }
0x50: {  	s7 =	simm.s32 $0x2;
	s25 =	simm.s32 $0x800;
	s8 =	simm.s32 $0x4000  }
0x51: {  	s0 =	simm.s32 $0xB80;
	s24 =	simm.s32 $0xC00;
	s17 =	simm.s32 $0x580  }
0x52: {  	s16 =	simm.s32 $0xE00;
	s14 =	simm.s32 $0xE80;
	s15 =	sadd.s32 $0xFFFFFFFF, s26  }
0x53: {  	[tilespmem:s2], [sflag:$0x2] =	stream.linear.gather [hbm4b:s28+s2], $0x800, $0x38;
	[tilespmem:$0x5000] =	vst v63  }
0x54: {  	_ =	swait.ge [sflag:s7], $0x800  }
0x55: {  	[sflag:s7] =	ssyncset.done $0x0  }
0x56: {  	s28 =	rddreg [dreg:$0xc];
	[sflag:s7] =	ssyncadd.s32 $0xFFFFF800  }
0x57: {  	[tilespmem:s25], [sflag:$0x2] =	stream.linear.gather [hbm4b:s28+s2], $0x800, $0x38;
	[tilespmem:$0x5000] =	vst v63  }
0x58: {  	_ =	swait.ge [sflag:s7], $0x800  }
0x59: {  	[sflag:s7] =	ssyncset.done $0x0  }
0x5a: {  	[sflag:s7] =	ssyncadd.s32 $0xFFFFF800  }
0x5b: {  	[tilespmem:s11], [sflag:$0x1] =	stream.indirect.gather [hbm4b:s3+s13], $0x80, s2, s13, $0xb8;
	[tilespmem:$0x5000] =	vst v63  }
0x5c: {  	_ = 	snop  }
0x5d: {  	[tilespmem:s10], [sflag:$0x1] =	stream.indirect.gather [hbm4b:s4+s13], $0x80, s25, s13, $0xb8;
	[tilespmem:$0x5000] =	vst v63  }
0x5e: {  	_ = 	snop  }
0x5f: {  	[tilespmem:s9], [sflag:$0x1] =	stream.indirect.gather [hbm4b:s5+s13], $0x80, s2, s13, $0xb8;
	[tilespmem:$0x5000] =	vst v63  }
0x60: {  	_ = 	snop  }
0x61: {  	[tilespmem:s8], [sflag:$0x1] =	stream.indirect.gather [hbm4b:s6+s13], $0x80, s25, s13, $0xb8;
	[tilespmem:$0x5000] =	vst v63  }
0x62: {  	_ =	swait.ge [sflag:s12], $0x1000  }
0x63: {  	[sflag:s12] =	ssyncset.done $0x0  }
0x64: {  	[sflag:s12] =	ssyncadd.s32 $0xFFFFF000  }
0x65: {  	_ =	swait.ge [sflag:s12], $0x1000  }
0x66: {  	[sflag:s12] =	ssyncset.done $0x0  }
0x67: {  	[sflag:s12] =	ssyncadd.s32 $0xFFFFF000  }
0x68: {  	_ =	swait.ge [sflag:s12], $0x1000  }
0x69: {  	[sflag:s12] =	ssyncset.done $0x0  }
0x6a: {  	[sflag:s12] =	ssyncadd.s32 $0xFFFFF000  }
0x6b: {  	_ =	swait.ge [sflag:s12], $0x1000  }
0x6c: {  	[sflag:s12] =	ssyncset.done $0x0  }
0x6d: {  	s28 =	rddreg [dreg:$0xd];
	[sflag:s12] =	ssyncadd.s32 $0xFFFFF000  }
0x6e: {  	[hbm4b:s28+s2] =	stream.linear.scatter [tilespmem:s11], [sflag:$0x2], $0x1000, $0x38;
	[tilespmem:$0x5000] =	vst v63  }
0x6f: {  	_ =	swait.ge [sflag:s7], $0x1000  }
0x70: {  	[sflag:s7] =	ssyncset.done $0x0  }
0x71: {  	s28 =	rddreg [dreg:$0xe];
	[sflag:s7] =	ssyncadd.s32 $0xFFFFF000  }
0x72: {  	[hbm4b:s28+s2] =	stream.linear.scatter [tilespmem:s10], [sflag:$0x2], $0x1000, $0x38;
	[tilespmem:$0x5000] =	vst v63  }
0x73: {  	_ =	swait.ge [sflag:s7], $0x1000  }
0x74: {  	[sflag:s7] =	ssyncset.done $0x0  }
0x75: {  	s28 =	rddreg [dreg:$0xf];
	[sflag:s7] =	ssyncadd.s32 $0xFFFFF000  }
0x76: {  	[hbm4b:s28+s2] =	stream.linear.scatter [tilespmem:s9], [sflag:$0x2], $0x1000, $0x38;
	[tilespmem:$0x5000] =	vst v63  }
0x77: {  	_ =	swait.ge [sflag:s7], $0x1000  }
0x78: {  	[sflag:s7] =	ssyncset.done $0x0  }
0x79: {  	s28 =	rddreg [dreg:$0x10];
	[sflag:s7] =	ssyncadd.s32 $0xFFFFF000  }
0x7a: {  	[hbm4b:s28+s2] =	stream.linear.scatter [tilespmem:s8], [sflag:$0x2], $0x1000, $0x38;
	[tilespmem:$0x5000] =	vst v63  }
0x7b: {  	_ =	swait.ge [sflag:s7], $0x1000  }
0x7c: {  	[sflag:s7] =	ssyncset.done $0x0  }
0x7d: {  	s28 =	simm.s32 $0x80;
	[sflag:s7] =	ssyncadd.s32 $0xFFFFF000  }
0x7e: {  	[tilespmem:s11], [sflag:$0x1] =	stream.indirect.gather [hbm4b:s3+s13], $0x80, s28, s13, $0xb8;
	[tilespmem:$0x5000] =	vst v63  }
0x7f: {  	s26 =	simm.s32 $0x880  }
0x80: {  	[tilespmem:s10], [sflag:$0x1] =	stream.indirect.gather [hbm4b:s4+s13], $0x80, s26, s13, $0xb8;
	[tilespmem:$0x5000] =	vst v63  }
0x81: {  	_ = 	snop  }
0x82: {  	[tilespmem:s9], [sflag:$0x1] =	stream.indirect.gather [hbm4b:s5+s13], $0x80, s28, s13, $0xb8;
	[tilespmem:$0x5000] =	vst v63  }
0x83: {  	[smem:$0x7D0] =	sst s15  }
0x84: {  	[tilespmem:s8], [sflag:$0x1] =	stream.indirect.gather [hbm4b:s6+s13], $0x80, s26, s13, $0xb8;
	[tilespmem:$0x5000] =	vst v63  }
0x85: {  	_ =	swait.ge [sflag:s12], $0x1000  }
0x86: {  	[sflag:s12] =	ssyncset.done $0x0  }
0x87: {  	[sflag:s12] =	ssyncadd.s32 $0xFFFFF000  }
0x88: {  	_ =	swait.ge [sflag:s12], $0x1000  }
0x89: {  	[sflag:s12] =	ssyncset.done $0x0  }
0x8a: {  	[sflag:s12] =	ssyncadd.s32 $0xFFFFF000  }
0x8b: {  	_ =	swait.ge [sflag:s12], $0x1000  }
0x8c: {  	[sflag:s12] =	ssyncset.done $0x0  }
0x8d: {  	[sflag:s12] =	ssyncadd.s32 $0xFFFFF000  }
0x8e: {  	_ =	swait.ge [sflag:s12], $0x1000  }
0x8f: {  	[sflag:s12] =	ssyncset.done $0x0  }
0x90: {  	s28 =	rddreg [dreg:$0x11];
	[sflag:s12] =	ssyncadd.s32 $0xFFFFF000  }
0x91: {  	[hbm4b:s28+s2] =	stream.linear.scatter [tilespmem:s11], [sflag:$0x2], $0x1000, $0x38;
	[tilespmem:$0x5000] =	vst v63  }
0x92: {  	_ =	swait.ge [sflag:s7], $0x1000  }
0x93: {  	[sflag:s7] =	ssyncset.done $0x0  }
0x94: {  	s28 =	rddreg [dreg:$0x12];
	[sflag:s7] =	ssyncadd.s32 $0xFFFFF000  }
0x95: {  	[hbm4b:s28+s2] =	stream.linear.scatter [tilespmem:s10], [sflag:$0x2], $0x1000, $0x38;
	[tilespmem:$0x5000] =	vst v63  }
0x96: {  	_ =	swait.ge [sflag:s7], $0x1000  }
0x97: {  	[sflag:s7] =	ssyncset.done $0x0  }
0x98: {  	s28 =	rddreg [dreg:$0x13];
	[sflag:s7] =	ssyncadd.s32 $0xFFFFF000  }
0x99: {  	[hbm4b:s28+s2] =	stream.linear.scatter [tilespmem:s9], [sflag:$0x2], $0x1000, $0x38;
	[tilespmem:$0x5000] =	vst v63  }
0x9a: {  	_ =	swait.ge [sflag:s7], $0x1000  }
0x9b: {  	[sflag:s7] =	ssyncset.done $0x0  }
0x9c: {  	s28 =	rddreg [dreg:$0x14];
	[sflag:s7] =	ssyncadd.s32 $0xFFFFF000  }
0x9d: {  	[hbm4b:s28+s2] =	stream.linear.scatter [tilespmem:s8], [sflag:$0x2], $0x1000, $0x38;
	[tilespmem:$0x5000] =	vst v63  }
0x9e: {  	_ =	swait.ge [sflag:s7], $0x1000  }
0x9f: {  	[sflag:s7] =	ssyncset.done $0x0  }
0xa0: {  	s28 =	simm.s32 $0x100;
	[sflag:s7] =	ssyncadd.s32 $0xFFFFF000  }
0xa1: {  	[tilespmem:s11], [sflag:$0x1] =	stream.indirect.gather [hbm4b:s3+s13], $0x80, s28, s13, $0xb8;
	[tilespmem:$0x5000] =	vst v63  }
0xa2: {  	s26 =	simm.s32 $0x900  }
0xa3: {  	[tilespmem:s10], [sflag:$0x1] =	stream.indirect.gather [hbm4b:s4+s13], $0x80, s26, s13, $0xb8;
	[tilespmem:$0x5000] =	vst v63  }
0xa4: {  	_ = 	snop  }
0xa5: {  	[tilespmem:s9], [sflag:$0x1] =	stream.indirect.gather [hbm4b:s5+s13], $0x80, s28, s13, $0xb8;
	[tilespmem:$0x5000] =	vst v63  }
0xa6: {  	_ = 	snop  }
0xa7: {  	[tilespmem:s8], [sflag:$0x1] =	stream.indirect.gather [hbm4b:s6+s13], $0x80, s26, s13, $0xb8;
	[tilespmem:$0x5000] =	vst v63  }
0xa8: {  	_ =	swait.ge [sflag:s12], $0x1000  }
0xa9: {  	[sflag:s12] =	ssyncset.done $0x0  }
0xaa: {  	[sflag:s12] =	ssyncadd.s32 $0xFFFFF000  }
0xab: {  	_ =	swait.ge [sflag:s12], $0x1000  }
0xac: {  	[sflag:s12] =	ssyncset.done $0x0  }
0xad: {  	[sflag:s12] =	ssyncadd.s32 $0xFFFFF000  }
0xae: {  	_ =	swait.ge [sflag:s12], $0x1000  }
0xaf: {  	[sflag:s12] =	ssyncset.done $0x0  }
0xb0: {  	[sflag:s12] =	ssyncadd.s32 $0xFFFFF000  }
0xb1: {  	_ =	swait.ge [sflag:s12], $0x1000  }
0xb2: {  	[sflag:s12] =	ssyncset.done $0x0  }
0xb3: {  	s28 =	rddreg [dreg:$0x15];
	[sflag:s12] =	ssyncadd.s32 $0xFFFFF000  }
0xb4: {  	[hbm4b:s28+s2] =	stream.linear.scatter [tilespmem:s11], [sflag:$0x2], $0x1000, $0x38;
	[tilespmem:$0x5000] =	vst v63  }
0xb5: {  	_ =	swait.ge [sflag:s7], $0x1000  }
0xb6: {  	[sflag:s7] =	ssyncset.done $0x0  }
0xb7: {  	s28 =	rddreg [dreg:$0x16];
	[sflag:s7] =	ssyncadd.s32 $0xFFFFF000  }
0xb8: {  	[hbm4b:s28+s2] =	stream.linear.scatter [tilespmem:s10], [sflag:$0x2], $0x1000, $0x38;
	[tilespmem:$0x5000] =	vst v63  }
0xb9: {  	_ =	swait.ge [sflag:s7], $0x1000  }
0xba: {  	[sflag:s7] =	ssyncset.done $0x0  }
0xbb: {  	s28 =	rddreg [dreg:$0x17];
	[sflag:s7] =	ssyncadd.s32 $0xFFFFF000  }
0xbc: {  	[hbm4b:s28+s2] =	stream.linear.scatter [tilespmem:s9], [sflag:$0x2], $0x1000, $0x38;
	[tilespmem:$0x5000] =	vst v63  }
0xbd: {  	_ =	swait.ge [sflag:s7], $0x1000  }
0xbe: {  	[sflag:s7] =	ssyncset.done $0x0  }
0xbf: {  	s28 =	rddreg [dreg:$0x18];
	[sflag:s7] =	ssyncadd.s32 $0xFFFFF000  }
0xc0: {  	[hbm4b:s28+s2] =	stream.linear.scatter [tilespmem:s8], [sflag:$0x2], $0x1000, $0x38;
	[tilespmem:$0x5000] =	vst v63  }
0xc1: {  	_ =	swait.ge [sflag:s7], $0x1000  }
0xc2: {  	[sflag:s7] =	ssyncset.done $0x0  }
0xc3: {  	s28 =	simm.s32 $0x180;
	[sflag:s7] =	ssyncadd.s32 $0xFFFFF000  }
0xc4: {  	[tilespmem:s11], [sflag:$0x1] =	stream.indirect.gather [hbm4b:s3+s13], $0x80, s28, s13, $0xb8;
	[tilespmem:$0x5000] =	vst v63  }
0xc5: {  	s26 =	simm.s32 $0x980  }
0xc6: {  	[tilespmem:s10], [sflag:$0x1] =	stream.indirect.gather [hbm4b:s4+s13], $0x80, s26, s13, $0xb8;
	[tilespmem:$0x5000] =	vst v63  }
0xc7: {  	_ = 	snop  }
0xc8: {  	[tilespmem:s9], [sflag:$0x1] =	stream.indirect.gather [hbm4b:s5+s13], $0x80, s28, s13, $0xb8;
	[tilespmem:$0x5000] =	vst v63  }
0xc9: {  	_ = 	snop  }
0xca: {  	[tilespmem:s8], [sflag:$0x1] =	stream.indirect.gather [hbm4b:s6+s13], $0x80, s26, s13, $0xb8;
	[tilespmem:$0x5000] =	vst v63  }
0xcb: {  	_ =	swait.ge [sflag:s12], $0x1000  }
0xcc: {  	[sflag:s12] =	ssyncset.done $0x0  }
0xcd: {  	[sflag:s12] =	ssyncadd.s32 $0xFFFFF000  }
0xce: {  	_ =	swait.ge [sflag:s12], $0x1000  }
0xcf: {  	[sflag:s12] =	ssyncset.done $0x0  }
0xd0: {  	[sflag:s12] =	ssyncadd.s32 $0xFFFFF000  }
0xd1: {  	_ =	swait.ge [sflag:s12], $0x1000  }
0xd2: {  	[sflag:s12] =	ssyncset.done $0x0  }
0xd3: {  	[sflag:s12] =	ssyncadd.s32 $0xFFFFF000  }
0xd4: {  	_ =	swait.ge [sflag:s12], $0x1000  }
0xd5: {  	[sflag:s12] =	ssyncset.done $0x0  }
0xd6: {  	s28 =	rddreg [dreg:$0x19];
	[sflag:s12] =	ssyncadd.s32 $0xFFFFF000  }
0xd7: {  	[hbm4b:s28+s2] =	stream.linear.scatter [tilespmem:s11], [sflag:$0x2], $0x1000, $0x38;
	[tilespmem:$0x5000] =	vst v63  }
0xd8: {  	_ =	swait.ge [sflag:s7], $0x1000  }
0xd9: {  	[sflag:s7] =	ssyncset.done $0x0  }
0xda: {  	s28 =	rddreg [dreg:$0x1a];
	[sflag:s7] =	ssyncadd.s32 $0xFFFFF000  }
0xdb: {  	[hbm4b:s28+s2] =	stream.linear.scatter [tilespmem:s10], [sflag:$0x2], $0x1000, $0x38;
	[tilespmem:$0x5000] =	vst v63  }
0xdc: {  	_ =	swait.ge [sflag:s7], $0x1000  }
0xdd: {  	[sflag:s7] =	ssyncset.done $0x0  }
0xde: {  	s28 =	rddreg [dreg:$0x1b];
	[sflag:s7] =	ssyncadd.s32 $0xFFFFF000  }
0xdf: {  	[hbm4b:s28+s2] =	stream.linear.scatter [tilespmem:s9], [sflag:$0x2], $0x1000, $0x38;
	[tilespmem:$0x5000] =	vst v63  }
0xe0: {  	_ =	swait.ge [sflag:s7], $0x1000  }
0xe1: {  	[sflag:s7] =	ssyncset.done $0x0  }
0xe2: {  	s28 =	rddreg [dreg:$0x1c];
	[sflag:s7] =	ssyncadd.s32 $0xFFFFF000  }
0xe3: {  	[hbm4b:s28+s2] =	stream.linear.scatter [tilespmem:s8], [sflag:$0x2], $0x1000, $0x38;
	[tilespmem:$0x5000] =	vst v63  }
0xe4: {  	_ =	swait.ge [sflag:s7], $0x1000  }
0xe5: {  	[sflag:s7] =	ssyncset.done $0x0  }
0xe6: {  	s28 =	simm.s32 $0x200;
	[sflag:s7] =	ssyncadd.s32 $0xFFFFF000  }
0xe7: {  	[tilespmem:s11], [sflag:$0x1] =	stream.indirect.gather [hbm4b:s3+s13], $0x80, s28, s13, $0xb8;
	[tilespmem:$0x5000] =	vst v63  }
0xe8: {  	s26 =	simm.s32 $0xA00  }
0xe9: {  	[tilespmem:s10], [sflag:$0x1] =	stream.indirect.gather [hbm4b:s4+s13], $0x80, s26, s13, $0xb8;
	[tilespmem:$0x5000] =	vst v63  }
0xea: {  	_ = 	snop  }
0xeb: {  	[tilespmem:s9], [sflag:$0x1] =	stream.indirect.gather [hbm4b:s5+s13], $0x80, s28, s13, $0xb8;
	[tilespmem:$0x5000] =	vst v63  }
0xec: {  	_ = 	snop  }
0xed: {  	[tilespmem:s8], [sflag:$0x1] =	stream.indirect.gather [hbm4b:s6+s13], $0x80, s26, s13, $0xb8;
	[tilespmem:$0x5000] =	vst v63  }
0xee: {  	_ =	swait.ge [sflag:s12], $0x1000  }
0xef: {  	[sflag:s12] =	ssyncset.done $0x0  }
0xf0: {  	[sflag:s12] =	ssyncadd.s32 $0xFFFFF000  }
0xf1: {  	_ =	swait.ge [sflag:s12], $0x1000  }
0xf2: {  	[sflag:s12] =	ssyncset.done $0x0  }
0xf3: {  	[sflag:s12] =	ssyncadd.s32 $0xFFFFF000  }
0xf4: {  	_ =	swait.ge [sflag:s12], $0x1000  }
0xf5: {  	[sflag:s12] =	ssyncset.done $0x0  }
0xf6: {  	[sflag:s12] =	ssyncadd.s32 $0xFFFFF000  }
0xf7: {  	_ =	swait.ge [sflag:s12], $0x1000  }
0xf8: {  	[sflag:s12] =	ssyncset.done $0x0  }
0xf9: {  	s28 =	rddreg [dreg:$0x1d];
	[sflag:s12] =	ssyncadd.s32 $0xFFFFF000  }
0xfa: {  	[hbm4b:s28+s2] =	stream.linear.scatter [tilespmem:s11], [sflag:$0x2], $0x1000, $0x38;
	[tilespmem:$0x5000] =	vst v63  }
0xfb: {  	_ =	swait.ge [sflag:s7], $0x1000  }
0xfc: {  	[sflag:s7] =	ssyncset.done $0x0  }
0xfd: {  	s28 =	rddreg [dreg:$0x1e];
	[sflag:s7] =	ssyncadd.s32 $0xFFFFF000  }
0xfe: {  	[hbm4b:s28+s2] =	stream.linear.scatter [tilespmem:s10], [sflag:$0x2], $0x1000, $0x38;
	[tilespmem:$0x5000] =	vst v63  }
0xff: {  	_ =	swait.ge [sflag:s7], $0x1000  }
0x100: {  	[sflag:s7] =	ssyncset.done $0x0  }
0x101: {  	s28 =	rddreg [dreg:$0x1f];
	[sflag:s7] =	ssyncadd.s32 $0xFFFFF000  }
0x102: {  	[hbm4b:s28+s2] =	stream.linear.scatter [tilespmem:s9], [sflag:$0x2], $0x1000, $0x38;
	[tilespmem:$0x5000] =	vst v63  }
0x103: {  	_ =	swait.ge [sflag:s7], $0x1000  }
0x104: {  	s28 =	sld [smem:$0x7D1]  }
0x105: {  	[sflag:s7] =	ssyncset.done $0x0  }
0x106: {  	[sflag:s7] =	ssyncadd.s32 $0xFFFFF000  }
0x107: {  	[hbm4b:s28+s2] =	stream.linear.scatter [tilespmem:s8], [sflag:$0x2], $0x1000, $0x38;
	[tilespmem:$0x5000] =	vst v63  }
0x108: {  	_ =	swait.ge [sflag:s7], $0x1000  }
0x109: {  	[sflag:s7] =	ssyncset.done $0x0  }
0x10a: {  	s28 =	simm.s32 $0x280;
	[sflag:s7] =	ssyncadd.s32 $0xFFFFF000  }
0x10b: {  	[tilespmem:s11], [sflag:$0x1] =	stream.indirect.gather [hbm4b:s3+s13], $0x80, s28, s13, $0xb8;
	[tilespmem:$0x5000] =	vst v63  }
0x10c: {  	s26 =	simm.s32 $0xA80  }
0x10d: {  	[tilespmem:s10], [sflag:$0x1] =	stream.indirect.gather [hbm4b:s4+s13], $0x80, s26, s13, $0xb8;
	[tilespmem:$0x5000] =	vst v63  }
0x10e: {  	_ = 	snop  }
0x10f: {  	[tilespmem:s9], [sflag:$0x1] =	stream.indirect.gather [hbm4b:s5+s13], $0x80, s28, s13, $0xb8;
	[tilespmem:$0x5000] =	vst v63  }
0x110: {  	_ = 	snop  }
0x111: {  	[tilespmem:s8], [sflag:$0x1] =	stream.indirect.gather [hbm4b:s6+s13], $0x80, s26, s13, $0xb8;
	[tilespmem:$0x5000] =	vst v63  }
0x112: {  	_ =	swait.ge [sflag:s12], $0x1000  }
0x113: {  	[sflag:s12] =	ssyncset.done $0x0  }
0x114: {  	[sflag:s12] =	ssyncadd.s32 $0xFFFFF000  }
0x115: {  	_ =	swait.ge [sflag:s12], $0x1000  }
0x116: {  	[sflag:s12] =	ssyncset.done $0x0  }
0x117: {  	[sflag:s12] =	ssyncadd.s32 $0xFFFFF000  }
0x118: {  	_ =	swait.ge [sflag:s12], $0x1000  }
0x119: {  	[sflag:s12] =	ssyncset.done $0x0  }
0x11a: {  	[sflag:s12] =	ssyncadd.s32 $0xFFFFF000  }
0x11b: {  	_ =	swait.ge [sflag:s12], $0x1000  }
0x11c: {  	s28 =	sld [smem:$0x7D2]  }
0x11d: {  	[sflag:s12] =	ssyncset.done $0x0  }
0x11e: {  	[sflag:s12] =	ssyncadd.s32 $0xFFFFF000  }
0x11f: {  	[hbm4b:s28+s2] =	stream.linear.scatter [tilespmem:s11], [sflag:$0x2], $0x1000, $0x38;
	[tilespmem:$0x5000] =	vst v63  }
0x120: {  	_ =	swait.ge [sflag:s7], $0x1000  }
0x121: {  	s28 =	sld [smem:$0x7D3]  }
0x122: {  	[sflag:s7] =	ssyncset.done $0x0  }
0x123: {  	[sflag:s7] =	ssyncadd.s32 $0xFFFFF000  }
0x124: {  	[hbm4b:s28+s2] =	stream.linear.scatter [tilespmem:s10], [sflag:$0x2], $0x1000, $0x38;
	[tilespmem:$0x5000] =	vst v63  }
0x125: {  	_ =	swait.ge [sflag:s7], $0x1000  }
0x126: {  	s28 =	sld [smem:$0x7D4]  }
0x127: {  	[sflag:s7] =	ssyncset.done $0x0  }
0x128: {  	[sflag:s7] =	ssyncadd.s32 $0xFFFFF000  }
0x129: {  	[hbm4b:s28+s2] =	stream.linear.scatter [tilespmem:s9], [sflag:$0x2], $0x1000, $0x38;
	[tilespmem:$0x5000] =	vst v63  }
0x12a: {  	_ =	swait.ge [sflag:s7], $0x1000  }
0x12b: {  	s28 =	sld [smem:$0x7D5]  }
0x12c: {  	[sflag:s7] =	ssyncset.done $0x0  }
0x12d: {  	[sflag:s7] =	ssyncadd.s32 $0xFFFFF000  }
0x12e: {  	[hbm4b:s28+s2] =	stream.linear.scatter [tilespmem:s8], [sflag:$0x2], $0x1000, $0x38;
	[tilespmem:$0x5000] =	vst v63  }
0x12f: {  	_ =	swait.ge [sflag:s7], $0x1000  }
0x130: {  	[sflag:s7] =	ssyncset.done $0x0  }
0x131: {  	s26 =	simm.s32 $0x300;
	[sflag:s7] =	ssyncadd.s32 $0xFFFFF000  }
0x132: {  	[tilespmem:s11], [sflag:$0x1] =	stream.indirect.gather [hbm4b:s3+s13], $0x80, s26, s13, $0xb8;
	[tilespmem:$0x5000] =	vst v63  }
0x133: {  	_ = 	snop  }
0x134: {  	[tilespmem:s10], [sflag:$0x1] =	stream.indirect.gather [hbm4b:s4+s13], $0x80, s1, s13, $0xb8;
	[tilespmem:$0x5000] =	vst v63  }
0x135: {  	_ = 	snop  }
0x136: {  	[tilespmem:s9], [sflag:$0x1] =	stream.indirect.gather [hbm4b:s5+s13], $0x80, s26, s13, $0xb8;
	[tilespmem:$0x5000] =	vst v63  }
0x137: {  	_ = 	snop  }
0x138: {  	[tilespmem:s8], [sflag:$0x1] =	stream.indirect.gather [hbm4b:s6+s13], $0x80, s1, s13, $0xb8;
	[tilespmem:$0x5000] =	vst v63  }
0x139: {  	_ =	swait.ge [sflag:s12], $0x1000  }
0x13a: {  	[sflag:s12] =	ssyncset.done $0x0  }
0x13b: {  	[sflag:s12] =	ssyncadd.s32 $0xFFFFF000  }
0x13c: {  	_ =	swait.ge [sflag:s12], $0x1000  }
0x13d: {  	[sflag:s12] =	ssyncset.done $0x0  }
0x13e: {  	[sflag:s12] =	ssyncadd.s32 $0xFFFFF000  }
0x13f: {  	_ =	swait.ge [sflag:s12], $0x1000  }
0x140: {  	[sflag:s12] =	ssyncset.done $0x0  }
0x141: {  	[sflag:s12] =	ssyncadd.s32 $0xFFFFF000  }
0x142: {  	_ =	swait.ge [sflag:s12], $0x1000  }
0x143: {  	s28 =	sld [smem:$0x7D6]  }
0x144: {  	[sflag:s12] =	ssyncset.done $0x0  }
0x145: {  	[sflag:s12] =	ssyncadd.s32 $0xFFFFF000  }
0x146: {  	[hbm4b:s28+s2] =	stream.linear.scatter [tilespmem:s11], [sflag:$0x2], $0x1000, $0x38;
	[tilespmem:$0x5000] =	vst v63  }
0x147: {  	_ =	swait.ge [sflag:s7], $0x1000  }
0x148: {  	s28 =	sld [smem:$0x7D7]  }
0x149: {  	[sflag:s7] =	ssyncset.done $0x0  }
0x14a: {  	[sflag:s7] =	ssyncadd.s32 $0xFFFFF000  }
0x14b: {  	[hbm4b:s28+s2] =	stream.linear.scatter [tilespmem:s10], [sflag:$0x2], $0x1000, $0x38;
	[tilespmem:$0x5000] =	vst v63  }
0x14c: {  	_ =	swait.ge [sflag:s7], $0x1000  }
0x14d: {  	s28 =	sld [smem:$0x7D8]  }
0x14e: {  	[sflag:s7] =	ssyncset.done $0x0  }
0x14f: {  	[sflag:s7] =	ssyncadd.s32 $0xFFFFF000  }
0x150: {  	[hbm4b:s28+s2] =	stream.linear.scatter [tilespmem:s9], [sflag:$0x2], $0x1000, $0x38;
	[tilespmem:$0x5000] =	vst v63  }
0x151: {  	_ =	swait.ge [sflag:s7], $0x1000  }
0x152: {  	s28 =	sld [smem:$0x7D9]  }
0x153: {  	[sflag:s7] =	ssyncset.done $0x0  }
0x154: {  	[sflag:s7] =	ssyncadd.s32 $0xFFFFF000  }
0x155: {  	[hbm4b:s28+s2] =	stream.linear.scatter [tilespmem:s8], [sflag:$0x2], $0x1000, $0x38;
	[tilespmem:$0x5000] =	vst v63  }
0x156: {  	_ =	swait.ge [sflag:s7], $0x1000  }
0x157: {  	[sflag:s7] =	ssyncset.done $0x0  }
0x158: {  	s26 =	simm.s32 $0x380;
	[sflag:s7] =	ssyncadd.s32 $0xFFFFF000  }
0x159: {  	[tilespmem:s11], [sflag:$0x1] =	stream.indirect.gather [hbm4b:s3+s13], $0x80, s26, s13, $0xb8;
	[tilespmem:$0x5000] =	vst v63  }
0x15a: {  	_ = 	snop  }
0x15b: {  	[tilespmem:s10], [sflag:$0x1] =	stream.indirect.gather [hbm4b:s4+s13], $0x80, s0, s13, $0xb8;
	[tilespmem:$0x5000] =	vst v63  }
0x15c: {  	_ = 	snop  }
0x15d: {  	[tilespmem:s9], [sflag:$0x1] =	stream.indirect.gather [hbm4b:s5+s13], $0x80, s26, s13, $0xb8;
	[tilespmem:$0x5000] =	vst v63  }
0x15e: {  	_ = 	snop  }
0x15f: {  	[tilespmem:s8], [sflag:$0x1] =	stream.indirect.gather [hbm4b:s6+s13], $0x80, s0, s13, $0xb8;
	[tilespmem:$0x5000] =	vst v63  }
0x160: {  	_ =	swait.ge [sflag:s12], $0x1000  }
0x161: {  	[sflag:s12] =	ssyncset.done $0x0  }
0x162: {  	[sflag:s12] =	ssyncadd.s32 $0xFFFFF000  }
0x163: {  	_ =	swait.ge [sflag:s12], $0x1000  }
0x164: {  	[sflag:s12] =	ssyncset.done $0x0  }
0x165: {  	[sflag:s12] =	ssyncadd.s32 $0xFFFFF000  }
0x166: {  	_ =	swait.ge [sflag:s12], $0x1000  }
0x167: {  	[sflag:s12] =	ssyncset.done $0x0  }
0x168: {  	[sflag:s12] =	ssyncadd.s32 $0xFFFFF000  }
0x169: {  	_ =	swait.ge [sflag:s12], $0x1000  }
0x16a: {  	s28 =	sld [smem:$0x7DA]  }
0x16b: {  	[sflag:s12] =	ssyncset.done $0x0  }
0x16c: {  	[sflag:s12] =	ssyncadd.s32 $0xFFFFF000  }
0x16d: {  	[hbm4b:s28+s2] =	stream.linear.scatter [tilespmem:s11], [sflag:$0x2], $0x1000, $0x38;
	[tilespmem:$0x5000] =	vst v63  }
0x16e: {  	_ =	swait.ge [sflag:s7], $0x1000  }
0x16f: {  	s28 =	sld [smem:$0x7DB]  }
0x170: {  	[sflag:s7] =	ssyncset.done $0x0  }
0x171: {  	[sflag:s7] =	ssyncadd.s32 $0xFFFFF000  }
0x172: {  	[hbm4b:s28+s2] =	stream.linear.scatter [tilespmem:s10], [sflag:$0x2], $0x1000, $0x38;
	[tilespmem:$0x5000] =	vst v63  }
0x173: {  	_ =	swait.ge [sflag:s7], $0x1000  }
0x174: {  	s28 =	sld [smem:$0x7DC]  }
0x175: {  	[sflag:s7] =	ssyncset.done $0x0  }
0x176: {  	[sflag:s7] =	ssyncadd.s32 $0xFFFFF000  }
0x177: {  	[hbm4b:s28+s2] =	stream.linear.scatter [tilespmem:s9], [sflag:$0x2], $0x1000, $0x38;
	[tilespmem:$0x5000] =	vst v63  }
0x178: {  	_ =	swait.ge [sflag:s7], $0x1000  }
0x179: {  	s28 =	sld [smem:$0x7DD]  }
0x17a: {  	[sflag:s7] =	ssyncset.done $0x0  }
0x17b: {  	[sflag:s7] =	ssyncadd.s32 $0xFFFFF000  }
0x17c: {  	[hbm4b:s28+s2] =	stream.linear.scatter [tilespmem:s8], [sflag:$0x2], $0x1000, $0x38;
	[tilespmem:$0x5000] =	vst v63  }
0x17d: {  	_ =	swait.ge [sflag:s7], $0x1000  }
0x17e: {  	[sflag:s7] =	ssyncset.done $0x0  }
0x17f: {  	[sflag:s7] =	ssyncadd.s32 $0xFFFFF000  }
0x180: {  	[tilespmem:s11], [sflag:$0x1] =	stream.indirect.gather [hbm4b:s3+s13], $0x80, s23, s13, $0xb8;
	[tilespmem:$0x5000] =	vst v63  }
0x181: {  	_ = 	snop  }
0x182: {  	[tilespmem:s10], [sflag:$0x1] =	stream.indirect.gather [hbm4b:s4+s13], $0x80, s24, s13, $0xb8;
	[tilespmem:$0x5000] =	vst v63  }
0x183: {  	_ = 	snop  }
0x184: {  	[tilespmem:s9], [sflag:$0x1] =	stream.indirect.gather [hbm4b:s5+s13], $0x80, s23, s13, $0xb8;
	[tilespmem:$0x5000] =	vst v63  }
0x185: {  	_ = 	snop  }
0x186: {  	[tilespmem:s8], [sflag:$0x1] =	stream.indirect.gather [hbm4b:s6+s13], $0x80, s24, s13, $0xb8;
	[tilespmem:$0x5000] =	vst v63  }
0x187: {  	_ =	swait.ge [sflag:s12], $0x1000  }
0x188: {  	[sflag:s12] =	ssyncset.done $0x0  }
0x189: {  	[sflag:s12] =	ssyncadd.s32 $0xFFFFF000  }
0x18a: {  	_ =	swait.ge [sflag:s12], $0x1000  }
0x18b: {  	[sflag:s12] =	ssyncset.done $0x0  }
0x18c: {  	[sflag:s12] =	ssyncadd.s32 $0xFFFFF000  }
0x18d: {  	_ =	swait.ge [sflag:s12], $0x1000  }
0x18e: {  	[sflag:s12] =	ssyncset.done $0x0  }
0x18f: {  	[sflag:s12] =	ssyncadd.s32 $0xFFFFF000  }
0x190: {  	_ =	swait.ge [sflag:s12], $0x1000  }
0x191: {  	s28 =	sld [smem:$0x7DE]  }
0x192: {  	[sflag:s12] =	ssyncset.done $0x0  }
0x193: {  	[sflag:s12] =	ssyncadd.s32 $0xFFFFF000  }
0x194: {  	[hbm4b:s28+s2] =	stream.linear.scatter [tilespmem:s11], [sflag:$0x2], $0x1000, $0x38;
	[tilespmem:$0x5000] =	vst v63  }
0x195: {  	_ =	swait.ge [sflag:s7], $0x1000  }
0x196: {  	s28 =	sld [smem:$0x7DF]  }
0x197: {  	[sflag:s7] =	ssyncset.done $0x0  }
0x198: {  	[sflag:s7] =	ssyncadd.s32 $0xFFFFF000  }
0x199: {  	[hbm4b:s28+s2] =	stream.linear.scatter [tilespmem:s10], [sflag:$0x2], $0x1000, $0x38;
	[tilespmem:$0x5000] =	vst v63  }
0x19a: {  	_ =	swait.ge [sflag:s7], $0x1000  }
0x19b: {  	s28 =	sld [smem:$0x7E0]  }
0x19c: {  	[sflag:s7] =	ssyncset.done $0x0  }
0x19d: {  	[sflag:s7] =	ssyncadd.s32 $0xFFFFF000  }
0x19e: {  	[hbm4b:s28+s2] =	stream.linear.scatter [tilespmem:s9], [sflag:$0x2], $0x1000, $0x38;
	[tilespmem:$0x5000] =	vst v63  }
0x19f: {  	_ =	swait.ge [sflag:s7], $0x1000  }
0x1a0: {  	s28 =	sld [smem:$0x7E1]  }
0x1a1: {  	[sflag:s7] =	ssyncset.done $0x0  }
0x1a2: {  	[sflag:s7] =	ssyncadd.s32 $0xFFFFF000  }
0x1a3: {  	[hbm4b:s28+s2] =	stream.linear.scatter [tilespmem:s8], [sflag:$0x2], $0x1000, $0x38;
	[tilespmem:$0x5000] =	vst v63  }
0x1a4: {  	_ =	swait.ge [sflag:s7], $0x1000  }
0x1a5: {  	[sflag:s7] =	ssyncset.done $0x0  }
0x1a6: {  	[sflag:s7] =	ssyncadd.s32 $0xFFFFF000  }
0x1a7: {  	[tilespmem:s11], [sflag:$0x1] =	stream.indirect.gather [hbm4b:s3+s13], $0x80, s21, s13, $0xb8;
	[tilespmem:$0x5000] =	vst v63  }
0x1a8: {  	_ = 	snop  }
0x1a9: {  	[tilespmem:s10], [sflag:$0x1] =	stream.indirect.gather [hbm4b:s4+s13], $0x80, s22, s13, $0xb8;
	[tilespmem:$0x5000] =	vst v63  }
0x1aa: {  	_ = 	snop  }
0x1ab: {  	[tilespmem:s9], [sflag:$0x1] =	stream.indirect.gather [hbm4b:s5+s13], $0x80, s21, s13, $0xb8;
	[tilespmem:$0x5000] =	vst v63  }
0x1ac: {  	_ = 	snop  }
0x1ad: {  	[tilespmem:s8], [sflag:$0x1] =	stream.indirect.gather [hbm4b:s6+s13], $0x80, s22, s13, $0xb8;
	[tilespmem:$0x5000] =	vst v63  }
0x1ae: {  	_ =	swait.ge [sflag:s12], $0x1000  }
0x1af: {  	[sflag:s12] =	ssyncset.done $0x0  }
0x1b0: {  	[sflag:s12] =	ssyncadd.s32 $0xFFFFF000  }
0x1b1: {  	_ =	swait.ge [sflag:s12], $0x1000  }
0x1b2: {  	[sflag:s12] =	ssyncset.done $0x0  }
0x1b3: {  	[sflag:s12] =	ssyncadd.s32 $0xFFFFF000  }
0x1b4: {  	_ =	swait.ge [sflag:s12], $0x1000  }
0x1b5: {  	[sflag:s12] =	ssyncset.done $0x0  }
0x1b6: {  	[sflag:s12] =	ssyncadd.s32 $0xFFFFF000  }
0x1b7: {  	_ =	swait.ge [sflag:s12], $0x1000  }
0x1b8: {  	s28 =	sld [smem:$0x7E2]  }
0x1b9: {  	[sflag:s12] =	ssyncset.done $0x0  }
0x1ba: {  	[sflag:s12] =	ssyncadd.s32 $0xFFFFF000  }
0x1bb: {  	[hbm4b:s28+s2] =	stream.linear.scatter [tilespmem:s11], [sflag:$0x2], $0x1000, $0x38;
	[tilespmem:$0x5000] =	vst v63  }
0x1bc: {  	_ =	swait.ge [sflag:s7], $0x1000  }
0x1bd: {  	s28 =	sld [smem:$0x7E3]  }
0x1be: {  	[sflag:s7] =	ssyncset.done $0x0  }
0x1bf: {  	[sflag:s7] =	ssyncadd.s32 $0xFFFFF000  }
0x1c0: {  	[hbm4b:s28+s2] =	stream.linear.scatter [tilespmem:s10], [sflag:$0x2], $0x1000, $0x38;
	[tilespmem:$0x5000] =	vst v63  }
0x1c1: {  	_ =	swait.ge [sflag:s7], $0x1000  }
0x1c2: {  	s28 =	sld [smem:$0x7E4]  }
0x1c3: {  	[sflag:s7] =	ssyncset.done $0x0  }
0x1c4: {  	[sflag:s7] =	ssyncadd.s32 $0xFFFFF000  }
0x1c5: {  	[hbm4b:s28+s2] =	stream.linear.scatter [tilespmem:s9], [sflag:$0x2], $0x1000, $0x38;
	[tilespmem:$0x5000] =	vst v63  }
0x1c6: {  	_ =	swait.ge [sflag:s7], $0x1000  }
0x1c7: {  	s28 =	sld [smem:$0x7E5]  }
0x1c8: {  	[sflag:s7] =	ssyncset.done $0x0  }
0x1c9: {  	[sflag:s7] =	ssyncadd.s32 $0xFFFFF000  }
0x1ca: {  	[hbm4b:s28+s2] =	stream.linear.scatter [tilespmem:s8], [sflag:$0x2], $0x1000, $0x38;
	[tilespmem:$0x5000] =	vst v63  }
0x1cb: {  	_ =	swait.ge [sflag:s7], $0x1000  }
0x1cc: {  	[sflag:s7] =	ssyncset.done $0x0  }
0x1cd: {  	[sflag:s7] =	ssyncadd.s32 $0xFFFFF000  }
0x1ce: {  	[tilespmem:s11], [sflag:$0x1] =	stream.indirect.gather [hbm4b:s3+s13], $0x80, s19, s13, $0xb8;
	[tilespmem:$0x5000] =	vst v63  }
0x1cf: {  	_ = 	snop  }
0x1d0: {  	[tilespmem:s10], [sflag:$0x1] =	stream.indirect.gather [hbm4b:s4+s13], $0x80, s20, s13, $0xb8;
	[tilespmem:$0x5000] =	vst v63  }
0x1d1: {  	_ = 	snop  }
0x1d2: {  	[tilespmem:s9], [sflag:$0x1] =	stream.indirect.gather [hbm4b:s5+s13], $0x80, s19, s13, $0xb8;
	[tilespmem:$0x5000] =	vst v63  }
0x1d3: {  	_ = 	snop  }
0x1d4: {  	[tilespmem:s8], [sflag:$0x1] =	stream.indirect.gather [hbm4b:s6+s13], $0x80, s20, s13, $0xb8;
	[tilespmem:$0x5000] =	vst v63  }
0x1d5: {  	_ =	swait.ge [sflag:s12], $0x1000  }
0x1d6: {  	[sflag:s12] =	ssyncset.done $0x0  }
0x1d7: {  	[sflag:s12] =	ssyncadd.s32 $0xFFFFF000  }
0x1d8: {  	_ =	swait.ge [sflag:s12], $0x1000  }
0x1d9: {  	[sflag:s12] =	ssyncset.done $0x0  }
0x1da: {  	[sflag:s12] =	ssyncadd.s32 $0xFFFFF000  }
0x1db: {  	_ =	swait.ge [sflag:s12], $0x1000  }
0x1dc: {  	[sflag:s12] =	ssyncset.done $0x0  }
0x1dd: {  	[sflag:s12] =	ssyncadd.s32 $0xFFFFF000  }
0x1de: {  	_ =	swait.ge [sflag:s12], $0x1000  }
0x1df: {  	s28 =	sld [smem:$0x7E6]  }
0x1e0: {  	[sflag:s12] =	ssyncset.done $0x0  }
0x1e1: {  	[sflag:s12] =	ssyncadd.s32 $0xFFFFF000  }
0x1e2: {  	[hbm4b:s28+s2] =	stream.linear.scatter [tilespmem:s11], [sflag:$0x2], $0x1000, $0x38;
	[tilespmem:$0x5000] =	vst v63  }
0x1e3: {  	_ =	swait.ge [sflag:s7], $0x1000  }
0x1e4: {  	s28 =	sld [smem:$0x7E7]  }
0x1e5: {  	[sflag:s7] =	ssyncset.done $0x0  }
0x1e6: {  	[sflag:s7] =	ssyncadd.s32 $0xFFFFF000  }
0x1e7: {  	[hbm4b:s28+s2] =	stream.linear.scatter [tilespmem:s10], [sflag:$0x2], $0x1000, $0x38;
	[tilespmem:$0x5000] =	vst v63  }
0x1e8: {  	_ =	swait.ge [sflag:s7], $0x1000  }
0x1e9: {  	s28 =	sld [smem:$0x7E8]  }
0x1ea: {  	[sflag:s7] =	ssyncset.done $0x0  }
0x1eb: {  	[sflag:s7] =	ssyncadd.s32 $0xFFFFF000  }
0x1ec: {  	[hbm4b:s28+s2] =	stream.linear.scatter [tilespmem:s9], [sflag:$0x2], $0x1000, $0x38;
	[tilespmem:$0x5000] =	vst v63  }
0x1ed: {  	_ =	swait.ge [sflag:s7], $0x1000  }
0x1ee: {  	s28 =	sld [smem:$0x7E9]  }
0x1ef: {  	[sflag:s7] =	ssyncset.done $0x0  }
0x1f0: {  	[sflag:s7] =	ssyncadd.s32 $0xFFFFF000  }
0x1f1: {  	[hbm4b:s28+s2] =	stream.linear.scatter [tilespmem:s8], [sflag:$0x2], $0x1000, $0x38;
	[tilespmem:$0x5000] =	vst v63  }
0x1f2: {  	_ =	swait.ge [sflag:s7], $0x1000  }
0x1f3: {  	[sflag:s7] =	ssyncset.done $0x0  }
0x1f4: {  	[sflag:s7] =	ssyncadd.s32 $0xFFFFF000  }
0x1f5: {  	[tilespmem:s11], [sflag:$0x1] =	stream.indirect.gather [hbm4b:s3+s13], $0x80, s17, s13, $0xb8;
	[tilespmem:$0x5000] =	vst v63  }
0x1f6: {  	_ = 	snop  }
0x1f7: {  	[tilespmem:s10], [sflag:$0x1] =	stream.indirect.gather [hbm4b:s4+s13], $0x80, s18, s13, $0xb8;
	[tilespmem:$0x5000] =	vst v63  }
0x1f8: {  	_ = 	snop  }
0x1f9: {  	[tilespmem:s9], [sflag:$0x1] =	stream.indirect.gather [hbm4b:s5+s13], $0x80, s17, s13, $0xb8;
	[tilespmem:$0x5000] =	vst v63  }
0x1fa: {  	_ = 	snop  }
0x1fb: {  	[tilespmem:s8], [sflag:$0x1] =	stream.indirect.gather [hbm4b:s6+s13], $0x80, s18, s13, $0xb8;
	[tilespmem:$0x5000] =	vst v63  }
0x1fc: {  	_ =	swait.ge [sflag:s12], $0x1000  }
0x1fd: {  	[sflag:s12] =	ssyncset.done $0x0  }
0x1fe: {  	[sflag:s12] =	ssyncadd.s32 $0xFFFFF000  }
0x1ff: {  	_ =	swait.ge [sflag:s12], $0x1000  }
0x200: {  	[sflag:s12] =	ssyncset.done $0x0  }
0x201: {  	[sflag:s12] =	ssyncadd.s32 $0xFFFFF000  }
0x202: {  	_ =	swait.ge [sflag:s12], $0x1000  }
0x203: {  	[sflag:s12] =	ssyncset.done $0x0  }
0x204: {  	[sflag:s12] =	ssyncadd.s32 $0xFFFFF000  }
0x205: {  	_ =	swait.ge [sflag:s12], $0x1000  }
0x206: {  	s28 =	sld [smem:$0x7EA]  }
0x207: {  	[sflag:s12] =	ssyncset.done $0x0  }
0x208: {  	[sflag:s12] =	ssyncadd.s32 $0xFFFFF000  }
0x209: {  	[hbm4b:s28+s2] =	stream.linear.scatter [tilespmem:s11], [sflag:$0x2], $0x1000, $0x38;
	[tilespmem:$0x5000] =	vst v63  }
0x20a: {  	_ =	swait.ge [sflag:s7], $0x1000  }
0x20b: {  	s28 =	sld [smem:$0x7EB]  }
0x20c: {  	[sflag:s7] =	ssyncset.done $0x0  }
0x20d: {  	[sflag:s7] =	ssyncadd.s32 $0xFFFFF000  }
0x20e: {  	[hbm4b:s28+s2] =	stream.linear.scatter [tilespmem:s10], [sflag:$0x2], $0x1000, $0x38;
	[tilespmem:$0x5000] =	vst v63  }
0x20f: {  	_ =	swait.ge [sflag:s7], $0x1000  }
0x210: {  	s28 =	sld [smem:$0x7EC]  }
0x211: {  	[sflag:s7] =	ssyncset.done $0x0  }
0x212: {  	[sflag:s7] =	ssyncadd.s32 $0xFFFFF000  }
0x213: {  	[hbm4b:s28+s2] =	stream.linear.scatter [tilespmem:s9], [sflag:$0x2], $0x1000, $0x38;
	[tilespmem:$0x5000] =	vst v63  }
0x214: {  	_ =	swait.ge [sflag:s7], $0x1000  }
0x215: {  	s28 =	sld [smem:$0x7ED]  }
0x216: {  	[sflag:s7] =	ssyncset.done $0x0  }
0x217: {  	[sflag:s7] =	ssyncadd.s32 $0xFFFFF000  }
0x218: {  	[hbm4b:s28+s2] =	stream.linear.scatter [tilespmem:s8], [sflag:$0x2], $0x1000, $0x38;
	[tilespmem:$0x5000] =	vst v63  }
0x219: {  	_ =	swait.ge [sflag:s7], $0x1000  }
0x21a: {  	[sflag:s7] =	ssyncset.done $0x0  }
0x21b: {  	s26 =	simm.s32 $0x600;
	[sflag:s7] =	ssyncadd.s32 $0xFFFFF000  }
0x21c: {  	[tilespmem:s11], [sflag:$0x1] =	stream.indirect.gather [hbm4b:s3+s13], $0x80, s26, s13, $0xb8;
	[tilespmem:$0x5000] =	vst v63  }
0x21d: {  	_ = 	snop  }
0x21e: {  	[tilespmem:s10], [sflag:$0x1] =	stream.indirect.gather [hbm4b:s4+s13], $0x80, s16, s13, $0xb8;
	[tilespmem:$0x5000] =	vst v63  }
0x21f: {  	_ = 	snop  }
0x220: {  	[tilespmem:s9], [sflag:$0x1] =	stream.indirect.gather [hbm4b:s5+s13], $0x80, s26, s13, $0xb8;
	[tilespmem:$0x5000] =	vst v63  }
0x221: {  	_ = 	snop  }
0x222: {  	[tilespmem:s8], [sflag:$0x1] =	stream.indirect.gather [hbm4b:s6+s13], $0x80, s16, s13, $0xb8;
	[tilespmem:$0x5000] =	vst v63  }
0x223: {  	_ =	swait.ge [sflag:s12], $0x1000  }
0x224: {  	[sflag:s12] =	ssyncset.done $0x0  }
0x225: {  	[sflag:s12] =	ssyncadd.s32 $0xFFFFF000  }
0x226: {  	_ =	swait.ge [sflag:s12], $0x1000  }
0x227: {  	[sflag:s12] =	ssyncset.done $0x0  }
0x228: {  	[sflag:s12] =	ssyncadd.s32 $0xFFFFF000  }
0x229: {  	_ =	swait.ge [sflag:s12], $0x1000  }
0x22a: {  	[sflag:s12] =	ssyncset.done $0x0  }
0x22b: {  	[sflag:s12] =	ssyncadd.s32 $0xFFFFF000  }
0x22c: {  	_ =	swait.ge [sflag:s12], $0x1000  }
0x22d: {  	s28 =	sld [smem:$0x7EE]  }
0x22e: {  	[sflag:s12] =	ssyncset.done $0x0  }
0x22f: {  	[sflag:s12] =	ssyncadd.s32 $0xFFFFF000  }
0x230: {  	[hbm4b:s28+s2] =	stream.linear.scatter [tilespmem:s11], [sflag:$0x2], $0x1000, $0x38;
	[tilespmem:$0x5000] =	vst v63  }
0x231: {  	_ =	swait.ge [sflag:s7], $0x1000  }
0x232: {  	s28 =	sld [smem:$0x7EF]  }
0x233: {  	[sflag:s7] =	ssyncset.done $0x0  }
0x234: {  	[sflag:s7] =	ssyncadd.s32 $0xFFFFF000  }
0x235: {  	[hbm4b:s28+s2] =	stream.linear.scatter [tilespmem:s10], [sflag:$0x2], $0x1000, $0x38;
	[tilespmem:$0x5000] =	vst v63  }
0x236: {  	_ =	swait.ge [sflag:s7], $0x1000  }
0x237: {  	s28 =	sld [smem:$0x7F0]  }
0x238: {  	[sflag:s7] =	ssyncset.done $0x0  }
0x239: {  	[sflag:s7] =	ssyncadd.s32 $0xFFFFF000  }
0x23a: {  	[hbm4b:s28+s2] =	stream.linear.scatter [tilespmem:s9], [sflag:$0x2], $0x1000, $0x38;
	[tilespmem:$0x5000] =	vst v63  }
0x23b: {  	_ =	swait.ge [sflag:s7], $0x1000  }
0x23c: {  	s28 =	sld [smem:$0x7F1]  }
0x23d: {  	[sflag:s7] =	ssyncset.done $0x0  }
0x23e: {  	[sflag:s7] =	ssyncadd.s32 $0xFFFFF000  }
0x23f: {  	[hbm4b:s28+s2] =	stream.linear.scatter [tilespmem:s8], [sflag:$0x2], $0x1000, $0x38;
	[tilespmem:$0x5000] =	vst v63  }
0x240: {  	_ =	swait.ge [sflag:s7], $0x1000  }
0x241: {  	[sflag:s7] =	ssyncset.done $0x0  }
0x242: {  	s26 =	simm.s32 $0x680;
	[sflag:s7] =	ssyncadd.s32 $0xFFFFF000  }
0x243: {  	[tilespmem:s11], [sflag:$0x1] =	stream.indirect.gather [hbm4b:s3+s13], $0x80, s26, s13, $0xb8;
	[tilespmem:$0x5000] =	vst v63  }
0x244: {  	_ = 	snop  }
0x245: {  	[tilespmem:s10], [sflag:$0x1] =	stream.indirect.gather [hbm4b:s4+s13], $0x80, s14, s13, $0xb8;
	[tilespmem:$0x5000] =	vst v63  }
0x246: {  	_ = 	snop  }
0x247: {  	[tilespmem:s9], [sflag:$0x1] =	stream.indirect.gather [hbm4b:s5+s13], $0x80, s26, s13, $0xb8;
	[tilespmem:$0x5000] =	vst v63  }
0x248: {  	_ = 	snop  }
0x249: {  	[tilespmem:s8], [sflag:$0x1] =	stream.indirect.gather [hbm4b:s6+s13], $0x80, s14, s13, $0xb8;
	[tilespmem:$0x5000] =	vst v63  }
0x24a: {  	_ =	swait.ge [sflag:s12], $0x1000  }
0x24b: {  	[sflag:s12] =	ssyncset.done $0x0  }
0x24c: {  	[sflag:s12] =	ssyncadd.s32 $0xFFFFF000  }
0x24d: {  	_ =	swait.ge [sflag:s12], $0x1000  }
0x24e: {  	[sflag:s12] =	ssyncset.done $0x0  }
0x24f: {  	[sflag:s12] =	ssyncadd.s32 $0xFFFFF000  }
0x250: {  	_ =	swait.ge [sflag:s12], $0x1000  }
0x251: {  	[sflag:s12] =	ssyncset.done $0x0  }
0x252: {  	[sflag:s12] =	ssyncadd.s32 $0xFFFFF000  }
0x253: {  	_ =	swait.ge [sflag:s12], $0x1000  }
0x254: {  	s28 =	sld [smem:$0x7F2]  }
0x255: {  	[sflag:s12] =	ssyncset.done $0x0  }
0x256: {  	[sflag:s12] =	ssyncadd.s32 $0xFFFFF000  }
0x257: {  	[hbm4b:s28+s2] =	stream.linear.scatter [tilespmem:s11], [sflag:$0x2], $0x1000, $0x38;
	[tilespmem:$0x5000] =	vst v63  }
0x258: {  	_ =	swait.ge [sflag:s7], $0x1000  }
0x259: {  	s28 =	sld [smem:$0x7F3]  }
0x25a: {  	[sflag:s7] =	ssyncset.done $0x0  }
0x25b: {  	[sflag:s7] =	ssyncadd.s32 $0xFFFFF000  }
0x25c: {  	[hbm4b:s28+s2] =	stream.linear.scatter [tilespmem:s10], [sflag:$0x2], $0x1000, $0x38;
	[tilespmem:$0x5000] =	vst v63  }
0x25d: {  	_ =	swait.ge [sflag:s7], $0x1000  }
0x25e: {  	s28 =	sld [smem:$0x7F4]  }
0x25f: {  	[sflag:s7] =	ssyncset.done $0x0  }
0x260: {  	[sflag:s7] =	ssyncadd.s32 $0xFFFFF000  }
0x261: {  	[hbm4b:s28+s2] =	stream.linear.scatter [tilespmem:s9], [sflag:$0x2], $0x1000, $0x38;
	[tilespmem:$0x5000] =	vst v63  }
0x262: {  	_ =	swait.ge [sflag:s7], $0x1000  }
0x263: {  	s28 =	sld [smem:$0x7F5]  }
0x264: {  	[sflag:s7] =	ssyncset.done $0x0  }
0x265: {  	[sflag:s7] =	ssyncadd.s32 $0xFFFFF000  }
0x266: {  	[hbm4b:s28+s2] =	stream.linear.scatter [tilespmem:s8], [sflag:$0x2], $0x1000, $0x38;
	[tilespmem:$0x5000] =	vst v63  }
0x267: {  	_ =	swait.ge [sflag:s7], $0x1000  }
0x268: {  	[sflag:s7] =	ssyncset.done $0x0  }
0x269: {  	s26 =	simm.s32 $0x700;
	[sflag:s7] =	ssyncadd.s32 $0xFFFFF000  }
0x26a: {  	[tilespmem:s11], [sflag:$0x1] =	stream.indirect.gather [hbm4b:s3+s13], $0x80, s26, s13, $0xb8;
	[tilespmem:$0x5000] =	vst v63  }
0x26b: {  	_ = 	snop  }
0x26c: {  	[tilespmem:s10], [sflag:$0x1] =	stream.indirect.gather [hbm4b:s4+s13], $0x80, s31, s13, $0xb8;
	[tilespmem:$0x5000] =	vst v63  }
0x26d: {  	_ = 	snop  }
0x26e: {  	[tilespmem:s9], [sflag:$0x1] =	stream.indirect.gather [hbm4b:s5+s13], $0x80, s26, s13, $0xb8;
	[tilespmem:$0x5000] =	vst v63  }
0x26f: {  	_ = 	snop  }
0x270: {  	[tilespmem:s8], [sflag:$0x1] =	stream.indirect.gather [hbm4b:s6+s13], $0x80, s31, s13, $0xb8;
	[tilespmem:$0x5000] =	vst v63  }
0x271: {  	_ =	swait.ge [sflag:s12], $0x1000  }
0x272: {  	[sflag:s12] =	ssyncset.done $0x0  }
0x273: {  	[sflag:s12] =	ssyncadd.s32 $0xFFFFF000  }
0x274: {  	_ =	swait.ge [sflag:s12], $0x1000  }
0x275: {  	[sflag:s12] =	ssyncset.done $0x0  }
0x276: {  	[sflag:s12] =	ssyncadd.s32 $0xFFFFF000  }
0x277: {  	_ =	swait.ge [sflag:s12], $0x1000  }
0x278: {  	[sflag:s12] =	ssyncset.done $0x0  }
0x279: {  	[sflag:s12] =	ssyncadd.s32 $0xFFFFF000  }
0x27a: {  	_ =	swait.ge [sflag:s12], $0x1000  }
0x27b: {  	s28 =	sld [smem:$0x7F6]  }
0x27c: {  	[sflag:s12] =	ssyncset.done $0x0  }
0x27d: {  	[sflag:s12] =	ssyncadd.s32 $0xFFFFF000  }
0x27e: {  	[hbm4b:s28+s2] =	stream.linear.scatter [tilespmem:s11], [sflag:$0x2], $0x1000, $0x38;
	[tilespmem:$0x5000] =	vst v63  }
0x27f: {  	_ =	swait.ge [sflag:s7], $0x1000  }
0x280: {  	s28 =	sld [smem:$0x7F7]  }
0x281: {  	[sflag:s7] =	ssyncset.done $0x0  }
0x282: {  	[sflag:s7] =	ssyncadd.s32 $0xFFFFF000  }
0x283: {  	[hbm4b:s28+s2] =	stream.linear.scatter [tilespmem:s10], [sflag:$0x2], $0x1000, $0x38;
	[tilespmem:$0x5000] =	vst v63  }
0x284: {  	_ =	swait.ge [sflag:s7], $0x1000  }
0x285: {  	s28 =	sld [smem:$0x7F8]  }
0x286: {  	[sflag:s7] =	ssyncset.done $0x0  }
0x287: {  	[sflag:s7] =	ssyncadd.s32 $0xFFFFF000  }
0x288: {  	[hbm4b:s28+s2] =	stream.linear.scatter [tilespmem:s9], [sflag:$0x2], $0x1000, $0x38;
	[tilespmem:$0x5000] =	vst v63  }
0x289: {  	_ =	swait.ge [sflag:s7], $0x1000  }
0x28a: {  	s28 =	sld [smem:$0x7F9]  }
0x28b: {  	[sflag:s7] =	ssyncset.done $0x0  }
0x28c: {  	[sflag:s7] =	ssyncadd.s32 $0xFFFFF000  }
0x28d: {  	[hbm4b:s28+s2] =	stream.linear.scatter [tilespmem:s8], [sflag:$0x2], $0x1000, $0x38;
	[tilespmem:$0x5000] =	vst v63  }
0x28e: {  	_ =	swait.ge [sflag:s7], $0x1000  }
0x28f: {  	[sflag:s7] =	ssyncset.done $0x0  }
0x290: {  	[sflag:s7] =	ssyncadd.s32 $0xFFFFF000  }
0x291: {  	[tilespmem:s11], [sflag:$0x1] =	stream.indirect.gather [hbm4b:s3+s13], $0x80, s29, s13, $0xb8;
	[tilespmem:$0x5000] =	vst v63  }
0x292: {  	_ = 	snop  }
0x293: {  	[tilespmem:s10], [sflag:$0x1] =	stream.indirect.gather [hbm4b:s4+s13], $0x80, s30, s13, $0xb8;
	[tilespmem:$0x5000] =	vst v63  }
0x294: {  	_ = 	snop  }
0x295: {  	[tilespmem:s9], [sflag:$0x1] =	stream.indirect.gather [hbm4b:s5+s13], $0x80, s29, s13, $0xb8;
	[tilespmem:$0x5000] =	vst v63  }
0x296: {  	_ = 	snop  }
0x297: {  	[tilespmem:s8], [sflag:$0x1] =	stream.indirect.gather [hbm4b:s6+s13], $0x80, s30, s13, $0xb8;
	[tilespmem:$0x5000] =	vst v63  }
0x298: {  	_ =	swait.ge [sflag:s12], $0x1000  }
0x299: {  	[sflag:s12] =	ssyncset.done $0x0  }
0x29a: {  	[sflag:s12] =	ssyncadd.s32 $0xFFFFF000  }
0x29b: {  	_ =	swait.ge [sflag:s12], $0x1000  }
0x29c: {  	[sflag:s12] =	ssyncset.done $0x0  }
0x29d: {  	[sflag:s12] =	ssyncadd.s32 $0xFFFFF000  }
0x29e: {  	_ =	swait.ge [sflag:s12], $0x1000  }
0x29f: {  	[sflag:s12] =	ssyncset.done $0x0  }
0x2a0: {  	[sflag:s12] =	ssyncadd.s32 $0xFFFFF000  }
0x2a1: {  	_ =	swait.ge [sflag:s12], $0x1000  }
0x2a2: {  	s28 =	sld [smem:$0x7FA]  }
0x2a3: {  	[sflag:s12] =	ssyncset.done $0x0  }
0x2a4: {  	[sflag:s12] =	ssyncadd.s32 $0xFFFFF000  }
0x2a5: {  	[hbm4b:s28+s2] =	stream.linear.scatter [tilespmem:s11], [sflag:$0x2], $0x1000, $0x38;
	[tilespmem:$0x5000] =	vst v63  }
0x2a6: {  	_ =	swait.ge [sflag:s7], $0x1000  }
0x2a7: {  	s28 =	sld [smem:$0x7FB]  }
0x2a8: {  	[sflag:s7] =	ssyncset.done $0x0  }
0x2a9: {  	[sflag:s7] =	ssyncadd.s32 $0xFFFFF000  }
0x2aa: {  	[hbm4b:s28+s2] =	stream.linear.scatter [tilespmem:s10], [sflag:$0x2], $0x1000, $0x38;
	[tilespmem:$0x5000] =	vst v63  }
0x2ab: {  	_ =	swait.ge [sflag:s7], $0x1000  }
0x2ac: {  	s28 =	sld [smem:$0x7FC]  }
0x2ad: {  	[sflag:s7] =	ssyncset.done $0x0  }
0x2ae: {  	[sflag:s7] =	ssyncadd.s32 $0xFFFFF000  }
0x2af: {  	[hbm4b:s28+s2] =	stream.linear.scatter [tilespmem:s9], [sflag:$0x2], $0x1000, $0x38;
	[tilespmem:$0x5000] =	vst v63  }
0x2b0: {  	_ =	swait.ge [sflag:s7], $0x1000  }
0x2b1: {  	s26 =	sld [smem:$0x7D0];
	_ =	sdelay $0x2  }
0x2b2: {  	s28 =	sld [smem:$0x7FD];
	p1 =	sne.s32 s26, $0x1  }
.Ltmp1:
0x2b3: {  	[sflag:s7] =	ssyncset.done $0x0;
	(pc) =	sbr.rel @!p1 .LBB2_3-.Ltmp1, $4  }
0x2b4: {  	[sflag:s7] =	ssyncadd.s32 $0xFFFFF000  }
0x2b5: {  	[hbm4b:s28+s2] =	stream.linear.scatter [tilespmem:s8], [sflag:$0x2], $0x1000, $0x38;
	[tilespmem:$0x5000] =	vst v63  }
0x2b6: {  	p0 =	por $0x1, $0x1;
	_ =	swait.ge [sflag:s7], $0x1000  }
0x2b7: {  	s26 =	sadd.s32 $0xFFFFFFFF, s26;
	s28 =	rddreg [dreg:$0xb];
	[sflag:s7] =	ssyncset.done $0x0  }
.LBB2_2:
0x2b8: {  	[sflag:s7] =	ssyncadd.s32 $0xFFFFF000  }
0x2b9: {  	[tilespmem:s2], [sflag:$0x2] =	stream.linear.gather [hbm4b:s28+s2], $0x800, $0x38;
	[tilespmem:$0x5000] =	vst v63  }
0x2ba: {  	_ =	swait.ge [sflag:s7], $0x800  }
0x2bb: {  	[sflag:s7] =	ssyncset.done $0x0  }
0x2bc: {  	s28 =	rddreg [dreg:$0xc];
	[sflag:s7] =	ssyncadd.s32 $0xFFFFF800  }
0x2bd: {  	[tilespmem:s25], [sflag:$0x2] =	stream.linear.gather [hbm4b:s28+s2], $0x800, $0x38;
	[tilespmem:$0x5000] =	vst v63  }
0x2be: {  	_ =	swait.ge [sflag:s7], $0x800  }
0x2bf: {  	[sflag:s7] =	ssyncset.done $0x0  }
0x2c0: {  	[sflag:s7] =	ssyncadd.s32 $0xFFFFF800  }
0x2c1: {  	[tilespmem:s11], [sflag:$0x1] =	stream.indirect.gather [hbm4b:s3+s13], $0x80, s2, s13, $0xb8;
	[tilespmem:$0x5000] =	vst v63  }
0x2c2: {  	_ = 	snop  }
0x2c3: {  	[tilespmem:s10], [sflag:$0x1] =	stream.indirect.gather [hbm4b:s4+s13], $0x80, s25, s13, $0xb8;
	[tilespmem:$0x5000] =	vst v63  }
0x2c4: {  	_ = 	snop  }
0x2c5: {  	[tilespmem:s9], [sflag:$0x1] =	stream.indirect.gather [hbm4b:s5+s13], $0x80, s2, s13, $0xb8;
	[tilespmem:$0x5000] =	vst v63  }
0x2c6: {  	_ = 	snop  }
0x2c7: {  	[tilespmem:s8], [sflag:$0x1] =	stream.indirect.gather [hbm4b:s6+s13], $0x80, s25, s13, $0xb8;
	[tilespmem:$0x5000] =	vst v63  }
0x2c8: {  	_ =	swait.ge [sflag:s12], $0x1000  }
0x2c9: {  	[sflag:s12] =	ssyncset.done $0x0  }
0x2ca: {  	[sflag:s12] =	ssyncadd.s32 $0xFFFFF000  }
0x2cb: {  	_ =	swait.ge [sflag:s12], $0x1000  }
0x2cc: {  	[sflag:s12] =	ssyncset.done $0x0  }
0x2cd: {  	[sflag:s12] =	ssyncadd.s32 $0xFFFFF000  }
0x2ce: {  	_ =	swait.ge [sflag:s12], $0x1000  }
0x2cf: {  	[sflag:s12] =	ssyncset.done $0x0  }
0x2d0: {  	[sflag:s12] =	ssyncadd.s32 $0xFFFFF000  }
0x2d1: {  	_ =	swait.ge [sflag:s12], $0x1000  }
0x2d2: {  	[sflag:s12] =	ssyncset.done $0x0  }
0x2d3: {  	s28 =	rddreg [dreg:$0xd];
	[sflag:s12] =	ssyncadd.s32 $0xFFFFF000  }
0x2d4: {  	[hbm4b:s28+s2] =	stream.linear.scatter [tilespmem:s11], [sflag:$0x2], $0x1000, $0x38;
	[tilespmem:$0x5000] =	vst v63  }
0x2d5: {  	_ =	swait.ge [sflag:s7], $0x1000  }
0x2d6: {  	[sflag:s7] =	ssyncset.done $0x0  }
0x2d7: {  	s28 =	rddreg [dreg:$0xe];
	[sflag:s7] =	ssyncadd.s32 $0xFFFFF000  }
0x2d8: {  	[hbm4b:s28+s2] =	stream.linear.scatter [tilespmem:s10], [sflag:$0x2], $0x1000, $0x38;
	[tilespmem:$0x5000] =	vst v63  }
0x2d9: {  	_ =	swait.ge [sflag:s7], $0x1000  }
0x2da: {  	[sflag:s7] =	ssyncset.done $0x0  }
0x2db: {  	s28 =	rddreg [dreg:$0xf];
	[sflag:s7] =	ssyncadd.s32 $0xFFFFF000  }
0x2dc: {  	[hbm4b:s28+s2] =	stream.linear.scatter [tilespmem:s9], [sflag:$0x2], $0x1000, $0x38;
	[tilespmem:$0x5000] =	vst v63  }
0x2dd: {  	_ =	swait.ge [sflag:s7], $0x1000  }
0x2de: {  	[sflag:s7] =	ssyncset.done $0x0  }
0x2df: {  	s28 =	rddreg [dreg:$0x10];
	[sflag:s7] =	ssyncadd.s32 $0xFFFFF000  }
0x2e0: {  	[hbm4b:s28+s2] =	stream.linear.scatter [tilespmem:s8], [sflag:$0x2], $0x1000, $0x38;
	[tilespmem:$0x5000] =	vst v63  }
0x2e1: {  	_ =	swait.ge [sflag:s7], $0x1000  }
0x2e2: {  	[sflag:s7] =	ssyncset.done $0x0  }
0x2e3: {  	s28 =	simm.s32 $0x80;
	[sflag:s7] =	ssyncadd.s32 $0xFFFFF000  }
0x2e4: {  	[tilespmem:s11], [sflag:$0x1] =	stream.indirect.gather [hbm4b:s3+s13], $0x80, s28, s13, $0xb8;
	[tilespmem:$0x5000] =	vst v63  }
0x2e5: {  	s15 =	simm.s32 $0x880  }
0x2e6: {  	[tilespmem:s10], [sflag:$0x1] =	stream.indirect.gather [hbm4b:s4+s13], $0x80, s15, s13, $0xb8;
	[tilespmem:$0x5000] =	vst v63  }
0x2e7: {  	_ = 	snop  }
0x2e8: {  	[tilespmem:s9], [sflag:$0x1] =	stream.indirect.gather [hbm4b:s5+s13], $0x80, s28, s13, $0xb8;
	[tilespmem:$0x5000] =	vst v63  }
0x2e9: {  	_ = 	snop  }
0x2ea: {  	[tilespmem:s8], [sflag:$0x1] =	stream.indirect.gather [hbm4b:s6+s13], $0x80, s15, s13, $0xb8;
	[tilespmem:$0x5000] =	vst v63  }
0x2eb: {  	_ =	swait.ge [sflag:s12], $0x1000  }
0x2ec: {  	[sflag:s12] =	ssyncset.done $0x0  }
0x2ed: {  	[sflag:s12] =	ssyncadd.s32 $0xFFFFF000  }
0x2ee: {  	_ =	swait.ge [sflag:s12], $0x1000  }
0x2ef: {  	[sflag:s12] =	ssyncset.done $0x0  }
0x2f0: {  	[sflag:s12] =	ssyncadd.s32 $0xFFFFF000  }
0x2f1: {  	_ =	swait.ge [sflag:s12], $0x1000  }
0x2f2: {  	[sflag:s12] =	ssyncset.done $0x0  }
0x2f3: {  	[sflag:s12] =	ssyncadd.s32 $0xFFFFF000  }
0x2f4: {  	_ =	swait.ge [sflag:s12], $0x1000  }
0x2f5: {  	[sflag:s12] =	ssyncset.done $0x0  }
0x2f6: {  	s28 =	rddreg [dreg:$0x11];
	[sflag:s12] =	ssyncadd.s32 $0xFFFFF000  }
0x2f7: {  	[hbm4b:s28+s2] =	stream.linear.scatter [tilespmem:s11], [sflag:$0x2], $0x1000, $0x38;
	[tilespmem:$0x5000] =	vst v63  }
0x2f8: {  	_ =	swait.ge [sflag:s7], $0x1000  }
0x2f9: {  	[sflag:s7] =	ssyncset.done $0x0  }
0x2fa: {  	s28 =	rddreg [dreg:$0x12];
	[sflag:s7] =	ssyncadd.s32 $0xFFFFF000  }
0x2fb: {  	[hbm4b:s28+s2] =	stream.linear.scatter [tilespmem:s10], [sflag:$0x2], $0x1000, $0x38;
	[tilespmem:$0x5000] =	vst v63  }
0x2fc: {  	_ =	swait.ge [sflag:s7], $0x1000  }
0x2fd: {  	[sflag:s7] =	ssyncset.done $0x0  }
0x2fe: {  	s28 =	rddreg [dreg:$0x13];
	[sflag:s7] =	ssyncadd.s32 $0xFFFFF000  }
0x2ff: {  	[hbm4b:s28+s2] =	stream.linear.scatter [tilespmem:s9], [sflag:$0x2], $0x1000, $0x38;
	[tilespmem:$0x5000] =	vst v63  }
0x300: {  	_ =	swait.ge [sflag:s7], $0x1000  }
0x301: {  	[sflag:s7] =	ssyncset.done $0x0  }
0x302: {  	s28 =	rddreg [dreg:$0x14];
	[sflag:s7] =	ssyncadd.s32 $0xFFFFF000  }
0x303: {  	[hbm4b:s28+s2] =	stream.linear.scatter [tilespmem:s8], [sflag:$0x2], $0x1000, $0x38;
	[tilespmem:$0x5000] =	vst v63  }
0x304: {  	_ =	swait.ge [sflag:s7], $0x1000  }
0x305: {  	[sflag:s7] =	ssyncset.done $0x0  }
0x306: {  	s28 =	simm.s32 $0x100;
	[sflag:s7] =	ssyncadd.s32 $0xFFFFF000  }
0x307: {  	[tilespmem:s11], [sflag:$0x1] =	stream.indirect.gather [hbm4b:s3+s13], $0x80, s28, s13, $0xb8;
	[tilespmem:$0x5000] =	vst v63  }
0x308: {  	s15 =	simm.s32 $0x900  }
0x309: {  	[tilespmem:s10], [sflag:$0x1] =	stream.indirect.gather [hbm4b:s4+s13], $0x80, s15, s13, $0xb8;
	[tilespmem:$0x5000] =	vst v63  }
0x30a: {  	_ = 	snop  }
0x30b: {  	[tilespmem:s9], [sflag:$0x1] =	stream.indirect.gather [hbm4b:s5+s13], $0x80, s28, s13, $0xb8;
	[tilespmem:$0x5000] =	vst v63  }
0x30c: {  	_ = 	snop  }
0x30d: {  	[tilespmem:s8], [sflag:$0x1] =	stream.indirect.gather [hbm4b:s6+s13], $0x80, s15, s13, $0xb8;
	[tilespmem:$0x5000] =	vst v63  }
0x30e: {  	_ =	swait.ge [sflag:s12], $0x1000  }
0x30f: {  	[sflag:s12] =	ssyncset.done $0x0  }
0x310: {  	[sflag:s12] =	ssyncadd.s32 $0xFFFFF000  }
0x311: {  	_ =	swait.ge [sflag:s12], $0x1000  }
0x312: {  	[sflag:s12] =	ssyncset.done $0x0  }
0x313: {  	[sflag:s12] =	ssyncadd.s32 $0xFFFFF000  }
0x314: {  	_ =	swait.ge [sflag:s12], $0x1000  }
0x315: {  	[sflag:s12] =	ssyncset.done $0x0  }
0x316: {  	[sflag:s12] =	ssyncadd.s32 $0xFFFFF000  }
0x317: {  	_ =	swait.ge [sflag:s12], $0x1000  }
0x318: {  	[sflag:s12] =	ssyncset.done $0x0  }
0x319: {  	s28 =	rddreg [dreg:$0x15];
	[sflag:s12] =	ssyncadd.s32 $0xFFFFF000  }
0x31a: {  	[hbm4b:s28+s2] =	stream.linear.scatter [tilespmem:s11], [sflag:$0x2], $0x1000, $0x38;
	[tilespmem:$0x5000] =	vst v63  }
0x31b: {  	_ =	swait.ge [sflag:s7], $0x1000  }
0x31c: {  	[sflag:s7] =	ssyncset.done $0x0  }
0x31d: {  	s28 =	rddreg [dreg:$0x16];
	[sflag:s7] =	ssyncadd.s32 $0xFFFFF000  }
0x31e: {  	[hbm4b:s28+s2] =	stream.linear.scatter [tilespmem:s10], [sflag:$0x2], $0x1000, $0x38;
	[tilespmem:$0x5000] =	vst v63  }
0x31f: {  	_ =	swait.ge [sflag:s7], $0x1000  }
0x320: {  	[sflag:s7] =	ssyncset.done $0x0  }
0x321: {  	s28 =	rddreg [dreg:$0x17];
	[sflag:s7] =	ssyncadd.s32 $0xFFFFF000  }
0x322: {  	[hbm4b:s28+s2] =	stream.linear.scatter [tilespmem:s9], [sflag:$0x2], $0x1000, $0x38;
	[tilespmem:$0x5000] =	vst v63  }
0x323: {  	_ =	swait.ge [sflag:s7], $0x1000  }
0x324: {  	[sflag:s7] =	ssyncset.done $0x0  }
0x325: {  	s28 =	rddreg [dreg:$0x18];
	[sflag:s7] =	ssyncadd.s32 $0xFFFFF000  }
0x326: {  	[hbm4b:s28+s2] =	stream.linear.scatter [tilespmem:s8], [sflag:$0x2], $0x1000, $0x38;
	[tilespmem:$0x5000] =	vst v63  }
0x327: {  	_ =	swait.ge [sflag:s7], $0x1000  }
0x328: {  	[sflag:s7] =	ssyncset.done $0x0  }
0x329: {  	s28 =	simm.s32 $0x180;
	[sflag:s7] =	ssyncadd.s32 $0xFFFFF000  }
0x32a: {  	[tilespmem:s11], [sflag:$0x1] =	stream.indirect.gather [hbm4b:s3+s13], $0x80, s28, s13, $0xb8;
	[tilespmem:$0x5000] =	vst v63  }
0x32b: {  	s15 =	simm.s32 $0x980  }
0x32c: {  	[tilespmem:s10], [sflag:$0x1] =	stream.indirect.gather [hbm4b:s4+s13], $0x80, s15, s13, $0xb8;
	[tilespmem:$0x5000] =	vst v63  }
0x32d: {  	_ = 	snop  }
0x32e: {  	[tilespmem:s9], [sflag:$0x1] =	stream.indirect.gather [hbm4b:s5+s13], $0x80, s28, s13, $0xb8;
	[tilespmem:$0x5000] =	vst v63  }
0x32f: {  	_ = 	snop  }
0x330: {  	[tilespmem:s8], [sflag:$0x1] =	stream.indirect.gather [hbm4b:s6+s13], $0x80, s15, s13, $0xb8;
	[tilespmem:$0x5000] =	vst v63  }
0x331: {  	_ =	swait.ge [sflag:s12], $0x1000  }
0x332: {  	[sflag:s12] =	ssyncset.done $0x0  }
0x333: {  	[sflag:s12] =	ssyncadd.s32 $0xFFFFF000  }
0x334: {  	_ =	swait.ge [sflag:s12], $0x1000  }
0x335: {  	[sflag:s12] =	ssyncset.done $0x0  }
0x336: {  	[sflag:s12] =	ssyncadd.s32 $0xFFFFF000  }
0x337: {  	_ =	swait.ge [sflag:s12], $0x1000  }
0x338: {  	[sflag:s12] =	ssyncset.done $0x0  }
0x339: {  	[sflag:s12] =	ssyncadd.s32 $0xFFFFF000  }
0x33a: {  	_ =	swait.ge [sflag:s12], $0x1000  }
0x33b: {  	[sflag:s12] =	ssyncset.done $0x0  }
0x33c: {  	s28 =	rddreg [dreg:$0x19];
	[sflag:s12] =	ssyncadd.s32 $0xFFFFF000  }
0x33d: {  	[hbm4b:s28+s2] =	stream.linear.scatter [tilespmem:s11], [sflag:$0x2], $0x1000, $0x38;
	[tilespmem:$0x5000] =	vst v63  }
0x33e: {  	_ =	swait.ge [sflag:s7], $0x1000  }
0x33f: {  	[sflag:s7] =	ssyncset.done $0x0  }
0x340: {  	s28 =	rddreg [dreg:$0x1a];
	[sflag:s7] =	ssyncadd.s32 $0xFFFFF000  }
0x341: {  	[hbm4b:s28+s2] =	stream.linear.scatter [tilespmem:s10], [sflag:$0x2], $0x1000, $0x38;
	[tilespmem:$0x5000] =	vst v63  }
0x342: {  	_ =	swait.ge [sflag:s7], $0x1000  }
0x343: {  	[sflag:s7] =	ssyncset.done $0x0  }
0x344: {  	s28 =	rddreg [dreg:$0x1b];
	[sflag:s7] =	ssyncadd.s32 $0xFFFFF000  }
0x345: {  	[hbm4b:s28+s2] =	stream.linear.scatter [tilespmem:s9], [sflag:$0x2], $0x1000, $0x38;
	[tilespmem:$0x5000] =	vst v63  }
0x346: {  	_ =	swait.ge [sflag:s7], $0x1000  }
0x347: {  	[sflag:s7] =	ssyncset.done $0x0  }
0x348: {  	s28 =	rddreg [dreg:$0x1c];
	[sflag:s7] =	ssyncadd.s32 $0xFFFFF000  }
0x349: {  	[hbm4b:s28+s2] =	stream.linear.scatter [tilespmem:s8], [sflag:$0x2], $0x1000, $0x38;
	[tilespmem:$0x5000] =	vst v63  }
0x34a: {  	_ =	swait.ge [sflag:s7], $0x1000  }
0x34b: {  	[sflag:s7] =	ssyncset.done $0x0  }
0x34c: {  	s28 =	simm.s32 $0x200;
	[sflag:s7] =	ssyncadd.s32 $0xFFFFF000  }
0x34d: {  	[tilespmem:s11], [sflag:$0x1] =	stream.indirect.gather [hbm4b:s3+s13], $0x80, s28, s13, $0xb8;
	[tilespmem:$0x5000] =	vst v63  }
0x34e: {  	s15 =	simm.s32 $0xA00  }
0x34f: {  	[tilespmem:s10], [sflag:$0x1] =	stream.indirect.gather [hbm4b:s4+s13], $0x80, s15, s13, $0xb8;
	[tilespmem:$0x5000] =	vst v63  }
0x350: {  	_ = 	snop  }
0x351: {  	[tilespmem:s9], [sflag:$0x1] =	stream.indirect.gather [hbm4b:s5+s13], $0x80, s28, s13, $0xb8;
	[tilespmem:$0x5000] =	vst v63  }
0x352: {  	_ = 	snop  }
0x353: {  	[tilespmem:s8], [sflag:$0x1] =	stream.indirect.gather [hbm4b:s6+s13], $0x80, s15, s13, $0xb8;
	[tilespmem:$0x5000] =	vst v63  }
0x354: {  	_ =	swait.ge [sflag:s12], $0x1000  }
0x355: {  	[sflag:s12] =	ssyncset.done $0x0  }
0x356: {  	[sflag:s12] =	ssyncadd.s32 $0xFFFFF000  }
0x357: {  	_ =	swait.ge [sflag:s12], $0x1000  }
0x358: {  	[sflag:s12] =	ssyncset.done $0x0  }
0x359: {  	[sflag:s12] =	ssyncadd.s32 $0xFFFFF000  }
0x35a: {  	_ =	swait.ge [sflag:s12], $0x1000  }
0x35b: {  	[sflag:s12] =	ssyncset.done $0x0  }
0x35c: {  	[sflag:s12] =	ssyncadd.s32 $0xFFFFF000  }
0x35d: {  	_ =	swait.ge [sflag:s12], $0x1000  }
0x35e: {  	[sflag:s12] =	ssyncset.done $0x0  }
0x35f: {  	s28 =	rddreg [dreg:$0x1d];
	[sflag:s12] =	ssyncadd.s32 $0xFFFFF000  }
0x360: {  	[hbm4b:s28+s2] =	stream.linear.scatter [tilespmem:s11], [sflag:$0x2], $0x1000, $0x38;
	[tilespmem:$0x5000] =	vst v63  }
0x361: {  	_ =	swait.ge [sflag:s7], $0x1000  }
0x362: {  	[sflag:s7] =	ssyncset.done $0x0  }
0x363: {  	s28 =	rddreg [dreg:$0x1e];
	[sflag:s7] =	ssyncadd.s32 $0xFFFFF000  }
0x364: {  	[hbm4b:s28+s2] =	stream.linear.scatter [tilespmem:s10], [sflag:$0x2], $0x1000, $0x38;
	[tilespmem:$0x5000] =	vst v63  }
0x365: {  	_ =	swait.ge [sflag:s7], $0x1000  }
0x366: {  	[sflag:s7] =	ssyncset.done $0x0  }
0x367: {  	s28 =	rddreg [dreg:$0x1f];
	[sflag:s7] =	ssyncadd.s32 $0xFFFFF000  }
0x368: {  	[hbm4b:s28+s2] =	stream.linear.scatter [tilespmem:s9], [sflag:$0x2], $0x1000, $0x38;
	[tilespmem:$0x5000] =	vst v63  }
0x369: {  	_ =	swait.ge [sflag:s7], $0x1000  }
0x36a: {  	s28 =	sld [smem:$0x7D1]  }
0x36b: {  	[sflag:s7] =	ssyncset.done $0x0  }
0x36c: {  	[sflag:s7] =	ssyncadd.s32 $0xFFFFF000  }
0x36d: {  	[hbm4b:s28+s2] =	stream.linear.scatter [tilespmem:s8], [sflag:$0x2], $0x1000, $0x38;
	[tilespmem:$0x5000] =	vst v63  }
0x36e: {  	_ =	swait.ge [sflag:s7], $0x1000  }
0x36f: {  	[sflag:s7] =	ssyncset.done $0x0  }
0x370: {  	s28 =	simm.s32 $0x280;
	[sflag:s7] =	ssyncadd.s32 $0xFFFFF000  }
0x371: {  	[tilespmem:s11], [sflag:$0x1] =	stream.indirect.gather [hbm4b:s3+s13], $0x80, s28, s13, $0xb8;
	[tilespmem:$0x5000] =	vst v63  }
0x372: {  	s15 =	simm.s32 $0xA80  }
0x373: {  	[tilespmem:s10], [sflag:$0x1] =	stream.indirect.gather [hbm4b:s4+s13], $0x80, s15, s13, $0xb8;
	[tilespmem:$0x5000] =	vst v63  }
0x374: {  	_ = 	snop  }
0x375: {  	[tilespmem:s9], [sflag:$0x1] =	stream.indirect.gather [hbm4b:s5+s13], $0x80, s28, s13, $0xb8;
	[tilespmem:$0x5000] =	vst v63  }
0x376: {  	_ = 	snop  }
0x377: {  	[tilespmem:s8], [sflag:$0x1] =	stream.indirect.gather [hbm4b:s6+s13], $0x80, s15, s13, $0xb8;
	[tilespmem:$0x5000] =	vst v63  }
0x378: {  	_ =	swait.ge [sflag:s12], $0x1000  }
0x379: {  	[sflag:s12] =	ssyncset.done $0x0  }
0x37a: {  	[sflag:s12] =	ssyncadd.s32 $0xFFFFF000  }
0x37b: {  	_ =	swait.ge [sflag:s12], $0x1000  }
0x37c: {  	[sflag:s12] =	ssyncset.done $0x0  }
0x37d: {  	[sflag:s12] =	ssyncadd.s32 $0xFFFFF000  }
0x37e: {  	_ =	swait.ge [sflag:s12], $0x1000  }
0x37f: {  	[sflag:s12] =	ssyncset.done $0x0  }
0x380: {  	[sflag:s12] =	ssyncadd.s32 $0xFFFFF000  }
0x381: {  	_ =	swait.ge [sflag:s12], $0x1000  }
0x382: {  	s28 =	sld [smem:$0x7D2]  }
0x383: {  	[sflag:s12] =	ssyncset.done $0x0  }
0x384: {  	[sflag:s12] =	ssyncadd.s32 $0xFFFFF000  }
0x385: {  	[hbm4b:s28+s2] =	stream.linear.scatter [tilespmem:s11], [sflag:$0x2], $0x1000, $0x38;
	[tilespmem:$0x5000] =	vst v63  }
0x386: {  	_ =	swait.ge [sflag:s7], $0x1000  }
0x387: {  	s28 =	sld [smem:$0x7D3]  }
0x388: {  	[sflag:s7] =	ssyncset.done $0x0  }
0x389: {  	[sflag:s7] =	ssyncadd.s32 $0xFFFFF000  }
0x38a: {  	[hbm4b:s28+s2] =	stream.linear.scatter [tilespmem:s10], [sflag:$0x2], $0x1000, $0x38;
	[tilespmem:$0x5000] =	vst v63  }
0x38b: {  	_ =	swait.ge [sflag:s7], $0x1000  }
0x38c: {  	s28 =	sld [smem:$0x7D4]  }
0x38d: {  	[sflag:s7] =	ssyncset.done $0x0  }
0x38e: {  	[sflag:s7] =	ssyncadd.s32 $0xFFFFF000  }
0x38f: {  	[hbm4b:s28+s2] =	stream.linear.scatter [tilespmem:s9], [sflag:$0x2], $0x1000, $0x38;
	[tilespmem:$0x5000] =	vst v63  }
0x390: {  	_ =	swait.ge [sflag:s7], $0x1000  }
0x391: {  	s28 =	sld [smem:$0x7D5]  }
0x392: {  	[sflag:s7] =	ssyncset.done $0x0  }
0x393: {  	[sflag:s7] =	ssyncadd.s32 $0xFFFFF000  }
0x394: {  	[hbm4b:s28+s2] =	stream.linear.scatter [tilespmem:s8], [sflag:$0x2], $0x1000, $0x38;
	[tilespmem:$0x5000] =	vst v63  }
0x395: {  	_ =	swait.ge [sflag:s7], $0x1000  }
0x396: {  	[sflag:s7] =	ssyncset.done $0x0  }
0x397: {  	s15 =	simm.s32 $0x300;
	[sflag:s7] =	ssyncadd.s32 $0xFFFFF000  }
0x398: {  	[tilespmem:s11], [sflag:$0x1] =	stream.indirect.gather [hbm4b:s3+s13], $0x80, s15, s13, $0xb8;
	[tilespmem:$0x5000] =	vst v63  }
0x399: {  	_ = 	snop  }
0x39a: {  	[tilespmem:s10], [sflag:$0x1] =	stream.indirect.gather [hbm4b:s4+s13], $0x80, s1, s13, $0xb8;
	[tilespmem:$0x5000] =	vst v63  }
0x39b: {  	_ = 	snop  }
0x39c: {  	[tilespmem:s9], [sflag:$0x1] =	stream.indirect.gather [hbm4b:s5+s13], $0x80, s15, s13, $0xb8;
	[tilespmem:$0x5000] =	vst v63  }
0x39d: {  	_ = 	snop  }
0x39e: {  	[tilespmem:s8], [sflag:$0x1] =	stream.indirect.gather [hbm4b:s6+s13], $0x80, s1, s13, $0xb8;
	[tilespmem:$0x5000] =	vst v63  }
0x39f: {  	_ =	swait.ge [sflag:s12], $0x1000  }
0x3a0: {  	[sflag:s12] =	ssyncset.done $0x0  }
0x3a1: {  	[sflag:s12] =	ssyncadd.s32 $0xFFFFF000  }
0x3a2: {  	_ =	swait.ge [sflag:s12], $0x1000  }
0x3a3: {  	[sflag:s12] =	ssyncset.done $0x0  }
0x3a4: {  	[sflag:s12] =	ssyncadd.s32 $0xFFFFF000  }
0x3a5: {  	_ =	swait.ge [sflag:s12], $0x1000  }
0x3a6: {  	[sflag:s12] =	ssyncset.done $0x0  }
0x3a7: {  	[sflag:s12] =	ssyncadd.s32 $0xFFFFF000  }
0x3a8: {  	_ =	swait.ge [sflag:s12], $0x1000  }
0x3a9: {  	s28 =	sld [smem:$0x7D6]  }
0x3aa: {  	[sflag:s12] =	ssyncset.done $0x0  }
0x3ab: {  	[sflag:s12] =	ssyncadd.s32 $0xFFFFF000  }
0x3ac: {  	[hbm4b:s28+s2] =	stream.linear.scatter [tilespmem:s11], [sflag:$0x2], $0x1000, $0x38;
	[tilespmem:$0x5000] =	vst v63  }
0x3ad: {  	_ =	swait.ge [sflag:s7], $0x1000  }
0x3ae: {  	s28 =	sld [smem:$0x7D7]  }
0x3af: {  	[sflag:s7] =	ssyncset.done $0x0  }
0x3b0: {  	[sflag:s7] =	ssyncadd.s32 $0xFFFFF000  }
0x3b1: {  	[hbm4b:s28+s2] =	stream.linear.scatter [tilespmem:s10], [sflag:$0x2], $0x1000, $0x38;
	[tilespmem:$0x5000] =	vst v63  }
0x3b2: {  	_ =	swait.ge [sflag:s7], $0x1000  }
0x3b3: {  	s28 =	sld [smem:$0x7D8]  }
0x3b4: {  	[sflag:s7] =	ssyncset.done $0x0  }
0x3b5: {  	[sflag:s7] =	ssyncadd.s32 $0xFFFFF000  }
0x3b6: {  	[hbm4b:s28+s2] =	stream.linear.scatter [tilespmem:s9], [sflag:$0x2], $0x1000, $0x38;
	[tilespmem:$0x5000] =	vst v63  }
0x3b7: {  	_ =	swait.ge [sflag:s7], $0x1000  }
0x3b8: {  	s28 =	sld [smem:$0x7D9]  }
0x3b9: {  	[sflag:s7] =	ssyncset.done $0x0  }
0x3ba: {  	[sflag:s7] =	ssyncadd.s32 $0xFFFFF000  }
0x3bb: {  	[hbm4b:s28+s2] =	stream.linear.scatter [tilespmem:s8], [sflag:$0x2], $0x1000, $0x38;
	[tilespmem:$0x5000] =	vst v63  }
0x3bc: {  	_ =	swait.ge [sflag:s7], $0x1000  }
0x3bd: {  	[sflag:s7] =	ssyncset.done $0x0  }
0x3be: {  	s15 =	simm.s32 $0x380;
	[sflag:s7] =	ssyncadd.s32 $0xFFFFF000  }
0x3bf: {  	[tilespmem:s11], [sflag:$0x1] =	stream.indirect.gather [hbm4b:s3+s13], $0x80, s15, s13, $0xb8;
	[tilespmem:$0x5000] =	vst v63  }
0x3c0: {  	_ = 	snop  }
0x3c1: {  	[tilespmem:s10], [sflag:$0x1] =	stream.indirect.gather [hbm4b:s4+s13], $0x80, s0, s13, $0xb8;
	[tilespmem:$0x5000] =	vst v63  }
0x3c2: {  	_ = 	snop  }
0x3c3: {  	[tilespmem:s9], [sflag:$0x1] =	stream.indirect.gather [hbm4b:s5+s13], $0x80, s15, s13, $0xb8;
	[tilespmem:$0x5000] =	vst v63  }
0x3c4: {  	_ = 	snop  }
0x3c5: {  	[tilespmem:s8], [sflag:$0x1] =	stream.indirect.gather [hbm4b:s6+s13], $0x80, s0, s13, $0xb8;
	[tilespmem:$0x5000] =	vst v63  }
0x3c6: {  	_ =	swait.ge [sflag:s12], $0x1000  }
0x3c7: {  	[sflag:s12] =	ssyncset.done $0x0  }
0x3c8: {  	[sflag:s12] =	ssyncadd.s32 $0xFFFFF000  }
0x3c9: {  	_ =	swait.ge [sflag:s12], $0x1000  }
0x3ca: {  	[sflag:s12] =	ssyncset.done $0x0  }
0x3cb: {  	[sflag:s12] =	ssyncadd.s32 $0xFFFFF000  }
0x3cc: {  	_ =	swait.ge [sflag:s12], $0x1000  }
0x3cd: {  	[sflag:s12] =	ssyncset.done $0x0  }
0x3ce: {  	[sflag:s12] =	ssyncadd.s32 $0xFFFFF000  }
0x3cf: {  	_ =	swait.ge [sflag:s12], $0x1000  }
0x3d0: {  	s28 =	sld [smem:$0x7DA]  }
0x3d1: {  	[sflag:s12] =	ssyncset.done $0x0  }
0x3d2: {  	[sflag:s12] =	ssyncadd.s32 $0xFFFFF000  }
0x3d3: {  	[hbm4b:s28+s2] =	stream.linear.scatter [tilespmem:s11], [sflag:$0x2], $0x1000, $0x38;
	[tilespmem:$0x5000] =	vst v63  }
0x3d4: {  	_ =	swait.ge [sflag:s7], $0x1000  }
0x3d5: {  	s28 =	sld [smem:$0x7DB]  }
0x3d6: {  	[sflag:s7] =	ssyncset.done $0x0  }
0x3d7: {  	[sflag:s7] =	ssyncadd.s32 $0xFFFFF000  }
0x3d8: {  	[hbm4b:s28+s2] =	stream.linear.scatter [tilespmem:s10], [sflag:$0x2], $0x1000, $0x38;
	[tilespmem:$0x5000] =	vst v63  }
0x3d9: {  	_ =	swait.ge [sflag:s7], $0x1000  }
0x3da: {  	s28 =	sld [smem:$0x7DC]  }
0x3db: {  	[sflag:s7] =	ssyncset.done $0x0  }
0x3dc: {  	[sflag:s7] =	ssyncadd.s32 $0xFFFFF000  }
0x3dd: {  	[hbm4b:s28+s2] =	stream.linear.scatter [tilespmem:s9], [sflag:$0x2], $0x1000, $0x38;
	[tilespmem:$0x5000] =	vst v63  }
0x3de: {  	_ =	swait.ge [sflag:s7], $0x1000  }
0x3df: {  	s28 =	sld [smem:$0x7DD]  }
0x3e0: {  	[sflag:s7] =	ssyncset.done $0x0  }
0x3e1: {  	[sflag:s7] =	ssyncadd.s32 $0xFFFFF000  }
0x3e2: {  	[hbm4b:s28+s2] =	stream.linear.scatter [tilespmem:s8], [sflag:$0x2], $0x1000, $0x38;
	[tilespmem:$0x5000] =	vst v63  }
0x3e3: {  	_ =	swait.ge [sflag:s7], $0x1000  }
0x3e4: {  	[sflag:s7] =	ssyncset.done $0x0  }
0x3e5: {  	[sflag:s7] =	ssyncadd.s32 $0xFFFFF000  }
0x3e6: {  	[tilespmem:s11], [sflag:$0x1] =	stream.indirect.gather [hbm4b:s3+s13], $0x80, s23, s13, $0xb8;
	[tilespmem:$0x5000] =	vst v63  }
0x3e7: {  	_ = 	snop  }
0x3e8: {  	[tilespmem:s10], [sflag:$0x1] =	stream.indirect.gather [hbm4b:s4+s13], $0x80, s24, s13, $0xb8;
	[tilespmem:$0x5000] =	vst v63  }
0x3e9: {  	_ = 	snop  }
0x3ea: {  	[tilespmem:s9], [sflag:$0x1] =	stream.indirect.gather [hbm4b:s5+s13], $0x80, s23, s13, $0xb8;
	[tilespmem:$0x5000] =	vst v63  }
0x3eb: {  	_ = 	snop  }
0x3ec: {  	[tilespmem:s8], [sflag:$0x1] =	stream.indirect.gather [hbm4b:s6+s13], $0x80, s24, s13, $0xb8;
	[tilespmem:$0x5000] =	vst v63  }
0x3ed: {  	_ =	swait.ge [sflag:s12], $0x1000  }
0x3ee: {  	[sflag:s12] =	ssyncset.done $0x0  }
0x3ef: {  	[sflag:s12] =	ssyncadd.s32 $0xFFFFF000  }
0x3f0: {  	_ =	swait.ge [sflag:s12], $0x1000  }
0x3f1: {  	[sflag:s12] =	ssyncset.done $0x0  }
0x3f2: {  	[sflag:s12] =	ssyncadd.s32 $0xFFFFF000  }
0x3f3: {  	_ =	swait.ge [sflag:s12], $0x1000  }
0x3f4: {  	[sflag:s12] =	ssyncset.done $0x0  }
0x3f5: {  	[sflag:s12] =	ssyncadd.s32 $0xFFFFF000  }
0x3f6: {  	_ =	swait.ge [sflag:s12], $0x1000  }
0x3f7: {  	s28 =	sld [smem:$0x7DE]  }
0x3f8: {  	[sflag:s12] =	ssyncset.done $0x0  }
0x3f9: {  	[sflag:s12] =	ssyncadd.s32 $0xFFFFF000  }
0x3fa: {  	[hbm4b:s28+s2] =	stream.linear.scatter [tilespmem:s11], [sflag:$0x2], $0x1000, $0x38;
	[tilespmem:$0x5000] =	vst v63  }
0x3fb: {  	_ =	swait.ge [sflag:s7], $0x1000  }
0x3fc: {  	s28 =	sld [smem:$0x7DF]  }
0x3fd: {  	[sflag:s7] =	ssyncset.done $0x0  }
0x3fe: {  	[sflag:s7] =	ssyncadd.s32 $0xFFFFF000  }
0x3ff: {  	[hbm4b:s28+s2] =	stream.linear.scatter [tilespmem:s10], [sflag:$0x2], $0x1000, $0x38;
	[tilespmem:$0x5000] =	vst v63  }
0x400: {  	_ =	swait.ge [sflag:s7], $0x1000  }
0x401: {  	s28 =	sld [smem:$0x7E0]  }
0x402: {  	[sflag:s7] =	ssyncset.done $0x0  }
0x403: {  	[sflag:s7] =	ssyncadd.s32 $0xFFFFF000  }
0x404: {  	[hbm4b:s28+s2] =	stream.linear.scatter [tilespmem:s9], [sflag:$0x2], $0x1000, $0x38;
	[tilespmem:$0x5000] =	vst v63  }
0x405: {  	_ =	swait.ge [sflag:s7], $0x1000  }
0x406: {  	s28 =	sld [smem:$0x7E1]  }
0x407: {  	[sflag:s7] =	ssyncset.done $0x0  }
0x408: {  	[sflag:s7] =	ssyncadd.s32 $0xFFFFF000  }
0x409: {  	[hbm4b:s28+s2] =	stream.linear.scatter [tilespmem:s8], [sflag:$0x2], $0x1000, $0x38;
	[tilespmem:$0x5000] =	vst v63  }
0x40a: {  	_ =	swait.ge [sflag:s7], $0x1000  }
0x40b: {  	[sflag:s7] =	ssyncset.done $0x0  }
0x40c: {  	[sflag:s7] =	ssyncadd.s32 $0xFFFFF000  }
0x40d: {  	[tilespmem:s11], [sflag:$0x1] =	stream.indirect.gather [hbm4b:s3+s13], $0x80, s21, s13, $0xb8;
	[tilespmem:$0x5000] =	vst v63  }
0x40e: {  	_ = 	snop  }
0x40f: {  	[tilespmem:s10], [sflag:$0x1] =	stream.indirect.gather [hbm4b:s4+s13], $0x80, s22, s13, $0xb8;
	[tilespmem:$0x5000] =	vst v63  }
0x410: {  	_ = 	snop  }
0x411: {  	[tilespmem:s9], [sflag:$0x1] =	stream.indirect.gather [hbm4b:s5+s13], $0x80, s21, s13, $0xb8;
	[tilespmem:$0x5000] =	vst v63  }
0x412: {  	_ = 	snop  }
0x413: {  	[tilespmem:s8], [sflag:$0x1] =	stream.indirect.gather [hbm4b:s6+s13], $0x80, s22, s13, $0xb8;
	[tilespmem:$0x5000] =	vst v63  }
0x414: {  	_ =	swait.ge [sflag:s12], $0x1000  }
0x415: {  	[sflag:s12] =	ssyncset.done $0x0  }
0x416: {  	[sflag:s12] =	ssyncadd.s32 $0xFFFFF000  }
0x417: {  	_ =	swait.ge [sflag:s12], $0x1000  }
0x418: {  	[sflag:s12] =	ssyncset.done $0x0  }
0x419: {  	[sflag:s12] =	ssyncadd.s32 $0xFFFFF000  }
0x41a: {  	_ =	swait.ge [sflag:s12], $0x1000  }
0x41b: {  	[sflag:s12] =	ssyncset.done $0x0  }
0x41c: {  	[sflag:s12] =	ssyncadd.s32 $0xFFFFF000  }
0x41d: {  	_ =	swait.ge [sflag:s12], $0x1000  }
0x41e: {  	s28 =	sld [smem:$0x7E2]  }
0x41f: {  	[sflag:s12] =	ssyncset.done $0x0  }
0x420: {  	[sflag:s12] =	ssyncadd.s32 $0xFFFFF000  }
0x421: {  	[hbm4b:s28+s2] =	stream.linear.scatter [tilespmem:s11], [sflag:$0x2], $0x1000, $0x38;
	[tilespmem:$0x5000] =	vst v63  }
0x422: {  	_ =	swait.ge [sflag:s7], $0x1000  }
0x423: {  	s28 =	sld [smem:$0x7E3]  }
0x424: {  	[sflag:s7] =	ssyncset.done $0x0  }
0x425: {  	[sflag:s7] =	ssyncadd.s32 $0xFFFFF000  }
0x426: {  	[hbm4b:s28+s2] =	stream.linear.scatter [tilespmem:s10], [sflag:$0x2], $0x1000, $0x38;
	[tilespmem:$0x5000] =	vst v63  }
0x427: {  	_ =	swait.ge [sflag:s7], $0x1000  }
0x428: {  	s28 =	sld [smem:$0x7E4]  }
0x429: {  	[sflag:s7] =	ssyncset.done $0x0  }
0x42a: {  	[sflag:s7] =	ssyncadd.s32 $0xFFFFF000  }
0x42b: {  	[hbm4b:s28+s2] =	stream.linear.scatter [tilespmem:s9], [sflag:$0x2], $0x1000, $0x38;
	[tilespmem:$0x5000] =	vst v63  }
0x42c: {  	_ =	swait.ge [sflag:s7], $0x1000  }
0x42d: {  	s28 =	sld [smem:$0x7E5]  }
0x42e: {  	[sflag:s7] =	ssyncset.done $0x0  }
0x42f: {  	[sflag:s7] =	ssyncadd.s32 $0xFFFFF000  }
0x430: {  	[hbm4b:s28+s2] =	stream.linear.scatter [tilespmem:s8], [sflag:$0x2], $0x1000, $0x38;
	[tilespmem:$0x5000] =	vst v63  }
0x431: {  	_ =	swait.ge [sflag:s7], $0x1000  }
0x432: {  	[sflag:s7] =	ssyncset.done $0x0  }
0x433: {  	[sflag:s7] =	ssyncadd.s32 $0xFFFFF000  }
0x434: {  	[tilespmem:s11], [sflag:$0x1] =	stream.indirect.gather [hbm4b:s3+s13], $0x80, s19, s13, $0xb8;
	[tilespmem:$0x5000] =	vst v63  }
0x435: {  	_ = 	snop  }
0x436: {  	[tilespmem:s10], [sflag:$0x1] =	stream.indirect.gather [hbm4b:s4+s13], $0x80, s20, s13, $0xb8;
	[tilespmem:$0x5000] =	vst v63  }
0x437: {  	_ = 	snop  }
0x438: {  	[tilespmem:s9], [sflag:$0x1] =	stream.indirect.gather [hbm4b:s5+s13], $0x80, s19, s13, $0xb8;
	[tilespmem:$0x5000] =	vst v63  }
0x439: {  	_ = 	snop  }
0x43a: {  	[tilespmem:s8], [sflag:$0x1] =	stream.indirect.gather [hbm4b:s6+s13], $0x80, s20, s13, $0xb8;
	[tilespmem:$0x5000] =	vst v63  }
0x43b: {  	_ =	swait.ge [sflag:s12], $0x1000  }
0x43c: {  	[sflag:s12] =	ssyncset.done $0x0  }
0x43d: {  	[sflag:s12] =	ssyncadd.s32 $0xFFFFF000  }
0x43e: {  	_ =	swait.ge [sflag:s12], $0x1000  }
0x43f: {  	[sflag:s12] =	ssyncset.done $0x0  }
0x440: {  	[sflag:s12] =	ssyncadd.s32 $0xFFFFF000  }
0x441: {  	_ =	swait.ge [sflag:s12], $0x1000  }
0x442: {  	[sflag:s12] =	ssyncset.done $0x0  }
0x443: {  	[sflag:s12] =	ssyncadd.s32 $0xFFFFF000  }
0x444: {  	_ =	swait.ge [sflag:s12], $0x1000  }
0x445: {  	s28 =	sld [smem:$0x7E6]  }
0x446: {  	[sflag:s12] =	ssyncset.done $0x0  }
0x447: {  	[sflag:s12] =	ssyncadd.s32 $0xFFFFF000  }
0x448: {  	[hbm4b:s28+s2] =	stream.linear.scatter [tilespmem:s11], [sflag:$0x2], $0x1000, $0x38;
	[tilespmem:$0x5000] =	vst v63  }
0x449: {  	_ =	swait.ge [sflag:s7], $0x1000  }
0x44a: {  	s28 =	sld [smem:$0x7E7]  }
0x44b: {  	[sflag:s7] =	ssyncset.done $0x0  }
0x44c: {  	[sflag:s7] =	ssyncadd.s32 $0xFFFFF000  }
0x44d: {  	[hbm4b:s28+s2] =	stream.linear.scatter [tilespmem:s10], [sflag:$0x2], $0x1000, $0x38;
	[tilespmem:$0x5000] =	vst v63  }
0x44e: {  	_ =	swait.ge [sflag:s7], $0x1000  }
0x44f: {  	s28 =	sld [smem:$0x7E8]  }
0x450: {  	[sflag:s7] =	ssyncset.done $0x0  }
0x451: {  	[sflag:s7] =	ssyncadd.s32 $0xFFFFF000  }
0x452: {  	[hbm4b:s28+s2] =	stream.linear.scatter [tilespmem:s9], [sflag:$0x2], $0x1000, $0x38;
	[tilespmem:$0x5000] =	vst v63  }
0x453: {  	_ =	swait.ge [sflag:s7], $0x1000  }
0x454: {  	s28 =	sld [smem:$0x7E9]  }
0x455: {  	[sflag:s7] =	ssyncset.done $0x0  }
0x456: {  	[sflag:s7] =	ssyncadd.s32 $0xFFFFF000  }
0x457: {  	[hbm4b:s28+s2] =	stream.linear.scatter [tilespmem:s8], [sflag:$0x2], $0x1000, $0x38;
	[tilespmem:$0x5000] =	vst v63  }
0x458: {  	_ =	swait.ge [sflag:s7], $0x1000  }
0x459: {  	[sflag:s7] =	ssyncset.done $0x0  }
0x45a: {  	[sflag:s7] =	ssyncadd.s32 $0xFFFFF000  }
0x45b: {  	[tilespmem:s11], [sflag:$0x1] =	stream.indirect.gather [hbm4b:s3+s13], $0x80, s17, s13, $0xb8;
	[tilespmem:$0x5000] =	vst v63  }
0x45c: {  	_ = 	snop  }
0x45d: {  	[tilespmem:s10], [sflag:$0x1] =	stream.indirect.gather [hbm4b:s4+s13], $0x80, s18, s13, $0xb8;
	[tilespmem:$0x5000] =	vst v63  }
0x45e: {  	_ = 	snop  }
0x45f: {  	[tilespmem:s9], [sflag:$0x1] =	stream.indirect.gather [hbm4b:s5+s13], $0x80, s17, s13, $0xb8;
	[tilespmem:$0x5000] =	vst v63  }
0x460: {  	_ = 	snop  }
0x461: {  	[tilespmem:s8], [sflag:$0x1] =	stream.indirect.gather [hbm4b:s6+s13], $0x80, s18, s13, $0xb8;
	[tilespmem:$0x5000] =	vst v63  }
0x462: {  	_ =	swait.ge [sflag:s12], $0x1000  }
0x463: {  	[sflag:s12] =	ssyncset.done $0x0  }
0x464: {  	[sflag:s12] =	ssyncadd.s32 $0xFFFFF000  }
0x465: {  	_ =	swait.ge [sflag:s12], $0x1000  }
0x466: {  	[sflag:s12] =	ssyncset.done $0x0  }
0x467: {  	[sflag:s12] =	ssyncadd.s32 $0xFFFFF000  }
0x468: {  	_ =	swait.ge [sflag:s12], $0x1000  }
0x469: {  	[sflag:s12] =	ssyncset.done $0x0  }
0x46a: {  	[sflag:s12] =	ssyncadd.s32 $0xFFFFF000  }
0x46b: {  	_ =	swait.ge [sflag:s12], $0x1000  }
0x46c: {  	s28 =	sld [smem:$0x7EA]  }
0x46d: {  	[sflag:s12] =	ssyncset.done $0x0  }
0x46e: {  	[sflag:s12] =	ssyncadd.s32 $0xFFFFF000  }
0x46f: {  	[hbm4b:s28+s2] =	stream.linear.scatter [tilespmem:s11], [sflag:$0x2], $0x1000, $0x38;
	[tilespmem:$0x5000] =	vst v63  }
0x470: {  	_ =	swait.ge [sflag:s7], $0x1000  }
0x471: {  	s28 =	sld [smem:$0x7EB]  }
0x472: {  	[sflag:s7] =	ssyncset.done $0x0  }
0x473: {  	[sflag:s7] =	ssyncadd.s32 $0xFFFFF000  }
0x474: {  	[hbm4b:s28+s2] =	stream.linear.scatter [tilespmem:s10], [sflag:$0x2], $0x1000, $0x38;
	[tilespmem:$0x5000] =	vst v63  }
0x475: {  	_ =	swait.ge [sflag:s7], $0x1000  }
0x476: {  	s28 =	sld [smem:$0x7EC]  }
0x477: {  	[sflag:s7] =	ssyncset.done $0x0  }
0x478: {  	[sflag:s7] =	ssyncadd.s32 $0xFFFFF000  }
0x479: {  	[hbm4b:s28+s2] =	stream.linear.scatter [tilespmem:s9], [sflag:$0x2], $0x1000, $0x38;
	[tilespmem:$0x5000] =	vst v63  }
0x47a: {  	_ =	swait.ge [sflag:s7], $0x1000  }
0x47b: {  	s28 =	sld [smem:$0x7ED]  }
0x47c: {  	[sflag:s7] =	ssyncset.done $0x0  }
0x47d: {  	[sflag:s7] =	ssyncadd.s32 $0xFFFFF000  }
0x47e: {  	[hbm4b:s28+s2] =	stream.linear.scatter [tilespmem:s8], [sflag:$0x2], $0x1000, $0x38;
	[tilespmem:$0x5000] =	vst v63  }
0x47f: {  	_ =	swait.ge [sflag:s7], $0x1000  }
0x480: {  	[sflag:s7] =	ssyncset.done $0x0  }
0x481: {  	s15 =	simm.s32 $0x600;
	[sflag:s7] =	ssyncadd.s32 $0xFFFFF000  }
0x482: {  	[tilespmem:s11], [sflag:$0x1] =	stream.indirect.gather [hbm4b:s3+s13], $0x80, s15, s13, $0xb8;
	[tilespmem:$0x5000] =	vst v63  }
0x483: {  	_ = 	snop  }
0x484: {  	[tilespmem:s10], [sflag:$0x1] =	stream.indirect.gather [hbm4b:s4+s13], $0x80, s16, s13, $0xb8;
	[tilespmem:$0x5000] =	vst v63  }
0x485: {  	_ = 	snop  }
0x486: {  	[tilespmem:s9], [sflag:$0x1] =	stream.indirect.gather [hbm4b:s5+s13], $0x80, s15, s13, $0xb8;
	[tilespmem:$0x5000] =	vst v63  }
0x487: {  	_ = 	snop  }
0x488: {  	[tilespmem:s8], [sflag:$0x1] =	stream.indirect.gather [hbm4b:s6+s13], $0x80, s16, s13, $0xb8;
	[tilespmem:$0x5000] =	vst v63  }
0x489: {  	_ =	swait.ge [sflag:s12], $0x1000  }
0x48a: {  	[sflag:s12] =	ssyncset.done $0x0  }
0x48b: {  	[sflag:s12] =	ssyncadd.s32 $0xFFFFF000  }
0x48c: {  	_ =	swait.ge [sflag:s12], $0x1000  }
0x48d: {  	[sflag:s12] =	ssyncset.done $0x0  }
0x48e: {  	[sflag:s12] =	ssyncadd.s32 $0xFFFFF000  }
0x48f: {  	_ =	swait.ge [sflag:s12], $0x1000  }
0x490: {  	[sflag:s12] =	ssyncset.done $0x0  }
0x491: {  	[sflag:s12] =	ssyncadd.s32 $0xFFFFF000  }
0x492: {  	_ =	swait.ge [sflag:s12], $0x1000  }
0x493: {  	s28 =	sld [smem:$0x7EE]  }
0x494: {  	[sflag:s12] =	ssyncset.done $0x0  }
0x495: {  	[sflag:s12] =	ssyncadd.s32 $0xFFFFF000  }
0x496: {  	[hbm4b:s28+s2] =	stream.linear.scatter [tilespmem:s11], [sflag:$0x2], $0x1000, $0x38;
	[tilespmem:$0x5000] =	vst v63  }
0x497: {  	_ =	swait.ge [sflag:s7], $0x1000  }
0x498: {  	s28 =	sld [smem:$0x7EF]  }
0x499: {  	[sflag:s7] =	ssyncset.done $0x0  }
0x49a: {  	[sflag:s7] =	ssyncadd.s32 $0xFFFFF000  }
0x49b: {  	[hbm4b:s28+s2] =	stream.linear.scatter [tilespmem:s10], [sflag:$0x2], $0x1000, $0x38;
	[tilespmem:$0x5000] =	vst v63  }
0x49c: {  	_ =	swait.ge [sflag:s7], $0x1000  }
0x49d: {  	s28 =	sld [smem:$0x7F0]  }
0x49e: {  	[sflag:s7] =	ssyncset.done $0x0  }
0x49f: {  	[sflag:s7] =	ssyncadd.s32 $0xFFFFF000  }
0x4a0: {  	[hbm4b:s28+s2] =	stream.linear.scatter [tilespmem:s9], [sflag:$0x2], $0x1000, $0x38;
	[tilespmem:$0x5000] =	vst v63  }
0x4a1: {  	_ =	swait.ge [sflag:s7], $0x1000  }
0x4a2: {  	s28 =	sld [smem:$0x7F1]  }
0x4a3: {  	[sflag:s7] =	ssyncset.done $0x0  }
0x4a4: {  	[sflag:s7] =	ssyncadd.s32 $0xFFFFF000  }
0x4a5: {  	[hbm4b:s28+s2] =	stream.linear.scatter [tilespmem:s8], [sflag:$0x2], $0x1000, $0x38;
	[tilespmem:$0x5000] =	vst v63  }
0x4a6: {  	_ =	swait.ge [sflag:s7], $0x1000  }
0x4a7: {  	[sflag:s7] =	ssyncset.done $0x0  }
0x4a8: {  	s15 =	simm.s32 $0x680;
	[sflag:s7] =	ssyncadd.s32 $0xFFFFF000  }
0x4a9: {  	[tilespmem:s11], [sflag:$0x1] =	stream.indirect.gather [hbm4b:s3+s13], $0x80, s15, s13, $0xb8;
	[tilespmem:$0x5000] =	vst v63  }
0x4aa: {  	_ = 	snop  }
0x4ab: {  	[tilespmem:s10], [sflag:$0x1] =	stream.indirect.gather [hbm4b:s4+s13], $0x80, s14, s13, $0xb8;
	[tilespmem:$0x5000] =	vst v63  }
0x4ac: {  	_ = 	snop  }
0x4ad: {  	[tilespmem:s9], [sflag:$0x1] =	stream.indirect.gather [hbm4b:s5+s13], $0x80, s15, s13, $0xb8;
	[tilespmem:$0x5000] =	vst v63  }
0x4ae: {  	_ = 	snop  }
0x4af: {  	[tilespmem:s8], [sflag:$0x1] =	stream.indirect.gather [hbm4b:s6+s13], $0x80, s14, s13, $0xb8;
	[tilespmem:$0x5000] =	vst v63  }
0x4b0: {  	_ =	swait.ge [sflag:s12], $0x1000  }
0x4b1: {  	[sflag:s12] =	ssyncset.done $0x0  }
0x4b2: {  	[sflag:s12] =	ssyncadd.s32 $0xFFFFF000  }
0x4b3: {  	_ =	swait.ge [sflag:s12], $0x1000  }
0x4b4: {  	[sflag:s12] =	ssyncset.done $0x0  }
0x4b5: {  	[sflag:s12] =	ssyncadd.s32 $0xFFFFF000  }
0x4b6: {  	_ =	swait.ge [sflag:s12], $0x1000  }
0x4b7: {  	[sflag:s12] =	ssyncset.done $0x0  }
0x4b8: {  	[sflag:s12] =	ssyncadd.s32 $0xFFFFF000  }
0x4b9: {  	_ =	swait.ge [sflag:s12], $0x1000  }
0x4ba: {  	s28 =	sld [smem:$0x7F2]  }
0x4bb: {  	[sflag:s12] =	ssyncset.done $0x0  }
0x4bc: {  	[sflag:s12] =	ssyncadd.s32 $0xFFFFF000  }
0x4bd: {  	[hbm4b:s28+s2] =	stream.linear.scatter [tilespmem:s11], [sflag:$0x2], $0x1000, $0x38;
	[tilespmem:$0x5000] =	vst v63  }
0x4be: {  	_ =	swait.ge [sflag:s7], $0x1000  }
0x4bf: {  	s28 =	sld [smem:$0x7F3]  }
0x4c0: {  	[sflag:s7] =	ssyncset.done $0x0  }
0x4c1: {  	[sflag:s7] =	ssyncadd.s32 $0xFFFFF000  }
0x4c2: {  	[hbm4b:s28+s2] =	stream.linear.scatter [tilespmem:s10], [sflag:$0x2], $0x1000, $0x38;
	[tilespmem:$0x5000] =	vst v63  }
0x4c3: {  	_ =	swait.ge [sflag:s7], $0x1000  }
0x4c4: {  	s28 =	sld [smem:$0x7F4]  }
0x4c5: {  	[sflag:s7] =	ssyncset.done $0x0  }
0x4c6: {  	[sflag:s7] =	ssyncadd.s32 $0xFFFFF000  }
0x4c7: {  	[hbm4b:s28+s2] =	stream.linear.scatter [tilespmem:s9], [sflag:$0x2], $0x1000, $0x38;
	[tilespmem:$0x5000] =	vst v63  }
0x4c8: {  	_ =	swait.ge [sflag:s7], $0x1000  }
0x4c9: {  	s28 =	sld [smem:$0x7F5]  }
0x4ca: {  	[sflag:s7] =	ssyncset.done $0x0  }
0x4cb: {  	[sflag:s7] =	ssyncadd.s32 $0xFFFFF000  }
0x4cc: {  	[hbm4b:s28+s2] =	stream.linear.scatter [tilespmem:s8], [sflag:$0x2], $0x1000, $0x38;
	[tilespmem:$0x5000] =	vst v63  }
0x4cd: {  	_ =	swait.ge [sflag:s7], $0x1000  }
0x4ce: {  	[sflag:s7] =	ssyncset.done $0x0  }
0x4cf: {  	s15 =	simm.s32 $0x700;
	[sflag:s7] =	ssyncadd.s32 $0xFFFFF000  }
0x4d0: {  	[tilespmem:s11], [sflag:$0x1] =	stream.indirect.gather [hbm4b:s3+s13], $0x80, s15, s13, $0xb8;
	[tilespmem:$0x5000] =	vst v63  }
0x4d1: {  	_ = 	snop  }
0x4d2: {  	[tilespmem:s10], [sflag:$0x1] =	stream.indirect.gather [hbm4b:s4+s13], $0x80, s31, s13, $0xb8;
	[tilespmem:$0x5000] =	vst v63  }
0x4d3: {  	_ = 	snop  }
0x4d4: {  	[tilespmem:s9], [sflag:$0x1] =	stream.indirect.gather [hbm4b:s5+s13], $0x80, s15, s13, $0xb8;
	[tilespmem:$0x5000] =	vst v63  }
0x4d5: {  	_ = 	snop  }
0x4d6: {  	[tilespmem:s8], [sflag:$0x1] =	stream.indirect.gather [hbm4b:s6+s13], $0x80, s31, s13, $0xb8;
	[tilespmem:$0x5000] =	vst v63  }
0x4d7: {  	_ =	swait.ge [sflag:s12], $0x1000  }
0x4d8: {  	[sflag:s12] =	ssyncset.done $0x0  }
0x4d9: {  	[sflag:s12] =	ssyncadd.s32 $0xFFFFF000  }
0x4da: {  	_ =	swait.ge [sflag:s12], $0x1000  }
0x4db: {  	[sflag:s12] =	ssyncset.done $0x0  }
0x4dc: {  	[sflag:s12] =	ssyncadd.s32 $0xFFFFF000  }
0x4dd: {  	_ =	swait.ge [sflag:s12], $0x1000  }
0x4de: {  	[sflag:s12] =	ssyncset.done $0x0  }
0x4df: {  	[sflag:s12] =	ssyncadd.s32 $0xFFFFF000  }
0x4e0: {  	_ =	swait.ge [sflag:s12], $0x1000  }
0x4e1: {  	s28 =	sld [smem:$0x7F6]  }
0x4e2: {  	[sflag:s12] =	ssyncset.done $0x0  }
0x4e3: {  	[sflag:s12] =	ssyncadd.s32 $0xFFFFF000  }
0x4e4: {  	[hbm4b:s28+s2] =	stream.linear.scatter [tilespmem:s11], [sflag:$0x2], $0x1000, $0x38;
	[tilespmem:$0x5000] =	vst v63  }
0x4e5: {  	_ =	swait.ge [sflag:s7], $0x1000  }
0x4e6: {  	s28 =	sld [smem:$0x7F7]  }
0x4e7: {  	[sflag:s7] =	ssyncset.done $0x0  }
0x4e8: {  	[sflag:s7] =	ssyncadd.s32 $0xFFFFF000  }
0x4e9: {  	[hbm4b:s28+s2] =	stream.linear.scatter [tilespmem:s10], [sflag:$0x2], $0x1000, $0x38;
	[tilespmem:$0x5000] =	vst v63  }
0x4ea: {  	_ =	swait.ge [sflag:s7], $0x1000  }
0x4eb: {  	s28 =	sld [smem:$0x7F8]  }
0x4ec: {  	[sflag:s7] =	ssyncset.done $0x0  }
0x4ed: {  	[sflag:s7] =	ssyncadd.s32 $0xFFFFF000  }
0x4ee: {  	[hbm4b:s28+s2] =	stream.linear.scatter [tilespmem:s9], [sflag:$0x2], $0x1000, $0x38;
	[tilespmem:$0x5000] =	vst v63  }
0x4ef: {  	_ =	swait.ge [sflag:s7], $0x1000  }
0x4f0: {  	s28 =	sld [smem:$0x7F9]  }
0x4f1: {  	[sflag:s7] =	ssyncset.done $0x0  }
0x4f2: {  	[sflag:s7] =	ssyncadd.s32 $0xFFFFF000  }
0x4f3: {  	[hbm4b:s28+s2] =	stream.linear.scatter [tilespmem:s8], [sflag:$0x2], $0x1000, $0x38;
	[tilespmem:$0x5000] =	vst v63  }
0x4f4: {  	_ =	swait.ge [sflag:s7], $0x1000  }
0x4f5: {  	[sflag:s7] =	ssyncset.done $0x0  }
0x4f6: {  	[sflag:s7] =	ssyncadd.s32 $0xFFFFF000  }
0x4f7: {  	[tilespmem:s11], [sflag:$0x1] =	stream.indirect.gather [hbm4b:s3+s13], $0x80, s29, s13, $0xb8;
	[tilespmem:$0x5000] =	vst v63  }
0x4f8: {  	_ = 	snop  }
0x4f9: {  	[tilespmem:s10], [sflag:$0x1] =	stream.indirect.gather [hbm4b:s4+s13], $0x80, s30, s13, $0xb8;
	[tilespmem:$0x5000] =	vst v63  }
0x4fa: {  	_ = 	snop  }
0x4fb: {  	[tilespmem:s9], [sflag:$0x1] =	stream.indirect.gather [hbm4b:s5+s13], $0x80, s29, s13, $0xb8;
	[tilespmem:$0x5000] =	vst v63  }
0x4fc: {  	_ = 	snop  }
0x4fd: {  	[tilespmem:s8], [sflag:$0x1] =	stream.indirect.gather [hbm4b:s6+s13], $0x80, s30, s13, $0xb8;
	[tilespmem:$0x5000] =	vst v63  }
0x4fe: {  	_ =	swait.ge [sflag:s12], $0x1000  }
0x4ff: {  	[sflag:s12] =	ssyncset.done $0x0  }
0x500: {  	[sflag:s12] =	ssyncadd.s32 $0xFFFFF000  }
0x501: {  	_ =	swait.ge [sflag:s12], $0x1000  }
0x502: {  	[sflag:s12] =	ssyncset.done $0x0  }
0x503: {  	[sflag:s12] =	ssyncadd.s32 $0xFFFFF000  }
0x504: {  	_ =	swait.ge [sflag:s12], $0x1000  }
0x505: {  	[sflag:s12] =	ssyncset.done $0x0  }
0x506: {  	[sflag:s12] =	ssyncadd.s32 $0xFFFFF000  }
0x507: {  	_ =	swait.ge [sflag:s12], $0x1000  }
0x508: {  	s28 =	sld [smem:$0x7FA]  }
0x509: {  	[sflag:s12] =	ssyncset.done $0x0  }
0x50a: {  	[sflag:s12] =	ssyncadd.s32 $0xFFFFF000  }
0x50b: {  	[hbm4b:s28+s2] =	stream.linear.scatter [tilespmem:s11], [sflag:$0x2], $0x1000, $0x38;
	[tilespmem:$0x5000] =	vst v63  }
0x50c: {  	_ =	swait.ge [sflag:s7], $0x1000  }
0x50d: {  	s28 =	sld [smem:$0x7FB]  }
0x50e: {  	[sflag:s7] =	ssyncset.done $0x0  }
0x50f: {  	[sflag:s7] =	ssyncadd.s32 $0xFFFFF000  }
0x510: {  	[hbm4b:s28+s2] =	stream.linear.scatter [tilespmem:s10], [sflag:$0x2], $0x1000, $0x38;
	[tilespmem:$0x5000] =	vst v63  }
0x511: {  	_ =	swait.ge [sflag:s7], $0x1000  }
0x512: {  	s28 =	sld [smem:$0x7FC]  }
0x513: {  	[sflag:s7] =	ssyncset.done $0x0  }
0x514: {  	[sflag:s7] =	ssyncadd.s32 $0xFFFFF000  }
0x515: {  	[hbm4b:s28+s2] =	stream.linear.scatter [tilespmem:s9], [sflag:$0x2], $0x1000, $0x38;
	[tilespmem:$0x5000] =	vst v63  }
0x516: {  	_ =	swait.ge [sflag:s7], $0x1000  }
0x517: {  	p1 =	sne.s32 s26, $0x1;
	s28 =	sld [smem:$0x7FD]  }
.Ltmp2:
0x518: {  	[sflag:s7] =	ssyncset.done $0x0;
	(pc) =	sbr.rel @p1 .LBB2_2-.Ltmp2, $4  }
0x519: {  	[sflag:s7] =	ssyncadd.s32 $0xFFFFF000  }
0x51a: {  	[hbm4b:s28+s2] =	stream.linear.scatter [tilespmem:s8], [sflag:$0x2], $0x1000, $0x38;
	[tilespmem:$0x5000] =	vst v63  }
0x51b: {  	_ =	swait.ge [sflag:s7], $0x1000  }
0x51c: {  	s26 =	sadd.s32 $0xFFFFFFFF, s26;
	s28 =	rddreg [dreg:$0xb];
	[sflag:s7] =	ssyncset.done $0x0  }
.LBB2_3:
0x51d: {  	[sflag:s7] =	ssyncadd.s32 @p0 $0xFFFFF000  }
0x51e: {  	[tilespmem:s2], [sflag:$0x2] =	stream.linear.gather [hbm4b:s28+s2], $0x800, $0x38;
	[tilespmem:$0x5000] =	vst v63  }
0x51f: {  	_ =	swait.ge [sflag:s7], $0x800  }
0x520: {  	[sflag:s7] =	ssyncset.done $0x0  }
0x521: {  	s26 =	rddreg [dreg:$0xc];
	[sflag:s7] =	ssyncadd.s32 $0xFFFFF800  }
0x522: {  	[tilespmem:s25], [sflag:$0x2] =	stream.linear.gather [hbm4b:s26+s2], $0x800, $0x38;
	[tilespmem:$0x5000] =	vst v63  }
0x523: {  	_ =	swait.ge [sflag:s7], $0x800  }
0x524: {  	[sflag:s7] =	ssyncset.done $0x0  }
0x525: {  	[sflag:s7] =	ssyncadd.s32 $0xFFFFF800  }
0x526: {  	[tilespmem:s11], [sflag:$0x1] =	stream.indirect.gather [hbm4b:s3+s13], $0x80, s2, s13, $0xb8;
	[tilespmem:$0x5000] =	vst v63  }
0x527: {  	_ = 	snop  }
0x528: {  	[tilespmem:s10], [sflag:$0x1] =	stream.indirect.gather [hbm4b:s4+s13], $0x80, s25, s13, $0xb8;
	[tilespmem:$0x5000] =	vst v63  }
0x529: {  	_ = 	snop  }
0x52a: {  	[tilespmem:s9], [sflag:$0x1] =	stream.indirect.gather [hbm4b:s5+s13], $0x80, s2, s13, $0xb8;
	[tilespmem:$0x5000] =	vst v63  }
0x52b: {  	_ = 	snop  }
0x52c: {  	[tilespmem:s8], [sflag:$0x1] =	stream.indirect.gather [hbm4b:s6+s13], $0x80, s25, s13, $0xb8;
	[tilespmem:$0x5000] =	vst v63  }
0x52d: {  	_ =	swait.ge [sflag:s12], $0x1000  }
0x52e: {  	[sflag:s12] =	ssyncset.done $0x0  }
0x52f: {  	[sflag:s12] =	ssyncadd.s32 $0xFFFFF000  }
0x530: {  	_ =	swait.ge [sflag:s12], $0x1000  }
0x531: {  	[sflag:s12] =	ssyncset.done $0x0  }
0x532: {  	[sflag:s12] =	ssyncadd.s32 $0xFFFFF000  }
0x533: {  	_ =	swait.ge [sflag:s12], $0x1000  }
0x534: {  	[sflag:s12] =	ssyncset.done $0x0  }
0x535: {  	[sflag:s12] =	ssyncadd.s32 $0xFFFFF000  }
0x536: {  	_ =	swait.ge [sflag:s12], $0x1000  }
0x537: {  	[sflag:s12] =	ssyncset.done $0x0  }
0x538: {  	s31 =	rddreg [dreg:$0xd];
	[sflag:s12] =	ssyncadd.s32 $0xFFFFF000  }
0x539: {  	[hbm4b:s31+s2] =	stream.linear.scatter [tilespmem:s11], [sflag:$0x2], $0x1000, $0x38;
	[tilespmem:$0x5000] =	vst v63  }
0x53a: {  	_ =	swait.ge [sflag:s7], $0x1000  }
0x53b: {  	[sflag:s7] =	ssyncset.done $0x0  }
0x53c: {  	s0 =	rddreg [dreg:$0xe];
	[sflag:s7] =	ssyncadd.s32 $0xFFFFF000  }
0x53d: {  	[hbm4b:s0+s2] =	stream.linear.scatter [tilespmem:s10], [sflag:$0x2], $0x1000, $0x38;
	[tilespmem:$0x5000] =	vst v63  }
0x53e: {  	_ =	swait.ge [sflag:s7], $0x1000  }
0x53f: {  	[sflag:s7] =	ssyncset.done $0x0  }
0x540: {  	s1 =	rddreg [dreg:$0xf];
	[sflag:s7] =	ssyncadd.s32 $0xFFFFF000  }
0x541: {  	[hbm4b:s1+s2] =	stream.linear.scatter [tilespmem:s9], [sflag:$0x2], $0x1000, $0x38;
	[tilespmem:$0x5000] =	vst v63  }
0x542: {  	_ =	swait.ge [sflag:s7], $0x1000  }
0x543: {  	[sflag:s7] =	ssyncset.done $0x0  }
0x544: {  	s14 =	rddreg [dreg:$0x10];
	[sflag:s7] =	ssyncadd.s32 $0xFFFFF000  }
0x545: {  	[hbm4b:s14+s2] =	stream.linear.scatter [tilespmem:s8], [sflag:$0x2], $0x1000, $0x38;
	[tilespmem:$0x5000] =	vst v63  }
0x546: {  	_ =	swait.ge [sflag:s7], $0x1000  }
0x547: {  	[sflag:s7] =	ssyncset.done $0x0  }
0x548: {  	s0 =	simm.s32 $0x80;
	[sflag:s7] =	ssyncadd.s32 $0xFFFFF000  }
0x549: {  	[tilespmem:s11], [sflag:$0x1] =	stream.indirect.gather [hbm4b:s3+s13], $0x80, s0, s13, $0xb8;
	[tilespmem:$0x5000] =	vst v63  }
0x54a: {  	s1 =	simm.s32 $0x880  }
0x54b: {  	[tilespmem:s10], [sflag:$0x1] =	stream.indirect.gather [hbm4b:s4+s13], $0x80, s1, s13, $0xb8;
	[tilespmem:$0x5000] =	vst v63  }
0x54c: {  	_ = 	snop  }
0x54d: {  	[tilespmem:s9], [sflag:$0x1] =	stream.indirect.gather [hbm4b:s5+s13], $0x80, s0, s13, $0xb8;
	[tilespmem:$0x5000] =	vst v63  }
0x54e: {  	_ = 	snop  }
0x54f: {  	[tilespmem:s8], [sflag:$0x1] =	stream.indirect.gather [hbm4b:s6+s13], $0x80, s1, s13, $0xb8;
	[tilespmem:$0x5000] =	vst v63  }
0x550: {  	_ =	swait.ge [sflag:s12], $0x1000  }
0x551: {  	[sflag:s12] =	ssyncset.done $0x0  }
0x552: {  	[sflag:s12] =	ssyncadd.s32 $0xFFFFF000  }
0x553: {  	_ =	swait.ge [sflag:s12], $0x1000  }
0x554: {  	[sflag:s12] =	ssyncset.done $0x0  }
0x555: {  	[sflag:s12] =	ssyncadd.s32 $0xFFFFF000  }
0x556: {  	_ =	swait.ge [sflag:s12], $0x1000  }
0x557: {  	[sflag:s12] =	ssyncset.done $0x0  }
0x558: {  	[sflag:s12] =	ssyncadd.s32 $0xFFFFF000  }
0x559: {  	_ =	swait.ge [sflag:s12], $0x1000  }
0x55a: {  	[sflag:s12] =	ssyncset.done $0x0  }
0x55b: {  	s23 =	rddreg [dreg:$0x11];
	[sflag:s12] =	ssyncadd.s32 $0xFFFFF000  }
0x55c: {  	[hbm4b:s23+s2] =	stream.linear.scatter [tilespmem:s11], [sflag:$0x2], $0x1000, $0x38;
	[tilespmem:$0x5000] =	vst v63  }
0x55d: {  	_ =	swait.ge [sflag:s7], $0x1000  }
0x55e: {  	[sflag:s7] =	ssyncset.done $0x0  }
0x55f: {  	s15 =	rddreg [dreg:$0x12];
	[sflag:s7] =	ssyncadd.s32 $0xFFFFF000  }
0x560: {  	[hbm4b:s15+s2] =	stream.linear.scatter [tilespmem:s10], [sflag:$0x2], $0x1000, $0x38;
	[tilespmem:$0x5000] =	vst v63  }
0x561: {  	_ =	swait.ge [sflag:s7], $0x1000  }
0x562: {  	[sflag:s7] =	ssyncset.done $0x0  }
0x563: {  	s16 =	rddreg [dreg:$0x13];
	[sflag:s7] =	ssyncadd.s32 $0xFFFFF000  }
0x564: {  	[hbm4b:s16+s2] =	stream.linear.scatter [tilespmem:s9], [sflag:$0x2], $0x1000, $0x38;
	[tilespmem:$0x5000] =	vst v63  }
0x565: {  	_ =	swait.ge [sflag:s7], $0x1000  }
0x566: {  	[sflag:s7] =	ssyncset.done $0x0  }
0x567: {  	s17 =	rddreg [dreg:$0x14];
	[sflag:s7] =	ssyncadd.s32 $0xFFFFF000  }
0x568: {  	[hbm4b:s17+s2] =	stream.linear.scatter [tilespmem:s8], [sflag:$0x2], $0x1000, $0x38;
	[tilespmem:$0x5000] =	vst v63  }
0x569: {  	_ =	swait.ge [sflag:s7], $0x1000  }
0x56a: {  	[sflag:s7] =	ssyncset.done $0x0  }
0x56b: {  	s18 =	simm.s32 $0x100;
	[sflag:s7] =	ssyncadd.s32 $0xFFFFF000  }
0x56c: {  	[tilespmem:s11], [sflag:$0x1] =	stream.indirect.gather [hbm4b:s3+s13], $0x80, s18, s13, $0xb8;
	[tilespmem:$0x5000] =	vst v63  }
0x56d: {  	s19 =	simm.s32 $0x900  }
0x56e: {  	[tilespmem:s10], [sflag:$0x1] =	stream.indirect.gather [hbm4b:s4+s13], $0x80, s19, s13, $0xb8;
	[tilespmem:$0x5000] =	vst v63  }
0x56f: {  	_ = 	snop  }
0x570: {  	[tilespmem:s9], [sflag:$0x1] =	stream.indirect.gather [hbm4b:s5+s13], $0x80, s18, s13, $0xb8;
	[tilespmem:$0x5000] =	vst v63  }
0x571: {  	_ = 	snop  }
0x572: {  	[tilespmem:s8], [sflag:$0x1] =	stream.indirect.gather [hbm4b:s6+s13], $0x80, s19, s13, $0xb8;
	[tilespmem:$0x5000] =	vst v63  }
0x573: {  	_ =	swait.ge [sflag:s12], $0x1000  }
0x574: {  	[sflag:s12] =	ssyncset.done $0x0  }
0x575: {  	[sflag:s12] =	ssyncadd.s32 $0xFFFFF000  }
0x576: {  	_ =	swait.ge [sflag:s12], $0x1000  }
0x577: {  	[sflag:s12] =	ssyncset.done $0x0  }
0x578: {  	[sflag:s12] =	ssyncadd.s32 $0xFFFFF000  }
0x579: {  	_ =	swait.ge [sflag:s12], $0x1000  }
0x57a: {  	[sflag:s12] =	ssyncset.done $0x0  }
0x57b: {  	[sflag:s12] =	ssyncadd.s32 $0xFFFFF000  }
0x57c: {  	_ =	swait.ge [sflag:s12], $0x1000  }
0x57d: {  	[sflag:s12] =	ssyncset.done $0x0  }
0x57e: {  	s21 =	rddreg [dreg:$0x15];
	[sflag:s12] =	ssyncadd.s32 $0xFFFFF000  }
0x57f: {  	[hbm4b:s21+s2] =	stream.linear.scatter [tilespmem:s11], [sflag:$0x2], $0x1000, $0x38;
	[tilespmem:$0x5000] =	vst v63  }
0x580: {  	_ =	swait.ge [sflag:s7], $0x1000  }
0x581: {  	[sflag:s7] =	ssyncset.done $0x0  }
0x582: {  	s20 =	rddreg [dreg:$0x16];
	[sflag:s7] =	ssyncadd.s32 $0xFFFFF000  }
0x583: {  	[hbm4b:s20+s2] =	stream.linear.scatter [tilespmem:s10], [sflag:$0x2], $0x1000, $0x38;
	[tilespmem:$0x5000] =	vst v63  }
0x584: {  	_ =	swait.ge [sflag:s7], $0x1000  }
0x585: {  	[sflag:s7] =	ssyncset.done $0x0  }
0x586: {  	s22 =	rddreg [dreg:$0x17];
	[sflag:s7] =	ssyncadd.s32 $0xFFFFF000  }
0x587: {  	[hbm4b:s22+s2] =	stream.linear.scatter [tilespmem:s9], [sflag:$0x2], $0x1000, $0x38;
	[tilespmem:$0x5000] =	vst v63  }
0x588: {  	_ =	swait.ge [sflag:s7], $0x1000  }
0x589: {  	[sflag:s7] =	ssyncset.done $0x0  }
0x58a: {  	s23 =	rddreg [dreg:$0x18];
	[sflag:s7] =	ssyncadd.s32 $0xFFFFF000  }
0x58b: {  	[hbm4b:s23+s2] =	stream.linear.scatter [tilespmem:s8], [sflag:$0x2], $0x1000, $0x38;
	[tilespmem:$0x5000] =	vst v63  }
0x58c: {  	_ =	swait.ge [sflag:s7], $0x1000  }
0x58d: {  	[sflag:s7] =	ssyncset.done $0x0  }
0x58e: {  	s24 =	simm.s32 $0x180;
	[sflag:s7] =	ssyncadd.s32 $0xFFFFF000  }
0x58f: {  	[tilespmem:s11], [sflag:$0x1] =	stream.indirect.gather [hbm4b:s3+s13], $0x80, s24, s13, $0xb8;
	[tilespmem:$0x5000] =	vst v63  }
0x590: {  	s25 =	simm.s32 $0x980  }
0x591: {  	[tilespmem:s10], [sflag:$0x1] =	stream.indirect.gather [hbm4b:s4+s13], $0x80, s25, s13, $0xb8;
	[tilespmem:$0x5000] =	vst v63  }
0x592: {  	_ = 	snop  }
0x593: {  	[tilespmem:s9], [sflag:$0x1] =	stream.indirect.gather [hbm4b:s5+s13], $0x80, s24, s13, $0xb8;
	[tilespmem:$0x5000] =	vst v63  }
0x594: {  	_ = 	snop  }
0x595: {  	[tilespmem:s8], [sflag:$0x1] =	stream.indirect.gather [hbm4b:s6+s13], $0x80, s25, s13, $0xb8;
	[tilespmem:$0x5000] =	vst v63  }
0x596: {  	_ =	swait.ge [sflag:s12], $0x1000  }
0x597: {  	[sflag:s12] =	ssyncset.done $0x0  }
0x598: {  	[sflag:s12] =	ssyncadd.s32 $0xFFFFF000  }
0x599: {  	_ =	swait.ge [sflag:s12], $0x1000  }
0x59a: {  	[sflag:s12] =	ssyncset.done $0x0  }
0x59b: {  	[sflag:s12] =	ssyncadd.s32 $0xFFFFF000  }
0x59c: {  	_ =	swait.ge [sflag:s12], $0x1000  }
0x59d: {  	[sflag:s12] =	ssyncset.done $0x0  }
0x59e: {  	[sflag:s12] =	ssyncadd.s32 $0xFFFFF000  }
0x59f: {  	_ =	swait.ge [sflag:s12], $0x1000  }
0x5a0: {  	[sflag:s12] =	ssyncset.done $0x0  }
0x5a1: {  	s19 =	rddreg [dreg:$0x19];
	[sflag:s12] =	ssyncadd.s32 $0xFFFFF000  }
0x5a2: {  	[hbm4b:s19+s2] =	stream.linear.scatter [tilespmem:s11], [sflag:$0x2], $0x1000, $0x38;
	[tilespmem:$0x5000] =	vst v63  }
0x5a3: {  	_ =	swait.ge [sflag:s7], $0x1000  }
0x5a4: {  	[sflag:s7] =	ssyncset.done $0x0  }
0x5a5: {  	s26 =	rddreg [dreg:$0x1a];
	[sflag:s7] =	ssyncadd.s32 $0xFFFFF000  }
0x5a6: {  	[hbm4b:s26+s2] =	stream.linear.scatter [tilespmem:s10], [sflag:$0x2], $0x1000, $0x38;
	[tilespmem:$0x5000] =	vst v63  }
0x5a7: {  	_ =	swait.ge [sflag:s7], $0x1000  }
0x5a8: {  	[sflag:s7] =	ssyncset.done $0x0  }
0x5a9: {  	s28 =	rddreg [dreg:$0x1b];
	[sflag:s7] =	ssyncadd.s32 $0xFFFFF000  }
0x5aa: {  	[hbm4b:s28+s2] =	stream.linear.scatter [tilespmem:s9], [sflag:$0x2], $0x1000, $0x38;
	[tilespmem:$0x5000] =	vst v63  }
0x5ab: {  	_ =	swait.ge [sflag:s7], $0x1000  }
0x5ac: {  	[sflag:s7] =	ssyncset.done $0x0  }
0x5ad: {  	s29 =	rddreg [dreg:$0x1c];
	[sflag:s7] =	ssyncadd.s32 $0xFFFFF000  }
0x5ae: {  	[hbm4b:s29+s2] =	stream.linear.scatter [tilespmem:s8], [sflag:$0x2], $0x1000, $0x38;
	[tilespmem:$0x5000] =	vst v63  }
0x5af: {  	_ =	swait.ge [sflag:s7], $0x1000  }
0x5b0: {  	[sflag:s7] =	ssyncset.done $0x0  }
0x5b1: {  	s30 =	simm.s32 $0x200;
	[sflag:s7] =	ssyncadd.s32 $0xFFFFF000  }
0x5b2: {  	[tilespmem:s11], [sflag:$0x1] =	stream.indirect.gather [hbm4b:s3+s13], $0x80, s30, s13, $0xb8;
	[tilespmem:$0x5000] =	vst v63  }
0x5b3: {  	s31 =	simm.s32 $0xA00  }
0x5b4: {  	[tilespmem:s10], [sflag:$0x1] =	stream.indirect.gather [hbm4b:s4+s13], $0x80, s31, s13, $0xb8;
	[tilespmem:$0x5000] =	vst v63  }
0x5b5: {  	_ = 	snop  }
0x5b6: {  	[tilespmem:s9], [sflag:$0x1] =	stream.indirect.gather [hbm4b:s5+s13], $0x80, s30, s13, $0xb8;
	[tilespmem:$0x5000] =	vst v63  }
0x5b7: {  	_ = 	snop  }
0x5b8: {  	[tilespmem:s8], [sflag:$0x1] =	stream.indirect.gather [hbm4b:s6+s13], $0x80, s31, s13, $0xb8;
	[tilespmem:$0x5000] =	vst v63  }
0x5b9: {  	_ =	swait.ge [sflag:s12], $0x1000  }
0x5ba: {  	[sflag:s12] =	ssyncset.done $0x0  }
0x5bb: {  	[sflag:s12] =	ssyncadd.s32 $0xFFFFF000  }
0x5bc: {  	_ =	swait.ge [sflag:s12], $0x1000  }
0x5bd: {  	[sflag:s12] =	ssyncset.done $0x0  }
0x5be: {  	[sflag:s12] =	ssyncadd.s32 $0xFFFFF000  }
0x5bf: {  	_ =	swait.ge [sflag:s12], $0x1000  }
0x5c0: {  	[sflag:s12] =	ssyncset.done $0x0  }
0x5c1: {  	[sflag:s12] =	ssyncadd.s32 $0xFFFFF000  }
0x5c2: {  	_ =	swait.ge [sflag:s12], $0x1000  }
0x5c3: {  	[sflag:s12] =	ssyncset.done $0x0  }
0x5c4: {  	s17 =	rddreg [dreg:$0x1d];
	[sflag:s12] =	ssyncadd.s32 $0xFFFFF000  }
0x5c5: {  	[hbm4b:s17+s2] =	stream.linear.scatter [tilespmem:s11], [sflag:$0x2], $0x1000, $0x38;
	[tilespmem:$0x5000] =	vst v63  }
0x5c6: {  	_ =	swait.ge [sflag:s7], $0x1000  }
0x5c7: {  	[sflag:s7] =	ssyncset.done $0x0  }
0x5c8: {  	s14 =	rddreg [dreg:$0x1e];
	[sflag:s7] =	ssyncadd.s32 $0xFFFFF000  }
0x5c9: {  	[hbm4b:s14+s2] =	stream.linear.scatter [tilespmem:s10], [sflag:$0x2], $0x1000, $0x38;
	[tilespmem:$0x5000] =	vst v63  }
0x5ca: {  	_ =	swait.ge [sflag:s7], $0x1000  }
0x5cb: {  	[sflag:s7] =	ssyncset.done $0x0  }
0x5cc: {  	s15 =	rddreg [dreg:$0x1f];
	[sflag:s7] =	ssyncadd.s32 $0xFFFFF000  }
0x5cd: {  	[hbm4b:s15+s2] =	stream.linear.scatter [tilespmem:s9], [sflag:$0x2], $0x1000, $0x38;
	[tilespmem:$0x5000] =	vst v63  }
0x5ce: {  	_ =	swait.ge [sflag:s7], $0x1000  }
0x5cf: {  	s16 =	sld [smem:$0x7D1]  }
0x5d0: {  	[sflag:s7] =	ssyncset.done $0x0  }
0x5d1: {  	[sflag:s7] =	ssyncadd.s32 $0xFFFFF000  }
0x5d2: {  	[hbm4b:s16+s2] =	stream.linear.scatter [tilespmem:s8], [sflag:$0x2], $0x1000, $0x38;
	[tilespmem:$0x5000] =	vst v63  }
0x5d3: {  	_ =	swait.ge [sflag:s7], $0x1000  }
0x5d4: {  	[sflag:s7] =	ssyncset.done $0x0  }
0x5d5: {  	s18 =	simm.s32 $0x280;
	[sflag:s7] =	ssyncadd.s32 $0xFFFFF000  }
0x5d6: {  	[tilespmem:s11], [sflag:$0x1] =	stream.indirect.gather [hbm4b:s3+s13], $0x80, s18, s13, $0xb8;
	[tilespmem:$0x5000] =	vst v63  }
0x5d7: {  	s19 =	simm.s32 $0xA80  }
0x5d8: {  	[tilespmem:s10], [sflag:$0x1] =	stream.indirect.gather [hbm4b:s4+s13], $0x80, s19, s13, $0xb8;
	[tilespmem:$0x5000] =	vst v63  }
0x5d9: {  	_ = 	snop  }
0x5da: {  	[tilespmem:s9], [sflag:$0x1] =	stream.indirect.gather [hbm4b:s5+s13], $0x80, s18, s13, $0xb8;
	[tilespmem:$0x5000] =	vst v63  }
0x5db: {  	_ = 	snop  }
0x5dc: {  	[tilespmem:s8], [sflag:$0x1] =	stream.indirect.gather [hbm4b:s6+s13], $0x80, s19, s13, $0xb8;
	[tilespmem:$0x5000] =	vst v63  }
0x5dd: {  	_ =	swait.ge [sflag:s12], $0x1000  }
0x5de: {  	[sflag:s12] =	ssyncset.done $0x0  }
0x5df: {  	[sflag:s12] =	ssyncadd.s32 $0xFFFFF000  }
0x5e0: {  	_ =	swait.ge [sflag:s12], $0x1000  }
0x5e1: {  	[sflag:s12] =	ssyncset.done $0x0  }
0x5e2: {  	[sflag:s12] =	ssyncadd.s32 $0xFFFFF000  }
0x5e3: {  	_ =	swait.ge [sflag:s12], $0x1000  }
0x5e4: {  	[sflag:s12] =	ssyncset.done $0x0  }
0x5e5: {  	[sflag:s12] =	ssyncadd.s32 $0xFFFFF000  }
0x5e6: {  	_ =	swait.ge [sflag:s12], $0x1000  }
0x5e7: {  	s15 =	sld [smem:$0x7D2]  }
0x5e8: {  	[sflag:s12] =	ssyncset.done $0x0  }
0x5e9: {  	[sflag:s12] =	ssyncadd.s32 $0xFFFFF000  }
0x5ea: {  	[hbm4b:s15+s2] =	stream.linear.scatter [tilespmem:s11], [sflag:$0x2], $0x1000, $0x38;
	[tilespmem:$0x5000] =	vst v63  }
0x5eb: {  	_ =	swait.ge [sflag:s7], $0x1000  }
0x5ec: {  	s20 =	sld [smem:$0x7D3]  }
0x5ed: {  	[sflag:s7] =	ssyncset.done $0x0  }
0x5ee: {  	[sflag:s7] =	ssyncadd.s32 $0xFFFFF000  }
0x5ef: {  	[hbm4b:s20+s2] =	stream.linear.scatter [tilespmem:s10], [sflag:$0x2], $0x1000, $0x38;
	[tilespmem:$0x5000] =	vst v63  }
0x5f0: {  	_ =	swait.ge [sflag:s7], $0x1000  }
0x5f1: {  	s21 =	sld [smem:$0x7D4]  }
0x5f2: {  	[sflag:s7] =	ssyncset.done $0x0  }
0x5f3: {  	[sflag:s7] =	ssyncadd.s32 $0xFFFFF000  }
0x5f4: {  	[hbm4b:s21+s2] =	stream.linear.scatter [tilespmem:s9], [sflag:$0x2], $0x1000, $0x38;
	[tilespmem:$0x5000] =	vst v63  }
0x5f5: {  	_ =	swait.ge [sflag:s7], $0x1000  }
0x5f6: {  	s22 =	sld [smem:$0x7D5]  }
0x5f7: {  	[sflag:s7] =	ssyncset.done $0x0  }
0x5f8: {  	[sflag:s7] =	ssyncadd.s32 $0xFFFFF000  }
0x5f9: {  	[hbm4b:s22+s2] =	stream.linear.scatter [tilespmem:s8], [sflag:$0x2], $0x1000, $0x38;
	[tilespmem:$0x5000] =	vst v63  }
0x5fa: {  	_ =	swait.ge [sflag:s7], $0x1000  }
0x5fb: {  	[sflag:s7] =	ssyncset.done $0x0  }
0x5fc: {  	s23 =	simm.s32 $0x300;
	[sflag:s7] =	ssyncadd.s32 $0xFFFFF000  }
0x5fd: {  	[tilespmem:s11], [sflag:$0x1] =	stream.indirect.gather [hbm4b:s3+s13], $0x80, s23, s13, $0xb8;
	[tilespmem:$0x5000] =	vst v63  }
0x5fe: {  	s24 =	simm.s32 $0xB00  }
0x5ff: {  	[tilespmem:s10], [sflag:$0x1] =	stream.indirect.gather [hbm4b:s4+s13], $0x80, s24, s13, $0xb8;
	[tilespmem:$0x5000] =	vst v63  }
0x600: {  	_ = 	snop  }
0x601: {  	[tilespmem:s9], [sflag:$0x1] =	stream.indirect.gather [hbm4b:s5+s13], $0x80, s23, s13, $0xb8;
	[tilespmem:$0x5000] =	vst v63  }
0x602: {  	_ = 	snop  }
0x603: {  	[tilespmem:s8], [sflag:$0x1] =	stream.indirect.gather [hbm4b:s6+s13], $0x80, s24, s13, $0xb8;
	[tilespmem:$0x5000] =	vst v63  }
0x604: {  	_ =	swait.ge [sflag:s12], $0x1000  }
0x605: {  	[sflag:s12] =	ssyncset.done $0x0  }
0x606: {  	[sflag:s12] =	ssyncadd.s32 $0xFFFFF000  }
0x607: {  	_ =	swait.ge [sflag:s12], $0x1000  }
0x608: {  	[sflag:s12] =	ssyncset.done $0x0  }
0x609: {  	[sflag:s12] =	ssyncadd.s32 $0xFFFFF000  }
0x60a: {  	_ =	swait.ge [sflag:s12], $0x1000  }
0x60b: {  	[sflag:s12] =	ssyncset.done $0x0  }
0x60c: {  	[sflag:s12] =	ssyncadd.s32 $0xFFFFF000  }
0x60d: {  	_ =	swait.ge [sflag:s12], $0x1000  }
0x60e: {  	s25 =	sld [smem:$0x7D6]  }
0x60f: {  	[sflag:s12] =	ssyncset.done $0x0  }
0x610: {  	[sflag:s12] =	ssyncadd.s32 $0xFFFFF000  }
0x611: {  	[hbm4b:s25+s2] =	stream.linear.scatter [tilespmem:s11], [sflag:$0x2], $0x1000, $0x38;
	[tilespmem:$0x5000] =	vst v63  }
0x612: {  	_ =	swait.ge [sflag:s7], $0x1000  }
0x613: {  	s26 =	sld [smem:$0x7D7]  }
0x614: {  	[sflag:s7] =	ssyncset.done $0x0  }
0x615: {  	[sflag:s7] =	ssyncadd.s32 $0xFFFFF000  }
0x616: {  	[hbm4b:s26+s2] =	stream.linear.scatter [tilespmem:s10], [sflag:$0x2], $0x1000, $0x38;
	[tilespmem:$0x5000] =	vst v63  }
0x617: {  	_ =	swait.ge [sflag:s7], $0x1000  }
0x618: {  	s28 =	sld [smem:$0x7D8]  }
0x619: {  	[sflag:s7] =	ssyncset.done $0x0  }
0x61a: {  	[sflag:s7] =	ssyncadd.s32 $0xFFFFF000  }
0x61b: {  	[hbm4b:s28+s2] =	stream.linear.scatter [tilespmem:s9], [sflag:$0x2], $0x1000, $0x38;
	[tilespmem:$0x5000] =	vst v63  }
0x61c: {  	_ =	swait.ge [sflag:s7], $0x1000  }
0x61d: {  	s29 =	sld [smem:$0x7D9]  }
0x61e: {  	[sflag:s7] =	ssyncset.done $0x0  }
0x61f: {  	[sflag:s7] =	ssyncadd.s32 $0xFFFFF000  }
0x620: {  	[hbm4b:s29+s2] =	stream.linear.scatter [tilespmem:s8], [sflag:$0x2], $0x1000, $0x38;
	[tilespmem:$0x5000] =	vst v63  }
0x621: {  	_ =	swait.ge [sflag:s7], $0x1000  }
0x622: {  	[sflag:s7] =	ssyncset.done $0x0  }
0x623: {  	s30 =	simm.s32 $0x380;
	[sflag:s7] =	ssyncadd.s32 $0xFFFFF000  }
0x624: {  	[tilespmem:s11], [sflag:$0x1] =	stream.indirect.gather [hbm4b:s3+s13], $0x80, s30, s13, $0xb8;
	[tilespmem:$0x5000] =	vst v63  }
0x625: {  	s31 =	simm.s32 $0xB80  }
0x626: {  	[tilespmem:s10], [sflag:$0x1] =	stream.indirect.gather [hbm4b:s4+s13], $0x80, s31, s13, $0xb8;
	[tilespmem:$0x5000] =	vst v63  }
0x627: {  	_ = 	snop  }
0x628: {  	[tilespmem:s9], [sflag:$0x1] =	stream.indirect.gather [hbm4b:s5+s13], $0x80, s30, s13, $0xb8;
	[tilespmem:$0x5000] =	vst v63  }
0x629: {  	_ = 	snop  }
0x62a: {  	[tilespmem:s8], [sflag:$0x1] =	stream.indirect.gather [hbm4b:s6+s13], $0x80, s31, s13, $0xb8;
	[tilespmem:$0x5000] =	vst v63  }
0x62b: {  	_ =	swait.ge [sflag:s12], $0x1000  }
0x62c: {  	[sflag:s12] =	ssyncset.done $0x0  }
0x62d: {  	[sflag:s12] =	ssyncadd.s32 $0xFFFFF000  }
0x62e: {  	_ =	swait.ge [sflag:s12], $0x1000  }
0x62f: {  	[sflag:s12] =	ssyncset.done $0x0  }
0x630: {  	[sflag:s12] =	ssyncadd.s32 $0xFFFFF000  }
0x631: {  	_ =	swait.ge [sflag:s12], $0x1000  }
0x632: {  	[sflag:s12] =	ssyncset.done $0x0  }
0x633: {  	[sflag:s12] =	ssyncadd.s32 $0xFFFFF000  }
0x634: {  	_ =	swait.ge [sflag:s12], $0x1000  }
0x635: {  	s1 =	sld [smem:$0x7DA]  }
0x636: {  	[sflag:s12] =	ssyncset.done $0x0  }
0x637: {  	[sflag:s12] =	ssyncadd.s32 $0xFFFFF000  }
0x638: {  	[hbm4b:s1+s2] =	stream.linear.scatter [tilespmem:s11], [sflag:$0x2], $0x1000, $0x38;
	[tilespmem:$0x5000] =	vst v63  }
0x639: {  	_ =	swait.ge [sflag:s7], $0x1000  }
0x63a: {  	s14 =	sld [smem:$0x7DB]  }
0x63b: {  	[sflag:s7] =	ssyncset.done $0x0  }
0x63c: {  	[sflag:s7] =	ssyncadd.s32 $0xFFFFF000  }
0x63d: {  	[hbm4b:s14+s2] =	stream.linear.scatter [tilespmem:s10], [sflag:$0x2], $0x1000, $0x38;
	[tilespmem:$0x5000] =	vst v63  }
0x63e: {  	_ =	swait.ge [sflag:s7], $0x1000  }
0x63f: {  	s15 =	sld [smem:$0x7DC]  }
0x640: {  	[sflag:s7] =	ssyncset.done $0x0  }
0x641: {  	[sflag:s7] =	ssyncadd.s32 $0xFFFFF000  }
0x642: {  	[hbm4b:s15+s2] =	stream.linear.scatter [tilespmem:s9], [sflag:$0x2], $0x1000, $0x38;
	[tilespmem:$0x5000] =	vst v63  }
0x643: {  	_ =	swait.ge [sflag:s7], $0x1000  }
0x644: {  	s16 =	sld [smem:$0x7DD]  }
0x645: {  	[sflag:s7] =	ssyncset.done $0x0  }
0x646: {  	[sflag:s7] =	ssyncadd.s32 $0xFFFFF000  }
0x647: {  	[hbm4b:s16+s2] =	stream.linear.scatter [tilespmem:s8], [sflag:$0x2], $0x1000, $0x38;
	[tilespmem:$0x5000] =	vst v63  }
0x648: {  	_ =	swait.ge [sflag:s7], $0x1000  }
0x649: {  	[sflag:s7] =	ssyncset.done $0x0  }
0x64a: {  	s17 =	simm.s32 $0x400;
	[sflag:s7] =	ssyncadd.s32 $0xFFFFF000  }
0x64b: {  	[tilespmem:s11], [sflag:$0x1] =	stream.indirect.gather [hbm4b:s3+s13], $0x80, s17, s13, $0xb8;
	[tilespmem:$0x5000] =	vst v63  }
0x64c: {  	s18 =	simm.s32 $0xC00  }
0x64d: {  	[tilespmem:s10], [sflag:$0x1] =	stream.indirect.gather [hbm4b:s4+s13], $0x80, s18, s13, $0xb8;
	[tilespmem:$0x5000] =	vst v63  }
0x64e: {  	_ = 	snop  }
0x64f: {  	[tilespmem:s9], [sflag:$0x1] =	stream.indirect.gather [hbm4b:s5+s13], $0x80, s17, s13, $0xb8;
	[tilespmem:$0x5000] =	vst v63  }
0x650: {  	_ = 	snop  }
0x651: {  	[tilespmem:s8], [sflag:$0x1] =	stream.indirect.gather [hbm4b:s6+s13], $0x80, s18, s13, $0xb8;
	[tilespmem:$0x5000] =	vst v63  }
0x652: {  	_ =	swait.ge [sflag:s12], $0x1000  }
0x653: {  	[sflag:s12] =	ssyncset.done $0x0  }
0x654: {  	[sflag:s12] =	ssyncadd.s32 $0xFFFFF000  }
0x655: {  	_ =	swait.ge [sflag:s12], $0x1000  }
0x656: {  	[sflag:s12] =	ssyncset.done $0x0  }
0x657: {  	[sflag:s12] =	ssyncadd.s32 $0xFFFFF000  }
0x658: {  	_ =	swait.ge [sflag:s12], $0x1000  }
0x659: {  	[sflag:s12] =	ssyncset.done $0x0  }
0x65a: {  	[sflag:s12] =	ssyncadd.s32 $0xFFFFF000  }
0x65b: {  	_ =	swait.ge [sflag:s12], $0x1000  }
0x65c: {  	s19 =	sld [smem:$0x7DE]  }
0x65d: {  	[sflag:s12] =	ssyncset.done $0x0  }
0x65e: {  	[sflag:s12] =	ssyncadd.s32 $0xFFFFF000  }
0x65f: {  	[hbm4b:s19+s2] =	stream.linear.scatter [tilespmem:s11], [sflag:$0x2], $0x1000, $0x38;
	[tilespmem:$0x5000] =	vst v63  }
0x660: {  	_ =	swait.ge [sflag:s7], $0x1000  }
0x661: {  	s20 =	sld [smem:$0x7DF]  }
0x662: {  	[sflag:s7] =	ssyncset.done $0x0  }
0x663: {  	[sflag:s7] =	ssyncadd.s32 $0xFFFFF000  }
0x664: {  	[hbm4b:s20+s2] =	stream.linear.scatter [tilespmem:s10], [sflag:$0x2], $0x1000, $0x38;
	[tilespmem:$0x5000] =	vst v63  }
0x665: {  	_ =	swait.ge [sflag:s7], $0x1000  }
0x666: {  	s21 =	sld [smem:$0x7E0]  }
0x667: {  	[sflag:s7] =	ssyncset.done $0x0  }
0x668: {  	[sflag:s7] =	ssyncadd.s32 $0xFFFFF000  }
0x669: {  	[hbm4b:s21+s2] =	stream.linear.scatter [tilespmem:s9], [sflag:$0x2], $0x1000, $0x38;
	[tilespmem:$0x5000] =	vst v63  }
0x66a: {  	_ =	swait.ge [sflag:s7], $0x1000  }
0x66b: {  	s22 =	sld [smem:$0x7E1]  }
0x66c: {  	[sflag:s7] =	ssyncset.done $0x0  }
0x66d: {  	[sflag:s7] =	ssyncadd.s32 $0xFFFFF000  }
0x66e: {  	[hbm4b:s22+s2] =	stream.linear.scatter [tilespmem:s8], [sflag:$0x2], $0x1000, $0x38;
	[tilespmem:$0x5000] =	vst v63  }
0x66f: {  	_ =	swait.ge [sflag:s7], $0x1000  }
0x670: {  	[sflag:s7] =	ssyncset.done $0x0  }
0x671: {  	s23 =	simm.s32 $0x480;
	[sflag:s7] =	ssyncadd.s32 $0xFFFFF000  }
0x672: {  	[tilespmem:s11], [sflag:$0x1] =	stream.indirect.gather [hbm4b:s3+s13], $0x80, s23, s13, $0xb8;
	[tilespmem:$0x5000] =	vst v63  }
0x673: {  	s24 =	simm.s32 $0xC80  }
0x674: {  	[tilespmem:s10], [sflag:$0x1] =	stream.indirect.gather [hbm4b:s4+s13], $0x80, s24, s13, $0xb8;
	[tilespmem:$0x5000] =	vst v63  }
0x675: {  	_ = 	snop  }
0x676: {  	[tilespmem:s9], [sflag:$0x1] =	stream.indirect.gather [hbm4b:s5+s13], $0x80, s23, s13, $0xb8;
	[tilespmem:$0x5000] =	vst v63  }
0x677: {  	_ = 	snop  }
0x678: {  	[tilespmem:s8], [sflag:$0x1] =	stream.indirect.gather [hbm4b:s6+s13], $0x80, s24, s13, $0xb8;
	[tilespmem:$0x5000] =	vst v63  }
0x679: {  	_ =	swait.ge [sflag:s12], $0x1000  }
0x67a: {  	[sflag:s12] =	ssyncset.done $0x0  }
0x67b: {  	[sflag:s12] =	ssyncadd.s32 $0xFFFFF000  }
0x67c: {  	_ =	swait.ge [sflag:s12], $0x1000  }
0x67d: {  	[sflag:s12] =	ssyncset.done $0x0  }
0x67e: {  	[sflag:s12] =	ssyncadd.s32 $0xFFFFF000  }
0x67f: {  	_ =	swait.ge [sflag:s12], $0x1000  }
0x680: {  	[sflag:s12] =	ssyncset.done $0x0  }
0x681: {  	[sflag:s12] =	ssyncadd.s32 $0xFFFFF000  }
0x682: {  	_ =	swait.ge [sflag:s12], $0x1000  }
0x683: {  	s25 =	sld [smem:$0x7E2]  }
0x684: {  	[sflag:s12] =	ssyncset.done $0x0  }
0x685: {  	[sflag:s12] =	ssyncadd.s32 $0xFFFFF000  }
0x686: {  	[hbm4b:s25+s2] =	stream.linear.scatter [tilespmem:s11], [sflag:$0x2], $0x1000, $0x38;
	[tilespmem:$0x5000] =	vst v63  }
0x687: {  	_ =	swait.ge [sflag:s7], $0x1000  }
0x688: {  	s26 =	sld [smem:$0x7E3]  }
0x689: {  	[sflag:s7] =	ssyncset.done $0x0  }
0x68a: {  	[sflag:s7] =	ssyncadd.s32 $0xFFFFF000  }
0x68b: {  	[hbm4b:s26+s2] =	stream.linear.scatter [tilespmem:s10], [sflag:$0x2], $0x1000, $0x38;
	[tilespmem:$0x5000] =	vst v63  }
0x68c: {  	_ =	swait.ge [sflag:s7], $0x1000  }
0x68d: {  	s28 =	sld [smem:$0x7E4]  }
0x68e: {  	[sflag:s7] =	ssyncset.done $0x0  }
0x68f: {  	[sflag:s7] =	ssyncadd.s32 $0xFFFFF000  }
0x690: {  	[hbm4b:s28+s2] =	stream.linear.scatter [tilespmem:s9], [sflag:$0x2], $0x1000, $0x38;
	[tilespmem:$0x5000] =	vst v63  }
0x691: {  	_ =	swait.ge [sflag:s7], $0x1000  }
0x692: {  	s29 =	sld [smem:$0x7E5]  }
0x693: {  	[sflag:s7] =	ssyncset.done $0x0  }
0x694: {  	[sflag:s7] =	ssyncadd.s32 $0xFFFFF000  }
0x695: {  	[hbm4b:s29+s2] =	stream.linear.scatter [tilespmem:s8], [sflag:$0x2], $0x1000, $0x38;
	[tilespmem:$0x5000] =	vst v63  }
0x696: {  	_ =	swait.ge [sflag:s7], $0x1000  }
0x697: {  	[sflag:s7] =	ssyncset.done $0x0  }
0x698: {  	s30 =	simm.s32 $0x500;
	[sflag:s7] =	ssyncadd.s32 $0xFFFFF000  }
0x699: {  	[tilespmem:s11], [sflag:$0x1] =	stream.indirect.gather [hbm4b:s3+s13], $0x80, s30, s13, $0xb8;
	[tilespmem:$0x5000] =	vst v63  }
0x69a: {  	s31 =	simm.s32 $0xD00  }
0x69b: {  	[tilespmem:s10], [sflag:$0x1] =	stream.indirect.gather [hbm4b:s4+s13], $0x80, s31, s13, $0xb8;
	[tilespmem:$0x5000] =	vst v63  }
0x69c: {  	_ = 	snop  }
0x69d: {  	[tilespmem:s9], [sflag:$0x1] =	stream.indirect.gather [hbm4b:s5+s13], $0x80, s30, s13, $0xb8;
	[tilespmem:$0x5000] =	vst v63  }
0x69e: {  	_ = 	snop  }
0x69f: {  	[tilespmem:s8], [sflag:$0x1] =	stream.indirect.gather [hbm4b:s6+s13], $0x80, s31, s13, $0xb8;
	[tilespmem:$0x5000] =	vst v63  }
0x6a0: {  	_ =	swait.ge [sflag:s12], $0x1000  }
0x6a1: {  	[sflag:s12] =	ssyncset.done $0x0  }
0x6a2: {  	[sflag:s12] =	ssyncadd.s32 $0xFFFFF000  }
0x6a3: {  	_ =	swait.ge [sflag:s12], $0x1000  }
0x6a4: {  	[sflag:s12] =	ssyncset.done $0x0  }
0x6a5: {  	[sflag:s12] =	ssyncadd.s32 $0xFFFFF000  }
0x6a6: {  	_ =	swait.ge [sflag:s12], $0x1000  }
0x6a7: {  	[sflag:s12] =	ssyncset.done $0x0  }
0x6a8: {  	[sflag:s12] =	ssyncadd.s32 $0xFFFFF000  }
0x6a9: {  	_ =	swait.ge [sflag:s12], $0x1000  }
0x6aa: {  	s1 =	sld [smem:$0x7E6]  }
0x6ab: {  	[sflag:s12] =	ssyncset.done $0x0  }
0x6ac: {  	[sflag:s12] =	ssyncadd.s32 $0xFFFFF000  }
0x6ad: {  	[hbm4b:s1+s2] =	stream.linear.scatter [tilespmem:s11], [sflag:$0x2], $0x1000, $0x38;
	[tilespmem:$0x5000] =	vst v63  }
0x6ae: {  	_ =	swait.ge [sflag:s7], $0x1000  }
0x6af: {  	s14 =	sld [smem:$0x7E7]  }
0x6b0: {  	[sflag:s7] =	ssyncset.done $0x0  }
0x6b1: {  	[sflag:s7] =	ssyncadd.s32 $0xFFFFF000  }
0x6b2: {  	[hbm4b:s14+s2] =	stream.linear.scatter [tilespmem:s10], [sflag:$0x2], $0x1000, $0x38;
	[tilespmem:$0x5000] =	vst v63  }
0x6b3: {  	_ =	swait.ge [sflag:s7], $0x1000  }
0x6b4: {  	s15 =	sld [smem:$0x7E8]  }
0x6b5: {  	[sflag:s7] =	ssyncset.done $0x0  }
0x6b6: {  	[sflag:s7] =	ssyncadd.s32 $0xFFFFF000  }
0x6b7: {  	[hbm4b:s15+s2] =	stream.linear.scatter [tilespmem:s9], [sflag:$0x2], $0x1000, $0x38;
	[tilespmem:$0x5000] =	vst v63  }
0x6b8: {  	_ =	swait.ge [sflag:s7], $0x1000  }
0x6b9: {  	s16 =	sld [smem:$0x7E9]  }
0x6ba: {  	[sflag:s7] =	ssyncset.done $0x0  }
0x6bb: {  	[sflag:s7] =	ssyncadd.s32 $0xFFFFF000  }
0x6bc: {  	[hbm4b:s16+s2] =	stream.linear.scatter [tilespmem:s8], [sflag:$0x2], $0x1000, $0x38;
	[tilespmem:$0x5000] =	vst v63  }
0x6bd: {  	_ =	swait.ge [sflag:s7], $0x1000  }
0x6be: {  	[sflag:s7] =	ssyncset.done $0x0  }
0x6bf: {  	s17 =	simm.s32 $0x580;
	[sflag:s7] =	ssyncadd.s32 $0xFFFFF000  }
0x6c0: {  	[tilespmem:s11], [sflag:$0x1] =	stream.indirect.gather [hbm4b:s3+s13], $0x80, s17, s13, $0xb8;
	[tilespmem:$0x5000] =	vst v63  }
0x6c1: {  	s18 =	simm.s32 $0xD80  }
0x6c2: {  	[tilespmem:s10], [sflag:$0x1] =	stream.indirect.gather [hbm4b:s4+s13], $0x80, s18, s13, $0xb8;
	[tilespmem:$0x5000] =	vst v63  }
0x6c3: {  	_ = 	snop  }
0x6c4: {  	[tilespmem:s9], [sflag:$0x1] =	stream.indirect.gather [hbm4b:s5+s13], $0x80, s17, s13, $0xb8;
	[tilespmem:$0x5000] =	vst v63  }
0x6c5: {  	_ = 	snop  }
0x6c6: {  	[tilespmem:s8], [sflag:$0x1] =	stream.indirect.gather [hbm4b:s6+s13], $0x80, s18, s13, $0xb8;
	[tilespmem:$0x5000] =	vst v63  }
0x6c7: {  	_ =	swait.ge [sflag:s12], $0x1000  }
0x6c8: {  	[sflag:s12] =	ssyncset.done $0x0  }
0x6c9: {  	[sflag:s12] =	ssyncadd.s32 $0xFFFFF000  }
0x6ca: {  	_ =	swait.ge [sflag:s12], $0x1000  }
0x6cb: {  	[sflag:s12] =	ssyncset.done $0x0  }
0x6cc: {  	[sflag:s12] =	ssyncadd.s32 $0xFFFFF000  }
0x6cd: {  	_ =	swait.ge [sflag:s12], $0x1000  }
0x6ce: {  	[sflag:s12] =	ssyncset.done $0x0  }
0x6cf: {  	[sflag:s12] =	ssyncadd.s32 $0xFFFFF000  }
0x6d0: {  	_ =	swait.ge [sflag:s12], $0x1000  }
0x6d1: {  	s19 =	sld [smem:$0x7EA]  }
0x6d2: {  	[sflag:s12] =	ssyncset.done $0x0  }
0x6d3: {  	[sflag:s12] =	ssyncadd.s32 $0xFFFFF000  }
0x6d4: {  	[hbm4b:s19+s2] =	stream.linear.scatter [tilespmem:s11], [sflag:$0x2], $0x1000, $0x38;
	[tilespmem:$0x5000] =	vst v63  }
0x6d5: {  	_ =	swait.ge [sflag:s7], $0x1000  }
0x6d6: {  	s20 =	sld [smem:$0x7EB]  }
0x6d7: {  	[sflag:s7] =	ssyncset.done $0x0  }
0x6d8: {  	[sflag:s7] =	ssyncadd.s32 $0xFFFFF000  }
0x6d9: {  	[hbm4b:s20+s2] =	stream.linear.scatter [tilespmem:s10], [sflag:$0x2], $0x1000, $0x38;
	[tilespmem:$0x5000] =	vst v63  }
0x6da: {  	_ =	swait.ge [sflag:s7], $0x1000  }
0x6db: {  	s21 =	sld [smem:$0x7EC]  }
0x6dc: {  	[sflag:s7] =	ssyncset.done $0x0  }
0x6dd: {  	[sflag:s7] =	ssyncadd.s32 $0xFFFFF000  }
0x6de: {  	[hbm4b:s21+s2] =	stream.linear.scatter [tilespmem:s9], [sflag:$0x2], $0x1000, $0x38;
	[tilespmem:$0x5000] =	vst v63  }
0x6df: {  	_ =	swait.ge [sflag:s7], $0x1000  }
0x6e0: {  	s22 =	sld [smem:$0x7ED]  }
0x6e1: {  	[sflag:s7] =	ssyncset.done $0x0  }
0x6e2: {  	[sflag:s7] =	ssyncadd.s32 $0xFFFFF000  }
0x6e3: {  	[hbm4b:s22+s2] =	stream.linear.scatter [tilespmem:s8], [sflag:$0x2], $0x1000, $0x38;
	[tilespmem:$0x5000] =	vst v63  }
0x6e4: {  	_ =	swait.ge [sflag:s7], $0x1000  }
0x6e5: {  	[sflag:s7] =	ssyncset.done $0x0  }
0x6e6: {  	s23 =	simm.s32 $0x600;
	[sflag:s7] =	ssyncadd.s32 $0xFFFFF000  }
0x6e7: {  	[tilespmem:s11], [sflag:$0x1] =	stream.indirect.gather [hbm4b:s3+s13], $0x80, s23, s13, $0xb8;
	[tilespmem:$0x5000] =	vst v63  }
0x6e8: {  	s24 =	simm.s32 $0xE00  }
0x6e9: {  	[tilespmem:s10], [sflag:$0x1] =	stream.indirect.gather [hbm4b:s4+s13], $0x80, s24, s13, $0xb8;
	[tilespmem:$0x5000] =	vst v63  }
0x6ea: {  	_ = 	snop  }
0x6eb: {  	[tilespmem:s9], [sflag:$0x1] =	stream.indirect.gather [hbm4b:s5+s13], $0x80, s23, s13, $0xb8;
	[tilespmem:$0x5000] =	vst v63  }
0x6ec: {  	_ = 	snop  }
0x6ed: {  	[tilespmem:s8], [sflag:$0x1] =	stream.indirect.gather [hbm4b:s6+s13], $0x80, s24, s13, $0xb8;
	[tilespmem:$0x5000] =	vst v63  }
0x6ee: {  	_ =	swait.ge [sflag:s12], $0x1000  }
0x6ef: {  	[sflag:s12] =	ssyncset.done $0x0  }
0x6f0: {  	[sflag:s12] =	ssyncadd.s32 $0xFFFFF000  }
0x6f1: {  	_ =	swait.ge [sflag:s12], $0x1000  }
0x6f2: {  	[sflag:s12] =	ssyncset.done $0x0  }
0x6f3: {  	[sflag:s12] =	ssyncadd.s32 $0xFFFFF000  }
0x6f4: {  	_ =	swait.ge [sflag:s12], $0x1000  }
0x6f5: {  	[sflag:s12] =	ssyncset.done $0x0  }
0x6f6: {  	[sflag:s12] =	ssyncadd.s32 $0xFFFFF000  }
0x6f7: {  	_ =	swait.ge [sflag:s12], $0x1000  }
0x6f8: {  	s25 =	sld [smem:$0x7EE]  }
0x6f9: {  	[sflag:s12] =	ssyncset.done $0x0  }
0x6fa: {  	[sflag:s12] =	ssyncadd.s32 $0xFFFFF000  }
0x6fb: {  	[hbm4b:s25+s2] =	stream.linear.scatter [tilespmem:s11], [sflag:$0x2], $0x1000, $0x38;
	[tilespmem:$0x5000] =	vst v63  }
0x6fc: {  	_ =	swait.ge [sflag:s7], $0x1000  }
0x6fd: {  	s26 =	sld [smem:$0x7EF]  }
0x6fe: {  	[sflag:s7] =	ssyncset.done $0x0  }
0x6ff: {  	[sflag:s7] =	ssyncadd.s32 $0xFFFFF000  }
0x700: {  	[hbm4b:s26+s2] =	stream.linear.scatter [tilespmem:s10], [sflag:$0x2], $0x1000, $0x38;
	[tilespmem:$0x5000] =	vst v63  }
0x701: {  	_ =	swait.ge [sflag:s7], $0x1000  }
0x702: {  	s28 =	sld [smem:$0x7F0]  }
0x703: {  	[sflag:s7] =	ssyncset.done $0x0  }
0x704: {  	[sflag:s7] =	ssyncadd.s32 $0xFFFFF000  }
0x705: {  	[hbm4b:s28+s2] =	stream.linear.scatter [tilespmem:s9], [sflag:$0x2], $0x1000, $0x38;
	[tilespmem:$0x5000] =	vst v63  }
0x706: {  	_ =	swait.ge [sflag:s7], $0x1000  }
0x707: {  	s29 =	sld [smem:$0x7F1]  }
0x708: {  	[sflag:s7] =	ssyncset.done $0x0  }
0x709: {  	[sflag:s7] =	ssyncadd.s32 $0xFFFFF000  }
0x70a: {  	[hbm4b:s29+s2] =	stream.linear.scatter [tilespmem:s8], [sflag:$0x2], $0x1000, $0x38;
	[tilespmem:$0x5000] =	vst v63  }
0x70b: {  	_ =	swait.ge [sflag:s7], $0x1000  }
0x70c: {  	[sflag:s7] =	ssyncset.done $0x0  }
0x70d: {  	s30 =	simm.s32 $0x680;
	[sflag:s7] =	ssyncadd.s32 $0xFFFFF000  }
0x70e: {  	[tilespmem:s11], [sflag:$0x1] =	stream.indirect.gather [hbm4b:s3+s13], $0x80, s30, s13, $0xb8;
	[tilespmem:$0x5000] =	vst v63  }
0x70f: {  	s31 =	simm.s32 $0xE80  }
0x710: {  	[tilespmem:s10], [sflag:$0x1] =	stream.indirect.gather [hbm4b:s4+s13], $0x80, s31, s13, $0xb8;
	[tilespmem:$0x5000] =	vst v63  }
0x711: {  	_ = 	snop  }
0x712: {  	[tilespmem:s9], [sflag:$0x1] =	stream.indirect.gather [hbm4b:s5+s13], $0x80, s30, s13, $0xb8;
	[tilespmem:$0x5000] =	vst v63  }
0x713: {  	_ = 	snop  }
0x714: {  	[tilespmem:s8], [sflag:$0x1] =	stream.indirect.gather [hbm4b:s6+s13], $0x80, s31, s13, $0xb8;
	[tilespmem:$0x5000] =	vst v63  }
0x715: {  	_ =	swait.ge [sflag:s12], $0x1000  }
0x716: {  	[sflag:s12] =	ssyncset.done $0x0  }
0x717: {  	[sflag:s12] =	ssyncadd.s32 $0xFFFFF000  }
0x718: {  	_ =	swait.ge [sflag:s12], $0x1000  }
0x719: {  	[sflag:s12] =	ssyncset.done $0x0  }
0x71a: {  	[sflag:s12] =	ssyncadd.s32 $0xFFFFF000  }
0x71b: {  	_ =	swait.ge [sflag:s12], $0x1000  }
0x71c: {  	[sflag:s12] =	ssyncset.done $0x0  }
0x71d: {  	[sflag:s12] =	ssyncadd.s32 $0xFFFFF000  }
0x71e: {  	_ =	swait.ge [sflag:s12], $0x1000  }
0x71f: {  	s14 =	sld [smem:$0x7F2]  }
0x720: {  	[sflag:s12] =	ssyncset.done $0x0  }
0x721: {  	[sflag:s12] =	ssyncadd.s32 $0xFFFFF000  }
0x722: {  	[hbm4b:s14+s2] =	stream.linear.scatter [tilespmem:s11], [sflag:$0x2], $0x1000, $0x38;
	[tilespmem:$0x5000] =	vst v63  }
0x723: {  	_ =	swait.ge [sflag:s7], $0x1000  }
0x724: {  	s15 =	sld [smem:$0x7F3]  }
0x725: {  	[sflag:s7] =	ssyncset.done $0x0  }
0x726: {  	[sflag:s7] =	ssyncadd.s32 $0xFFFFF000  }
0x727: {  	[hbm4b:s15+s2] =	stream.linear.scatter [tilespmem:s10], [sflag:$0x2], $0x1000, $0x38;
	[tilespmem:$0x5000] =	vst v63  }
0x728: {  	_ =	swait.ge [sflag:s7], $0x1000  }
0x729: {  	s16 =	sld [smem:$0x7F4]  }
0x72a: {  	[sflag:s7] =	ssyncset.done $0x0  }
0x72b: {  	[sflag:s7] =	ssyncadd.s32 $0xFFFFF000  }
0x72c: {  	[hbm4b:s16+s2] =	stream.linear.scatter [tilespmem:s9], [sflag:$0x2], $0x1000, $0x38;
	[tilespmem:$0x5000] =	vst v63  }
0x72d: {  	_ =	swait.ge [sflag:s7], $0x1000  }
0x72e: {  	s17 =	sld [smem:$0x7F5]  }
0x72f: {  	[sflag:s7] =	ssyncset.done $0x0  }
0x730: {  	[sflag:s7] =	ssyncadd.s32 $0xFFFFF000  }
0x731: {  	[hbm4b:s17+s2] =	stream.linear.scatter [tilespmem:s8], [sflag:$0x2], $0x1000, $0x38;
	[tilespmem:$0x5000] =	vst v63  }
0x732: {  	_ =	swait.ge [sflag:s7], $0x1000  }
0x733: {  	[sflag:s7] =	ssyncset.done $0x0  }
0x734: {  	s18 =	simm.s32 $0x700;
	[sflag:s7] =	ssyncadd.s32 $0xFFFFF000  }
0x735: {  	[tilespmem:s11], [sflag:$0x1] =	stream.indirect.gather [hbm4b:s3+s13], $0x80, s18, s13, $0xb8;
	[tilespmem:$0x5000] =	vst v63  }
0x736: {  	s19 =	simm.s32 $0xF00  }
0x737: {  	[tilespmem:s10], [sflag:$0x1] =	stream.indirect.gather [hbm4b:s4+s13], $0x80, s19, s13, $0xb8;
	[tilespmem:$0x5000] =	vst v63  }
0x738: {  	_ = 	snop  }
0x739: {  	[tilespmem:s9], [sflag:$0x1] =	stream.indirect.gather [hbm4b:s5+s13], $0x80, s18, s13, $0xb8;
	[tilespmem:$0x5000] =	vst v63  }
0x73a: {  	_ = 	snop  }
0x73b: {  	[tilespmem:s8], [sflag:$0x1] =	stream.indirect.gather [hbm4b:s6+s13], $0x80, s19, s13, $0xb8;
	[tilespmem:$0x5000] =	vst v63  }
0x73c: {  	_ =	swait.ge [sflag:s12], $0x1000  }
0x73d: {  	[sflag:s12] =	ssyncset.done $0x0  }
0x73e: {  	[sflag:s12] =	ssyncadd.s32 $0xFFFFF000  }
0x73f: {  	_ =	swait.ge [sflag:s12], $0x1000  }
0x740: {  	[sflag:s12] =	ssyncset.done $0x0  }
0x741: {  	[sflag:s12] =	ssyncadd.s32 $0xFFFFF000  }
0x742: {  	_ =	swait.ge [sflag:s12], $0x1000  }
0x743: {  	[sflag:s12] =	ssyncset.done $0x0  }
0x744: {  	[sflag:s12] =	ssyncadd.s32 $0xFFFFF000  }
0x745: {  	_ =	swait.ge [sflag:s12], $0x1000  }
0x746: {  	s20 =	sld [smem:$0x7F6]  }
0x747: {  	[sflag:s12] =	ssyncset.done $0x0  }
0x748: {  	[sflag:s12] =	ssyncadd.s32 $0xFFFFF000  }
0x749: {  	[hbm4b:s20+s2] =	stream.linear.scatter [tilespmem:s11], [sflag:$0x2], $0x1000, $0x38;
	[tilespmem:$0x5000] =	vst v63  }
0x74a: {  	_ =	swait.ge [sflag:s7], $0x1000  }
0x74b: {  	s21 =	sld [smem:$0x7F7]  }
0x74c: {  	[sflag:s7] =	ssyncset.done $0x0  }
0x74d: {  	[sflag:s7] =	ssyncadd.s32 $0xFFFFF000  }
0x74e: {  	[hbm4b:s21+s2] =	stream.linear.scatter [tilespmem:s10], [sflag:$0x2], $0x1000, $0x38;
	[tilespmem:$0x5000] =	vst v63  }
0x74f: {  	_ =	swait.ge [sflag:s7], $0x1000  }
0x750: {  	s22 =	sld [smem:$0x7F8]  }
0x751: {  	[sflag:s7] =	ssyncset.done $0x0  }
0x752: {  	[sflag:s7] =	ssyncadd.s32 $0xFFFFF000  }
0x753: {  	[hbm4b:s22+s2] =	stream.linear.scatter [tilespmem:s9], [sflag:$0x2], $0x1000, $0x38;
	[tilespmem:$0x5000] =	vst v63  }
0x754: {  	_ =	swait.ge [sflag:s7], $0x1000  }
0x755: {  	s23 =	sld [smem:$0x7F9]  }
0x756: {  	[sflag:s7] =	ssyncset.done $0x0  }
0x757: {  	[sflag:s7] =	ssyncadd.s32 $0xFFFFF000  }
0x758: {  	[hbm4b:s23+s2] =	stream.linear.scatter [tilespmem:s8], [sflag:$0x2], $0x1000, $0x38;
	[tilespmem:$0x5000] =	vst v63  }
0x759: {  	_ =	swait.ge [sflag:s7], $0x1000  }
0x75a: {  	[sflag:s7] =	ssyncset.done $0x0  }
0x75b: {  	s24 =	simm.s32 $0x780;
	[sflag:s7] =	ssyncadd.s32 $0xFFFFF000  }
0x75c: {  	[tilespmem:s11], [sflag:$0x1] =	stream.indirect.gather [hbm4b:s3+s13], $0x80, s24, s13, $0xb8;
	[tilespmem:$0x5000] =	vst v63  }
0x75d: {  	s25 =	simm.s32 $0xF80  }
0x75e: {  	[tilespmem:s10], [sflag:$0x1] =	stream.indirect.gather [hbm4b:s4+s13], $0x80, s25, s13, $0xb8;
	[tilespmem:$0x5000] =	vst v63  }
0x75f: {  	_ = 	snop  }
0x760: {  	[tilespmem:s9], [sflag:$0x1] =	stream.indirect.gather [hbm4b:s5+s13], $0x80, s24, s13, $0xb8;
	[tilespmem:$0x5000] =	vst v63  }
0x761: {  	_ = 	snop  }
0x762: {  	[tilespmem:s8], [sflag:$0x1] =	stream.indirect.gather [hbm4b:s6+s13], $0x80, s25, s13, $0xb8;
	[tilespmem:$0x5000] =	vst v63  }
0x763: {  	_ =	swait.ge [sflag:s12], $0x1000  }
0x764: {  	[sflag:s12] =	ssyncset.done $0x0  }
0x765: {  	[sflag:s12] =	ssyncadd.s32 $0xFFFFF000  }
0x766: {  	_ =	swait.ge [sflag:s12], $0x1000  }
0x767: {  	[sflag:s12] =	ssyncset.done $0x0  }
0x768: {  	[sflag:s12] =	ssyncadd.s32 $0xFFFFF000  }
0x769: {  	_ =	swait.ge [sflag:s12], $0x1000  }
0x76a: {  	[sflag:s12] =	ssyncset.done $0x0  }
0x76b: {  	[sflag:s12] =	ssyncadd.s32 $0xFFFFF000  }
0x76c: {  	_ =	swait.ge [sflag:s12], $0x1000  }
0x76d: {  	s26 =	sld [smem:$0x7FA]  }
0x76e: {  	[sflag:s12] =	ssyncset.done $0x0  }
0x76f: {  	[sflag:s12] =	ssyncadd.s32 $0xFFFFF000  }
0x770: {  	[hbm4b:s26+s2] =	stream.linear.scatter [tilespmem:s11], [sflag:$0x2], $0x1000, $0x38;
	[tilespmem:$0x5000] =	vst v63  }
0x771: {  	_ =	swait.ge [sflag:s7], $0x1000  }
0x772: {  	s28 =	sld [smem:$0x7FB]  }
0x773: {  	[sflag:s7] =	ssyncset.done $0x0  }
0x774: {  	[sflag:s7] =	ssyncadd.s32 $0xFFFFF000  }
0x775: {  	[hbm4b:s28+s2] =	stream.linear.scatter [tilespmem:s10], [sflag:$0x2], $0x1000, $0x38;
	[tilespmem:$0x5000] =	vst v63  }
0x776: {  	_ =	swait.ge [sflag:s7], $0x1000  }
0x777: {  	s29 =	sld [smem:$0x7FC]  }
0x778: {  	[sflag:s7] =	ssyncset.done $0x0  }
0x779: {  	[sflag:s7] =	ssyncadd.s32 $0xFFFFF000  }
0x77a: {  	[hbm4b:s29+s2] =	stream.linear.scatter [tilespmem:s9], [sflag:$0x2], $0x1000, $0x38;
	[tilespmem:$0x5000] =	vst v63  }
0x77b: {  	_ =	swait.ge [sflag:s7], $0x1000  }
0x77c: {  	s30 =	sld [smem:$0x7FD]  }
0x77d: {  	[sflag:s7] =	ssyncset.done $0x0  }
0x77e: {  	[sflag:s7] =	ssyncadd.s32 $0xFFFFF000  }
0x77f: {  	[hbm4b:s30+s2] =	stream.linear.scatter [tilespmem:s8], [sflag:$0x2], $0x1000, $0x38;
	[tilespmem:$0x5000] =	vst v63  }
0x780: {  	_ =	swait.ge [sflag:s7], $0x1000  }
0x781: {  	[sflag:s7] =	ssyncset.done $0x0  }
0x782: {  	[sflag:s7] =	ssyncadd.s32 $0xFFFFF000  }
0x783: {  	_ =	sfence.sel $0x180000  }
0x784: {  	[bflag:$0x0] =	sbarrier.arrive $0xFFFF  }
0x785: {  	_ =	strace $0x90000047  }
0x786: {  	s31 =	stileid.u32;
	[bflag:$0x2] =	sbarrier.arrive $0xFFFF  }
0x787: {  	p0 =	sne.s32 s31, $0x0;
	s0 =	rddreg [dreg:$0xa]  }
0x788: {  	s0 =	sadd.s32 @!p0 $0x100000, s0  }
0x789: {  	[sflag:s0] =	ssyncadd.tile.s32 @!p0 $0x1;
	_ =	shalt  }
.Lfunc_end2:
_tile_overlayer_lowered:
.L_overlay_start_2:
0x78a: {  	(tag) =	ssettag $0x2  }
0x78b: {  	s0 =	rddreg [dreg:$0x0];
	s2 =	stileid.u32  }
0x78c: {  	s1 =	rddreg [dreg:$0x1];
	p0 =	sne.s32 s2, $0x0  }
0x78d: {  	s3 =	rddreg [dreg:$0x2];
	[bflag:$0x3] =	sbarrier.arrive $0xFFFF;
	s2 =	simm.s32 @!p0 $0x1C02  }
0x78e: {  	[timem:s3], [sflag:s2] =	dma.local @!p0 [hbm:s0], s1  }
0x78f: {  	s0 =	simm.s32 @!p0 $0x2  }
0x790: {  	_ =	swait.ge @!p0 [sflag:s0], s1  }
0x791: {  	s1 =	ssub.s32 @!p0 $0x0, s1;
	[sflag:s0] =	ssyncset.done @!p0 $0x0  }
0x792: {  	[sflag:s0] =	ssyncadd.s32 @!p0 s1  }
0x793: {  	[bflag:$0x3] =	sbarrier.arrive $0xFFFF  }
0x794: {  	_ =	shalt  }

</sc_bundles>
